<compile_context>
chip_gen: v7x
topology: tpu7x:2x2x1
jax: 0.10.2.dev20260603
libtpu: 0.0.44.dev20260713+nightly
codegen_flags: <defaults>
</compile_context>

<pallas_src>
import functools

import jax
import jax.numpy as jnp
from jax import lax
from jax.experimental import pallas as pl
from jax.experimental.pallas import tpu as pltpu
from jax.experimental.pallas import tpu_sc as plsc

_N = 10000
_E = 320000
_G = 64
_NC = 2
_NS = 16
_L = 16
_NW = _NC * _NS
_NP = 10240

_EPT = _E // _NW
_CH = 100


def _sc_mesh():
    return plsc.VectorSubcoreMesh(core_axis_name="c", subcore_axis_name="s")


_SC_PARAMS = pltpu.CompilerParams(needs_layout_passes=False,
                                  use_tc_tiling_on_sc=False)


def _sc_deg(dst, ew):
    @functools.partial(
        pl.kernel,
        out_type=jax.ShapeDtypeStruct((_NW, _N), jnp.float32),
        mesh=_sc_mesh(),
        compiler_params=_SC_PARAMS,
        scratch_types=[
            pltpu.VMEM((_EPT,), jnp.int32),
            pltpu.VMEM((_EPT,), jnp.float32),
            pltpu.VMEM((_N,), jnp.float32),
        ],
    )
    def k(dst_hbm, ew_hbm, out_hbm, idx_v, val_v, acc_v):
        w = lax.axis_index("s") * _NC + lax.axis_index("c")

        def zbody(i, _):
            acc_v[pl.ds(i * _L, _L)] = jnp.zeros((_L,), jnp.float32)
            return 0
        lax.fori_loop(0, _N // _L, zbody, 0)

        base = w * _EPT
        pltpu.sync_copy(dst_hbm.at[pl.ds(base, _EPT)], idx_v)
        pltpu.sync_copy(ew_hbm.at[pl.ds(base, _EPT)], val_v)

        def ebody(i, _):
            sl = pl.ds(i * _L, _L)
            plsc.addupdate_scatter(acc_v, [idx_v[sl]], val_v[sl])
            return 0
        lax.fori_loop(0, _EPT // _L, ebody, 0)
        pltpu.sync_copy(acc_v, out_hbm.at[w])

    return k(dst, ew)


def _sc_gather_norm(embW, evp, dinv, batch, src, dst, ew):
    GC = 80
    RC = _NP // _NW // GC

    @functools.partial(
        pl.kernel,
        out_type=(jax.ShapeDtypeStruct((_NW, RC, GC, 64), jnp.float32),
                  jax.ShapeDtypeStruct((_E,), jnp.float32),
                  jax.ShapeDtypeStruct((_E,), jnp.int32)),
        mesh=_sc_mesh(),
        compiler_params=_SC_PARAMS,
        scratch_types=[
            pltpu.VMEM((RC, GC), jnp.int32),
            pltpu.VMEM((RC, GC, 64), jnp.float32),
            pltpu.VMEM((_N,), jnp.float32),
            pltpu.VMEM((_N,), jnp.int32),
            pltpu.VMEM((_EPT,), jnp.int32),
            pltpu.VMEM((_EPT,), jnp.int32),
            pltpu.VMEM((_EPT,), jnp.float32),
            pltpu.VMEM((_EPT,), jnp.float32),
            pltpu.VMEM((_EPT,), jnp.int32),
            pltpu.SemaphoreType.DMA,
        ],
    )
    def k(embw_hbm, evp_hbm, dinv_hbm, batch_hbm, src_hbm, dst_hbm, ew_hbm,
          d1_hbm, norm_hbm, bdst_hbm,
          ids_v, rows_v, dinv_v, batch_v, srcv, dstv, ewv, normv, bdstv, sem):
        w = lax.axis_index("s") * _NC + lax.axis_index("c")

        pltpu.sync_copy(evp_hbm.at[w], ids_v)
        for j in range(RC):
            pltpu.async_copy(embw_hbm.at[ids_v.at[j]], rows_v.at[j], sem).wait()
        pltpu.sync_copy(rows_v, d1_hbm.at[w])

        pltpu.sync_copy(dinv_hbm, dinv_v)
        pltpu.sync_copy(batch_hbm, batch_v)

        ebase = w * _EPT
        pltpu.sync_copy(src_hbm.at[pl.ds(ebase, _EPT)], srcv)
        pltpu.sync_copy(dst_hbm.at[pl.ds(ebase, _EPT)], dstv)
        pltpu.sync_copy(ew_hbm.at[pl.ds(ebase, _EPT)], ewv)

        def ebody(i, _):
            sl = pl.ds(i * _L, _L)
            s = srcv[sl]
            d = dstv[sl]
            a = plsc.load_gather(dinv_v, [s])
            b = plsc.load_gather(dinv_v, [d])
            normv[sl] = ewv[sl] * a * b
            bdstv[sl] = plsc.load_gather(batch_v, [d])
            return 0
        lax.fori_loop(0, _EPT // _L, ebody, 0)
        pltpu.sync_copy(normv, norm_hbm.at[pl.ds(ebase, _EPT)])
        pltpu.sync_copy(bdstv, bdst_hbm.at[pl.ds(ebase, _EPT)])

    return k(embW, evp, dinv, batch, src, dst, ew)


def _sc_edge_pass(tables, src2, sidx2, nrm2, M, Dc, edge_split):
    MPT = M // _NS
    ZR = MPT if MPT <= 25 else 25
    ZCOPIES = MPT // ZR
    BLK = 50
    NCHT = (_E // _NC if edge_split else _E) // _NS // _CH
    NBLK = NCHT // BLK
    NBUF = 3

    @functools.partial(
        pl.kernel,
        out_type=jax.ShapeDtypeStruct((_NC, M, Dc), jnp.float32),
        mesh=_sc_mesh(),
        compiler_params=_SC_PARAMS,
        scratch_types=[
            pltpu.VMEM((BLK, _CH), jnp.int32),
            pltpu.VMEM((BLK, _CH), jnp.int32),
            pltpu.VMEM((BLK, _CH), jnp.float32),
            pltpu.VMEM((NBUF, _CH, Dc), jnp.float32),
            pltpu.VMEM((ZR, Dc), jnp.float32),
            pltpu.VMEM_SHARED((M, Dc), jnp.float32),
            pltpu.SemaphoreType.DMA,
            pltpu.SemaphoreType.DMA,
        ],
    )
    def k(table_hbm, src_hbm, sidx_hbm, nrm_hbm, out_hbm,
          srcv, dstv, nrmv, rows_v, zbuf_v, acc_sh, gsem, ssem):
        c = lax.axis_index("c")
        s = lax.axis_index("s")
        tbl = table_hbm.at[c] if not edge_split else table_hbm.at[0]

        def zfill(i, _):
            r = i // (Dc // _L)
            j = i % (Dc // _L)
            zbuf_v[r, pl.ds(j * _L, _L)] = jnp.zeros((_L,), jnp.float32)
            return 0
        lax.fori_loop(0, ZR * (Dc // _L), zfill, 0)
        for t in range(ZCOPIES):
            pltpu.sync_copy(zbuf_v, acc_sh.at[pl.ds(s * MPT + t * ZR, ZR)])
        plsc.subcore_barrier()

        def gather_start(kk):
            par = lax.rem(kk, NBUF)
            pltpu.make_async_copy(tbl.at[srcv.at[kk]], rows_v.at[par],
                                  gsem).start()

        def gather_wait(kk):
            par = lax.rem(kk, NBUF)
            pltpu.make_async_copy(tbl.at[srcv.at[kk]], rows_v.at[par],
                                  gsem).wait()

        def scatter_start(kk):
            par = lax.rem(kk, NBUF)
            pltpu.make_async_copy(rows_v.at[par], acc_sh.at[dstv.at[kk]],
                                  ssem).start(add=True)

        def scatter_wait(kk):
            par = lax.rem(kk, NBUF)
            pltpu.make_async_copy(rows_v.at[par], acc_sh.at[dstv.at[kk]],
                                  ssem).wait()

        def block(b, _):
            if edge_split:
                pltpu.sync_copy(src_hbm.at[c, s, b], srcv)
                pltpu.sync_copy(sidx_hbm.at[c, s, b], dstv)
                pltpu.sync_copy(nrm_hbm.at[c, s, b], nrmv)
            else:
                pltpu.sync_copy(src_hbm.at[s, b], srcv)
                pltpu.sync_copy(sidx_hbm.at[s, b], dstv)
                pltpu.sync_copy(nrm_hbm.at[s, b], nrmv)
            gather_start(0)

            def chunk(kk, _):
                par = lax.rem(kk, NBUF)

                @pl.when(kk >= 2)
                def _():
                    scatter_wait(kk - 2)

                @pl.when(kk + 1 < BLK)
                def _():
                    gather_start(kk + 1)
                gather_wait(kk)
                iv = jnp.full((_L,), kk, dtype=jnp.int32)

                def escale(e4, _):
                    for u in range(4):
                        e = e4 * 4 + u
                        ev = jnp.full((_L,), e, dtype=jnp.int32)
                        sv = plsc.load_gather(nrmv, [iv, ev])
                        for j in range(Dc // _L):
                            sl = pl.ds(j * _L, _L)
                            rows_v[par, e, sl] = rows_v[par, e, sl] * sv
                    return 0
                lax.fori_loop(0, _CH // 4, escale, 0)
                scatter_start(kk)
                return 0
            lax.fori_loop(0, BLK, chunk, 0)
            scatter_wait(BLK - 2)
            scatter_wait(BLK - 1)
            return 0
        lax.fori_loop(0, NBLK, block, 0)
        plsc.subcore_barrier()
        pltpu.sync_copy(acc_sh.at[pl.ds(s * MPT, MPT)],
                        out_hbm.at[c, pl.ds(s * MPT, MPT)])

    return k(tables, src2, sidx2, nrm2)


def _tc_pre(x, W_event, emb_table, W_embed):
    def body(x_ref, we_ref, emb_ref, wemb_ref, z2_ref, embw_ref):
        f = jnp.where(x_ref[...] == -1.0, 0.0, x_ref[...])
        z2_ref[...] = jnp.dot(f, we_ref[...], preferred_element_type=jnp.float32)
        embw_ref[...] = jnp.dot(emb_ref[...], wemb_ref[...],
                                preferred_element_type=jnp.float32)

    return pl.pallas_call(
        body,
        out_shape=(jax.ShapeDtypeStruct((_N, 128), jnp.float32),
                   jax.ShapeDtypeStruct((1000, 64), jnp.float32)),
    )(x, W_event, emb_table, W_embed)


def _tc_dinv(degp):
    def body(degp_ref, dinv_ref, dinvsq_ref):
        deg = jnp.sum(degp_ref[...], axis=0, keepdims=True) + 1.0
        dinv = lax.rsqrt(deg)
        dinv_ref[...] = dinv
        dinvsq_ref[...] = dinv * dinv

    return pl.pallas_call(
        body,
        out_shape=(jax.ShapeDtypeStruct((1, _N), jnp.float32),
                   jax.ShapeDtypeStruct((1, _N), jnp.float32)),
    )(degp)


def _tc_mid(Tp, ZT, dinv2, b12h, W_concat):
    def body(tp_ref, zt_ref, d2_ref, b_ref, w_ref, z3_ref):
        xc0 = tp_ref[0] + d2_ref[...] * zt_ref[0] + b_ref[0]
        xc1 = tp_ref[1] + d2_ref[...] * zt_ref[1] + b_ref[1]
        z3_ref[...] = (
            jnp.dot(xc0, w_ref[:96], preferred_element_type=jnp.float32)
            + jnp.dot(xc1, w_ref[96:], preferred_element_type=jnp.float32))

    return pl.pallas_call(
        body,
        out_shape=jax.ShapeDtypeStruct((_N, 128), jnp.float32),
    )(Tp, ZT, dinv2, b12h, W_concat)


def _tc_final(TB, z3, dinv2, batch2d, b_concat, seqf, W_seq, b_seq,
              W_cp_g, W_cp_s, b_cp, W_cls, b_cls):
    def body(tb_ref, z3_ref, d2_ref, batch_ref, bc_ref, sf_ref, ws_ref, bs_ref,
             wg_ref, wsq_ref, bcp_ref, wc_ref, bcl_ref, out_ref):
        onehot = (batch_ref[...] == lax.broadcasted_iota(jnp.int32, (1, _G), 1)
                  ).astype(jnp.float32)
        counts = lax.dot_general(onehot, jnp.ones((_N, 1), jnp.float32),
                                 (((0,), (0,)), ((), ())),
                                 preferred_element_type=jnp.float32)
        dz3 = d2_ref[...] * z3_ref[...]
        selfsum = lax.dot_general(onehot, dz3, (((0,), (0,)), ((), ())),
                                  preferred_element_type=jnp.float32)
        sums = tb_ref[0] + tb_ref[1] + selfsum + counts * bc_ref[...]
        graph_emb = sums / jnp.maximum(counts, 1.0)
        seq_out = jnp.dot(sf_ref[...], ws_ref[...],
                          preferred_element_type=jnp.float32) + bs_ref[...]
        cat = (jnp.dot(graph_emb, wg_ref[...], preferred_element_type=jnp.float32)
               + jnp.dot(seq_out, wsq_ref[...], preferred_element_type=jnp.float32)
               + bcp_ref[...])
        out_ref[...] = jnp.dot(jax.nn.relu(cat), wc_ref[...],
                               preferred_element_type=jnp.float32) + bcl_ref[...]

    return pl.pallas_call(
        body,
        out_shape=jax.ShapeDtypeStruct((_G, 10), jnp.float32),
    )(TB, z3, dinv2, batch2d, b_concat, seqf, W_seq, b_seq,
      W_cp_g, W_cp_s, b_cp, W_cls, b_cls)


def kernel(x, event_ids, edge_index, edge_attr, batch, sequence_features,
           emb_table, W_embed, b_embed, W_event, b_event, W_concat, b_concat,
           W_seq, b_seq, W_cp, b_cp, W_cls, b_cls):
    src = edge_index[0]
    dst = edge_index[1]

    degp = _sc_deg(dst, edge_attr)
    z2, embW = _tc_pre(x, W_event, emb_table, W_embed)
    dinv_row, dinvsq_row = _tc_dinv(degp)
    dinv_flat = dinv_row.reshape(_N)
    dinv2col = dinvsq_row.reshape(_N, 1)

    evp = jnp.pad(jnp.squeeze(event_ids, -1), (0, _NP - _N)
                  ).reshape(_NW, _NP // _NW // 80, 80)
    d1p, norm, bdst = _sc_gather_norm(embW, evp, dinv_flat, batch, src, dst,
                                      edge_attr)
    d1 = d1p.reshape(_NP, 64)[:_N]

    NBLKA = _E // _NS // _CH // 50
    srcA = src.reshape(_NS, NBLKA, 50, _CH)
    dstA = dst.reshape(_NS, NBLKA, 50, _CH)
    nrmA = norm.reshape(_NS, NBLKA, 50, _CH)
    NBLKB = _E // _NC // _NS // _CH // 50
    srcB = src.reshape(_NC, _NS, NBLKB, 50, _CH)
    bdstB = bdst.reshape(_NC, _NS, NBLKB, 50, _CH)
    nrmB = norm.reshape(_NC, _NS, NBLKB, 50, _CH)

    ZT = jnp.stack([jnp.concatenate([d1, z2[:, :32]], axis=1),
                    z2[:, 32:]])

    Tp = _sc_edge_pass(ZT, srcA, dstA, nrmA, _N, 96, False)

    b12h = jnp.concatenate([b_embed, b_event]).reshape(2, 1, 96)
    z3 = _tc_mid(Tp, ZT, dinv2col, b12h, W_concat)

    TBp = _sc_edge_pass(z3[None], srcB, bdstB, nrmB, _G, 128, True)

    out = _tc_final(TBp, z3, dinv2col, batch[:, None], b_concat[None, :],
                    sequence_features, W_seq, b_seq,
                    W_cp[:128], W_cp[128:], b_cp[None, :], W_cls, b_cls[None, :])
    return out

# --- scband reference (transcript-rebuilt; emitter-appended) ---
"""Pipeline reference for scband-prefix-gcnclassifier-22050362097714 (READ-ONLY COPY).

The authoritative reference and input builder live on the scoring server;
editing this copy changes nothing except your own understanding.
"""

import jax, jax.numpy as jnp
import numpy as np

N = 10000
E = 320000
D_FEAT = 128
VOCAB = 1000
EMB = 64
H_EMB = 64
H_EVT = 128
H_CAT = 128
SEQ_F = 64
FC = 128
FC_CAT = 128
OUT = 10
G = 64


def setup_inputs(seed: int = 0) -> dict:
    key = jax.random.key(seed)
    ks = jax.random.split(key, 16)
    def lin(k, i, o):
        return (jax.random.normal(k, (i, o), dtype=jnp.float32) / np.sqrt(i)).astype(jnp.float32)
    inp = {}
    inp['x'] = jax.random.normal(ks[0], (N, D_FEAT), dtype=jnp.float32)
    inp['event_ids'] = jax.random.randint(ks[1], (N, 1), 0, VOCAB)
    inp['edge_index'] = jax.random.randint(ks[2], (2, E), 0, N)
    inp['edge_attr'] = jax.random.uniform(ks[3], (E,), dtype=jnp.float32)
    inp['batch'] = jnp.sort(jax.random.randint(ks[4], (N,), 0, G))
    inp['sequence_features'] = jax.random.normal(ks[5], (G, SEQ_F), dtype=jnp.float32)
    inp['emb_table'] = jax.random.normal(ks[6], (VOCAB, EMB), dtype=jnp.float32)
    inp['W_embed'] = lin(ks[7], EMB, H_EMB); inp['b_embed'] = jnp.zeros((H_EMB,), dtype=jnp.float32)
    inp['W_event'] = lin(ks[8], D_FEAT, H_EVT); inp['b_event'] = jnp.zeros((H_EVT,), dtype=jnp.float32)
    inp['W_concat'] = lin(ks[9], H_EVT + H_EMB, H_CAT); inp['b_concat'] = jnp.zeros((H_CAT,), dtype=jnp.float32)
    inp['W_seq'] = lin(ks[10], SEQ_F, FC); inp['b_seq'] = jnp.zeros((FC,), dtype=jnp.float32)
    inp['W_cp'] = lin(ks[11], H_CAT + FC, FC_CAT); inp['b_cp'] = jnp.zeros((FC_CAT,), dtype=jnp.float32)
    inp['W_cls'] = lin(ks[12], FC_CAT, OUT); inp['b_cls'] = jnp.zeros((OUT,), dtype=jnp.float32)
    return inp


def gcn_conv(x, edge_index, edge_weight, W, b):
    # PyG GCNConv with edge_weight: add self-loops (weight 1), symmetric deg norm
    n = x.shape[0]
    loop = jnp.arange(n)
    src = jnp.concatenate([edge_index[0], loop])
    dst = jnp.concatenate([edge_index[1], loop])
    ew = jnp.concatenate([edge_weight, jnp.ones((n,), dtype=x.dtype)])
    deg = jnp.zeros((n,), dtype=x.dtype).at[dst].add(ew)
    dinv = jnp.where(deg > 0, jax.lax.rsqrt(jnp.where(deg > 0, deg, 1.0)), 0.0)
    norm = dinv[src] * ew * dinv[dst]
    h = x @ W
    msg = jnp.take(h, src, axis=0) * norm[:, None]
    out = jnp.zeros((n, W.shape[1]), dtype=x.dtype).at[dst].add(msg)
    return out + b


def reference(x, event_ids, edge_index, edge_attr, batch, sequence_features,
              emb_table, W_embed, b_embed, W_event, b_event, W_concat, b_concat,
              W_seq, b_seq, W_cp, b_cp, W_cls, b_cls):
    d = jnp.take(emb_table, jnp.squeeze(event_ids, -1), axis=0)
    d = gcn_conv(d, edge_index, edge_attr, W_embed, b_embed)
    f = jnp.where(x == -1.0, 0.0, x)
    f = gcn_conv(f, edge_index, edge_attr, W_event, b_event)
    xc = jnp.concatenate([d, f], axis=1)
    xc = gcn_conv(xc, edge_index, edge_attr, W_concat, b_concat)
    sums = jax.ops.segment_sum(xc, batch, num_segments=G)
    counts = jax.ops.segment_sum(jnp.ones((xc.shape[0],), dtype=xc.dtype), batch, num_segments=G)
    graph_emb = sums / jnp.maximum(counts, 1.0)[:, None]
    seq_out = sequence_features @ W_seq + b_seq
    cat = jnp.concatenate([graph_emb, seq_out], axis=1)
    cat = cat @ W_cp + b_cp
    out = jax.nn.relu(cat) @ W_cls + b_cls
    return out

if __name__ == "__main__":
    import jax
    _d = setup_inputs()
    print(jax.jit(kernel)(*tuple(_d.values())))

</pallas_src>

<mosaic_0001>
#map = affine_map<(d0, d1) -> (0)>
#map1 = affine_map<(d0, d1) -> (0, 0)>
module attributes {stable_mosaic.version = 14 : i64} {
  func.func @k(%arg0: i32, %arg1: i32, %arg2: memref<320000xi32, #tpu.memory_space<hbm>>, %arg3: memref<320000xf32, #tpu.memory_space<hbm>>, %arg4: memref<32x10000xf32, #tpu.memory_space<hbm>>, %arg5: memref<10000xi32, #tpu.memory_space<vmem>>, %arg6: memref<10000xf32, #tpu.memory_space<vmem>>, %arg7: memref<10000xf32, #tpu.memory_space<vmem>>) attributes {dimension_semantics = [#tpu.dimension_semantics<core_parallel>, #tpu.dimension_semantics<subcore_parallel>], iteration_bounds = array<i64: 2, 16>, scalar_prefetch = 0 : i64, scratch_operands = 3 : i64, tpu.core_type = #tpu.core_type<sc_vector_subcore>, window_params = [{transform_indices = #map}, {transform_indices = #map}, {transform_indices = #map1}]} {
    %mul3A = arith.constant 2 : i32
    %mul3A_0 = arith.muli %arg1, %mul3A : i32
    %add3A = arith.addi %mul3A_0, %arg0 : i32
    %scan3A = arith.constant 0 : i32
    %scan3A_1 = arith.constant 0 : i32
    %scan3A_2 = arith.constant 625 : i32
    %scan3A_3 = arith.addi %scan3A_1, %scan3A_2 : i32
    %scan3A_4 = arith.constant 1 : i32
    %scan3A_5 = scf.for %scan3A_16 = %scan3A_1 to %scan3A_3 step %scan3A_4 iter_args(%scan3A_17 = %scan3A) -> (i32)  : i32 {
      %broadcast_in_dim3A = arith.constant 0.000000e+00 : f32
      %broadcast_in_dim3A_18 = vector.broadcast %broadcast_in_dim3A : f32 to vector<16xf32>
      %mul3A_19 = arith.constant 16 : i32
      %mul3A_20 = arith.muli %scan3A_16, %mul3A_19 : i32
      %swap3A = arith.index_cast %mul3A_20 : i32 to index
      %swap3A_21 = tpu.vector_load %arg7[%swap3A] {strides = array<i32>} : memref<10000xf32, #tpu.memory_space<vmem>>, vector<16xf32>,
      tpu.vector_store %arg7[%swap3A], %broadcast_in_dim3A_18 {strides = array<i32>} : memref<10000xf32, #tpu.memory_space<vmem>>, vector<16xf32>,
      %scan3A_22 = arith.constant 0 : i32
      scf.yield %scan3A_22 : i32
    }
    %scan3A_6 = arith.constant 625 : i32
    %mul3A_7 = arith.constant 10000 : i32
    %mul3A_8 = arith.muli %add3A, %mul3A_7 : i32
    "tpu.region"() ({
      %run_scoped3A = tpu.sem_alloc : memref<!tpu.dma_semaphore, #tpu.memory_space<semaphore_mem>>
      %dma_start3A = tpu.memref_slice %arg2[%mul3A_8] : memref<320000xi32, #tpu.memory_space<hbm>> -> memref<10000xi32, #tpu.memory_space<hbm>>
      %dma_start3A_16 = tpu.memref_slice %arg2[%mul3A_8] : memref<320000xi32, #tpu.memory_space<hbm>> -> memref<10000xi32, #tpu.memory_space<hbm>>
      tpu.enqueue_dma source(%dma_start3A_16 : memref<10000xi32, #tpu.memory_space<hbm>>) target(%arg5 : memref<10000xi32, #tpu.memory_space<vmem>>) target_semaphore(%run_scoped3A : memref<!tpu.dma_semaphore, #tpu.memory_space<semaphore_mem>>)
      %dma_wait3A = tpu.memref_slice %arg2[%mul3A_8] : memref<320000xi32, #tpu.memory_space<hbm>> -> memref<10000xi32, #tpu.memory_space<hbm>>
      %dma_wait3A_17 = tpu.memref_slice %arg2[%mul3A_8] : memref<320000xi32, #tpu.memory_space<hbm>> -> memref<10000xi32, #tpu.memory_space<hbm>>
      tpu.wait_dma2 semaphore(%run_scoped3A : memref<!tpu.dma_semaphore, #tpu.memory_space<semaphore_mem>>) src(%dma_wait3A_17 : memref<10000xi32, #tpu.memory_space<hbm>>) dst(%arg5 : memref<10000xi32, #tpu.memory_space<vmem>>)
      tpu.yield
    }) : () -> ()
    "tpu.region"() ({
      %run_scoped3A = tpu.sem_alloc : memref<!tpu.dma_semaphore, #tpu.memory_space<semaphore_mem>>
      %dma_start3A = tpu.memref_slice %arg3[%mul3A_8] : memref<320000xf32, #tpu.memory_space<hbm>> -> memref<10000xf32, #tpu.memory_space<hbm>>
      %dma_start3A_16 = tpu.memref_slice %arg3[%mul3A_8] : memref<320000xf32, #tpu.memory_space<hbm>> -> memref<10000xf32, #tpu.memory_space<hbm>>
      tpu.enqueue_dma source(%dma_start3A_16 : memref<10000xf32, #tpu.memory_space<hbm>>) target(%arg6 : memref<10000xf32, #tpu.memory_space<vmem>>) target_semaphore(%run_scoped3A : memref<!tpu.dma_semaphore, #tpu.memory_space<semaphore_mem>>)
      %dma_wait3A = tpu.memref_slice %arg3[%mul3A_8] : memref<320000xf32, #tpu.memory_space<hbm>> -> memref<10000xf32, #tpu.memory_space<hbm>>
      %dma_wait3A_17 = tpu.memref_slice %arg3[%mul3A_8] : memref<320000xf32, #tpu.memory_space<hbm>> -> memref<10000xf32, #tpu.memory_space<hbm>>
      tpu.wait_dma2 semaphore(%run_scoped3A : memref<!tpu.dma_semaphore, #tpu.memory_space<semaphore_mem>>) src(%dma_wait3A_17 : memref<10000xf32, #tpu.memory_space<hbm>>) dst(%arg6 : memref<10000xf32, #tpu.memory_space<vmem>>)
      tpu.yield
    }) : () -> ()
    %scan3A_9 = arith.constant 0 : i32
    %scan3A_10 = arith.constant 0 : i32
    %scan3A_11 = arith.constant 625 : i32
    %scan3A_12 = arith.addi %scan3A_10, %scan3A_11 : i32
    %scan3A_13 = arith.constant 1 : i32
    %scan3A_14 = scf.for %scan3A_16 = %scan3A_10 to %scan3A_12 step %scan3A_13 iter_args(%scan3A_17 = %scan3A_9) -> (i32)  : i32 {
      %mul3A_18 = arith.constant 16 : i32
      %mul3A_19 = arith.muli %scan3A_16, %mul3A_18 : i32
      %get3A = arith.index_cast %mul3A_19 : i32 to index
      %get3A_20 = tpu.vector_load %arg5[%get3A] {strides = array<i32>} : memref<10000xi32, #tpu.memory_space<vmem>>, vector<16xi32>,
      %get3A_21 = arith.index_cast %mul3A_19 : i32 to index
      %get3A_22 = tpu.vector_load %arg6[%get3A_21] {strides = array<i32>} : memref<10000xf32, #tpu.memory_space<vmem>>, vector<16xf32>,
      tpu.vector_store_idx %arg7[%get3A_20], %get3A_22 {add = true} : memref<10000xf32, #tpu.memory_space<vmem>>[vector<16xi32>], vector<16xf32>,
      %scan3A_23 = arith.constant 0 : i32
      scf.yield %scan3A_23 : i32
    }
    %scan3A_15 = arith.constant 625 : i32
    "tpu.region"() ({
      %run_scoped3A = tpu.sem_alloc : memref<!tpu.dma_semaphore, #tpu.memory_space<semaphore_mem>>
      %dma_start3A = arith.constant 0 : i32
      %dma_start3A_16 = tpu.memref_slice %arg4[%add3A, %dma_start3A] : memref<32x10000xf32, #tpu.memory_space<hbm>> -> memref<1x10000xf32, #tpu.memory_space<hbm>>
      %dma_start3A_17 = tpu.memref_squeeze %dma_start3A_16 : memref<1x10000xf32, #tpu.memory_space<hbm>> -> memref<10000xf32, #tpu.memory_space<hbm>>
      %dma_start3A_18 = arith.constant 0 : i32
      %dma_start3A_19 = tpu.memref_slice %arg4[%add3A, %dma_start3A_18] : memref<32x10000xf32, #tpu.memory_space<hbm>> -> memref<1x10000xf32, #tpu.memory_space<hbm>>
      %dma_start3A_20 = tpu.memref_squeeze %dma_start3A_19 : memref<1x10000xf32, #tpu.memory_space<hbm>> -> memref<10000xf32, #tpu.memory_space<hbm>>
      tpu.enqueue_dma source(%arg7 : memref<10000xf32, #tpu.memory_space<vmem>>) target(%dma_start3A_20 : memref<10000xf32, #tpu.memory_space<hbm>>) target_semaphore(%run_scoped3A : memref<!tpu.dma_semaphore, #tpu.memory_space<semaphore_mem>>)
      %dma_wait3A = arith.constant 0 : i32
      %dma_wait3A_21 = tpu.memref_slice %arg4[%add3A, %dma_wait3A] : memref<32x10000xf32, #tpu.memory_space<hbm>> -> memref<1x10000xf32, #tpu.memory_space<hbm>>
      %dma_wait3A_22 = tpu.memref_squeeze %dma_wait3A_21 : memref<1x10000xf32, #tpu.memory_space<hbm>> -> memref<10000xf32, #tpu.memory_space<hbm>>
      %dma_wait3A_23 = arith.constant 0 : i32
      %dma_wait3A_24 = tpu.memref_slice %arg4[%add3A, %dma_wait3A_23] : memref<32x10000xf32, #tpu.memory_space<hbm>> -> memref<1x10000xf32, #tpu.memory_space<hbm>>
      %dma_wait3A_25 = tpu.memref_squeeze %dma_wait3A_24 : memref<1x10000xf32, #tpu.memory_space<hbm>> -> memref<10000xf32, #tpu.memory_space<hbm>>
      tpu.wait_dma2 semaphore(%run_scoped3A : memref<!tpu.dma_semaphore, #tpu.memory_space<semaphore_mem>>) src(%arg7 : memref<10000xf32, #tpu.memory_space<vmem>>) dst(%dma_wait3A_25 : memref<10000xf32, #tpu.memory_space<hbm>>)
      tpu.yield
    }) : () -> ()
    return
  }
}

#map = affine_map<(d0, d1) -> (0, 0)>
#map1 = affine_map<(d0, d1) -> (0, 0, 0)>
#map2 = affine_map<(d0, d1) -> (0)>
#map3 = affine_map<(d0, d1) -> (0, 0, 0, 0)>
module attributes {stable_mosaic.version = 14 : i64} {
  func.func @k(%arg0: i32, %arg1: i32, %arg2: memref<1000x64xf32, #tpu.memory_space<hbm>>, %arg3: memref<32x4x80xi32, #tpu.memory_space<hbm>>, %arg4: memref<10000xf32, #tpu.memory_space<hbm>>, %arg5: memref<10000xi32, #tpu.memory_space<hbm>>, %arg6: memref<320000xi32, #tpu.memory_space<hbm>>, %arg7: memref<320000xi32, #tpu.memory_space<hbm>>, %arg8: memref<320000xf32, #tpu.memory_space<hbm>>, %arg9: memref<32x4x80x64xf32, #tpu.memory_space<hbm>>, %arg10: memref<320000xf32, #tpu.memory_space<hbm>>, %arg11: memref<320000xi32, #tpu.memory_space<hbm>>, %arg12: memref<4x80xi32, #tpu.memory_space<vmem>>, %arg13: memref<4x80x64xf32, #tpu.memory_space<vmem>>, %arg14: memref<10000xf32, #tpu.memory_space<vmem>>, %arg15: memref<10000xi32, #tpu.memory_space<vmem>>, %arg16: memref<10000xi32, #tpu.memory_space<vmem>>, %arg17: memref<10000xi32, #tpu.memory_space<vmem>>, %arg18: memref<10000xf32, #tpu.memory_space<vmem>>, %arg19: memref<10000xf32, #tpu.memory_space<vmem>>, %arg20: memref<10000xi32, #tpu.memory_space<vmem>>, %arg21: memref<!tpu.dma_semaphore, #tpu.memory_space<semaphore_mem>>) attributes {dimension_semantics = [#tpu.dimension_semantics<core_parallel>, #tpu.dimension_semantics<subcore_parallel>], iteration_bounds = array<i64: 2, 16>, scalar_prefetch = 0 : i64, scratch_operands = 10 : i64, tpu.core_type = #tpu.core_type<sc_vector_subcore>, window_params = [{transform_indices = #map}, {transform_indices = #map1}, {transform_indices = #map2}, {transform_indices = #map2}, {transform_indices = #map2}, {transform_indices = #map2}, {transform_indices = #map2}, {transform_indices = #map3}, {transform_indices = #map2}, {transform_indices = #map2}]} {
    %mul3A = arith.constant 2 : i32
    %mul3A_0 = arith.muli %arg1, %mul3A : i32
    %add3A = arith.addi %mul3A_0, %arg0 : i32
    "tpu.region"() ({
      %run_scoped3A = tpu.sem_alloc : memref<!tpu.dma_semaphore, #tpu.memory_space<semaphore_mem>>
      %dma_start3A_103 = arith.constant 0 : i32
      %dma_start3A_104 = arith.constant 0 : i32
      %dma_start3A_105 = tpu.memref_slice %arg3[%add3A, %dma_start3A_103, %dma_start3A_104] : memref<32x4x80xi32, #tpu.memory_space<hbm>> -> memref<1x4x80xi32, #tpu.memory_space<hbm>>
      %dma_start3A_106 = tpu.memref_squeeze %dma_start3A_105 : memref<1x4x80xi32, #tpu.memory_space<hbm>> -> memref<4x80xi32, #tpu.memory_space<hbm>>
      %dma_start3A_107 = arith.constant 0 : i32
      %dma_start3A_108 = arith.constant 0 : i32
      %dma_start3A_109 = tpu.memref_slice %arg3[%add3A, %dma_start3A_107, %dma_start3A_108] : memref<32x4x80xi32, #tpu.memory_space<hbm>> -> memref<1x4x80xi32, #tpu.memory_space<hbm>>
      %dma_start3A_110 = tpu.memref_squeeze %dma_start3A_109 : memref<1x4x80xi32, #tpu.memory_space<hbm>> -> memref<4x80xi32, #tpu.memory_space<hbm>>
      tpu.enqueue_dma source(%dma_start3A_110 : memref<4x80xi32, #tpu.memory_space<hbm>>) target(%arg12 : memref<4x80xi32, #tpu.memory_space<vmem>>) target_semaphore(%run_scoped3A : memref<!tpu.dma_semaphore, #tpu.memory_space<semaphore_mem>>)
      %dma_wait3A_111 = arith.constant 0 : i32
      %dma_wait3A_112 = arith.constant 0 : i32
      %dma_wait3A_113 = tpu.memref_slice %arg3[%add3A, %dma_wait3A_111, %dma_wait3A_112] : memref<32x4x80xi32, #tpu.memory_space<hbm>> -> memref<1x4x80xi32, #tpu.memory_space<hbm>>
      %dma_wait3A_114 = tpu.memref_squeeze %dma_wait3A_113 : memref<1x4x80xi32, #tpu.memory_space<hbm>> -> memref<4x80xi32, #tpu.memory_space<hbm>>
      %dma_wait3A_115 = arith.constant 0 : i32
      %dma_wait3A_116 = arith.constant 0 : i32
      %dma_wait3A_117 = tpu.memref_slice %arg3[%add3A, %dma_wait3A_115, %dma_wait3A_116] : memref<32x4x80xi32, #tpu.memory_space<hbm>> -> memref<1x4x80xi32, #tpu.memory_space<hbm>>
      %dma_wait3A_118 = tpu.memref_squeeze %dma_wait3A_117 : memref<1x4x80xi32, #tpu.memory_space<hbm>> -> memref<4x80xi32, #tpu.memory_space<hbm>>
      tpu.wait_dma2 semaphore(%run_scoped3A : memref<!tpu.dma_semaphore, #tpu.memory_space<semaphore_mem>>) src(%dma_wait3A_118 : memref<4x80xi32, #tpu.memory_space<hbm>>) dst(%arg12 : memref<4x80xi32, #tpu.memory_space<vmem>>)
      tpu.yield
    }) : () -> ()
    %dma_start3A = arith.constant 0 : i32
    %dma_start3A_1 = arith.constant 0 : i32
    %dma_start3A_2 = arith.constant 0 : i32
    %dma_start3A_3 = arith.constant 0 : i32
    %dma_start3A_4 = tpu.memref_slice %arg13[%dma_start3A_1, %dma_start3A_2, %dma_start3A_3] : memref<4x80x64xf32, #tpu.memory_space<vmem>> -> memref<1x80x64xf32, #tpu.memory_space<vmem>>
    %dma_start3A_5 = tpu.memref_squeeze %dma_start3A_4 : memref<1x80x64xf32, #tpu.memory_space<vmem>> -> memref<80x64xf32, #tpu.memory_space<vmem>>
    %dma_start3A_6 = arith.constant 0 : i32
    %dma_start3A_7 = tpu.memref_slice %arg12[%dma_start3A, %dma_start3A_6] : memref<4x80xi32, #tpu.memory_space<vmem>> -> memref<1x80xi32, #tpu.memory_space<vmem>>
    %dma_start3A_8 = tpu.memref_squeeze %dma_start3A_7 : memref<1x80xi32, #tpu.memory_space<vmem>> -> memref<80xi32, #tpu.memory_space<vmem>>
    %dma_start3A_9 = arith.constant 0 : i32
    %dma_start3A_10 = arith.constant 0 : i32
    %dma_start3A_11 = tpu.memref_slice %arg2[%dma_start3A_9, %dma_start3A_10] : memref<1000x64xf32, #tpu.memory_space<hbm>> -> memref<1000x64xf32, #tpu.memory_space<hbm>>
    tpu.enqueue_indirect_dma source(%dma_start3A_11 : memref<1000x64xf32, #tpu.memory_space<hbm>>) target(%dma_start3A_5 : memref<80x64xf32, #tpu.memory_space<vmem>>) offsets(%dma_start3A_8 : memref<80xi32, #tpu.memory_space<vmem>>) semaphore(%arg21 : memref<!tpu.dma_semaphore, #tpu.memory_space<semaphore_mem>>)
    %dma_wait3A = arith.constant 0 : i32
    %dma_wait3A_12 = arith.constant 0 : i32
    %dma_wait3A_13 = arith.constant 0 : i32
    %dma_wait3A_14 = arith.constant 0 : i32
    %dma_wait3A_15 = tpu.memref_slice %arg13[%dma_wait3A_12, %dma_wait3A_13, %dma_wait3A_14] : memref<4x80x64xf32, #tpu.memory_space<vmem>> -> memref<1x80x64xf32, #tpu.memory_space<vmem>>
    %dma_wait3A_16 = tpu.memref_squeeze %dma_wait3A_15 : memref<1x80x64xf32, #tpu.memory_space<vmem>> -> memref<80x64xf32, #tpu.memory_space<vmem>>
    %dma_wait3A_17 = arith.constant 0 : i32
    %dma_wait3A_18 = tpu.memref_slice %arg12[%dma_wait3A, %dma_wait3A_17] : memref<4x80xi32, #tpu.memory_space<vmem>> -> memref<1x80xi32, #tpu.memory_space<vmem>>
    %dma_wait3A_19 = tpu.memref_squeeze %dma_wait3A_18 : memref<1x80xi32, #tpu.memory_space<vmem>> -> memref<80xi32, #tpu.memory_space<vmem>>
    %dma_wait3A_20 = arith.constant 0 : i32
    %dma_wait3A_21 = arith.constant 0 : i32
    %dma_wait3A_22 = tpu.memref_slice %arg2[%dma_wait3A_20, %dma_wait3A_21] : memref<1000x64xf32, #tpu.memory_space<hbm>> -> memref<1000x64xf32, #tpu.memory_space<hbm>>
    tpu.wait_indirect_dma semaphore(%arg21 : memref<!tpu.dma_semaphore, #tpu.memory_space<semaphore_mem>>) src(%dma_wait3A_22 : memref<1000x64xf32, #tpu.memory_space<hbm>>) dst(%dma_wait3A_16 : memref<80x64xf32, #tpu.memory_space<vmem>>)
    %dma_start3A_23 = arith.constant 1 : i32
    %dma_start3A_24 = arith.constant 1 : i32
    %dma_start3A_25 = arith.constant 0 : i32
    %dma_start3A_26 = arith.constant 0 : i32
    %dma_start3A_27 = tpu.memref_slice %arg13[%dma_start3A_24, %dma_start3A_25, %dma_start3A_26] : memref<4x80x64xf32, #tpu.memory_space<vmem>> -> memref<1x80x64xf32, #tpu.memory_space<vmem>>
    %dma_start3A_28 = tpu.memref_squeeze %dma_start3A_27 : memref<1x80x64xf32, #tpu.memory_space<vmem>> -> memref<80x64xf32, #tpu.memory_space<vmem>>
    %dma_start3A_29 = arith.constant 0 : i32
    %dma_start3A_30 = tpu.memref_slice %arg12[%dma_start3A_23, %dma_start3A_29] : memref<4x80xi32, #tpu.memory_space<vmem>> -> memref<1x80xi32, #tpu.memory_space<vmem>>
    %dma_start3A_31 = tpu.memref_squeeze %dma_start3A_30 : memref<1x80xi32, #tpu.memory_space<vmem>> -> memref<80xi32, #tpu.memory_space<vmem>>
    %dma_start3A_32 = arith.constant 0 : i32
    %dma_start3A_33 = arith.constant 0 : i32
    %dma_start3A_34 = tpu.memref_slice %arg2[%dma_start3A_32, %dma_start3A_33] : memref<1000x64xf32, #tpu.memory_space<hbm>> -> memref<1000x64xf32, #tpu.memory_space<hbm>>
    tpu.enqueue_indirect_dma source(%dma_start3A_34 : memref<1000x64xf32, #tpu.memory_space<hbm>>) target(%dma_start3A_28 : memref<80x64xf32, #tpu.memory_space<vmem>>) offsets(%dma_start3A_31 : memref<80xi32, #tpu.memory_space<vmem>>) semaphore(%arg21 : memref<!tpu.dma_semaphore, #tpu.memory_space<semaphore_mem>>)
    %dma_wait3A_35 = arith.constant 1 : i32
    %dma_wait3A_36 = arith.constant 1 : i32
    %dma_wait3A_37 = arith.constant 0 : i32
    %dma_wait3A_38 = arith.constant 0 : i32
    %dma_wait3A_39 = tpu.memref_slice %arg13[%dma_wait3A_36, %dma_wait3A_37, %dma_wait3A_38] : memref<4x80x64xf32, #tpu.memory_space<vmem>> -> memref<1x80x64xf32, #tpu.memory_space<vmem>>
    %dma_wait3A_40 = tpu.memref_squeeze %dma_wait3A_39 : memref<1x80x64xf32, #tpu.memory_space<vmem>> -> memref<80x64xf32, #tpu.memory_space<vmem>>
    %dma_wait3A_41 = arith.constant 0 : i32
    %dma_wait3A_42 = tpu.memref_slice %arg12[%dma_wait3A_35, %dma_wait3A_41] : memref<4x80xi32, #tpu.memory_space<vmem>> -> memref<1x80xi32, #tpu.memory_space<vmem>>
    %dma_wait3A_43 = tpu.memref_squeeze %dma_wait3A_42 : memref<1x80xi32, #tpu.memory_space<vmem>> -> memref<80xi32, #tpu.memory_space<vmem>>
    %dma_wait3A_44 = arith.constant 0 : i32
    %dma_wait3A_45 = arith.constant 0 : i32
    %dma_wait3A_46 = tpu.memref_slice %arg2[%dma_wait3A_44, %dma_wait3A_45] : memref<1000x64xf32, #tpu.memory_space<hbm>> -> memref<1000x64xf32, #tpu.memory_space<hbm>>
    tpu.wait_indirect_dma semaphore(%arg21 : memref<!tpu.dma_semaphore, #tpu.memory_space<semaphore_mem>>) src(%dma_wait3A_46 : memref<1000x64xf32, #tpu.memory_space<hbm>>) dst(%dma_wait3A_40 : memref<80x64xf32, #tpu.memory_space<vmem>>)
    %dma_start3A_47 = arith.constant 2 : i32
    %dma_start3A_48 = arith.constant 2 : i32
    %dma_start3A_49 = arith.constant 0 : i32
    %dma_start3A_50 = arith.constant 0 : i32
    %dma_start3A_51 = tpu.memref_slice %arg13[%dma_start3A_48, %dma_start3A_49, %dma_start3A_50] : memref<4x80x64xf32, #tpu.memory_space<vmem>> -> memref<1x80x64xf32, #tpu.memory_space<vmem>>
    %dma_start3A_52 = tpu.memref_squeeze %dma_start3A_51 : memref<1x80x64xf32, #tpu.memory_space<vmem>> -> memref<80x64xf32, #tpu.memory_space<vmem>>
    %dma_start3A_53 = arith.constant 0 : i32
    %dma_start3A_54 = tpu.memref_slice %arg12[%dma_start3A_47, %dma_start3A_53] : memref<4x80xi32, #tpu.memory_space<vmem>> -> memref<1x80xi32, #tpu.memory_space<vmem>>
    %dma_start3A_55 = tpu.memref_squeeze %dma_start3A_54 : memref<1x80xi32, #tpu.memory_space<vmem>> -> memref<80xi32, #tpu.memory_space<vmem>>
    %dma_start3A_56 = arith.constant 0 : i32
    %dma_start3A_57 = arith.constant 0 : i32
    %dma_start3A_58 = tpu.memref_slice %arg2[%dma_start3A_56, %dma_start3A_57] : memref<1000x64xf32, #tpu.memory_space<hbm>> -> memref<1000x64xf32, #tpu.memory_space<hbm>>
    tpu.enqueue_indirect_dma source(%dma_start3A_58 : memref<1000x64xf32, #tpu.memory_space<hbm>>) target(%dma_start3A_52 : memref<80x64xf32, #tpu.memory_space<vmem>>) offsets(%dma_start3A_55 : memref<80xi32, #tpu.memory_space<vmem>>) semaphore(%arg21 : memref<!tpu.dma_semaphore, #tpu.memory_space<semaphore_mem>>)
    %dma_wait3A_59 = arith.constant 2 : i32
    %dma_wait3A_60 = arith.constant 2 : i32
    %dma_wait3A_61 = arith.constant 0 : i32
    %dma_wait3A_62 = arith.constant 0 : i32
    %dma_wait3A_63 = tpu.memref_slice %arg13[%dma_wait3A_60, %dma_wait3A_61, %dma_wait3A_62] : memref<4x80x64xf32, #tpu.memory_space<vmem>> -> memref<1x80x64xf32, #tpu.memory_space<vmem>>
    %dma_wait3A_64 = tpu.memref_squeeze %dma_wait3A_63 : memref<1x80x64xf32, #tpu.memory_space<vmem>> -> memref<80x64xf32, #tpu.memory_space<vmem>>
    %dma_wait3A_65 = arith.constant 0 : i32
    %dma_wait3A_66 = tpu.memref_slice %arg12[%dma_wait3A_59, %dma_wait3A_65] : memref<4x80xi32, #tpu.memory_space<vmem>> -> memref<1x80xi32, #tpu.memory_space<vmem>>
    %dma_wait3A_67 = tpu.memref_squeeze %dma_wait3A_66 : memref<1x80xi32, #tpu.memory_space<vmem>> -> memref<80xi32, #tpu.memory_space<vmem>>
    %dma_wait3A_68 = arith.constant 0 : i32
    %dma_wait3A_69 = arith.constant 0 : i32
    %dma_wait3A_70 = tpu.memref_slice %arg2[%dma_wait3A_68, %dma_wait3A_69] : memref<1000x64xf32, #tpu.memory_space<hbm>> -> memref<1000x64xf32, #tpu.memory_space<hbm>>
    tpu.wait_indirect_dma semaphore(%arg21 : memref<!tpu.dma_semaphore, #tpu.memory_space<semaphore_mem>>) src(%dma_wait3A_70 : memref<1000x64xf32, #tpu.memory_space<hbm>>) dst(%dma_wait3A_64 : memref<80x64xf32, #tpu.memory_space<vmem>>)
    %dma_start3A_71 = arith.constant 3 : i32
    %dma_start3A_72 = arith.constant 3 : i32
    %dma_start3A_73 = arith.constant 0 : i32
    %dma_start3A_74 = arith.constant 0 : i32
    %dma_start3A_75 = tpu.memref_slice %arg13[%dma_start3A_72, %dma_start3A_73, %dma_start3A_74] : memref<4x80x64xf32, #tpu.memory_space<vmem>> -> memref<1x80x64xf32, #tpu.memory_space<vmem>>
    %dma_start3A_76 = tpu.memref_squeeze %dma_start3A_75 : memref<1x80x64xf32, #tpu.memory_space<vmem>> -> memref<80x64xf32, #tpu.memory_space<vmem>>
    %dma_start3A_77 = arith.constant 0 : i32
    %dma_start3A_78 = tpu.memref_slice %arg12[%dma_start3A_71, %dma_start3A_77] : memref<4x80xi32, #tpu.memory_space<vmem>> -> memref<1x80xi32, #tpu.memory_space<vmem>>
    %dma_start3A_79 = tpu.memref_squeeze %dma_start3A_78 : memref<1x80xi32, #tpu.memory_space<vmem>> -> memref<80xi32, #tpu.memory_space<vmem>>
    %dma_start3A_80 = arith.constant 0 : i32
    %dma_start3A_81 = arith.constant 0 : i32
    %dma_start3A_82 = tpu.memref_slice %arg2[%dma_start3A_80, %dma_start3A_81] : memref<1000x64xf32, #tpu.memory_space<hbm>> -> memref<1000x64xf32, #tpu.memory_space<hbm>>
    tpu.enqueue_indirect_dma source(%dma_start3A_82 : memref<1000x64xf32, #tpu.memory_space<hbm>>) target(%dma_start3A_76 : memref<80x64xf32, #tpu.memory_space<vmem>>) offsets(%dma_start3A_79 : memref<80xi32, #tpu.memory_space<vmem>>) semaphore(%arg21 : memref<!tpu.dma_semaphore, #tpu.memory_space<semaphore_mem>>)
    %dma_wait3A_83 = arith.constant 3 : i32
    %dma_wait3A_84 = arith.constant 3 : i32
    %dma_wait3A_85 = arith.constant 0 : i32
    %dma_wait3A_86 = arith.constant 0 : i32
    %dma_wait3A_87 = tpu.memref_slice %arg13[%dma_wait3A_84, %dma_wait3A_85, %dma_wait3A_86] : memref<4x80x64xf32, #tpu.memory_space<vmem>> -> memref<1x80x64xf32, #tpu.memory_space<vmem>>
    %dma_wait3A_88 = tpu.memref_squeeze %dma_wait3A_87 : memref<1x80x64xf32, #tpu.memory_space<vmem>> -> memref<80x64xf32, #tpu.memory_space<vmem>>
    %dma_wait3A_89 = arith.constant 0 : i32
    %dma_wait3A_90 = tpu.memref_slice %arg12[%dma_wait3A_83, %dma_wait3A_89] : memref<4x80xi32, #tpu.memory_space<vmem>> -> memref<1x80xi32, #tpu.memory_space<vmem>>
    %dma_wait3A_91 = tpu.memref_squeeze %dma_wait3A_90 : memref<1x80xi32, #tpu.memory_space<vmem>> -> memref<80xi32, #tpu.memory_space<vmem>>
    %dma_wait3A_92 = arith.constant 0 : i32
    %dma_wait3A_93 = arith.constant 0 : i32
    %dma_wait3A_94 = tpu.memref_slice %arg2[%dma_wait3A_92, %dma_wait3A_93] : memref<1000x64xf32, #tpu.memory_space<hbm>> -> memref<1000x64xf32, #tpu.memory_space<hbm>>
    tpu.wait_indirect_dma semaphore(%arg21 : memref<!tpu.dma_semaphore, #tpu.memory_space<semaphore_mem>>) src(%dma_wait3A_94 : memref<1000x64xf32, #tpu.memory_space<hbm>>) dst(%dma_wait3A_88 : memref<80x64xf32, #tpu.memory_space<vmem>>)
    "tpu.region"() ({
      %run_scoped3A = tpu.sem_alloc : memref<!tpu.dma_semaphore, #tpu.memory_space<semaphore_mem>>
      %dma_start3A_103 = arith.constant 0 : i32
      %dma_start3A_104 = arith.constant 0 : i32
      %dma_start3A_105 = arith.constant 0 : i32
      %dma_start3A_106 = tpu.memref_slice %arg9[%add3A, %dma_start3A_103, %dma_start3A_104, %dma_start3A_105] : memref<32x4x80x64xf32, #tpu.memory_space<hbm>> -> memref<1x4x80x64xf32, #tpu.memory_space<hbm>>
      %dma_start3A_107 = tpu.memref_squeeze %dma_start3A_106 : memref<1x4x80x64xf32, #tpu.memory_space<hbm>> -> memref<4x80x64xf32, #tpu.memory_space<hbm>>
      %dma_start3A_108 = arith.constant 0 : i32
      %dma_start3A_109 = arith.constant 0 : i32
      %dma_start3A_110 = arith.constant 0 : i32
      %dma_start3A_111 = tpu.memref_slice %arg9[%add3A, %dma_start3A_108, %dma_start3A_109, %dma_start3A_110] : memref<32x4x80x64xf32, #tpu.memory_space<hbm>> -> memref<1x4x80x64xf32, #tpu.memory_space<hbm>>
      %dma_start3A_112 = tpu.memref_squeeze %dma_start3A_111 : memref<1x4x80x64xf32, #tpu.memory_space<hbm>> -> memref<4x80x64xf32, #tpu.memory_space<hbm>>
      tpu.enqueue_dma source(%arg13 : memref<4x80x64xf32, #tpu.memory_space<vmem>>) target(%dma_start3A_112 : memref<4x80x64xf32, #tpu.memory_space<hbm>>) target_semaphore(%run_scoped3A : memref<!tpu.dma_semaphore, #tpu.memory_space<semaphore_mem>>)
      %dma_wait3A_113 = arith.constant 0 : i32
      %dma_wait3A_114 = arith.constant 0 : i32
      %dma_wait3A_115 = arith.constant 0 : i32
      %dma_wait3A_116 = tpu.memref_slice %arg9[%add3A, %dma_wait3A_113, %dma_wait3A_114, %dma_wait3A_115] : memref<32x4x80x64xf32, #tpu.memory_space<hbm>> -> memref<1x4x80x64xf32, #tpu.memory_space<hbm>>
      %dma_wait3A_117 = tpu.memref_squeeze %dma_wait3A_116 : memref<1x4x80x64xf32, #tpu.memory_space<hbm>> -> memref<4x80x64xf32, #tpu.memory_space<hbm>>
      %dma_wait3A_118 = arith.constant 0 : i32
      %dma_wait3A_119 = arith.constant 0 : i32
      %dma_wait3A_120 = arith.constant 0 : i32
      %dma_wait3A_121 = tpu.memref_slice %arg9[%add3A, %dma_wait3A_118, %dma_wait3A_119, %dma_wait3A_120] : memref<32x4x80x64xf32, #tpu.memory_space<hbm>> -> memref<1x4x80x64xf32, #tpu.memory_space<hbm>>
      %dma_wait3A_122 = tpu.memref_squeeze %dma_wait3A_121 : memref<1x4x80x64xf32, #tpu.memory_space<hbm>> -> memref<4x80x64xf32, #tpu.memory_space<hbm>>
      tpu.wait_dma2 semaphore(%run_scoped3A : memref<!tpu.dma_semaphore, #tpu.memory_space<semaphore_mem>>) src(%arg13 : memref<4x80x64xf32, #tpu.memory_space<vmem>>) dst(%dma_wait3A_122 : memref<4x80x64xf32, #tpu.memory_space<hbm>>)
      tpu.yield
    }) : () -> ()
    "tpu.region"() ({
      %run_scoped3A = tpu.sem_alloc : memref<!tpu.dma_semaphore, #tpu.memory_space<semaphore_mem>>
      tpu.enqueue_dma source(%arg4 : memref<10000xf32, #tpu.memory_space<hbm>>) target(%arg14 : memref<10000xf32, #tpu.memory_space<vmem>>) target_semaphore(%run_scoped3A : memref<!tpu.dma_semaphore, #tpu.memory_space<semaphore_mem>>)
      tpu.wait_dma2 semaphore(%run_scoped3A : memref<!tpu.dma_semaphore, #tpu.memory_space<semaphore_mem>>) src(%arg4 : memref<10000xf32, #tpu.memory_space<hbm>>) dst(%arg14 : memref<10000xf32, #tpu.memory_space<vmem>>)
      tpu.yield
    }) : () -> ()
    "tpu.region"() ({
      %run_scoped3A = tpu.sem_alloc : memref<!tpu.dma_semaphore, #tpu.memory_space<semaphore_mem>>
      tpu.enqueue_dma source(%arg5 : memref<10000xi32, #tpu.memory_space<hbm>>) target(%arg15 : memref<10000xi32, #tpu.memory_space<vmem>>) target_semaphore(%run_scoped3A : memref<!tpu.dma_semaphore, #tpu.memory_space<semaphore_mem>>)
      tpu.wait_dma2 semaphore(%run_scoped3A : memref<!tpu.dma_semaphore, #tpu.memory_space<semaphore_mem>>) src(%arg5 : memref<10000xi32, #tpu.memory_space<hbm>>) dst(%arg15 : memref<10000xi32, #tpu.memory_space<vmem>>)
      tpu.yield
    }) : () -> ()
    %mul3A_95 = arith.constant 10000 : i32
    %mul3A_96 = arith.muli %add3A, %mul3A_95 : i32
    "tpu.region"() ({
      %run_scoped3A = tpu.sem_alloc : memref<!tpu.dma_semaphore, #tpu.memory_space<semaphore_mem>>
      %dma_start3A_103 = tpu.memref_slice %arg6[%mul3A_96] : memref<320000xi32, #tpu.memory_space<hbm>> -> memref<10000xi32, #tpu.memory_space<hbm>>
      %dma_start3A_104 = tpu.memref_slice %arg6[%mul3A_96] : memref<320000xi32, #tpu.memory_space<hbm>> -> memref<10000xi32, #tpu.memory_space<hbm>>
      tpu.enqueue_dma source(%dma_start3A_104 : memref<10000xi32, #tpu.memory_space<hbm>>) target(%arg16 : memref<10000xi32, #tpu.memory_space<vmem>>) target_semaphore(%run_scoped3A : memref<!tpu.dma_semaphore, #tpu.memory_space<semaphore_mem>>)
      %dma_wait3A_105 = tpu.memref_slice %arg6[%mul3A_96] : memref<320000xi32, #tpu.memory_space<hbm>> -> memref<10000xi32, #tpu.memory_space<hbm>>
      %dma_wait3A_106 = tpu.memref_slice %arg6[%mul3A_96] : memref<320000xi32, #tpu.memory_space<hbm>> -> memref<10000xi32, #tpu.memory_space<hbm>>
      tpu.wait_dma2 semaphore(%run_scoped3A : memref<!tpu.dma_semaphore, #tpu.memory_space<semaphore_mem>>) src(%dma_wait3A_106 : memref<10000xi32, #tpu.memory_space<hbm>>) dst(%arg16 : memref<10000xi32, #tpu.memory_space<vmem>>)
      tpu.yield
    }) : () -> ()
    "tpu.region"() ({
      %run_scoped3A = tpu.sem_alloc : memref<!tpu.dma_semaphore, #tpu.memory_space<semaphore_mem>>
      %dma_start3A_103 = tpu.memref_slice %arg7[%mul3A_96] : memref<320000xi32, #tpu.memory_space<hbm>> -> memref<10000xi32, #tpu.memory_space<hbm>>
      %dma_start3A_104 = tpu.memref_slice %arg7[%mul3A_96] : memref<320000xi32, #tpu.memory_space<hbm>> -> memref<10000xi32, #tpu.memory_space<hbm>>
      tpu.enqueue_dma source(%dma_start3A_104 : memref<10000xi32, #tpu.memory_space<hbm>>) target(%arg17 : memref<10000xi32, #tpu.memory_space<vmem>>) target_semaphore(%run_scoped3A : memref<!tpu.dma_semaphore, #tpu.memory_space<semaphore_mem>>)
      %dma_wait3A_105 = tpu.memref_slice %arg7[%mul3A_96] : memref<320000xi32, #tpu.memory_space<hbm>> -> memref<10000xi32, #tpu.memory_space<hbm>>
      %dma_wait3A_106 = tpu.memref_slice %arg7[%mul3A_96] : memref<320000xi32, #tpu.memory_space<hbm>> -> memref<10000xi32, #tpu.memory_space<hbm>>
      tpu.wait_dma2 semaphore(%run_scoped3A : memref<!tpu.dma_semaphore, #tpu.memory_space<semaphore_mem>>) src(%dma_wait3A_106 : memref<10000xi32, #tpu.memory_space<hbm>>) dst(%arg17 : memref<10000xi32, #tpu.memory_space<vmem>>)
      tpu.yield
    }) : () -> ()
    "tpu.region"() ({
      %run_scoped3A = tpu.sem_alloc : memref<!tpu.dma_semaphore, #tpu.memory_space<semaphore_mem>>
      %dma_start3A_103 = tpu.memref_slice %arg8[%mul3A_96] : memref<320000xf32, #tpu.memory_space<hbm>> -> memref<10000xf32, #tpu.memory_space<hbm>>
      %dma_start3A_104 = tpu.memref_slice %arg8[%mul3A_96] : memref<320000xf32, #tpu.memory_space<hbm>> -> memref<10000xf32, #tpu.memory_space<hbm>>
      tpu.enqueue_dma source(%dma_start3A_104 : memref<10000xf32, #tpu.memory_space<hbm>>) target(%arg18 : memref<10000xf32, #tpu.memory_space<vmem>>) target_semaphore(%run_scoped3A : memref<!tpu.dma_semaphore, #tpu.memory_space<semaphore_mem>>)
      %dma_wait3A_105 = tpu.memref_slice %arg8[%mul3A_96] : memref<320000xf32, #tpu.memory_space<hbm>> -> memref<10000xf32, #tpu.memory_space<hbm>>
      %dma_wait3A_106 = tpu.memref_slice %arg8[%mul3A_96] : memref<320000xf32, #tpu.memory_space<hbm>> -> memref<10000xf32, #tpu.memory_space<hbm>>
      tpu.wait_dma2 semaphore(%run_scoped3A : memref<!tpu.dma_semaphore, #tpu.memory_space<semaphore_mem>>) src(%dma_wait3A_106 : memref<10000xf32, #tpu.memory_space<hbm>>) dst(%arg18 : memref<10000xf32, #tpu.memory_space<vmem>>)
      tpu.yield
    }) : () -> ()
    %scan3A = arith.constant 0 : i32
    %scan3A_97 = arith.constant 0 : i32
    %scan3A_98 = arith.constant 625 : i32
    %scan3A_99 = arith.addi %scan3A_97, %scan3A_98 : i32
    %scan3A_100 = arith.constant 1 : i32
    %scan3A_101 = scf.for %scan3A_103 = %scan3A_97 to %scan3A_99 step %scan3A_100 iter_args(%scan3A_104 = %scan3A) -> (i32)  : i32 {
      %mul3A_105 = arith.constant 16 : i32
      %mul3A_106 = arith.muli %scan3A_103, %mul3A_105 : i32
      %get3A = arith.index_cast %mul3A_106 : i32 to index
      %get3A_107 = tpu.vector_load %arg16[%get3A] {strides = array<i32>} : memref<10000xi32, #tpu.memory_space<vmem>>, vector<16xi32>,
      %get3A_108 = arith.index_cast %mul3A_106 : i32 to index
      %get3A_109 = tpu.vector_load %arg17[%get3A_108] {strides = array<i32>} : memref<10000xi32, #tpu.memory_space<vmem>>, vector<16xi32>,
      %gather3A = tpu.vector_load_idx %arg14[%get3A_107] : memref<10000xf32, #tpu.memory_space<vmem>>[vector<16xi32>], vector<16xf32>,
      %gather3A_110 = tpu.vector_load_idx %arg14[%get3A_109] : memref<10000xf32, #tpu.memory_space<vmem>>[vector<16xi32>], vector<16xf32>,
      %get3A_111 = arith.index_cast %mul3A_106 : i32 to index
      %get3A_112 = tpu.vector_load %arg18[%get3A_111] {strides = array<i32>} : memref<10000xf32, #tpu.memory_space<vmem>>, vector<16xf32>,
      %mul3A_113 = arith.mulf %get3A_112, %gather3A : vector<16xf32>
      %mul3A_114 = arith.mulf %mul3A_113, %gather3A_110 : vector<16xf32>
      %swap3A = arith.index_cast %mul3A_106 : i32 to index
      %swap3A_115 = tpu.vector_load %arg19[%swap3A] {strides = array<i32>} : memref<10000xf32, #tpu.memory_space<vmem>>, vector<16xf32>,
      tpu.vector_store %arg19[%swap3A], %mul3A_114 {strides = array<i32>} : memref<10000xf32, #tpu.memory_space<vmem>>, vector<16xf32>,
      %gather3A_116 = tpu.vector_load_idx %arg15[%get3A_109] : memref<10000xi32, #tpu.memory_space<vmem>>[vector<16xi32>], vector<16xi32>,
      %swap3A_117 = arith.index_cast %mul3A_106 : i32 to index
      %swap3A_118 = tpu.vector_load %arg20[%swap3A_117] {strides = array<i32>} : memref<10000xi32, #tpu.memory_space<vmem>>, vector<16xi32>,
      tpu.vector_store %arg20[%swap3A_117], %gather3A_116 {strides = array<i32>} : memref<10000xi32, #tpu.memory_space<vmem>>, vector<16xi32>,
      %scan3A_119 = arith.constant 0 : i32
      scf.yield %scan3A_119 : i32
    }
    %scan3A_102 = arith.constant 625 : i32
    "tpu.region"() ({
      %run_scoped3A = tpu.sem_alloc : memref<!tpu.dma_semaphore, #tpu.memory_space<semaphore_mem>>
      %dma_start3A_103 = tpu.memref_slice %arg10[%mul3A_96] : memref<320000xf32, #tpu.memory_space<hbm>> -> memref<10000xf32, #tpu.memory_space<hbm>>
      %dma_start3A_104 = tpu.memref_slice %arg10[%mul3A_96] : memref<320000xf32, #tpu.memory_space<hbm>> -> memref<10000xf32, #tpu.memory_space<hbm>>
      tpu.enqueue_dma source(%arg19 : memref<10000xf32, #tpu.memory_space<vmem>>) target(%dma_start3A_104 : memref<10000xf32, #tpu.memory_space<hbm>>) target_semaphore(%run_scoped3A : memref<!tpu.dma_semaphore, #tpu.memory_space<semaphore_mem>>)
      %dma_wait3A_105 = tpu.memref_slice %arg10[%mul3A_96] : memref<320000xf32, #tpu.memory_space<hbm>> -> memref<10000xf32, #tpu.memory_space<hbm>>
      %dma_wait3A_106 = tpu.memref_slice %arg10[%mul3A_96] : memref<320000xf32, #tpu.memory_space<hbm>> -> memref<10000xf32, #tpu.memory_space<hbm>>
      tpu.wait_dma2 semaphore(%run_scoped3A : memref<!tpu.dma_semaphore, #tpu.memory_space<semaphore_mem>>) src(%arg19 : memref<10000xf32, #tpu.memory_space<vmem>>) dst(%dma_wait3A_106 : memref<10000xf32, #tpu.memory_space<hbm>>)
      tpu.yield
    }) : () -> ()
    "tpu.region"() ({
      %run_scoped3A = tpu.sem_alloc : memref<!tpu.dma_semaphore, #tpu.memory_space<semaphore_mem>>
      %dma_start3A_103 = tpu.memref_slice %arg11[%mul3A_96] : memref<320000xi32, #tpu.memory_space<hbm>> -> memref<10000xi32, #tpu.memory_space<hbm>>
      %dma_start3A_104 = tpu.memref_slice %arg11[%mul3A_96] : memref<320000xi32, #tpu.memory_space<hbm>> -> memref<10000xi32, #tpu.memory_space<hbm>>
      tpu.enqueue_dma source(%arg20 : memref<10000xi32, #tpu.memory_space<vmem>>) target(%dma_start3A_104 : memref<10000xi32, #tpu.memory_space<hbm>>) target_semaphore(%run_scoped3A : memref<!tpu.dma_semaphore, #tpu.memory_space<semaphore_mem>>)
      %dma_wait3A_105 = tpu.memref_slice %arg11[%mul3A_96] : memref<320000xi32, #tpu.memory_space<hbm>> -> memref<10000xi32, #tpu.memory_space<hbm>>
      %dma_wait3A_106 = tpu.memref_slice %arg11[%mul3A_96] : memref<320000xi32, #tpu.memory_space<hbm>> -> memref<10000xi32, #tpu.memory_space<hbm>>
      tpu.wait_dma2 semaphore(%run_scoped3A : memref<!tpu.dma_semaphore, #tpu.memory_space<semaphore_mem>>) src(%arg20 : memref<10000xi32, #tpu.memory_space<vmem>>) dst(%dma_wait3A_106 : memref<10000xi32, #tpu.memory_space<hbm>>)
      tpu.yield
    }) : () -> ()
    return
  }
}

#map = affine_map<(d0, d1) -> (0, 0, 0)>
#map1 = affine_map<(d0, d1) -> (0, 0, 0, 0, 0)>
module attributes {stable_mosaic.version = 14 : i64} {
  func.func @k(%arg0: i32, %arg1: i32, %arg2: memref<1x10000x128xf32, #tpu.memory_space<hbm>>, %arg3: memref<2x16x2x50x100xi32, #tpu.memory_space<hbm>>, %arg4: memref<2x16x2x50x100xi32, #tpu.memory_space<hbm>>, %arg5: memref<2x16x2x50x100xf32, #tpu.memory_space<hbm>>, %arg6: memref<2x64x128xf32, #tpu.memory_space<hbm>>, %arg7: memref<50x100xi32, #tpu.memory_space<vmem>>, %arg8: memref<50x100xi32, #tpu.memory_space<vmem>>, %arg9: memref<50x100xf32, #tpu.memory_space<vmem>>, %arg10: memref<3x100x128xf32, #tpu.memory_space<vmem>>, %arg11: memref<4x128xf32, #tpu.memory_space<vmem>>, %arg12: memref<64x128xf32, #tpu.memory_space<vmem_shared>>, %arg13: memref<!tpu.dma_semaphore, #tpu.memory_space<semaphore_mem>>, %arg14: memref<!tpu.dma_semaphore, #tpu.memory_space<semaphore_mem>>) attributes {dimension_semantics = [#tpu.dimension_semantics<core_parallel>, #tpu.dimension_semantics<subcore_parallel>], iteration_bounds = array<i64: 2, 16>, scalar_prefetch = 0 : i64, scratch_operands = 8 : i64, tpu.core_type = #tpu.core_type<sc_vector_subcore>, window_params = [{transform_indices = #map}, {transform_indices = #map1}, {transform_indices = #map1}, {transform_indices = #map1}, {transform_indices = #map}]} {
    %scan3A = arith.constant 0 : i32
    %scan3A_0 = arith.constant 0 : i32
    %scan3A_1 = arith.constant 32 : i32
    %scan3A_2 = arith.addi %scan3A_0, %scan3A_1 : i32
    %scan3A_3 = arith.constant 1 : i32
    %scan3A_4 = scf.for %scan3A_21 = %scan3A_0 to %scan3A_2 step %scan3A_3 iter_args(%scan3A_22 = %scan3A) -> (i32)  : i32 {
      %jit3A = arith.constant 8 : i32
      %div3A = arith.divsi %scan3A_21, %jit3A : i32
      %sign3A = arith.constant 0 : i32
      %sign3A_23 = arith.cmpi sgt, %scan3A_21, %sign3A : i32
      %sign3A_24 = arith.extui %sign3A_23 : i1 to i32
      %sign3A_25 = arith.constant 0 : i32
      %sign3A_26 = arith.cmpi slt, %scan3A_21, %sign3A_25 : i32
      %sign3A_27 = arith.extui %sign3A_26 : i1 to i32
      %sign3A_28 = arith.subi %sign3A_24, %sign3A_27 : i32
      %sign3A_29 = arith.constant 0 : i32
      %sign3A_30 = arith.cmpi sgt, %jit3A, %sign3A_29 : i32
      %sign3A_31 = arith.extui %sign3A_30 : i1 to i32
      %sign3A_32 = arith.constant 0 : i32
      %sign3A_33 = arith.cmpi slt, %jit3A, %sign3A_32 : i32
      %sign3A_34 = arith.extui %sign3A_33 : i1 to i32
      %sign3A_35 = arith.subi %sign3A_31, %sign3A_34 : i32
      %ne3A = arith.cmpi ne, %sign3A_28, %sign3A_35 : i32
      %rem3A = arith.remsi %scan3A_21, %jit3A : i32
      %ne3A_36 = arith.constant 0 : i32
      %ne3A_37 = arith.cmpi ne, %rem3A, %ne3A_36 : i32
      %and3A = arith.andi %ne3A, %ne3A_37 : i1
      %sub3A = arith.constant 1 : i32
      %sub3A_38 = arith.subi %div3A, %sub3A : i32
      %select_n3A = arith.select %and3A, %sub3A_38, %div3A : i32
      %jit3A_39 = arith.constant 8 : i32
      %eq3A = arith.constant 0 : i32
      %eq3A_40 = arith.cmpi eq, %jit3A_39, %eq3A : i32
      %jit3A_41 = arith.constant 1 : i32
      %select_n3A_42 = arith.select %eq3A_40, %jit3A_41, %jit3A_39 : i32
      %rem3A_43 = arith.remsi %scan3A_21, %select_n3A_42 : i32
      %ne3A_44 = arith.constant 0 : i32
      %ne3A_45 = arith.cmpi ne, %rem3A_43, %ne3A_44 : i32
      %lt3A = arith.constant 0 : i32
      %lt3A_46 = arith.cmpi slt, %rem3A_43, %lt3A : i32
      %lt3A_47 = arith.constant 0 : i32
      %lt3A_48 = arith.cmpi slt, %select_n3A_42, %lt3A_47 : i32
      %ne3A_49 = arith.xori %lt3A_46, %lt3A_48 : i1
      %and3A_50 = arith.andi %ne3A_49, %ne3A_45 : i1
      %add3A_51 = arith.addi %rem3A_43, %select_n3A_42 : i32
      %select_n3A_52 = arith.select %and3A_50, %add3A_51, %rem3A_43 : i32
      %broadcast_in_dim3A = arith.constant 0.000000e+00 : f32
      %broadcast_in_dim3A_53 = vector.broadcast %broadcast_in_dim3A : f32 to vector<16xf32>
      %mul3A_54 = arith.constant 16 : i32
      %mul3A_55 = arith.muli %select_n3A_52, %mul3A_54 : i32
      %swap3A = arith.index_cast %select_n3A : i32 to index
      %swap3A_56 = arith.index_cast %mul3A_55 : i32 to index
      %swap3A_57 = tpu.vector_load %arg11[%swap3A, %swap3A_56] {strides = array<i32>} : memref<4x128xf32, #tpu.memory_space<vmem>>, vector<16xf32>,
      tpu.vector_store %arg11[%swap3A, %swap3A_56], %broadcast_in_dim3A_53 {strides = array<i32>} : memref<4x128xf32, #tpu.memory_space<vmem>>, vector<16xf32>,
      %scan3A_58 = arith.constant 0 : i32
      scf.yield %scan3A_58 : i32
    }
    %scan3A_5 = arith.constant 32 : i32
    %mul3A = arith.constant 4 : i32
    %mul3A_6 = arith.muli %arg1, %mul3A : i32
    %add3A = arith.constant 0 : i32
    %add3A_7 = arith.addi %mul3A_6, %add3A : i32
    "tpu.region"() ({
      %run_scoped3A = tpu.sem_alloc : memref<!tpu.dma_semaphore, #tpu.memory_space<semaphore_mem>>
      %dma_start3A = arith.constant 0 : i32
      %dma_start3A_21 = tpu.memref_slice %arg12[%add3A_7, %dma_start3A] : memref<64x128xf32, #tpu.memory_space<vmem_shared>> -> memref<4x128xf32, #tpu.memory_space<vmem_shared>>
      %dma_start3A_22 = arith.constant 0 : i32
      %dma_start3A_23 = tpu.memref_slice %arg12[%add3A_7, %dma_start3A_22] : memref<64x128xf32, #tpu.memory_space<vmem_shared>> -> memref<4x128xf32, #tpu.memory_space<vmem_shared>>
      tpu.enqueue_dma source(%arg11 : memref<4x128xf32, #tpu.memory_space<vmem>>) target(%dma_start3A_23 : memref<4x128xf32, #tpu.memory_space<vmem_shared>>) target_semaphore(%run_scoped3A : memref<!tpu.dma_semaphore, #tpu.memory_space<semaphore_mem>>)
      %dma_wait3A = arith.constant 0 : i32
      %dma_wait3A_24 = tpu.memref_slice %arg12[%add3A_7, %dma_wait3A] : memref<64x128xf32, #tpu.memory_space<vmem_shared>> -> memref<4x128xf32, #tpu.memory_space<vmem_shared>>
      %dma_wait3A_25 = arith.constant 0 : i32
      %dma_wait3A_26 = tpu.memref_slice %arg12[%add3A_7, %dma_wait3A_25] : memref<64x128xf32, #tpu.memory_space<vmem_shared>> -> memref<4x128xf32, #tpu.memory_space<vmem_shared>>
      tpu.wait_dma2 semaphore(%run_scoped3A : memref<!tpu.dma_semaphore, #tpu.memory_space<semaphore_mem>>) src(%arg11 : memref<4x128xf32, #tpu.memory_space<vmem>>) dst(%dma_wait3A_26 : memref<4x128xf32, #tpu.memory_space<vmem_shared>>)
      tpu.yield
    }) : () -> ()
    %barrier3A = arith.constant 0 : index
    tpu.barrier barrier_id(%barrier3A)
    %scan3A_8 = arith.constant 0 : i32
    %scan3A_9 = arith.constant 0 : i32
    %scan3A_10 = arith.constant 0 : i32
    %scan3A_11 = arith.constant 2 : i32
    %scan3A_12 = arith.addi %scan3A_10, %scan3A_11 : i32
    %scan3A_13 = arith.constant 1 : i32
    %scan3A_14 = scf.for %scan3A_21 = %scan3A_10 to %scan3A_12 step %scan3A_13 iter_args(%scan3A_22 = %scan3A_9) -> (i32)  : i32 {
      "tpu.region"() ({
        %run_scoped3A = tpu.sem_alloc : memref<!tpu.dma_semaphore, #tpu.memory_space<semaphore_mem>>
        %dma_start3A_74 = arith.constant 0 : i32
        %dma_start3A_75 = arith.constant 0 : i32
        %dma_start3A_76 = tpu.memref_slice %arg3[%arg0, %arg1, %scan3A_21, %dma_start3A_74, %dma_start3A_75] : memref<2x16x2x50x100xi32, #tpu.memory_space<hbm>> -> memref<1x1x1x50x100xi32, #tpu.memory_space<hbm>>
        %dma_start3A_77 = tpu.memref_squeeze %dma_start3A_76 : memref<1x1x1x50x100xi32, #tpu.memory_space<hbm>> -> memref<50x100xi32, #tpu.memory_space<hbm>>
        %dma_start3A_78 = arith.constant 0 : i32
        %dma_start3A_79 = arith.constant 0 : i32
        %dma_start3A_80 = tpu.memref_slice %arg3[%arg0, %arg1, %scan3A_21, %dma_start3A_78, %dma_start3A_79] : memref<2x16x2x50x100xi32, #tpu.memory_space<hbm>> -> memref<1x1x1x50x100xi32, #tpu.memory_space<hbm>>
        %dma_start3A_81 = tpu.memref_squeeze %dma_start3A_80 : memref<1x1x1x50x100xi32, #tpu.memory_space<hbm>> -> memref<50x100xi32, #tpu.memory_space<hbm>>
        tpu.enqueue_dma source(%dma_start3A_81 : memref<50x100xi32, #tpu.memory_space<hbm>>) target(%arg7 : memref<50x100xi32, #tpu.memory_space<vmem>>) target_semaphore(%run_scoped3A : memref<!tpu.dma_semaphore, #tpu.memory_space<semaphore_mem>>)
        %dma_wait3A_82 = arith.constant 0 : i32
        %dma_wait3A_83 = arith.constant 0 : i32
        %dma_wait3A_84 = tpu.memref_slice %arg3[%arg0, %arg1, %scan3A_21, %dma_wait3A_82, %dma_wait3A_83] : memref<2x16x2x50x100xi32, #tpu.memory_space<hbm>> -> memref<1x1x1x50x100xi32, #tpu.memory_space<hbm>>
        %dma_wait3A_85 = tpu.memref_squeeze %dma_wait3A_84 : memref<1x1x1x50x100xi32, #tpu.memory_space<hbm>> -> memref<50x100xi32, #tpu.memory_space<hbm>>
        %dma_wait3A_86 = arith.constant 0 : i32
        %dma_wait3A_87 = arith.constant 0 : i32
        %dma_wait3A_88 = tpu.memref_slice %arg3[%arg0, %arg1, %scan3A_21, %dma_wait3A_86, %dma_wait3A_87] : memref<2x16x2x50x100xi32, #tpu.memory_space<hbm>> -> memref<1x1x1x50x100xi32, #tpu.memory_space<hbm>>
        %dma_wait3A_89 = tpu.memref_squeeze %dma_wait3A_88 : memref<1x1x1x50x100xi32, #tpu.memory_space<hbm>> -> memref<50x100xi32, #tpu.memory_space<hbm>>
        tpu.wait_dma2 semaphore(%run_scoped3A : memref<!tpu.dma_semaphore, #tpu.memory_space<semaphore_mem>>) src(%dma_wait3A_89 : memref<50x100xi32, #tpu.memory_space<hbm>>) dst(%arg7 : memref<50x100xi32, #tpu.memory_space<vmem>>)
        tpu.yield
      }) : () -> ()
      "tpu.region"() ({
        %run_scoped3A = tpu.sem_alloc : memref<!tpu.dma_semaphore, #tpu.memory_space<semaphore_mem>>
        %dma_start3A_74 = arith.constant 0 : i32
        %dma_start3A_75 = arith.constant 0 : i32
        %dma_start3A_76 = tpu.memref_slice %arg4[%arg0, %arg1, %scan3A_21, %dma_start3A_74, %dma_start3A_75] : memref<2x16x2x50x100xi32, #tpu.memory_space<hbm>> -> memref<1x1x1x50x100xi32, #tpu.memory_space<hbm>>
        %dma_start3A_77 = tpu.memref_squeeze %dma_start3A_76 : memref<1x1x1x50x100xi32, #tpu.memory_space<hbm>> -> memref<50x100xi32, #tpu.memory_space<hbm>>
        %dma_start3A_78 = arith.constant 0 : i32
        %dma_start3A_79 = arith.constant 0 : i32
        %dma_start3A_80 = tpu.memref_slice %arg4[%arg0, %arg1, %scan3A_21, %dma_start3A_78, %dma_start3A_79] : memref<2x16x2x50x100xi32, #tpu.memory_space<hbm>> -> memref<1x1x1x50x100xi32, #tpu.memory_space<hbm>>
        %dma_start3A_81 = tpu.memref_squeeze %dma_start3A_80 : memref<1x1x1x50x100xi32, #tpu.memory_space<hbm>> -> memref<50x100xi32, #tpu.memory_space<hbm>>
        tpu.enqueue_dma source(%dma_start3A_81 : memref<50x100xi32, #tpu.memory_space<hbm>>) target(%arg8 : memref<50x100xi32, #tpu.memory_space<vmem>>) target_semaphore(%run_scoped3A : memref<!tpu.dma_semaphore, #tpu.memory_space<semaphore_mem>>)
        %dma_wait3A_82 = arith.constant 0 : i32
        %dma_wait3A_83 = arith.constant 0 : i32
        %dma_wait3A_84 = tpu.memref_slice %arg4[%arg0, %arg1, %scan3A_21, %dma_wait3A_82, %dma_wait3A_83] : memref<2x16x2x50x100xi32, #tpu.memory_space<hbm>> -> memref<1x1x1x50x100xi32, #tpu.memory_space<hbm>>
        %dma_wait3A_85 = tpu.memref_squeeze %dma_wait3A_84 : memref<1x1x1x50x100xi32, #tpu.memory_space<hbm>> -> memref<50x100xi32, #tpu.memory_space<hbm>>
        %dma_wait3A_86 = arith.constant 0 : i32
        %dma_wait3A_87 = arith.constant 0 : i32
        %dma_wait3A_88 = tpu.memref_slice %arg4[%arg0, %arg1, %scan3A_21, %dma_wait3A_86, %dma_wait3A_87] : memref<2x16x2x50x100xi32, #tpu.memory_space<hbm>> -> memref<1x1x1x50x100xi32, #tpu.memory_space<hbm>>
        %dma_wait3A_89 = tpu.memref_squeeze %dma_wait3A_88 : memref<1x1x1x50x100xi32, #tpu.memory_space<hbm>> -> memref<50x100xi32, #tpu.memory_space<hbm>>
        tpu.wait_dma2 semaphore(%run_scoped3A : memref<!tpu.dma_semaphore, #tpu.memory_space<semaphore_mem>>) src(%dma_wait3A_89 : memref<50x100xi32, #tpu.memory_space<hbm>>) dst(%arg8 : memref<50x100xi32, #tpu.memory_space<vmem>>)
        tpu.yield
      }) : () -> ()
      "tpu.region"() ({
        %run_scoped3A = tpu.sem_alloc : memref<!tpu.dma_semaphore, #tpu.memory_space<semaphore_mem>>
        %dma_start3A_74 = arith.constant 0 : i32
        %dma_start3A_75 = arith.constant 0 : i32
        %dma_start3A_76 = tpu.memref_slice %arg5[%arg0, %arg1, %scan3A_21, %dma_start3A_74, %dma_start3A_75] : memref<2x16x2x50x100xf32, #tpu.memory_space<hbm>> -> memref<1x1x1x50x100xf32, #tpu.memory_space<hbm>>
        %dma_start3A_77 = tpu.memref_squeeze %dma_start3A_76 : memref<1x1x1x50x100xf32, #tpu.memory_space<hbm>> -> memref<50x100xf32, #tpu.memory_space<hbm>>
        %dma_start3A_78 = arith.constant 0 : i32
        %dma_start3A_79 = arith.constant 0 : i32
        %dma_start3A_80 = tpu.memref_slice %arg5[%arg0, %arg1, %scan3A_21, %dma_start3A_78, %dma_start3A_79] : memref<2x16x2x50x100xf32, #tpu.memory_space<hbm>> -> memref<1x1x1x50x100xf32, #tpu.memory_space<hbm>>
        %dma_start3A_81 = tpu.memref_squeeze %dma_start3A_80 : memref<1x1x1x50x100xf32, #tpu.memory_space<hbm>> -> memref<50x100xf32, #tpu.memory_space<hbm>>
        tpu.enqueue_dma source(%dma_start3A_81 : memref<50x100xf32, #tpu.memory_space<hbm>>) target(%arg9 : memref<50x100xf32, #tpu.memory_space<vmem>>) target_semaphore(%run_scoped3A : memref<!tpu.dma_semaphore, #tpu.memory_space<semaphore_mem>>)
        %dma_wait3A_82 = arith.constant 0 : i32
        %dma_wait3A_83 = arith.constant 0 : i32
        %dma_wait3A_84 = tpu.memref_slice %arg5[%arg0, %arg1, %scan3A_21, %dma_wait3A_82, %dma_wait3A_83] : memref<2x16x2x50x100xf32, #tpu.memory_space<hbm>> -> memref<1x1x1x50x100xf32, #tpu.memory_space<hbm>>
        %dma_wait3A_85 = tpu.memref_squeeze %dma_wait3A_84 : memref<1x1x1x50x100xf32, #tpu.memory_space<hbm>> -> memref<50x100xf32, #tpu.memory_space<hbm>>
        %dma_wait3A_86 = arith.constant 0 : i32
        %dma_wait3A_87 = arith.constant 0 : i32
        %dma_wait3A_88 = tpu.memref_slice %arg5[%arg0, %arg1, %scan3A_21, %dma_wait3A_86, %dma_wait3A_87] : memref<2x16x2x50x100xf32, #tpu.memory_space<hbm>> -> memref<1x1x1x50x100xf32, #tpu.memory_space<hbm>>
        %dma_wait3A_89 = tpu.memref_squeeze %dma_wait3A_88 : memref<1x1x1x50x100xf32, #tpu.memory_space<hbm>> -> memref<50x100xf32, #tpu.memory_space<hbm>>
        tpu.wait_dma2 semaphore(%run_scoped3A : memref<!tpu.dma_semaphore, #tpu.memory_space<semaphore_mem>>) src(%dma_wait3A_89 : memref<50x100xf32, #tpu.memory_space<hbm>>) dst(%arg9 : memref<50x100xf32, #tpu.memory_space<vmem>>)
        tpu.yield
      }) : () -> ()
      %rem3A = arith.constant 0 : i32
      %rem3A_23 = arith.constant 3 : i32
      %rem3A_24 = arith.remsi %rem3A, %rem3A_23 : i32
      %dma_start3A = arith.constant 0 : i32
      %dma_start3A_25 = arith.constant 0 : i32
      %dma_start3A_26 = arith.constant 0 : i32
      %dma_start3A_27 = tpu.memref_slice %arg10[%rem3A_24, %dma_start3A_25, %dma_start3A_26] : memref<3x100x128xf32, #tpu.memory_space<vmem>> -> memref<1x100x128xf32, #tpu.memory_space<vmem>>
      %dma_start3A_28 = tpu.memref_squeeze %dma_start3A_27 : memref<1x100x128xf32, #tpu.memory_space<vmem>> -> memref<100x128xf32, #tpu.memory_space<vmem>>
      %dma_start3A_29 = arith.constant 0 : i32
      %dma_start3A_30 = tpu.memref_slice %arg7[%dma_start3A, %dma_start3A_29] : memref<50x100xi32, #tpu.memory_space<vmem>> -> memref<1x100xi32, #tpu.memory_space<vmem>>
      %dma_start3A_31 = tpu.memref_squeeze %dma_start3A_30 : memref<1x100xi32, #tpu.memory_space<vmem>> -> memref<100xi32, #tpu.memory_space<vmem>>
      %dma_start3A_32 = arith.constant 0 : i32
      %dma_start3A_33 = arith.constant 0 : i32
      %dma_start3A_34 = tpu.memref_slice %arg2[%scan3A_8, %dma_start3A_32, %dma_start3A_33] : memref<1x10000x128xf32, #tpu.memory_space<hbm>> -> memref<1x10000x128xf32, #tpu.memory_space<hbm>>
      %dma_start3A_35 = tpu.memref_squeeze %dma_start3A_34 : memref<1x10000x128xf32, #tpu.memory_space<hbm>> -> memref<10000x128xf32, #tpu.memory_space<hbm>>
      %dma_start3A_36 = arith.constant 0 : i32
      %dma_start3A_37 = arith.constant 0 : i32
      %dma_start3A_38 = tpu.memref_slice %dma_start3A_35[%dma_start3A_36, %dma_start3A_37] : memref<10000x128xf32, #tpu.memory_space<hbm>> -> memref<10000x128xf32, #tpu.memory_space<hbm>>
      tpu.enqueue_indirect_dma source(%dma_start3A_38 : memref<10000x128xf32, #tpu.memory_space<hbm>>) target(%dma_start3A_28 : memref<100x128xf32, #tpu.memory_space<vmem>>) offsets(%dma_start3A_31 : memref<100xi32, #tpu.memory_space<vmem>>) semaphore(%arg13 : memref<!tpu.dma_semaphore, #tpu.memory_space<semaphore_mem>>)
      %scan3A_39 = arith.constant 0 : i32
      %scan3A_40 = arith.constant 0 : i32
      %scan3A_41 = arith.constant 50 : i32
      %scan3A_42 = arith.addi %scan3A_40, %scan3A_41 : i32
      %scan3A_43 = arith.constant 1 : i32
      %scan3A_44 = scf.for %scan3A_74 = %scan3A_40 to %scan3A_42 step %scan3A_43 iter_args(%scan3A_75 = %scan3A_39) -> (i32)  : i32 {
        %rem3A_76 = arith.constant 3 : i32
        %rem3A_77 = arith.remsi %scan3A_74, %rem3A_76 : i32
        %ge3A = arith.constant 2 : i32
        %ge3A_78 = arith.cmpi sge, %scan3A_74, %ge3A : i32
        %convert_element_type3A = arith.extui %ge3A_78 : i1 to i32
        %cond3A = arith.constant 0 : i32
        %cond3A_79 = arith.cmpi ne, %convert_element_type3A, %cond3A : i32
        scf.if %cond3A_79 {
          %sub3A = arith.constant 2 : i32
          %sub3A_122 = arith.subi %scan3A_74, %sub3A : i32
          %rem3A_123 = arith.constant 3 : i32
          %rem3A_124 = arith.remsi %sub3A_122, %rem3A_123 : i32
          %dma_wait3A_125 = arith.constant 0 : i32
          %dma_wait3A_126 = arith.constant 0 : i32
          %dma_wait3A_127 = tpu.memref_slice %arg10[%rem3A_124, %dma_wait3A_125, %dma_wait3A_126] : memref<3x100x128xf32, #tpu.memory_space<vmem>> -> memref<1x100x128xf32, #tpu.memory_space<vmem>>
          %dma_wait3A_128 = tpu.memref_squeeze %dma_wait3A_127 : memref<1x100x128xf32, #tpu.memory_space<vmem>> -> memref<100x128xf32, #tpu.memory_space<vmem>>
          %dma_wait3A_129 = arith.constant 0 : i32
          %dma_wait3A_130 = tpu.memref_slice %arg8[%sub3A_122, %dma_wait3A_129] : memref<50x100xi32, #tpu.memory_space<vmem>> -> memref<1x100xi32, #tpu.memory_space<vmem>>
          %dma_wait3A_131 = tpu.memref_squeeze %dma_wait3A_130 : memref<1x100xi32, #tpu.memory_space<vmem>> -> memref<100xi32, #tpu.memory_space<vmem>>
          %dma_wait3A_132 = arith.constant 0 : i32
          %dma_wait3A_133 = arith.constant 0 : i32
          %dma_wait3A_134 = tpu.memref_slice %arg12[%dma_wait3A_132, %dma_wait3A_133] : memref<64x128xf32, #tpu.memory_space<vmem_shared>> -> memref<64x128xf32, #tpu.memory_space<vmem_shared>>
          tpu.wait_indirect_dma semaphore(%arg14 : memref<!tpu.dma_semaphore, #tpu.memory_space<semaphore_mem>>) src(%dma_wait3A_128 : memref<100x128xf32, #tpu.memory_space<vmem>>) dst(%dma_wait3A_134 : memref<64x128xf32, #tpu.memory_space<vmem_shared>>)
        } else {
        }
        %add3A_80 = arith.constant 1 : i32
        %add3A_81 = arith.addi %scan3A_74, %add3A_80 : i32
        %lt3A = arith.constant 50 : i32
        %lt3A_82 = arith.cmpi slt, %add3A_81, %lt3A : i32
        %convert_element_type3A_83 = arith.extui %lt3A_82 : i1 to i32
        %cond3A_84 = arith.constant 0 : i32
        %cond3A_85 = arith.cmpi ne, %convert_element_type3A_83, %cond3A_84 : i32
        scf.if %cond3A_85 {
          %add3A_122 = arith.constant 1 : i32
          %add3A_123 = arith.addi %scan3A_74, %add3A_122 : i32
          %rem3A_124 = arith.constant 3 : i32
          %rem3A_125 = arith.remsi %add3A_123, %rem3A_124 : i32
          %dma_start3A_126 = arith.constant 0 : i32
          %dma_start3A_127 = arith.constant 0 : i32
          %dma_start3A_128 = tpu.memref_slice %arg10[%rem3A_125, %dma_start3A_126, %dma_start3A_127] : memref<3x100x128xf32, #tpu.memory_space<vmem>> -> memref<1x100x128xf32, #tpu.memory_space<vmem>>
          %dma_start3A_129 = tpu.memref_squeeze %dma_start3A_128 : memref<1x100x128xf32, #tpu.memory_space<vmem>> -> memref<100x128xf32, #tpu.memory_space<vmem>>
          %dma_start3A_130 = arith.constant 0 : i32
          %dma_start3A_131 = tpu.memref_slice %arg7[%add3A_123, %dma_start3A_130] : memref<50x100xi32, #tpu.memory_space<vmem>> -> memref<1x100xi32, #tpu.memory_space<vmem>>
          %dma_start3A_132 = tpu.memref_squeeze %dma_start3A_131 : memref<1x100xi32, #tpu.memory_space<vmem>> -> memref<100xi32, #tpu.memory_space<vmem>>
          %dma_start3A_133 = arith.constant 0 : i32
          %dma_start3A_134 = arith.constant 0 : i32
          %dma_start3A_135 = tpu.memref_slice %arg2[%scan3A_8, %dma_start3A_133, %dma_start3A_134] : memref<1x10000x128xf32, #tpu.memory_space<hbm>> -> memref<1x10000x128xf32, #tpu.memory_space<hbm>>
          %dma_start3A_136 = tpu.memref_squeeze %dma_start3A_135 : memref<1x10000x128xf32, #tpu.memory_space<hbm>> -> memref<10000x128xf32, #tpu.memory_space<hbm>>
          %dma_start3A_137 = arith.constant 0 : i32
          %dma_start3A_138 = arith.constant 0 : i32
          %dma_start3A_139 = tpu.memref_slice %dma_start3A_136[%dma_start3A_137, %dma_start3A_138] : memref<10000x128xf32, #tpu.memory_space<hbm>> -> memref<10000x128xf32, #tpu.memory_space<hbm>>
          tpu.enqueue_indirect_dma source(%dma_start3A_139 : memref<10000x128xf32, #tpu.memory_space<hbm>>) target(%dma_start3A_129 : memref<100x128xf32, #tpu.memory_space<vmem>>) offsets(%dma_start3A_132 : memref<100xi32, #tpu.memory_space<vmem>>) semaphore(%arg13 : memref<!tpu.dma_semaphore, #tpu.memory_space<semaphore_mem>>)
        } else {
        }
        %rem3A_86 = arith.constant 3 : i32
        %rem3A_87 = arith.remsi %scan3A_74, %rem3A_86 : i32
        %dma_wait3A_88 = arith.constant 0 : i32
        %dma_wait3A_89 = arith.constant 0 : i32
        %dma_wait3A_90 = tpu.memref_slice %arg10[%rem3A_87, %dma_wait3A_88, %dma_wait3A_89] : memref<3x100x128xf32, #tpu.memory_space<vmem>> -> memref<1x100x128xf32, #tpu.memory_space<vmem>>
        %dma_wait3A_91 = tpu.memref_squeeze %dma_wait3A_90 : memref<1x100x128xf32, #tpu.memory_space<vmem>> -> memref<100x128xf32, #tpu.memory_space<vmem>>
        %dma_wait3A_92 = arith.constant 0 : i32
        %dma_wait3A_93 = tpu.memref_slice %arg7[%scan3A_74, %dma_wait3A_92] : memref<50x100xi32, #tpu.memory_space<vmem>> -> memref<1x100xi32, #tpu.memory_space<vmem>>
        %dma_wait3A_94 = tpu.memref_squeeze %dma_wait3A_93 : memref<1x100xi32, #tpu.memory_space<vmem>> -> memref<100xi32, #tpu.memory_space<vmem>>
        %dma_wait3A_95 = arith.constant 0 : i32
        %dma_wait3A_96 = arith.constant 0 : i32
        %dma_wait3A_97 = tpu.memref_slice %arg2[%scan3A_8, %dma_wait3A_95, %dma_wait3A_96] : memref<1x10000x128xf32, #tpu.memory_space<hbm>> -> memref<1x10000x128xf32, #tpu.memory_space<hbm>>
        %dma_wait3A_98 = tpu.memref_squeeze %dma_wait3A_97 : memref<1x10000x128xf32, #tpu.memory_space<hbm>> -> memref<10000x128xf32, #tpu.memory_space<hbm>>
        %dma_wait3A_99 = arith.constant 0 : i32
        %dma_wait3A_100 = arith.constant 0 : i32
        %dma_wait3A_101 = tpu.memref_slice %dma_wait3A_98[%dma_wait3A_99, %dma_wait3A_100] : memref<10000x128xf32, #tpu.memory_space<hbm>> -> memref<10000x128xf32, #tpu.memory_space<hbm>>
        tpu.wait_indirect_dma semaphore(%arg13 : memref<!tpu.dma_semaphore, #tpu.memory_space<semaphore_mem>>) src(%dma_wait3A_101 : memref<10000x128xf32, #tpu.memory_space<hbm>>) dst(%dma_wait3A_91 : memref<100x128xf32, #tpu.memory_space<vmem>>)
        %broadcast_in_dim3A = vector.broadcast %scan3A_74 : i32 to vector<16xi32>
        %scan3A_102 = arith.constant 0 : i32
        %scan3A_103 = arith.constant 0 : i32
        %scan3A_104 = arith.constant 25 : i32
        %scan3A_105 = arith.addi %scan3A_103, %scan3A_104 : i32
        %scan3A_106 = arith.constant 1 : i32
        %scan3A_107 = scf.for %scan3A_122 = %scan3A_103 to %scan3A_105 step %scan3A_106 iter_args(%scan3A_123 = %scan3A_102) -> (i32)  : i32 {
          %mul3A_124 = arith.constant 4 : i32
          %mul3A_125 = arith.muli %scan3A_122, %mul3A_124 : i32
          %add3A_126 = arith.constant 0 : i32
          %add3A_127 = arith.addi %mul3A_125, %add3A_126 : i32
          %broadcast_in_dim3A_128 = vector.broadcast %add3A_127 : i32 to vector<16xi32>
          %gather3A = tpu.vector_load_idx %arg9[%broadcast_in_dim3A, %broadcast_in_dim3A_128] : memref<50x100xf32, #tpu.memory_space<vmem>>[vector<16xi32>, vector<16xi32>], vector<16xf32>,
          %get3A = arith.index_cast %rem3A_77 : i32 to index
          %get3A_129 = arith.index_cast %add3A_127 : i32 to index
          %get3A_130 = arith.constant 0 : index
          %get3A_131 = tpu.vector_load %arg10[%get3A, %get3A_129, %get3A_130] {strides = array<i32>} : memref<3x100x128xf32, #tpu.memory_space<vmem>>, vector<16xf32>,
          %mul3A_132 = arith.mulf %get3A_131, %gather3A : vector<16xf32>
          %swap3A = arith.index_cast %rem3A_77 : i32 to index
          %swap3A_133 = arith.index_cast %add3A_127 : i32 to index
          %swap3A_134 = arith.constant 0 : index
          %swap3A_135 = tpu.vector_load %arg10[%swap3A, %swap3A_133, %swap3A_134] {strides = array<i32>} : memref<3x100x128xf32, #tpu.memory_space<vmem>>, vector<16xf32>,
          tpu.vector_store %arg10[%swap3A, %swap3A_133, %swap3A_134], %mul3A_132 {strides = array<i32>} : memref<3x100x128xf32, #tpu.memory_space<vmem>>, vector<16xf32>,
          %get3A_136 = arith.index_cast %rem3A_77 : i32 to index
          %get3A_137 = arith.index_cast %add3A_127 : i32 to index
          %get3A_138 = arith.constant 16 : index
          %get3A_139 = tpu.vector_load %arg10[%get3A_136, %get3A_137, %get3A_138] {strides = array<i32>} : memref<3x100x128xf32, #tpu.memory_space<vmem>>, vector<16xf32>,
          %mul3A_140 = arith.mulf %get3A_139, %gather3A : vector<16xf32>
          %swap3A_141 = arith.index_cast %rem3A_77 : i32 to index
          %swap3A_142 = arith.index_cast %add3A_127 : i32 to index
          %swap3A_143 = arith.constant 16 : index
          %swap3A_144 = tpu.vector_load %arg10[%swap3A_141, %swap3A_142, %swap3A_143] {strides = array<i32>} : memref<3x100x128xf32, #tpu.memory_space<vmem>>, vector<16xf32>,
          tpu.vector_store %arg10[%swap3A_141, %swap3A_142, %swap3A_143], %mul3A_140 {strides = array<i32>} : memref<3x100x128xf32, #tpu.memory_space<vmem>>, vector<16xf32>,
          %get3A_145 = arith.index_cast %rem3A_77 : i32 to index
          %get3A_146 = arith.index_cast %add3A_127 : i32 to index
          %get3A_147 = arith.constant 32 : index
          %get3A_148 = tpu.vector_load %arg10[%get3A_145, %get3A_146, %get3A_147] {strides = array<i32>} : memref<3x100x128xf32, #tpu.memory_space<vmem>>, vector<16xf32>,
          %mul3A_149 = arith.mulf %get3A_148, %gather3A : vector<16xf32>
          %swap3A_150 = arith.index_cast %rem3A_77 : i32 to index
          %swap3A_151 = arith.index_cast %add3A_127 : i32 to index
          %swap3A_152 = arith.constant 32 : index
          %swap3A_153 = tpu.vector_load %arg10[%swap3A_150, %swap3A_151, %swap3A_152] {strides = array<i32>} : memref<3x100x128xf32, #tpu.memory_space<vmem>>, vector<16xf32>,
          tpu.vector_store %arg10[%swap3A_150, %swap3A_151, %swap3A_152], %mul3A_149 {strides = array<i32>} : memref<3x100x128xf32, #tpu.memory_space<vmem>>, vector<16xf32>,
          %get3A_154 = arith.index_cast %rem3A_77 : i32 to index
          %get3A_155 = arith.index_cast %add3A_127 : i32 to index
          %get3A_156 = arith.constant 48 : index
          %get3A_157 = tpu.vector_load %arg10[%get3A_154, %get3A_155, %get3A_156] {strides = array<i32>} : memref<3x100x128xf32, #tpu.memory_space<vmem>>, vector<16xf32>,
          %mul3A_158 = arith.mulf %get3A_157, %gather3A : vector<16xf32>
          %swap3A_159 = arith.index_cast %rem3A_77 : i32 to index
          %swap3A_160 = arith.index_cast %add3A_127 : i32 to index
          %swap3A_161 = arith.constant 48 : index
          %swap3A_162 = tpu.vector_load %arg10[%swap3A_159, %swap3A_160, %swap3A_161] {strides = array<i32>} : memref<3x100x128xf32, #tpu.memory_space<vmem>>, vector<16xf32>,
          tpu.vector_store %arg10[%swap3A_159, %swap3A_160, %swap3A_161], %mul3A_158 {strides = array<i32>} : memref<3x100x128xf32, #tpu.memory_space<vmem>>, vector<16xf32>,
          %get3A_163 = arith.index_cast %rem3A_77 : i32 to index
          %get3A_164 = arith.index_cast %add3A_127 : i32 to index
          %get3A_165 = arith.constant 64 : index
          %get3A_166 = tpu.vector_load %arg10[%get3A_163, %get3A_164, %get3A_165] {strides = array<i32>} : memref<3x100x128xf32, #tpu.memory_space<vmem>>, vector<16xf32>,
          %mul3A_167 = arith.mulf %get3A_166, %gather3A : vector<16xf32>
          %swap3A_168 = arith.index_cast %rem3A_77 : i32 to index
          %swap3A_169 = arith.index_cast %add3A_127 : i32 to index
          %swap3A_170 = arith.constant 64 : index
          %swap3A_171 = tpu.vector_load %arg10[%swap3A_168, %swap3A_169, %swap3A_170] {strides = array<i32>} : memref<3x100x128xf32, #tpu.memory_space<vmem>>, vector<16xf32>,
          tpu.vector_store %arg10[%swap3A_168, %swap3A_169, %swap3A_170], %mul3A_167 {strides = array<i32>} : memref<3x100x128xf32, #tpu.memory_space<vmem>>, vector<16xf32>,
          %get3A_172 = arith.index_cast %rem3A_77 : i32 to index
          %get3A_173 = arith.index_cast %add3A_127 : i32 to index
          %get3A_174 = arith.constant 80 : index
          %get3A_175 = tpu.vector_load %arg10[%get3A_172, %get3A_173, %get3A_174] {strides = array<i32>} : memref<3x100x128xf32, #tpu.memory_space<vmem>>, vector<16xf32>,
          %mul3A_176 = arith.mulf %get3A_175, %gather3A : vector<16xf32>
          %swap3A_177 = arith.index_cast %rem3A_77 : i32 to index
          %swap3A_178 = arith.index_cast %add3A_127 : i32 to index
          %swap3A_179 = arith.constant 80 : index
          %swap3A_180 = tpu.vector_load %arg10[%swap3A_177, %swap3A_178, %swap3A_179] {strides = array<i32>} : memref<3x100x128xf32, #tpu.memory_space<vmem>>, vector<16xf32>,
          tpu.vector_store %arg10[%swap3A_177, %swap3A_178, %swap3A_179], %mul3A_176 {strides = array<i32>} : memref<3x100x128xf32, #tpu.memory_space<vmem>>, vector<16xf32>,
          %get3A_181 = arith.index_cast %rem3A_77 : i32 to index
          %get3A_182 = arith.index_cast %add3A_127 : i32 to index
          %get3A_183 = arith.constant 96 : index
          %get3A_184 = tpu.vector_load %arg10[%get3A_181, %get3A_182, %get3A_183] {strides = array<i32>} : memref<3x100x128xf32, #tpu.memory_space<vmem>>, vector<16xf32>,
          %mul3A_185 = arith.mulf %get3A_184, %gather3A : vector<16xf32>
          %swap3A_186 = arith.index_cast %rem3A_77 : i32 to index
          %swap3A_187 = arith.index_cast %add3A_127 : i32 to index
          %swap3A_188 = arith.constant 96 : index
          %swap3A_189 = tpu.vector_load %arg10[%swap3A_186, %swap3A_187, %swap3A_188] {strides = array<i32>} : memref<3x100x128xf32, #tpu.memory_space<vmem>>, vector<16xf32>,
          tpu.vector_store %arg10[%swap3A_186, %swap3A_187, %swap3A_188], %mul3A_185 {strides = array<i32>} : memref<3x100x128xf32, #tpu.memory_space<vmem>>, vector<16xf32>,
          %get3A_190 = arith.index_cast %rem3A_77 : i32 to index
          %get3A_191 = arith.index_cast %add3A_127 : i32 to index
          %get3A_192 = arith.constant 112 : index
          %get3A_193 = tpu.vector_load %arg10[%get3A_190, %get3A_191, %get3A_192] {strides = array<i32>} : memref<3x100x128xf32, #tpu.memory_space<vmem>>, vector<16xf32>,
          %mul3A_194 = arith.mulf %get3A_193, %gather3A : vector<16xf32>
          %swap3A_195 = arith.index_cast %rem3A_77 : i32 to index
          %swap3A_196 = arith.index_cast %add3A_127 : i32 to index
          %swap3A_197 = arith.constant 112 : index
          %swap3A_198 = tpu.vector_load %arg10[%swap3A_195, %swap3A_196, %swap3A_197] {strides = array<i32>} : memref<3x100x128xf32, #tpu.memory_space<vmem>>, vector<16xf32>,
          tpu.vector_store %arg10[%swap3A_195, %swap3A_196, %swap3A_197], %mul3A_194 {strides = array<i32>} : memref<3x100x128xf32, #tpu.memory_space<vmem>>, vector<16xf32>,
          %mul3A_199 = arith.constant 4 : i32
          %mul3A_200 = arith.muli %scan3A_122, %mul3A_199 : i32
          %add3A_201 = arith.constant 1 : i32
          %add3A_202 = arith.addi %mul3A_200, %add3A_201 : i32
          %broadcast_in_dim3A_203 = vector.broadcast %add3A_202 : i32 to vector<16xi32>
          %gather3A_204 = tpu.vector_load_idx %arg9[%broadcast_in_dim3A, %broadcast_in_dim3A_203] : memref<50x100xf32, #tpu.memory_space<vmem>>[vector<16xi32>, vector<16xi32>], vector<16xf32>,
          %get3A_205 = arith.index_cast %rem3A_77 : i32 to index
          %get3A_206 = arith.index_cast %add3A_202 : i32 to index
          %get3A_207 = arith.constant 0 : index
          %get3A_208 = tpu.vector_load %arg10[%get3A_205, %get3A_206, %get3A_207] {strides = array<i32>} : memref<3x100x128xf32, #tpu.memory_space<vmem>>, vector<16xf32>,
          %mul3A_209 = arith.mulf %get3A_208, %gather3A_204 : vector<16xf32>
          %swap3A_210 = arith.index_cast %rem3A_77 : i32 to index
          %swap3A_211 = arith.index_cast %add3A_202 : i32 to index
          %swap3A_212 = arith.constant 0 : index
          %swap3A_213 = tpu.vector_load %arg10[%swap3A_210, %swap3A_211, %swap3A_212] {strides = array<i32>} : memref<3x100x128xf32, #tpu.memory_space<vmem>>, vector<16xf32>,
          tpu.vector_store %arg10[%swap3A_210, %swap3A_211, %swap3A_212], %mul3A_209 {strides = array<i32>} : memref<3x100x128xf32, #tpu.memory_space<vmem>>, vector<16xf32>,
          %get3A_214 = arith.index_cast %rem3A_77 : i32 to index
          %get3A_215 = arith.index_cast %add3A_202 : i32 to index
          %get3A_216 = arith.constant 16 : index
          %get3A_217 = tpu.vector_load %arg10[%get3A_214, %get3A_215, %get3A_216] {strides = array<i32>} : memref<3x100x128xf32, #tpu.memory_space<vmem>>, vector<16xf32>,
          %mul3A_218 = arith.mulf %get3A_217, %gather3A_204 : vector<16xf32>
          %swap3A_219 = arith.index_cast %rem3A_77 : i32 to index
          %swap3A_220 = arith.index_cast %add3A_202 : i32 to index
          %swap3A_221 = arith.constant 16 : index
          %swap3A_222 = tpu.vector_load %arg10[%swap3A_219, %swap3A_220, %swap3A_221] {strides = array<i32>} : memref<3x100x128xf32, #tpu.memory_space<vmem>>, vector<16xf32>,
          tpu.vector_store %arg10[%swap3A_219, %swap3A_220, %swap3A_221], %mul3A_218 {strides = array<i32>} : memref<3x100x128xf32, #tpu.memory_space<vmem>>, vector<16xf32>,
          %get3A_223 = arith.index_cast %rem3A_77 : i32 to index
          %get3A_224 = arith.index_cast %add3A_202 : i32 to index
          %get3A_225 = arith.constant 32 : index
          %get3A_226 = tpu.vector_load %arg10[%get3A_223, %get3A_224, %get3A_225] {strides = array<i32>} : memref<3x100x128xf32, #tpu.memory_space<vmem>>, vector<16xf32>,
          %mul3A_227 = arith.mulf %get3A_226, %gather3A_204 : vector<16xf32>
          %swap3A_228 = arith.index_cast %rem3A_77 : i32 to index
          %swap3A_229 = arith.index_cast %add3A_202 : i32 to index
          %swap3A_230 = arith.constant 32 : index
          %swap3A_231 = tpu.vector_load %arg10[%swap3A_228, %swap3A_229, %swap3A_230] {strides = array<i32>} : memref<3x100x128xf32, #tpu.memory_space<vmem>>, vector<16xf32>,
          tpu.vector_store %arg10[%swap3A_228, %swap3A_229, %swap3A_230], %mul3A_227 {strides = array<i32>} : memref<3x100x128xf32, #tpu.memory_space<vmem>>, vector<16xf32>,
          %get3A_232 = arith.index_cast %rem3A_77 : i32 to index
          %get3A_233 = arith.index_cast %add3A_202 : i32 to index
          %get3A_234 = arith.constant 48 : index
          %get3A_235 = tpu.vector_load %arg10[%get3A_232, %get3A_233, %get3A_234] {strides = array<i32>} : memref<3x100x128xf32, #tpu.memory_space<vmem>>, vector<16xf32>,
          %mul3A_236 = arith.mulf %get3A_235, %gather3A_204 : vector<16xf32>
          %swap3A_237 = arith.index_cast %rem3A_77 : i32 to index
          %swap3A_238 = arith.index_cast %add3A_202 : i32 to index
          %swap3A_239 = arith.constant 48 : index
          %swap3A_240 = tpu.vector_load %arg10[%swap3A_237, %swap3A_238, %swap3A_239] {strides = array<i32>} : memref<3x100x128xf32, #tpu.memory_space<vmem>>, vector<16xf32>,
          tpu.vector_store %arg10[%swap3A_237, %swap3A_238, %swap3A_239], %mul3A_236 {strides = array<i32>} : memref<3x100x128xf32, #tpu.memory_space<vmem>>, vector<16xf32>,
          %get3A_241 = arith.index_cast %rem3A_77 : i32 to index
          %get3A_242 = arith.index_cast %add3A_202 : i32 to index
          %get3A_243 = arith.constant 64 : index
          %get3A_244 = tpu.vector_load %arg10[%get3A_241, %get3A_242, %get3A_243] {strides = array<i32>} : memref<3x100x128xf32, #tpu.memory_space<vmem>>, vector<16xf32>,
          %mul3A_245 = arith.mulf %get3A_244, %gather3A_204 : vector<16xf32>
          %swap3A_246 = arith.index_cast %rem3A_77 : i32 to index
          %swap3A_247 = arith.index_cast %add3A_202 : i32 to index
          %swap3A_248 = arith.constant 64 : index
          %swap3A_249 = tpu.vector_load %arg10[%swap3A_246, %swap3A_247, %swap3A_248] {strides = array<i32>} : memref<3x100x128xf32, #tpu.memory_space<vmem>>, vector<16xf32>,
          tpu.vector_store %arg10[%swap3A_246, %swap3A_247, %swap3A_248], %mul3A_245 {strides = array<i32>} : memref<3x100x128xf32, #tpu.memory_space<vmem>>, vector<16xf32>,
          %get3A_250 = arith.index_cast %rem3A_77 : i32 to index
          %get3A_251 = arith.index_cast %add3A_202 : i32 to index
          %get3A_252 = arith.constant 80 : index
          %get3A_253 = tpu.vector_load %arg10[%get3A_250, %get3A_251, %get3A_252] {strides = array<i32>} : memref<3x100x128xf32, #tpu.memory_space<vmem>>, vector<16xf32>,
          %mul3A_254 = arith.mulf %get3A_253, %gather3A_204 : vector<16xf32>
          %swap3A_255 = arith.index_cast %rem3A_77 : i32 to index
          %swap3A_256 = arith.index_cast %add3A_202 : i32 to index
          %swap3A_257 = arith.constant 80 : index
          %swap3A_258 = tpu.vector_load %arg10[%swap3A_255, %swap3A_256, %swap3A_257] {strides = array<i32>} : memref<3x100x128xf32, #tpu.memory_space<vmem>>, vector<16xf32>,
          tpu.vector_store %arg10[%swap3A_255, %swap3A_256, %swap3A_257], %mul3A_254 {strides = array<i32>} : memref<3x100x128xf32, #tpu.memory_space<vmem>>, vector<16xf32>,
          %get3A_259 = arith.index_cast %rem3A_77 : i32 to index
          %get3A_260 = arith.index_cast %add3A_202 : i32 to index
          %get3A_261 = arith.constant 96 : index
          %get3A_262 = tpu.vector_load %arg10[%get3A_259, %get3A_260, %get3A_261] {strides = array<i32>} : memref<3x100x128xf32, #tpu.memory_space<vmem>>, vector<16xf32>,
          %mul3A_263 = arith.mulf %get3A_262, %gather3A_204 : vector<16xf32>
          %swap3A_264 = arith.index_cast %rem3A_77 : i32 to index
          %swap3A_265 = arith.index_cast %add3A_202 : i32 to index
          %swap3A_266 = arith.constant 96 : index
          %swap3A_267 = tpu.vector_load %arg10[%swap3A_264, %swap3A_265, %swap3A_266] {strides = array<i32>} : memref<3x100x128xf32, #tpu.memory_space<vmem>>, vector<16xf32>,
          tpu.vector_store %arg10[%swap3A_264, %swap3A_265, %swap3A_266], %mul3A_263 {strides = array<i32>} : memref<3x100x128xf32, #tpu.memory_space<vmem>>, vector<16xf32>,
          %get3A_268 = arith.index_cast %rem3A_77 : i32 to index
          %get3A_269 = arith.index_cast %add3A_202 : i32 to index
          %get3A_270 = arith.constant 112 : index
          %get3A_271 = tpu.vector_load %arg10[%get3A_268, %get3A_269, %get3A_270] {strides = array<i32>} : memref<3x100x128xf32, #tpu.memory_space<vmem>>, vector<16xf32>,
          %mul3A_272 = arith.mulf %get3A_271, %gather3A_204 : vector<16xf32>
          %swap3A_273 = arith.index_cast %rem3A_77 : i32 to index
          %swap3A_274 = arith.index_cast %add3A_202 : i32 to index
          %swap3A_275 = arith.constant 112 : index
          %swap3A_276 = tpu.vector_load %arg10[%swap3A_273, %swap3A_274, %swap3A_275] {strides = array<i32>} : memref<3x100x128xf32, #tpu.memory_space<vmem>>, vector<16xf32>,
          tpu.vector_store %arg10[%swap3A_273, %swap3A_274, %swap3A_275], %mul3A_272 {strides = array<i32>} : memref<3x100x128xf32, #tpu.memory_space<vmem>>, vector<16xf32>,
          %mul3A_277 = arith.constant 4 : i32
          %mul3A_278 = arith.muli %scan3A_122, %mul3A_277 : i32
          %add3A_279 = arith.constant 2 : i32
          %add3A_280 = arith.addi %mul3A_278, %add3A_279 : i32
          %broadcast_in_dim3A_281 = vector.broadcast %add3A_280 : i32 to vector<16xi32>
          %gather3A_282 = tpu.vector_load_idx %arg9[%broadcast_in_dim3A, %broadcast_in_dim3A_281] : memref<50x100xf32, #tpu.memory_space<vmem>>[vector<16xi32>, vector<16xi32>], vector<16xf32>,
          %get3A_283 = arith.index_cast %rem3A_77 : i32 to index
          %get3A_284 = arith.index_cast %add3A_280 : i32 to index
          %get3A_285 = arith.constant 0 : index
          %get3A_286 = tpu.vector_load %arg10[%get3A_283, %get3A_284, %get3A_285] {strides = array<i32>} : memref<3x100x128xf32, #tpu.memory_space<vmem>>, vector<16xf32>,
          %mul3A_287 = arith.mulf %get3A_286, %gather3A_282 : vector<16xf32>
          %swap3A_288 = arith.index_cast %rem3A_77 : i32 to index
          %swap3A_289 = arith.index_cast %add3A_280 : i32 to index
          %swap3A_290 = arith.constant 0 : index
          %swap3A_291 = tpu.vector_load %arg10[%swap3A_288, %swap3A_289, %swap3A_290] {strides = array<i32>} : memref<3x100x128xf32, #tpu.memory_space<vmem>>, vector<16xf32>,
          tpu.vector_store %arg10[%swap3A_288, %swap3A_289, %swap3A_290], %mul3A_287 {strides = array<i32>} : memref<3x100x128xf32, #tpu.memory_space<vmem>>, vector<16xf32>,
          %get3A_292 = arith.index_cast %rem3A_77 : i32 to index
          %get3A_293 = arith.index_cast %add3A_280 : i32 to index
          %get3A_294 = arith.constant 16 : index
          %get3A_295 = tpu.vector_load %arg10[%get3A_292, %get3A_293, %get3A_294] {strides = array<i32>} : memref<3x100x128xf32, #tpu.memory_space<vmem>>, vector<16xf32>,
          %mul3A_296 = arith.mulf %get3A_295, %gather3A_282 : vector<16xf32>
          %swap3A_297 = arith.index_cast %rem3A_77 : i32 to index
          %swap3A_298 = arith.index_cast %add3A_280 : i32 to index
          %swap3A_299 = arith.constant 16 : index
          %swap3A_300 = tpu.vector_load %arg10[%swap3A_297, %swap3A_298, %swap3A_299] {strides = array<i32>} : memref<3x100x128xf32, #tpu.memory_space<vmem>>, vector<16xf32>,
          tpu.vector_store %arg10[%swap3A_297, %swap3A_298, %swap3A_299], %mul3A_296 {strides = array<i32>} : memref<3x100x128xf32, #tpu.memory_space<vmem>>, vector<16xf32>,
          %get3A_301 = arith.index_cast %rem3A_77 : i32 to index
          %get3A_302 = arith.index_cast %add3A_280 : i32 to index
          %get3A_303 = arith.constant 32 : index
          %get3A_304 = tpu.vector_load %arg10[%get3A_301, %get3A_302, %get3A_303] {strides = array<i32>} : memref<3x100x128xf32, #tpu.memory_space<vmem>>, vector<16xf32>,
          %mul3A_305 = arith.mulf %get3A_304, %gather3A_282 : vector<16xf32>
          %swap3A_306 = arith.index_cast %rem3A_77 : i32 to index
          %swap3A_307 = arith.index_cast %add3A_280 : i32 to index
          %swap3A_308 = arith.constant 32 : index
          %swap3A_309 = tpu.vector_load %arg10[%swap3A_306, %swap3A_307, %swap3A_308] {strides = array<i32>} : memref<3x100x128xf32, #tpu.memory_space<vmem>>, vector<16xf32>,
          tpu.vector_store %arg10[%swap3A_306, %swap3A_307, %swap3A_308], %mul3A_305 {strides = array<i32>} : memref<3x100x128xf32, #tpu.memory_space<vmem>>, vector<16xf32>,
          %get3A_310 = arith.index_cast %rem3A_77 : i32 to index
          %get3A_311 = arith.index_cast %add3A_280 : i32 to index
          %get3A_312 = arith.constant 48 : index
          %get3A_313 = tpu.vector_load %arg10[%get3A_310, %get3A_311, %get3A_312] {strides = array<i32>} : memref<3x100x128xf32, #tpu.memory_space<vmem>>, vector<16xf32>,
          %mul3A_314 = arith.mulf %get3A_313, %gather3A_282 : vector<16xf32>
          %swap3A_315 = arith.index_cast %rem3A_77 : i32 to index
          %swap3A_316 = arith.index_cast %add3A_280 : i32 to index
          %swap3A_317 = arith.constant 48 : index
          %swap3A_318 = tpu.vector_load %arg10[%swap3A_315, %swap3A_316, %swap3A_317] {strides = array<i32>} : memref<3x100x128xf32, #tpu.memory_space<vmem>>, vector<16xf32>,
          tpu.vector_store %arg10[%swap3A_315, %swap3A_316, %swap3A_317], %mul3A_314 {strides = array<i32>} : memref<3x100x128xf32, #tpu.memory_space<vmem>>, vector<16xf32>,
          %get3A_319 = arith.index_cast %rem3A_77 : i32 to index
          %get3A_320 = arith.index_cast %add3A_280 : i32 to index
          %get3A_321 = arith.constant 64 : index
          %get3A_322 = tpu.vector_load %arg10[%get3A_319, %get3A_320, %get3A_321] {strides = array<i32>} : memref<3x100x128xf32, #tpu.memory_space<vmem>>, vector<16xf32>,
          %mul3A_323 = arith.mulf %get3A_322, %gather3A_282 : vector<16xf32>
          %swap3A_324 = arith.index_cast %rem3A_77 : i32 to index
          %swap3A_325 = arith.index_cast %add3A_280 : i32 to index
          %swap3A_326 = arith.constant 64 : index
          %swap3A_327 = tpu.vector_load %arg10[%swap3A_324, %swap3A_325, %swap3A_326] {strides = array<i32>} : memref<3x100x128xf32, #tpu.memory_space<vmem>>, vector<16xf32>,
          tpu.vector_store %arg10[%swap3A_324, %swap3A_325, %swap3A_326], %mul3A_323 {strides = array<i32>} : memref<3x100x128xf32, #tpu.memory_space<vmem>>, vector<16xf32>,
          %get3A_328 = arith.index_cast %rem3A_77 : i32 to index
          %get3A_329 = arith.index_cast %add3A_280 : i32 to index
          %get3A_330 = arith.constant 80 : index
          %get3A_331 = tpu.vector_load %arg10[%get3A_328, %get3A_329, %get3A_330] {strides = array<i32>} : memref<3x100x128xf32, #tpu.memory_space<vmem>>, vector<16xf32>,
          %mul3A_332 = arith.mulf %get3A_331, %gather3A_282 : vector<16xf32>
          %swap3A_333 = arith.index_cast %rem3A_77 : i32 to index
          %swap3A_334 = arith.index_cast %add3A_280 : i32 to index
          %swap3A_335 = arith.constant 80 : index
          %swap3A_336 = tpu.vector_load %arg10[%swap3A_333, %swap3A_334, %swap3A_335] {strides = array<i32>} : memref<3x100x128xf32, #tpu.memory_space<vmem>>, vector<16xf32>,
          tpu.vector_store %arg10[%swap3A_333, %swap3A_334, %swap3A_335], %mul3A_332 {strides = array<i32>} : memref<3x100x128xf32, #tpu.memory_space<vmem>>, vector<16xf32>,
          %get3A_337 = arith.index_cast %rem3A_77 : i32 to index
          %get3A_338 = arith.index_cast %add3A_280 : i32 to index
          %get3A_339 = arith.constant 96 : index
          %get3A_340 = tpu.vector_load %arg10[%get3A_337, %get3A_338, %get3A_339] {strides = array<i32>} : memref<3x100x128xf32, #tpu.memory_space<vmem>>, vector<16xf32>,
          %mul3A_341 = arith.mulf %get3A_340, %gather3A_282 : vector<16xf32>
          %swap3A_342 = arith.index_cast %rem3A_77 : i32 to index
          %swap3A_343 = arith.index_cast %add3A_280 : i32 to index
          %swap3A_344 = arith.constant 96 : index
          %swap3A_345 = tpu.vector_load %arg10[%swap3A_342, %swap3A_343, %swap3A_344] {strides = array<i32>} : memref<3x100x128xf32, #tpu.memory_space<vmem>>, vector<16xf32>,
          tpu.vector_store %arg10[%swap3A_342, %swap3A_343, %swap3A_344], %mul3A_341 {strides = array<i32>} : memref<3x100x128xf32, #tpu.memory_space<vmem>>, vector<16xf32>,
          %get3A_346 = arith.index_cast %rem3A_77 : i32 to index
          %get3A_347 = arith.index_cast %add3A_280 : i32 to index
          %get3A_348 = arith.constant 112 : index
          %get3A_349 = tpu.vector_load %arg10[%get3A_346, %get3A_347, %get3A_348] {strides = array<i32>} : memref<3x100x128xf32, #tpu.memory_space<vmem>>, vector<16xf32>,
          %mul3A_350 = arith.mulf %get3A_349, %gather3A_282 : vector<16xf32>
          %swap3A_351 = arith.index_cast %rem3A_77 : i32 to index
          %swap3A_352 = arith.index_cast %add3A_280 : i32 to index
          %swap3A_353 = arith.constant 112 : index
          %swap3A_354 = tpu.vector_load %arg10[%swap3A_351, %swap3A_352, %swap3A_353] {strides = array<i32>} : memref<3x100x128xf32, #tpu.memory_space<vmem>>, vector<16xf32>,
          tpu.vector_store %arg10[%swap3A_351, %swap3A_352, %swap3A_353], %mul3A_350 {strides = array<i32>} : memref<3x100x128xf32, #tpu.memory_space<vmem>>, vector<16xf32>,
          %mul3A_355 = arith.constant 4 : i32
          %mul3A_356 = arith.muli %scan3A_122, %mul3A_355 : i32
          %add3A_357 = arith.constant 3 : i32
          %add3A_358 = arith.addi %mul3A_356, %add3A_357 : i32
          %broadcast_in_dim3A_359 = vector.broadcast %add3A_358 : i32 to vector<16xi32>
          %gather3A_360 = tpu.vector_load_idx %arg9[%broadcast_in_dim3A, %broadcast_in_dim3A_359] : memref<50x100xf32, #tpu.memory_space<vmem>>[vector<16xi32>, vector<16xi32>], vector<16xf32>,
          %get3A_361 = arith.index_cast %rem3A_77 : i32 to index
          %get3A_362 = arith.index_cast %add3A_358 : i32 to index
          %get3A_363 = arith.constant 0 : index
          %get3A_364 = tpu.vector_load %arg10[%get3A_361, %get3A_362, %get3A_363] {strides = array<i32>} : memref<3x100x128xf32, #tpu.memory_space<vmem>>, vector<16xf32>,
          %mul3A_365 = arith.mulf %get3A_364, %gather3A_360 : vector<16xf32>
          %swap3A_366 = arith.index_cast %rem3A_77 : i32 to index
          %swap3A_367 = arith.index_cast %add3A_358 : i32 to index
          %swap3A_368 = arith.constant 0 : index
          %swap3A_369 = tpu.vector_load %arg10[%swap3A_366, %swap3A_367, %swap3A_368] {strides = array<i32>} : memref<3x100x128xf32, #tpu.memory_space<vmem>>, vector<16xf32>,
          tpu.vector_store %arg10[%swap3A_366, %swap3A_367, %swap3A_368], %mul3A_365 {strides = array<i32>} : memref<3x100x128xf32, #tpu.memory_space<vmem>>, vector<16xf32>,
          %get3A_370 = arith.index_cast %rem3A_77 : i32 to index
          %get3A_371 = arith.index_cast %add3A_358 : i32 to index
          %get3A_372 = arith.constant 16 : index
          %get3A_373 = tpu.vector_load %arg10[%get3A_370, %get3A_371, %get3A_372] {strides = array<i32>} : memref<3x100x128xf32, #tpu.memory_space<vmem>>, vector<16xf32>,
          %mul3A_374 = arith.mulf %get3A_373, %gather3A_360 : vector<16xf32>
          %swap3A_375 = arith.index_cast %rem3A_77 : i32 to index
          %swap3A_376 = arith.index_cast %add3A_358 : i32 to index
          %swap3A_377 = arith.constant 16 : index
          %swap3A_378 = tpu.vector_load %arg10[%swap3A_375, %swap3A_376, %swap3A_377] {strides = array<i32>} : memref<3x100x128xf32, #tpu.memory_space<vmem>>, vector<16xf32>,
          tpu.vector_store %arg10[%swap3A_375, %swap3A_376, %swap3A_377], %mul3A_374 {strides = array<i32>} : memref<3x100x128xf32, #tpu.memory_space<vmem>>, vector<16xf32>,
          %get3A_379 = arith.index_cast %rem3A_77 : i32 to index
          %get3A_380 = arith.index_cast %add3A_358 : i32 to index
          %get3A_381 = arith.constant 32 : index
          %get3A_382 = tpu.vector_load %arg10[%get3A_379, %get3A_380, %get3A_381] {strides = array<i32>} : memref<3x100x128xf32, #tpu.memory_space<vmem>>, vector<16xf32>,
          %mul3A_383 = arith.mulf %get3A_382, %gather3A_360 : vector<16xf32>
          %swap3A_384 = arith.index_cast %rem3A_77 : i32 to index
          %swap3A_385 = arith.index_cast %add3A_358 : i32 to index
          %swap3A_386 = arith.constant 32 : index
          %swap3A_387 = tpu.vector_load %arg10[%swap3A_384, %swap3A_385, %swap3A_386] {strides = array<i32>} : memref<3x100x128xf32, #tpu.memory_space<vmem>>, vector<16xf32>,
          tpu.vector_store %arg10[%swap3A_384, %swap3A_385, %swap3A_386], %mul3A_383 {strides = array<i32>} : memref<3x100x128xf32, #tpu.memory_space<vmem>>, vector<16xf32>,
          %get3A_388 = arith.index_cast %rem3A_77 : i32 to index
          %get3A_389 = arith.index_cast %add3A_358 : i32 to index
          %get3A_390 = arith.constant 48 : index
          %get3A_391 = tpu.vector_load %arg10[%get3A_388, %get3A_389, %get3A_390] {strides = array<i32>} : memref<3x100x128xf32, #tpu.memory_space<vmem>>, vector<16xf32>,
          %mul3A_392 = arith.mulf %get3A_391, %gather3A_360 : vector<16xf32>
          %swap3A_393 = arith.index_cast %rem3A_77 : i32 to index
          %swap3A_394 = arith.index_cast %add3A_358 : i32 to index
          %swap3A_395 = arith.constant 48 : index
          %swap3A_396 = tpu.vector_load %arg10[%swap3A_393, %swap3A_394, %swap3A_395] {strides = array<i32>} : memref<3x100x128xf32, #tpu.memory_space<vmem>>, vector<16xf32>,
          tpu.vector_store %arg10[%swap3A_393, %swap3A_394, %swap3A_395], %mul3A_392 {strides = array<i32>} : memref<3x100x128xf32, #tpu.memory_space<vmem>>, vector<16xf32>,
          %get3A_397 = arith.index_cast %rem3A_77 : i32 to index
          %get3A_398 = arith.index_cast %add3A_358 : i32 to index
          %get3A_399 = arith.constant 64 : index
          %get3A_400 = tpu.vector_load %arg10[%get3A_397, %get3A_398, %get3A_399] {strides = array<i32>} : memref<3x100x128xf32, #tpu.memory_space<vmem>>, vector<16xf32>,
          %mul3A_401 = arith.mulf %get3A_400, %gather3A_360 : vector<16xf32>
          %swap3A_402 = arith.index_cast %rem3A_77 : i32 to index
          %swap3A_403 = arith.index_cast %add3A_358 : i32 to index
          %swap3A_404 = arith.constant 64 : index
          %swap3A_405 = tpu.vector_load %arg10[%swap3A_402, %swap3A_403, %swap3A_404] {strides = array<i32>} : memref<3x100x128xf32, #tpu.memory_space<vmem>>, vector<16xf32>,
          tpu.vector_store %arg10[%swap3A_402, %swap3A_403, %swap3A_404], %mul3A_401 {strides = array<i32>} : memref<3x100x128xf32, #tpu.memory_space<vmem>>, vector<16xf32>,
          %get3A_406 = arith.index_cast %rem3A_77 : i32 to index
          %get3A_407 = arith.index_cast %add3A_358 : i32 to index
          %get3A_408 = arith.constant 80 : index
          %get3A_409 = tpu.vector_load %arg10[%get3A_406, %get3A_407, %get3A_408] {strides = array<i32>} : memref<3x100x128xf32, #tpu.memory_space<vmem>>, vector<16xf32>,
          %mul3A_410 = arith.mulf %get3A_409, %gather3A_360 : vector<16xf32>
          %swap3A_411 = arith.index_cast %rem3A_77 : i32 to index
          %swap3A_412 = arith.index_cast %add3A_358 : i32 to index
          %swap3A_413 = arith.constant 80 : index
          %swap3A_414 = tpu.vector_load %arg10[%swap3A_411, %swap3A_412, %swap3A_413] {strides = array<i32>} : memref<3x100x128xf32, #tpu.memory_space<vmem>>, vector<16xf32>,
          tpu.vector_store %arg10[%swap3A_411, %swap3A_412, %swap3A_413], %mul3A_410 {strides = array<i32>} : memref<3x100x128xf32, #tpu.memory_space<vmem>>, vector<16xf32>,
          %get3A_415 = arith.index_cast %rem3A_77 : i32 to index
          %get3A_416 = arith.index_cast %add3A_358 : i32 to index
          %get3A_417 = arith.constant 96 : index
          %get3A_418 = tpu.vector_load %arg10[%get3A_415, %get3A_416, %get3A_417] {strides = array<i32>} : memref<3x100x128xf32, #tpu.memory_space<vmem>>, vector<16xf32>,
          %mul3A_419 = arith.mulf %get3A_418, %gather3A_360 : vector<16xf32>
          %swap3A_420 = arith.index_cast %rem3A_77 : i32 to index
          %swap3A_421 = arith.index_cast %add3A_358 : i32 to index
          %swap3A_422 = arith.constant 96 : index
          %swap3A_423 = tpu.vector_load %arg10[%swap3A_420, %swap3A_421, %swap3A_422] {strides = array<i32>} : memref<3x100x128xf32, #tpu.memory_space<vmem>>, vector<16xf32>,
          tpu.vector_store %arg10[%swap3A_420, %swap3A_421, %swap3A_422], %mul3A_419 {strides = array<i32>} : memref<3x100x128xf32, #tpu.memory_space<vmem>>, vector<16xf32>,
          %get3A_424 = arith.index_cast %rem3A_77 : i32 to index
          %get3A_425 = arith.index_cast %add3A_358 : i32 to index
          %get3A_426 = arith.constant 112 : index
          %get3A_427 = tpu.vector_load %arg10[%get3A_424, %get3A_425, %get3A_426] {strides = array<i32>} : memref<3x100x128xf32, #tpu.memory_space<vmem>>, vector<16xf32>,
          %mul3A_428 = arith.mulf %get3A_427, %gather3A_360 : vector<16xf32>
          %swap3A_429 = arith.index_cast %rem3A_77 : i32 to index
          %swap3A_430 = arith.index_cast %add3A_358 : i32 to index
          %swap3A_431 = arith.constant 112 : index
          %swap3A_432 = tpu.vector_load %arg10[%swap3A_429, %swap3A_430, %swap3A_431] {strides = array<i32>} : memref<3x100x128xf32, #tpu.memory_space<vmem>>, vector<16xf32>,
          tpu.vector_store %arg10[%swap3A_429, %swap3A_430, %swap3A_431], %mul3A_428 {strides = array<i32>} : memref<3x100x128xf32, #tpu.memory_space<vmem>>, vector<16xf32>,
          %scan3A_433 = arith.constant 0 : i32
          scf.yield %scan3A_433 : i32
        }
        %scan3A_108 = arith.constant 25 : i32
        %rem3A_109 = arith.constant 3 : i32
        %rem3A_110 = arith.remsi %scan3A_74, %rem3A_109 : i32
        %dma_start3A_111 = arith.constant 0 : i32
        %dma_start3A_112 = arith.constant 0 : i32
        %dma_start3A_113 = tpu.memref_slice %arg10[%rem3A_110, %dma_start3A_111, %dma_start3A_112] : memref<3x100x128xf32, #tpu.memory_space<vmem>> -> memref<1x100x128xf32, #tpu.memory_space<vmem>>
        %dma_start3A_114 = tpu.memref_squeeze %dma_start3A_113 : memref<1x100x128xf32, #tpu.memory_space<vmem>> -> memref<100x128xf32, #tpu.memory_space<vmem>>
        %dma_start3A_115 = arith.constant 0 : i32
        %dma_start3A_116 = tpu.memref_slice %arg8[%scan3A_74, %dma_start3A_115] : memref<50x100xi32, #tpu.memory_space<vmem>> -> memref<1x100xi32, #tpu.memory_space<vmem>>
        %dma_start3A_117 = tpu.memref_squeeze %dma_start3A_116 : memref<1x100xi32, #tpu.memory_space<vmem>> -> memref<100xi32, #tpu.memory_space<vmem>>
        %dma_start3A_118 = arith.constant 0 : i32
        %dma_start3A_119 = arith.constant 0 : i32
        %dma_start3A_120 = tpu.memref_slice %arg12[%dma_start3A_118, %dma_start3A_119] : memref<64x128xf32, #tpu.memory_space<vmem_shared>> -> memref<64x128xf32, #tpu.memory_space<vmem_shared>>
        tpu.enqueue_indirect_dma source(%dma_start3A_114 : memref<100x128xf32, #tpu.memory_space<vmem>>) target(%dma_start3A_120 : memref<64x128xf32, #tpu.memory_space<vmem_shared>>) offsets(%dma_start3A_117 : memref<100xi32, #tpu.memory_space<vmem>>) semaphore(%arg14 : memref<!tpu.dma_semaphore, #tpu.memory_space<semaphore_mem>>) {add = true}
        %scan3A_121 = arith.constant 0 : i32
        scf.yield %scan3A_121 : i32
      }
      %scan3A_45 = arith.constant 50 : i32
      %rem3A_46 = arith.constant 48 : i32
      %rem3A_47 = arith.constant 3 : i32
      %rem3A_48 = arith.remsi %rem3A_46, %rem3A_47 : i32
      %dma_wait3A = arith.constant 48 : i32
      %dma_wait3A_49 = arith.constant 0 : i32
      %dma_wait3A_50 = arith.constant 0 : i32
      %dma_wait3A_51 = tpu.memref_slice %arg10[%rem3A_48, %dma_wait3A_49, %dma_wait3A_50] : memref<3x100x128xf32, #tpu.memory_space<vmem>> -> memref<1x100x128xf32, #tpu.memory_space<vmem>>
      %dma_wait3A_52 = tpu.memref_squeeze %dma_wait3A_51 : memref<1x100x128xf32, #tpu.memory_space<vmem>> -> memref<100x128xf32, #tpu.memory_space<vmem>>
      %dma_wait3A_53 = arith.constant 0 : i32
      %dma_wait3A_54 = tpu.memref_slice %arg8[%dma_wait3A, %dma_wait3A_53] : memref<50x100xi32, #tpu.memory_space<vmem>> -> memref<1x100xi32, #tpu.memory_space<vmem>>
      %dma_wait3A_55 = tpu.memref_squeeze %dma_wait3A_54 : memref<1x100xi32, #tpu.memory_space<vmem>> -> memref<100xi32, #tpu.memory_space<vmem>>
      %dma_wait3A_56 = arith.constant 0 : i32
      %dma_wait3A_57 = arith.constant 0 : i32
      %dma_wait3A_58 = tpu.memref_slice %arg12[%dma_wait3A_56, %dma_wait3A_57] : memref<64x128xf32, #tpu.memory_space<vmem_shared>> -> memref<64x128xf32, #tpu.memory_space<vmem_shared>>
      tpu.wait_indirect_dma semaphore(%arg14 : memref<!tpu.dma_semaphore, #tpu.memory_space<semaphore_mem>>) src(%dma_wait3A_52 : memref<100x128xf32, #tpu.memory_space<vmem>>) dst(%dma_wait3A_58 : memref<64x128xf32, #tpu.memory_space<vmem_shared>>)
      %rem3A_59 = arith.constant 49 : i32
      %rem3A_60 = arith.constant 3 : i32
      %rem3A_61 = arith.remsi %rem3A_59, %rem3A_60 : i32
      %dma_wait3A_62 = arith.constant 49 : i32
      %dma_wait3A_63 = arith.constant 0 : i32
      %dma_wait3A_64 = arith.constant 0 : i32
      %dma_wait3A_65 = tpu.memref_slice %arg10[%rem3A_61, %dma_wait3A_63, %dma_wait3A_64] : memref<3x100x128xf32, #tpu.memory_space<vmem>> -> memref<1x100x128xf32, #tpu.memory_space<vmem>>
      %dma_wait3A_66 = tpu.memref_squeeze %dma_wait3A_65 : memref<1x100x128xf32, #tpu.memory_space<vmem>> -> memref<100x128xf32, #tpu.memory_space<vmem>>
      %dma_wait3A_67 = arith.constant 0 : i32
      %dma_wait3A_68 = tpu.memref_slice %arg8[%dma_wait3A_62, %dma_wait3A_67] : memref<50x100xi32, #tpu.memory_space<vmem>> -> memref<1x100xi32, #tpu.memory_space<vmem>>
      %dma_wait3A_69 = tpu.memref_squeeze %dma_wait3A_68 : memref<1x100xi32, #tpu.memory_space<vmem>> -> memref<100xi32, #tpu.memory_space<vmem>>
      %dma_wait3A_70 = arith.constant 0 : i32
      %dma_wait3A_71 = arith.constant 0 : i32
      %dma_wait3A_72 = tpu.memref_slice %arg12[%dma_wait3A_70, %dma_wait3A_71] : memref<64x128xf32, #tpu.memory_space<vmem_shared>> -> memref<64x128xf32, #tpu.memory_space<vmem_shared>>
      tpu.wait_indirect_dma semaphore(%arg14 : memref<!tpu.dma_semaphore, #tpu.memory_space<semaphore_mem>>) src(%dma_wait3A_66 : memref<100x128xf32, #tpu.memory_space<vmem>>) dst(%dma_wait3A_72 : memref<64x128xf32, #tpu.memory_space<vmem_shared>>)
      %scan3A_73 = arith.constant 0 : i32
      scf.yield %scan3A_73 : i32
    }
    %scan3A_15 = arith.constant 2 : i32
    %barrier3A_16 = arith.constant 0 : index
    tpu.barrier barrier_id(%barrier3A_16)
    %mul3A_17 = arith.constant 4 : i32
    %mul3A_18 = arith.muli %arg1, %mul3A_17 : i32
    %mul3A_19 = arith.constant 4 : i32
    %mul3A_20 = arith.muli %arg1, %mul3A_19 : i32
    "tpu.region"() ({
      %run_scoped3A = tpu.sem_alloc : memref<!tpu.dma_semaphore, #tpu.memory_space<semaphore_mem>>
      %dma_start3A = arith.constant 0 : i32
      %dma_start3A_21 = tpu.memref_slice %arg6[%arg0, %mul3A_20, %dma_start3A] : memref<2x64x128xf32, #tpu.memory_space<hbm>> -> memref<1x4x128xf32, #tpu.memory_space<hbm>>
      %dma_start3A_22 = tpu.memref_squeeze %dma_start3A_21 : memref<1x4x128xf32, #tpu.memory_space<hbm>> -> memref<4x128xf32, #tpu.memory_space<hbm>>
      %dma_start3A_23 = arith.constant 0 : i32
      %dma_start3A_24 = tpu.memref_slice %arg12[%mul3A_18, %dma_start3A_23] : memref<64x128xf32, #tpu.memory_space<vmem_shared>> -> memref<4x128xf32, #tpu.memory_space<vmem_shared>>
      tpu.enqueue_dma source(%dma_start3A_24 : memref<4x128xf32, #tpu.memory_space<vmem_shared>>) target(%dma_start3A_22 : memref<4x128xf32, #tpu.memory_space<hbm>>) target_semaphore(%run_scoped3A : memref<!tpu.dma_semaphore, #tpu.memory_space<semaphore_mem>>)
      %dma_wait3A = arith.constant 0 : i32
      %dma_wait3A_25 = tpu.memref_slice %arg6[%arg0, %mul3A_20, %dma_wait3A] : memref<2x64x128xf32, #tpu.memory_space<hbm>> -> memref<1x4x128xf32, #tpu.memory_space<hbm>>
      %dma_wait3A_26 = tpu.memref_squeeze %dma_wait3A_25 : memref<1x4x128xf32, #tpu.memory_space<hbm>> -> memref<4x128xf32, #tpu.memory_space<hbm>>
      %dma_wait3A_27 = arith.constant 0 : i32
      %dma_wait3A_28 = tpu.memref_slice %arg12[%mul3A_18, %dma_wait3A_27] : memref<64x128xf32, #tpu.memory_space<vmem_shared>> -> memref<4x128xf32, #tpu.memory_space<vmem_shared>>
      tpu.wait_dma2 semaphore(%run_scoped3A : memref<!tpu.dma_semaphore, #tpu.memory_space<semaphore_mem>>) src(%dma_wait3A_28 : memref<4x128xf32, #tpu.memory_space<vmem_shared>>) dst(%dma_wait3A_26 : memref<4x128xf32, #tpu.memory_space<hbm>>)
      tpu.yield
    }) : () -> ()
    return
  }
}

#map = affine_map<(d0, d1) -> (0, 0, 0)>
#map1 = affine_map<(d0, d1) -> (0, 0, 0, 0)>
module attributes {stable_mosaic.version = 14 : i64} {
  func.func @k(%arg0: i32, %arg1: i32, %arg2: memref<2x10000x96xf32, #tpu.memory_space<hbm>>, %arg3: memref<16x4x50x100xi32, #tpu.memory_space<hbm>>, %arg4: memref<16x4x50x100xi32, #tpu.memory_space<hbm>>, %arg5: memref<16x4x50x100xf32, #tpu.memory_space<hbm>>, %arg6: memref<2x10000x96xf32, #tpu.memory_space<hbm>>, %arg7: memref<50x100xi32, #tpu.memory_space<vmem>>, %arg8: memref<50x100xi32, #tpu.memory_space<vmem>>, %arg9: memref<50x100xf32, #tpu.memory_space<vmem>>, %arg10: memref<3x100x96xf32, #tpu.memory_space<vmem>>, %arg11: memref<25x96xf32, #tpu.memory_space<vmem>>, %arg12: memref<10000x96xf32, #tpu.memory_space<vmem_shared>>, %arg13: memref<!tpu.dma_semaphore, #tpu.memory_space<semaphore_mem>>, %arg14: memref<!tpu.dma_semaphore, #tpu.memory_space<semaphore_mem>>) attributes {dimension_semantics = [#tpu.dimension_semantics<core_parallel>, #tpu.dimension_semantics<subcore_parallel>], iteration_bounds = array<i64: 2, 16>, scalar_prefetch = 0 : i64, scratch_operands = 8 : i64, tpu.core_type = #tpu.core_type<sc_vector_subcore>, window_params = [{transform_indices = #map}, {transform_indices = #map1}, {transform_indices = #map1}, {transform_indices = #map1}, {transform_indices = #map}]} {
    %scan3A = arith.constant 0 : i32
    %scan3A_0 = arith.constant 0 : i32
    %scan3A_1 = arith.constant 150 : i32
    %scan3A_2 = arith.addi %scan3A_0, %scan3A_1 : i32
    %scan3A_3 = arith.constant 1 : i32
    %scan3A_4 = scf.for %scan3A_116 = %scan3A_0 to %scan3A_2 step %scan3A_3 iter_args(%scan3A_117 = %scan3A) -> (i32)  : i32 {
      %jit3A = arith.constant 6 : i32
      %div3A = arith.divsi %scan3A_116, %jit3A : i32
      %sign3A = arith.constant 0 : i32
      %sign3A_118 = arith.cmpi sgt, %scan3A_116, %sign3A : i32
      %sign3A_119 = arith.extui %sign3A_118 : i1 to i32
      %sign3A_120 = arith.constant 0 : i32
      %sign3A_121 = arith.cmpi slt, %scan3A_116, %sign3A_120 : i32
      %sign3A_122 = arith.extui %sign3A_121 : i1 to i32
      %sign3A_123 = arith.subi %sign3A_119, %sign3A_122 : i32
      %sign3A_124 = arith.constant 0 : i32
      %sign3A_125 = arith.cmpi sgt, %jit3A, %sign3A_124 : i32
      %sign3A_126 = arith.extui %sign3A_125 : i1 to i32
      %sign3A_127 = arith.constant 0 : i32
      %sign3A_128 = arith.cmpi slt, %jit3A, %sign3A_127 : i32
      %sign3A_129 = arith.extui %sign3A_128 : i1 to i32
      %sign3A_130 = arith.subi %sign3A_126, %sign3A_129 : i32
      %ne3A = arith.cmpi ne, %sign3A_123, %sign3A_130 : i32
      %rem3A = arith.remsi %scan3A_116, %jit3A : i32
      %ne3A_131 = arith.constant 0 : i32
      %ne3A_132 = arith.cmpi ne, %rem3A, %ne3A_131 : i32
      %and3A = arith.andi %ne3A, %ne3A_132 : i1
      %sub3A = arith.constant 1 : i32
      %sub3A_133 = arith.subi %div3A, %sub3A : i32
      %select_n3A = arith.select %and3A, %sub3A_133, %div3A : i32
      %jit3A_134 = arith.constant 6 : i32
      %eq3A = arith.constant 0 : i32
      %eq3A_135 = arith.cmpi eq, %jit3A_134, %eq3A : i32
      %jit3A_136 = arith.constant 1 : i32
      %select_n3A_137 = arith.select %eq3A_135, %jit3A_136, %jit3A_134 : i32
      %rem3A_138 = arith.remsi %scan3A_116, %select_n3A_137 : i32
      %ne3A_139 = arith.constant 0 : i32
      %ne3A_140 = arith.cmpi ne, %rem3A_138, %ne3A_139 : i32
      %lt3A = arith.constant 0 : i32
      %lt3A_141 = arith.cmpi slt, %rem3A_138, %lt3A : i32
      %lt3A_142 = arith.constant 0 : i32
      %lt3A_143 = arith.cmpi slt, %select_n3A_137, %lt3A_142 : i32
      %ne3A_144 = arith.xori %lt3A_141, %lt3A_143 : i1
      %and3A_145 = arith.andi %ne3A_144, %ne3A_140 : i1
      %add3A_146 = arith.addi %rem3A_138, %select_n3A_137 : i32
      %select_n3A_147 = arith.select %and3A_145, %add3A_146, %rem3A_138 : i32
      %broadcast_in_dim3A = arith.constant 0.000000e+00 : f32
      %broadcast_in_dim3A_148 = vector.broadcast %broadcast_in_dim3A : f32 to vector<16xf32>
      %mul3A_149 = arith.constant 16 : i32
      %mul3A_150 = arith.muli %select_n3A_147, %mul3A_149 : i32
      %swap3A = arith.index_cast %select_n3A : i32 to index
      %swap3A_151 = arith.index_cast %mul3A_150 : i32 to index
      %swap3A_152 = tpu.vector_load %arg11[%swap3A, %swap3A_151] {strides = array<i32>} : memref<25x96xf32, #tpu.memory_space<vmem>>, vector<16xf32>,
      tpu.vector_store %arg11[%swap3A, %swap3A_151], %broadcast_in_dim3A_148 {strides = array<i32>} : memref<25x96xf32, #tpu.memory_space<vmem>>, vector<16xf32>,
      %scan3A_153 = arith.constant 0 : i32
      scf.yield %scan3A_153 : i32
    }
    %scan3A_5 = arith.constant 150 : i32
    %mul3A = arith.constant 625 : i32
    %mul3A_6 = arith.muli %arg1, %mul3A : i32
    %add3A = arith.constant 0 : i32
    %add3A_7 = arith.addi %mul3A_6, %add3A : i32
    "tpu.region"() ({
      %run_scoped3A = tpu.sem_alloc : memref<!tpu.dma_semaphore, #tpu.memory_space<semaphore_mem>>
      %dma_start3A = arith.constant 0 : i32
      %dma_start3A_116 = tpu.memref_slice %arg12[%add3A_7, %dma_start3A] : memref<10000x96xf32, #tpu.memory_space<vmem_shared>> -> memref<25x96xf32, #tpu.memory_space<vmem_shared>>
      %dma_start3A_117 = arith.constant 0 : i32
      %dma_start3A_118 = tpu.memref_slice %arg12[%add3A_7, %dma_start3A_117] : memref<10000x96xf32, #tpu.memory_space<vmem_shared>> -> memref<25x96xf32, #tpu.memory_space<vmem_shared>>
      tpu.enqueue_dma source(%arg11 : memref<25x96xf32, #tpu.memory_space<vmem>>) target(%dma_start3A_118 : memref<25x96xf32, #tpu.memory_space<vmem_shared>>) target_semaphore(%run_scoped3A : memref<!tpu.dma_semaphore, #tpu.memory_space<semaphore_mem>>)
      %dma_wait3A = arith.constant 0 : i32
      %dma_wait3A_119 = tpu.memref_slice %arg12[%add3A_7, %dma_wait3A] : memref<10000x96xf32, #tpu.memory_space<vmem_shared>> -> memref<25x96xf32, #tpu.memory_space<vmem_shared>>
      %dma_wait3A_120 = arith.constant 0 : i32
      %dma_wait3A_121 = tpu.memref_slice %arg12[%add3A_7, %dma_wait3A_120] : memref<10000x96xf32, #tpu.memory_space<vmem_shared>> -> memref<25x96xf32, #tpu.memory_space<vmem_shared>>
      tpu.wait_dma2 semaphore(%run_scoped3A : memref<!tpu.dma_semaphore, #tpu.memory_space<semaphore_mem>>) src(%arg11 : memref<25x96xf32, #tpu.memory_space<vmem>>) dst(%dma_wait3A_121 : memref<25x96xf32, #tpu.memory_space<vmem_shared>>)
      tpu.yield
    }) : () -> ()
    %mul3A_8 = arith.constant 625 : i32
    %mul3A_9 = arith.muli %arg1, %mul3A_8 : i32
    %add3A_10 = arith.constant 25 : i32
    %add3A_11 = arith.addi %mul3A_9, %add3A_10 : i32
    "tpu.region"() ({
      %run_scoped3A = tpu.sem_alloc : memref<!tpu.dma_semaphore, #tpu.memory_space<semaphore_mem>>
      %dma_start3A = arith.constant 0 : i32
      %dma_start3A_116 = tpu.memref_slice %arg12[%add3A_11, %dma_start3A] : memref<10000x96xf32, #tpu.memory_space<vmem_shared>> -> memref<25x96xf32, #tpu.memory_space<vmem_shared>>
      %dma_start3A_117 = arith.constant 0 : i32
      %dma_start3A_118 = tpu.memref_slice %arg12[%add3A_11, %dma_start3A_117] : memref<10000x96xf32, #tpu.memory_space<vmem_shared>> -> memref<25x96xf32, #tpu.memory_space<vmem_shared>>
      tpu.enqueue_dma source(%arg11 : memref<25x96xf32, #tpu.memory_space<vmem>>) target(%dma_start3A_118 : memref<25x96xf32, #tpu.memory_space<vmem_shared>>) target_semaphore(%run_scoped3A : memref<!tpu.dma_semaphore, #tpu.memory_space<semaphore_mem>>)
      %dma_wait3A = arith.constant 0 : i32
      %dma_wait3A_119 = tpu.memref_slice %arg12[%add3A_11, %dma_wait3A] : memref<10000x96xf32, #tpu.memory_space<vmem_shared>> -> memref<25x96xf32, #tpu.memory_space<vmem_shared>>
      %dma_wait3A_120 = arith.constant 0 : i32
      %dma_wait3A_121 = tpu.memref_slice %arg12[%add3A_11, %dma_wait3A_120] : memref<10000x96xf32, #tpu.memory_space<vmem_shared>> -> memref<25x96xf32, #tpu.memory_space<vmem_shared>>
      tpu.wait_dma2 semaphore(%run_scoped3A : memref<!tpu.dma_semaphore, #tpu.memory_space<semaphore_mem>>) src(%arg11 : memref<25x96xf32, #tpu.memory_space<vmem>>) dst(%dma_wait3A_121 : memref<25x96xf32, #tpu.memory_space<vmem_shared>>)
      tpu.yield
    }) : () -> ()
    %mul3A_12 = arith.constant 625 : i32
    %mul3A_13 = arith.muli %arg1, %mul3A_12 : i32
    %add3A_14 = arith.constant 50 : i32
    %add3A_15 = arith.addi %mul3A_13, %add3A_14 : i32
    "tpu.region"() ({
      %run_scoped3A = tpu.sem_alloc : memref<!tpu.dma_semaphore, #tpu.memory_space<semaphore_mem>>
      %dma_start3A = arith.constant 0 : i32
      %dma_start3A_116 = tpu.memref_slice %arg12[%add3A_15, %dma_start3A] : memref<10000x96xf32, #tpu.memory_space<vmem_shared>> -> memref<25x96xf32, #tpu.memory_space<vmem_shared>>
      %dma_start3A_117 = arith.constant 0 : i32
      %dma_start3A_118 = tpu.memref_slice %arg12[%add3A_15, %dma_start3A_117] : memref<10000x96xf32, #tpu.memory_space<vmem_shared>> -> memref<25x96xf32, #tpu.memory_space<vmem_shared>>
      tpu.enqueue_dma source(%arg11 : memref<25x96xf32, #tpu.memory_space<vmem>>) target(%dma_start3A_118 : memref<25x96xf32, #tpu.memory_space<vmem_shared>>) target_semaphore(%run_scoped3A : memref<!tpu.dma_semaphore, #tpu.memory_space<semaphore_mem>>)
      %dma_wait3A = arith.constant 0 : i32
      %dma_wait3A_119 = tpu.memref_slice %arg12[%add3A_15, %dma_wait3A] : memref<10000x96xf32, #tpu.memory_space<vmem_shared>> -> memref<25x96xf32, #tpu.memory_space<vmem_shared>>
      %dma_wait3A_120 = arith.constant 0 : i32
      %dma_wait3A_121 = tpu.memref_slice %arg12[%add3A_15, %dma_wait3A_120] : memref<10000x96xf32, #tpu.memory_space<vmem_shared>> -> memref<25x96xf32, #tpu.memory_space<vmem_shared>>
      tpu.wait_dma2 semaphore(%run_scoped3A : memref<!tpu.dma_semaphore, #tpu.memory_space<semaphore_mem>>) src(%arg11 : memref<25x96xf32, #tpu.memory_space<vmem>>) dst(%dma_wait3A_121 : memref<25x96xf32, #tpu.memory_space<vmem_shared>>)
      tpu.yield
    }) : () -> ()
    %mul3A_16 = arith.constant 625 : i32
    %mul3A_17 = arith.muli %arg1, %mul3A_16 : i32
    %add3A_18 = arith.constant 75 : i32
    %add3A_19 = arith.addi %mul3A_17, %add3A_18 : i32
    "tpu.region"() ({
      %run_scoped3A = tpu.sem_alloc : memref<!tpu.dma_semaphore, #tpu.memory_space<semaphore_mem>>
      %dma_start3A = arith.constant 0 : i32
      %dma_start3A_116 = tpu.memref_slice %arg12[%add3A_19, %dma_start3A] : memref<10000x96xf32, #tpu.memory_space<vmem_shared>> -> memref<25x96xf32, #tpu.memory_space<vmem_shared>>
      %dma_start3A_117 = arith.constant 0 : i32
      %dma_start3A_118 = tpu.memref_slice %arg12[%add3A_19, %dma_start3A_117] : memref<10000x96xf32, #tpu.memory_space<vmem_shared>> -> memref<25x96xf32, #tpu.memory_space<vmem_shared>>
      tpu.enqueue_dma source(%arg11 : memref<25x96xf32, #tpu.memory_space<vmem>>) target(%dma_start3A_118 : memref<25x96xf32, #tpu.memory_space<vmem_shared>>) target_semaphore(%run_scoped3A : memref<!tpu.dma_semaphore, #tpu.memory_space<semaphore_mem>>)
      %dma_wait3A = arith.constant 0 : i32
      %dma_wait3A_119 = tpu.memref_slice %arg12[%add3A_19, %dma_wait3A] : memref<10000x96xf32, #tpu.memory_space<vmem_shared>> -> memref<25x96xf32, #tpu.memory_space<vmem_shared>>
      %dma_wait3A_120 = arith.constant 0 : i32
      %dma_wait3A_121 = tpu.memref_slice %arg12[%add3A_19, %dma_wait3A_120] : memref<10000x96xf32, #tpu.memory_space<vmem_shared>> -> memref<25x96xf32, #tpu.memory_space<vmem_shared>>
      tpu.wait_dma2 semaphore(%run_scoped3A : memref<!tpu.dma_semaphore, #tpu.memory_space<semaphore_mem>>) src(%arg11 : memref<25x96xf32, #tpu.memory_space<vmem>>) dst(%dma_wait3A_121 : memref<25x96xf32, #tpu.memory_space<vmem_shared>>)
      tpu.yield
    }) : () -> ()
    %mul3A_20 = arith.constant 625 : i32
    %mul3A_21 = arith.muli %arg1, %mul3A_20 : i32
    %add3A_22 = arith.constant 100 : i32
    %add3A_23 = arith.addi %mul3A_21, %add3A_22 : i32
    "tpu.region"() ({
      %run_scoped3A = tpu.sem_alloc : memref<!tpu.dma_semaphore, #tpu.memory_space<semaphore_mem>>
      %dma_start3A = arith.constant 0 : i32
      %dma_start3A_116 = tpu.memref_slice %arg12[%add3A_23, %dma_start3A] : memref<10000x96xf32, #tpu.memory_space<vmem_shared>> -> memref<25x96xf32, #tpu.memory_space<vmem_shared>>
      %dma_start3A_117 = arith.constant 0 : i32
      %dma_start3A_118 = tpu.memref_slice %arg12[%add3A_23, %dma_start3A_117] : memref<10000x96xf32, #tpu.memory_space<vmem_shared>> -> memref<25x96xf32, #tpu.memory_space<vmem_shared>>
      tpu.enqueue_dma source(%arg11 : memref<25x96xf32, #tpu.memory_space<vmem>>) target(%dma_start3A_118 : memref<25x96xf32, #tpu.memory_space<vmem_shared>>) target_semaphore(%run_scoped3A : memref<!tpu.dma_semaphore, #tpu.memory_space<semaphore_mem>>)
      %dma_wait3A = arith.constant 0 : i32
      %dma_wait3A_119 = tpu.memref_slice %arg12[%add3A_23, %dma_wait3A] : memref<10000x96xf32, #tpu.memory_space<vmem_shared>> -> memref<25x96xf32, #tpu.memory_space<vmem_shared>>
      %dma_wait3A_120 = arith.constant 0 : i32
      %dma_wait3A_121 = tpu.memref_slice %arg12[%add3A_23, %dma_wait3A_120] : memref<10000x96xf32, #tpu.memory_space<vmem_shared>> -> memref<25x96xf32, #tpu.memory_space<vmem_shared>>
      tpu.wait_dma2 semaphore(%run_scoped3A : memref<!tpu.dma_semaphore, #tpu.memory_space<semaphore_mem>>) src(%arg11 : memref<25x96xf32, #tpu.memory_space<vmem>>) dst(%dma_wait3A_121 : memref<25x96xf32, #tpu.memory_space<vmem_shared>>)
      tpu.yield
    }) : () -> ()
    %mul3A_24 = arith.constant 625 : i32
    %mul3A_25 = arith.muli %arg1, %mul3A_24 : i32
    %add3A_26 = arith.constant 125 : i32
    %add3A_27 = arith.addi %mul3A_25, %add3A_26 : i32
    "tpu.region"() ({
      %run_scoped3A = tpu.sem_alloc : memref<!tpu.dma_semaphore, #tpu.memory_space<semaphore_mem>>
      %dma_start3A = arith.constant 0 : i32
      %dma_start3A_116 = tpu.memref_slice %arg12[%add3A_27, %dma_start3A] : memref<10000x96xf32, #tpu.memory_space<vmem_shared>> -> memref<25x96xf32, #tpu.memory_space<vmem_shared>>
      %dma_start3A_117 = arith.constant 0 : i32
      %dma_start3A_118 = tpu.memref_slice %arg12[%add3A_27, %dma_start3A_117] : memref<10000x96xf32, #tpu.memory_space<vmem_shared>> -> memref<25x96xf32, #tpu.memory_space<vmem_shared>>
      tpu.enqueue_dma source(%arg11 : memref<25x96xf32, #tpu.memory_space<vmem>>) target(%dma_start3A_118 : memref<25x96xf32, #tpu.memory_space<vmem_shared>>) target_semaphore(%run_scoped3A : memref<!tpu.dma_semaphore, #tpu.memory_space<semaphore_mem>>)
      %dma_wait3A = arith.constant 0 : i32
      %dma_wait3A_119 = tpu.memref_slice %arg12[%add3A_27, %dma_wait3A] : memref<10000x96xf32, #tpu.memory_space<vmem_shared>> -> memref<25x96xf32, #tpu.memory_space<vmem_shared>>
      %dma_wait3A_120 = arith.constant 0 : i32
      %dma_wait3A_121 = tpu.memref_slice %arg12[%add3A_27, %dma_wait3A_120] : memref<10000x96xf32, #tpu.memory_space<vmem_shared>> -> memref<25x96xf32, #tpu.memory_space<vmem_shared>>
      tpu.wait_dma2 semaphore(%run_scoped3A : memref<!tpu.dma_semaphore, #tpu.memory_space<semaphore_mem>>) src(%arg11 : memref<25x96xf32, #tpu.memory_space<vmem>>) dst(%dma_wait3A_121 : memref<25x96xf32, #tpu.memory_space<vmem_shared>>)
      tpu.yield
    }) : () -> ()
    %mul3A_28 = arith.constant 625 : i32
    %mul3A_29 = arith.muli %arg1, %mul3A_28 : i32
    %add3A_30 = arith.constant 150 : i32
    %add3A_31 = arith.addi %mul3A_29, %add3A_30 : i32
    "tpu.region"() ({
      %run_scoped3A = tpu.sem_alloc : memref<!tpu.dma_semaphore, #tpu.memory_space<semaphore_mem>>
      %dma_start3A = arith.constant 0 : i32
      %dma_start3A_116 = tpu.memref_slice %arg12[%add3A_31, %dma_start3A] : memref<10000x96xf32, #tpu.memory_space<vmem_shared>> -> memref<25x96xf32, #tpu.memory_space<vmem_shared>>
      %dma_start3A_117 = arith.constant 0 : i32
      %dma_start3A_118 = tpu.memref_slice %arg12[%add3A_31, %dma_start3A_117] : memref<10000x96xf32, #tpu.memory_space<vmem_shared>> -> memref<25x96xf32, #tpu.memory_space<vmem_shared>>
      tpu.enqueue_dma source(%arg11 : memref<25x96xf32, #tpu.memory_space<vmem>>) target(%dma_start3A_118 : memref<25x96xf32, #tpu.memory_space<vmem_shared>>) target_semaphore(%run_scoped3A : memref<!tpu.dma_semaphore, #tpu.memory_space<semaphore_mem>>)
      %dma_wait3A = arith.constant 0 : i32
      %dma_wait3A_119 = tpu.memref_slice %arg12[%add3A_31, %dma_wait3A] : memref<10000x96xf32, #tpu.memory_space<vmem_shared>> -> memref<25x96xf32, #tpu.memory_space<vmem_shared>>
      %dma_wait3A_120 = arith.constant 0 : i32
      %dma_wait3A_121 = tpu.memref_slice %arg12[%add3A_31, %dma_wait3A_120] : memref<10000x96xf32, #tpu.memory_space<vmem_shared>> -> memref<25x96xf32, #tpu.memory_space<vmem_shared>>
      tpu.wait_dma2 semaphore(%run_scoped3A : memref<!tpu.dma_semaphore, #tpu.memory_space<semaphore_mem>>) src(%arg11 : memref<25x96xf32, #tpu.memory_space<vmem>>) dst(%dma_wait3A_121 : memref<25x96xf32, #tpu.memory_space<vmem_shared>>)
      tpu.yield
    }) : () -> ()
    %mul3A_32 = arith.constant 625 : i32
    %mul3A_33 = arith.muli %arg1, %mul3A_32 : i32
    %add3A_34 = arith.constant 175 : i32
    %add3A_35 = arith.addi %mul3A_33, %add3A_34 : i32
    "tpu.region"() ({
      %run_scoped3A = tpu.sem_alloc : memref<!tpu.dma_semaphore, #tpu.memory_space<semaphore_mem>>
      %dma_start3A = arith.constant 0 : i32
      %dma_start3A_116 = tpu.memref_slice %arg12[%add3A_35, %dma_start3A] : memref<10000x96xf32, #tpu.memory_space<vmem_shared>> -> memref<25x96xf32, #tpu.memory_space<vmem_shared>>
      %dma_start3A_117 = arith.constant 0 : i32
      %dma_start3A_118 = tpu.memref_slice %arg12[%add3A_35, %dma_start3A_117] : memref<10000x96xf32, #tpu.memory_space<vmem_shared>> -> memref<25x96xf32, #tpu.memory_space<vmem_shared>>
      tpu.enqueue_dma source(%arg11 : memref<25x96xf32, #tpu.memory_space<vmem>>) target(%dma_start3A_118 : memref<25x96xf32, #tpu.memory_space<vmem_shared>>) target_semaphore(%run_scoped3A : memref<!tpu.dma_semaphore, #tpu.memory_space<semaphore_mem>>)
      %dma_wait3A = arith.constant 0 : i32
      %dma_wait3A_119 = tpu.memref_slice %arg12[%add3A_35, %dma_wait3A] : memref<10000x96xf32, #tpu.memory_space<vmem_shared>> -> memref<25x96xf32, #tpu.memory_space<vmem_shared>>
      %dma_wait3A_120 = arith.constant 0 : i32
      %dma_wait3A_121 = tpu.memref_slice %arg12[%add3A_35, %dma_wait3A_120] : memref<10000x96xf32, #tpu.memory_space<vmem_shared>> -> memref<25x96xf32, #tpu.memory_space<vmem_shared>>
      tpu.wait_dma2 semaphore(%run_scoped3A : memref<!tpu.dma_semaphore, #tpu.memory_space<semaphore_mem>>) src(%arg11 : memref<25x96xf32, #tpu.memory_space<vmem>>) dst(%dma_wait3A_121 : memref<25x96xf32, #tpu.memory_space<vmem_shared>>)
      tpu.yield
    }) : () -> ()
    %mul3A_36 = arith.constant 625 : i32
    %mul3A_37 = arith.muli %arg1, %mul3A_36 : i32
    %add3A_38 = arith.constant 200 : i32
    %add3A_39 = arith.addi %mul3A_37, %add3A_38 : i32
    "tpu.region"() ({
      %run_scoped3A = tpu.sem_alloc : memref<!tpu.dma_semaphore, #tpu.memory_space<semaphore_mem>>
      %dma_start3A = arith.constant 0 : i32
      %dma_start3A_116 = tpu.memref_slice %arg12[%add3A_39, %dma_start3A] : memref<10000x96xf32, #tpu.memory_space<vmem_shared>> -> memref<25x96xf32, #tpu.memory_space<vmem_shared>>
      %dma_start3A_117 = arith.constant 0 : i32
      %dma_start3A_118 = tpu.memref_slice %arg12[%add3A_39, %dma_start3A_117] : memref<10000x96xf32, #tpu.memory_space<vmem_shared>> -> memref<25x96xf32, #tpu.memory_space<vmem_shared>>
      tpu.enqueue_dma source(%arg11 : memref<25x96xf32, #tpu.memory_space<vmem>>) target(%dma_start3A_118 : memref<25x96xf32, #tpu.memory_space<vmem_shared>>) target_semaphore(%run_scoped3A : memref<!tpu.dma_semaphore, #tpu.memory_space<semaphore_mem>>)
      %dma_wait3A = arith.constant 0 : i32
      %dma_wait3A_119 = tpu.memref_slice %arg12[%add3A_39, %dma_wait3A] : memref<10000x96xf32, #tpu.memory_space<vmem_shared>> -> memref<25x96xf32, #tpu.memory_space<vmem_shared>>
      %dma_wait3A_120 = arith.constant 0 : i32
      %dma_wait3A_121 = tpu.memref_slice %arg12[%add3A_39, %dma_wait3A_120] : memref<10000x96xf32, #tpu.memory_space<vmem_shared>> -> memref<25x96xf32, #tpu.memory_space<vmem_shared>>
      tpu.wait_dma2 semaphore(%run_scoped3A : memref<!tpu.dma_semaphore, #tpu.memory_space<semaphore_mem>>) src(%arg11 : memref<25x96xf32, #tpu.memory_space<vmem>>) dst(%dma_wait3A_121 : memref<25x96xf32, #tpu.memory_space<vmem_shared>>)
      tpu.yield
    }) : () -> ()
    %mul3A_40 = arith.constant 625 : i32
    %mul3A_41 = arith.muli %arg1, %mul3A_40 : i32
    %add3A_42 = arith.constant 225 : i32
    %add3A_43 = arith.addi %mul3A_41, %add3A_42 : i32
    "tpu.region"() ({
      %run_scoped3A = tpu.sem_alloc : memref<!tpu.dma_semaphore, #tpu.memory_space<semaphore_mem>>
      %dma_start3A = arith.constant 0 : i32
      %dma_start3A_116 = tpu.memref_slice %arg12[%add3A_43, %dma_start3A] : memref<10000x96xf32, #tpu.memory_space<vmem_shared>> -> memref<25x96xf32, #tpu.memory_space<vmem_shared>>
      %dma_start3A_117 = arith.constant 0 : i32
      %dma_start3A_118 = tpu.memref_slice %arg12[%add3A_43, %dma_start3A_117] : memref<10000x96xf32, #tpu.memory_space<vmem_shared>> -> memref<25x96xf32, #tpu.memory_space<vmem_shared>>
      tpu.enqueue_dma source(%arg11 : memref<25x96xf32, #tpu.memory_space<vmem>>) target(%dma_start3A_118 : memref<25x96xf32, #tpu.memory_space<vmem_shared>>) target_semaphore(%run_scoped3A : memref<!tpu.dma_semaphore, #tpu.memory_space<semaphore_mem>>)
      %dma_wait3A = arith.constant 0 : i32
      %dma_wait3A_119 = tpu.memref_slice %arg12[%add3A_43, %dma_wait3A] : memref<10000x96xf32, #tpu.memory_space<vmem_shared>> -> memref<25x96xf32, #tpu.memory_space<vmem_shared>>
      %dma_wait3A_120 = arith.constant 0 : i32
      %dma_wait3A_121 = tpu.memref_slice %arg12[%add3A_43, %dma_wait3A_120] : memref<10000x96xf32, #tpu.memory_space<vmem_shared>> -> memref<25x96xf32, #tpu.memory_space<vmem_shared>>
      tpu.wait_dma2 semaphore(%run_scoped3A : memref<!tpu.dma_semaphore, #tpu.memory_space<semaphore_mem>>) src(%arg11 : memref<25x96xf32, #tpu.memory_space<vmem>>) dst(%dma_wait3A_121 : memref<25x96xf32, #tpu.memory_space<vmem_shared>>)
      tpu.yield
    }) : () -> ()
    %mul3A_44 = arith.constant 625 : i32
    %mul3A_45 = arith.muli %arg1, %mul3A_44 : i32
    %add3A_46 = arith.constant 250 : i32
    %add3A_47 = arith.addi %mul3A_45, %add3A_46 : i32
    "tpu.region"() ({
      %run_scoped3A = tpu.sem_alloc : memref<!tpu.dma_semaphore, #tpu.memory_space<semaphore_mem>>
      %dma_start3A = arith.constant 0 : i32
      %dma_start3A_116 = tpu.memref_slice %arg12[%add3A_47, %dma_start3A] : memref<10000x96xf32, #tpu.memory_space<vmem_shared>> -> memref<25x96xf32, #tpu.memory_space<vmem_shared>>
      %dma_start3A_117 = arith.constant 0 : i32
      %dma_start3A_118 = tpu.memref_slice %arg12[%add3A_47, %dma_start3A_117] : memref<10000x96xf32, #tpu.memory_space<vmem_shared>> -> memref<25x96xf32, #tpu.memory_space<vmem_shared>>
      tpu.enqueue_dma source(%arg11 : memref<25x96xf32, #tpu.memory_space<vmem>>) target(%dma_start3A_118 : memref<25x96xf32, #tpu.memory_space<vmem_shared>>) target_semaphore(%run_scoped3A : memref<!tpu.dma_semaphore, #tpu.memory_space<semaphore_mem>>)
      %dma_wait3A = arith.constant 0 : i32
      %dma_wait3A_119 = tpu.memref_slice %arg12[%add3A_47, %dma_wait3A] : memref<10000x96xf32, #tpu.memory_space<vmem_shared>> -> memref<25x96xf32, #tpu.memory_space<vmem_shared>>
      %dma_wait3A_120 = arith.constant 0 : i32
      %dma_wait3A_121 = tpu.memref_slice %arg12[%add3A_47, %dma_wait3A_120] : memref<10000x96xf32, #tpu.memory_space<vmem_shared>> -> memref<25x96xf32, #tpu.memory_space<vmem_shared>>
      tpu.wait_dma2 semaphore(%run_scoped3A : memref<!tpu.dma_semaphore, #tpu.memory_space<semaphore_mem>>) src(%arg11 : memref<25x96xf32, #tpu.memory_space<vmem>>) dst(%dma_wait3A_121 : memref<25x96xf32, #tpu.memory_space<vmem_shared>>)
      tpu.yield
    }) : () -> ()
    %mul3A_48 = arith.constant 625 : i32
    %mul3A_49 = arith.muli %arg1, %mul3A_48 : i32
    %add3A_50 = arith.constant 275 : i32
    %add3A_51 = arith.addi %mul3A_49, %add3A_50 : i32
    "tpu.region"() ({
      %run_scoped3A = tpu.sem_alloc : memref<!tpu.dma_semaphore, #tpu.memory_space<semaphore_mem>>
      %dma_start3A = arith.constant 0 : i32
      %dma_start3A_116 = tpu.memref_slice %arg12[%add3A_51, %dma_start3A] : memref<10000x96xf32, #tpu.memory_space<vmem_shared>> -> memref<25x96xf32, #tpu.memory_space<vmem_shared>>
      %dma_start3A_117 = arith.constant 0 : i32
      %dma_start3A_118 = tpu.memref_slice %arg12[%add3A_51, %dma_start3A_117] : memref<10000x96xf32, #tpu.memory_space<vmem_shared>> -> memref<25x96xf32, #tpu.memory_space<vmem_shared>>
      tpu.enqueue_dma source(%arg11 : memref<25x96xf32, #tpu.memory_space<vmem>>) target(%dma_start3A_118 : memref<25x96xf32, #tpu.memory_space<vmem_shared>>) target_semaphore(%run_scoped3A : memref<!tpu.dma_semaphore, #tpu.memory_space<semaphore_mem>>)
      %dma_wait3A = arith.constant 0 : i32
      %dma_wait3A_119 = tpu.memref_slice %arg12[%add3A_51, %dma_wait3A] : memref<10000x96xf32, #tpu.memory_space<vmem_shared>> -> memref<25x96xf32, #tpu.memory_space<vmem_shared>>
      %dma_wait3A_120 = arith.constant 0 : i32
      %dma_wait3A_121 = tpu.memref_slice %arg12[%add3A_51, %dma_wait3A_120] : memref<10000x96xf32, #tpu.memory_space<vmem_shared>> -> memref<25x96xf32, #tpu.memory_space<vmem_shared>>
      tpu.wait_dma2 semaphore(%run_scoped3A : memref<!tpu.dma_semaphore, #tpu.memory_space<semaphore_mem>>) src(%arg11 : memref<25x96xf32, #tpu.memory_space<vmem>>) dst(%dma_wait3A_121 : memref<25x96xf32, #tpu.memory_space<vmem_shared>>)
      tpu.yield
    }) : () -> ()
    %mul3A_52 = arith.constant 625 : i32
    %mul3A_53 = arith.muli %arg1, %mul3A_52 : i32
    %add3A_54 = arith.constant 300 : i32
    %add3A_55 = arith.addi %mul3A_53, %add3A_54 : i32
    "tpu.region"() ({
      %run_scoped3A = tpu.sem_alloc : memref<!tpu.dma_semaphore, #tpu.memory_space<semaphore_mem>>
      %dma_start3A = arith.constant 0 : i32
      %dma_start3A_116 = tpu.memref_slice %arg12[%add3A_55, %dma_start3A] : memref<10000x96xf32, #tpu.memory_space<vmem_shared>> -> memref<25x96xf32, #tpu.memory_space<vmem_shared>>
      %dma_start3A_117 = arith.constant 0 : i32
      %dma_start3A_118 = tpu.memref_slice %arg12[%add3A_55, %dma_start3A_117] : memref<10000x96xf32, #tpu.memory_space<vmem_shared>> -> memref<25x96xf32, #tpu.memory_space<vmem_shared>>
      tpu.enqueue_dma source(%arg11 : memref<25x96xf32, #tpu.memory_space<vmem>>) target(%dma_start3A_118 : memref<25x96xf32, #tpu.memory_space<vmem_shared>>) target_semaphore(%run_scoped3A : memref<!tpu.dma_semaphore, #tpu.memory_space<semaphore_mem>>)
      %dma_wait3A = arith.constant 0 : i32
      %dma_wait3A_119 = tpu.memref_slice %arg12[%add3A_55, %dma_wait3A] : memref<10000x96xf32, #tpu.memory_space<vmem_shared>> -> memref<25x96xf32, #tpu.memory_space<vmem_shared>>
      %dma_wait3A_120 = arith.constant 0 : i32
      %dma_wait3A_121 = tpu.memref_slice %arg12[%add3A_55, %dma_wait3A_120] : memref<10000x96xf32, #tpu.memory_space<vmem_shared>> -> memref<25x96xf32, #tpu.memory_space<vmem_shared>>
      tpu.wait_dma2 semaphore(%run_scoped3A : memref<!tpu.dma_semaphore, #tpu.memory_space<semaphore_mem>>) src(%arg11 : memref<25x96xf32, #tpu.memory_space<vmem>>) dst(%dma_wait3A_121 : memref<25x96xf32, #tpu.memory_space<vmem_shared>>)
      tpu.yield
    }) : () -> ()
    %mul3A_56 = arith.constant 625 : i32
    %mul3A_57 = arith.muli %arg1, %mul3A_56 : i32
    %add3A_58 = arith.constant 325 : i32
    %add3A_59 = arith.addi %mul3A_57, %add3A_58 : i32
    "tpu.region"() ({
      %run_scoped3A = tpu.sem_alloc : memref<!tpu.dma_semaphore, #tpu.memory_space<semaphore_mem>>
      %dma_start3A = arith.constant 0 : i32
      %dma_start3A_116 = tpu.memref_slice %arg12[%add3A_59, %dma_start3A] : memref<10000x96xf32, #tpu.memory_space<vmem_shared>> -> memref<25x96xf32, #tpu.memory_space<vmem_shared>>
      %dma_start3A_117 = arith.constant 0 : i32
      %dma_start3A_118 = tpu.memref_slice %arg12[%add3A_59, %dma_start3A_117] : memref<10000x96xf32, #tpu.memory_space<vmem_shared>> -> memref<25x96xf32, #tpu.memory_space<vmem_shared>>
      tpu.enqueue_dma source(%arg11 : memref<25x96xf32, #tpu.memory_space<vmem>>) target(%dma_start3A_118 : memref<25x96xf32, #tpu.memory_space<vmem_shared>>) target_semaphore(%run_scoped3A : memref<!tpu.dma_semaphore, #tpu.memory_space<semaphore_mem>>)
      %dma_wait3A = arith.constant 0 : i32
      %dma_wait3A_119 = tpu.memref_slice %arg12[%add3A_59, %dma_wait3A] : memref<10000x96xf32, #tpu.memory_space<vmem_shared>> -> memref<25x96xf32, #tpu.memory_space<vmem_shared>>
      %dma_wait3A_120 = arith.constant 0 : i32
      %dma_wait3A_121 = tpu.memref_slice %arg12[%add3A_59, %dma_wait3A_120] : memref<10000x96xf32, #tpu.memory_space<vmem_shared>> -> memref<25x96xf32, #tpu.memory_space<vmem_shared>>
      tpu.wait_dma2 semaphore(%run_scoped3A : memref<!tpu.dma_semaphore, #tpu.memory_space<semaphore_mem>>) src(%arg11 : memref<25x96xf32, #tpu.memory_space<vmem>>) dst(%dma_wait3A_121 : memref<25x96xf32, #tpu.memory_space<vmem_shared>>)
      tpu.yield
    }) : () -> ()
    %mul3A_60 = arith.constant 625 : i32
    %mul3A_61 = arith.muli %arg1, %mul3A_60 : i32
    %add3A_62 = arith.constant 350 : i32
    %add3A_63 = arith.addi %mul3A_61, %add3A_62 : i32
    "tpu.region"() ({
      %run_scoped3A = tpu.sem_alloc : memref<!tpu.dma_semaphore, #tpu.memory_space<semaphore_mem>>
      %dma_start3A = arith.constant 0 : i32
      %dma_start3A_116 = tpu.memref_slice %arg12[%add3A_63, %dma_start3A] : memref<10000x96xf32, #tpu.memory_space<vmem_shared>> -> memref<25x96xf32, #tpu.memory_space<vmem_shared>>
      %dma_start3A_117 = arith.constant 0 : i32
      %dma_start3A_118 = tpu.memref_slice %arg12[%add3A_63, %dma_start3A_117] : memref<10000x96xf32, #tpu.memory_space<vmem_shared>> -> memref<25x96xf32, #tpu.memory_space<vmem_shared>>
      tpu.enqueue_dma source(%arg11 : memref<25x96xf32, #tpu.memory_space<vmem>>) target(%dma_start3A_118 : memref<25x96xf32, #tpu.memory_space<vmem_shared>>) target_semaphore(%run_scoped3A : memref<!tpu.dma_semaphore, #tpu.memory_space<semaphore_mem>>)
      %dma_wait3A = arith.constant 0 : i32
      %dma_wait3A_119 = tpu.memref_slice %arg12[%add3A_63, %dma_wait3A] : memref<10000x96xf32, #tpu.memory_space<vmem_shared>> -> memref<25x96xf32, #tpu.memory_space<vmem_shared>>
      %dma_wait3A_120 = arith.constant 0 : i32
      %dma_wait3A_121 = tpu.memref_slice %arg12[%add3A_63, %dma_wait3A_120] : memref<10000x96xf32, #tpu.memory_space<vmem_shared>> -> memref<25x96xf32, #tpu.memory_space<vmem_shared>>
      tpu.wait_dma2 semaphore(%run_scoped3A : memref<!tpu.dma_semaphore, #tpu.memory_space<semaphore_mem>>) src(%arg11 : memref<25x96xf32, #tpu.memory_space<vmem>>) dst(%dma_wait3A_121 : memref<25x96xf32, #tpu.memory_space<vmem_shared>>)
      tpu.yield
    }) : () -> ()
    %mul3A_64 = arith.constant 625 : i32
    %mul3A_65 = arith.muli %arg1, %mul3A_64 : i32
    %add3A_66 = arith.constant 375 : i32
    %add3A_67 = arith.addi %mul3A_65, %add3A_66 : i32
    "tpu.region"() ({
      %run_scoped3A = tpu.sem_alloc : memref<!tpu.dma_semaphore, #tpu.memory_space<semaphore_mem>>
      %dma_start3A = arith.constant 0 : i32
      %dma_start3A_116 = tpu.memref_slice %arg12[%add3A_67, %dma_start3A] : memref<10000x96xf32, #tpu.memory_space<vmem_shared>> -> memref<25x96xf32, #tpu.memory_space<vmem_shared>>
      %dma_start3A_117 = arith.constant 0 : i32
      %dma_start3A_118 = tpu.memref_slice %arg12[%add3A_67, %dma_start3A_117] : memref<10000x96xf32, #tpu.memory_space<vmem_shared>> -> memref<25x96xf32, #tpu.memory_space<vmem_shared>>
      tpu.enqueue_dma source(%arg11 : memref<25x96xf32, #tpu.memory_space<vmem>>) target(%dma_start3A_118 : memref<25x96xf32, #tpu.memory_space<vmem_shared>>) target_semaphore(%run_scoped3A : memref<!tpu.dma_semaphore, #tpu.memory_space<semaphore_mem>>)
      %dma_wait3A = arith.constant 0 : i32
      %dma_wait3A_119 = tpu.memref_slice %arg12[%add3A_67, %dma_wait3A] : memref<10000x96xf32, #tpu.memory_space<vmem_shared>> -> memref<25x96xf32, #tpu.memory_space<vmem_shared>>
      %dma_wait3A_120 = arith.constant 0 : i32
      %dma_wait3A_121 = tpu.memref_slice %arg12[%add3A_67, %dma_wait3A_120] : memref<10000x96xf32, #tpu.memory_space<vmem_shared>> -> memref<25x96xf32, #tpu.memory_space<vmem_shared>>
      tpu.wait_dma2 semaphore(%run_scoped3A : memref<!tpu.dma_semaphore, #tpu.memory_space<semaphore_mem>>) src(%arg11 : memref<25x96xf32, #tpu.memory_space<vmem>>) dst(%dma_wait3A_121 : memref<25x96xf32, #tpu.memory_space<vmem_shared>>)
      tpu.yield
    }) : () -> ()
    %mul3A_68 = arith.constant 625 : i32
    %mul3A_69 = arith.muli %arg1, %mul3A_68 : i32
    %add3A_70 = arith.constant 400 : i32
    %add3A_71 = arith.addi %mul3A_69, %add3A_70 : i32
    "tpu.region"() ({
      %run_scoped3A = tpu.sem_alloc : memref<!tpu.dma_semaphore, #tpu.memory_space<semaphore_mem>>
      %dma_start3A = arith.constant 0 : i32
      %dma_start3A_116 = tpu.memref_slice %arg12[%add3A_71, %dma_start3A] : memref<10000x96xf32, #tpu.memory_space<vmem_shared>> -> memref<25x96xf32, #tpu.memory_space<vmem_shared>>
      %dma_start3A_117 = arith.constant 0 : i32
      %dma_start3A_118 = tpu.memref_slice %arg12[%add3A_71, %dma_start3A_117] : memref<10000x96xf32, #tpu.memory_space<vmem_shared>> -> memref<25x96xf32, #tpu.memory_space<vmem_shared>>
      tpu.enqueue_dma source(%arg11 : memref<25x96xf32, #tpu.memory_space<vmem>>) target(%dma_start3A_118 : memref<25x96xf32, #tpu.memory_space<vmem_shared>>) target_semaphore(%run_scoped3A : memref<!tpu.dma_semaphore, #tpu.memory_space<semaphore_mem>>)
      %dma_wait3A = arith.constant 0 : i32
      %dma_wait3A_119 = tpu.memref_slice %arg12[%add3A_71, %dma_wait3A] : memref<10000x96xf32, #tpu.memory_space<vmem_shared>> -> memref<25x96xf32, #tpu.memory_space<vmem_shared>>
      %dma_wait3A_120 = arith.constant 0 : i32
      %dma_wait3A_121 = tpu.memref_slice %arg12[%add3A_71, %dma_wait3A_120] : memref<10000x96xf32, #tpu.memory_space<vmem_shared>> -> memref<25x96xf32, #tpu.memory_space<vmem_shared>>
      tpu.wait_dma2 semaphore(%run_scoped3A : memref<!tpu.dma_semaphore, #tpu.memory_space<semaphore_mem>>) src(%arg11 : memref<25x96xf32, #tpu.memory_space<vmem>>) dst(%dma_wait3A_121 : memref<25x96xf32, #tpu.memory_space<vmem_shared>>)
      tpu.yield
    }) : () -> ()
    %mul3A_72 = arith.constant 625 : i32
    %mul3A_73 = arith.muli %arg1, %mul3A_72 : i32
    %add3A_74 = arith.constant 425 : i32
    %add3A_75 = arith.addi %mul3A_73, %add3A_74 : i32
    "tpu.region"() ({
      %run_scoped3A = tpu.sem_alloc : memref<!tpu.dma_semaphore, #tpu.memory_space<semaphore_mem>>
      %dma_start3A = arith.constant 0 : i32
      %dma_start3A_116 = tpu.memref_slice %arg12[%add3A_75, %dma_start3A] : memref<10000x96xf32, #tpu.memory_space<vmem_shared>> -> memref<25x96xf32, #tpu.memory_space<vmem_shared>>
      %dma_start3A_117 = arith.constant 0 : i32
      %dma_start3A_118 = tpu.memref_slice %arg12[%add3A_75, %dma_start3A_117] : memref<10000x96xf32, #tpu.memory_space<vmem_shared>> -> memref<25x96xf32, #tpu.memory_space<vmem_shared>>
      tpu.enqueue_dma source(%arg11 : memref<25x96xf32, #tpu.memory_space<vmem>>) target(%dma_start3A_118 : memref<25x96xf32, #tpu.memory_space<vmem_shared>>) target_semaphore(%run_scoped3A : memref<!tpu.dma_semaphore, #tpu.memory_space<semaphore_mem>>)
      %dma_wait3A = arith.constant 0 : i32
      %dma_wait3A_119 = tpu.memref_slice %arg12[%add3A_75, %dma_wait3A] : memref<10000x96xf32, #tpu.memory_space<vmem_shared>> -> memref<25x96xf32, #tpu.memory_space<vmem_shared>>
      %dma_wait3A_120 = arith.constant 0 : i32
      %dma_wait3A_121 = tpu.memref_slice %arg12[%add3A_75, %dma_wait3A_120] : memref<10000x96xf32, #tpu.memory_space<vmem_shared>> -> memref<25x96xf32, #tpu.memory_space<vmem_shared>>
      tpu.wait_dma2 semaphore(%run_scoped3A : memref<!tpu.dma_semaphore, #tpu.memory_space<semaphore_mem>>) src(%arg11 : memref<25x96xf32, #tpu.memory_space<vmem>>) dst(%dma_wait3A_121 : memref<25x96xf32, #tpu.memory_space<vmem_shared>>)
      tpu.yield
    }) : () -> ()
    %mul3A_76 = arith.constant 625 : i32
    %mul3A_77 = arith.muli %arg1, %mul3A_76 : i32
    %add3A_78 = arith.constant 450 : i32
    %add3A_79 = arith.addi %mul3A_77, %add3A_78 : i32
    "tpu.region"() ({
      %run_scoped3A = tpu.sem_alloc : memref<!tpu.dma_semaphore, #tpu.memory_space<semaphore_mem>>
      %dma_start3A = arith.constant 0 : i32
      %dma_start3A_116 = tpu.memref_slice %arg12[%add3A_79, %dma_start3A] : memref<10000x96xf32, #tpu.memory_space<vmem_shared>> -> memref<25x96xf32, #tpu.memory_space<vmem_shared>>
      %dma_start3A_117 = arith.constant 0 : i32
      %dma_start3A_118 = tpu.memref_slice %arg12[%add3A_79, %dma_start3A_117] : memref<10000x96xf32, #tpu.memory_space<vmem_shared>> -> memref<25x96xf32, #tpu.memory_space<vmem_shared>>
      tpu.enqueue_dma source(%arg11 : memref<25x96xf32, #tpu.memory_space<vmem>>) target(%dma_start3A_118 : memref<25x96xf32, #tpu.memory_space<vmem_shared>>) target_semaphore(%run_scoped3A : memref<!tpu.dma_semaphore, #tpu.memory_space<semaphore_mem>>)
      %dma_wait3A = arith.constant 0 : i32
      %dma_wait3A_119 = tpu.memref_slice %arg12[%add3A_79, %dma_wait3A] : memref<10000x96xf32, #tpu.memory_space<vmem_shared>> -> memref<25x96xf32, #tpu.memory_space<vmem_shared>>
      %dma_wait3A_120 = arith.constant 0 : i32
      %dma_wait3A_121 = tpu.memref_slice %arg12[%add3A_79, %dma_wait3A_120] : memref<10000x96xf32, #tpu.memory_space<vmem_shared>> -> memref<25x96xf32, #tpu.memory_space<vmem_shared>>
      tpu.wait_dma2 semaphore(%run_scoped3A : memref<!tpu.dma_semaphore, #tpu.memory_space<semaphore_mem>>) src(%arg11 : memref<25x96xf32, #tpu.memory_space<vmem>>) dst(%dma_wait3A_121 : memref<25x96xf32, #tpu.memory_space<vmem_shared>>)
      tpu.yield
    }) : () -> ()
    %mul3A_80 = arith.constant 625 : i32
    %mul3A_81 = arith.muli %arg1, %mul3A_80 : i32
    %add3A_82 = arith.constant 475 : i32
    %add3A_83 = arith.addi %mul3A_81, %add3A_82 : i32
    "tpu.region"() ({
      %run_scoped3A = tpu.sem_alloc : memref<!tpu.dma_semaphore, #tpu.memory_space<semaphore_mem>>
      %dma_start3A = arith.constant 0 : i32
      %dma_start3A_116 = tpu.memref_slice %arg12[%add3A_83, %dma_start3A] : memref<10000x96xf32, #tpu.memory_space<vmem_shared>> -> memref<25x96xf32, #tpu.memory_space<vmem_shared>>
      %dma_start3A_117 = arith.constant 0 : i32
      %dma_start3A_118 = tpu.memref_slice %arg12[%add3A_83, %dma_start3A_117] : memref<10000x96xf32, #tpu.memory_space<vmem_shared>> -> memref<25x96xf32, #tpu.memory_space<vmem_shared>>
      tpu.enqueue_dma source(%arg11 : memref<25x96xf32, #tpu.memory_space<vmem>>) target(%dma_start3A_118 : memref<25x96xf32, #tpu.memory_space<vmem_shared>>) target_semaphore(%run_scoped3A : memref<!tpu.dma_semaphore, #tpu.memory_space<semaphore_mem>>)
      %dma_wait3A = arith.constant 0 : i32
      %dma_wait3A_119 = tpu.memref_slice %arg12[%add3A_83, %dma_wait3A] : memref<10000x96xf32, #tpu.memory_space<vmem_shared>> -> memref<25x96xf32, #tpu.memory_space<vmem_shared>>
      %dma_wait3A_120 = arith.constant 0 : i32
      %dma_wait3A_121 = tpu.memref_slice %arg12[%add3A_83, %dma_wait3A_120] : memref<10000x96xf32, #tpu.memory_space<vmem_shared>> -> memref<25x96xf32, #tpu.memory_space<vmem_shared>>
      tpu.wait_dma2 semaphore(%run_scoped3A : memref<!tpu.dma_semaphore, #tpu.memory_space<semaphore_mem>>) src(%arg11 : memref<25x96xf32, #tpu.memory_space<vmem>>) dst(%dma_wait3A_121 : memref<25x96xf32, #tpu.memory_space<vmem_shared>>)
      tpu.yield
    }) : () -> ()
    %mul3A_84 = arith.constant 625 : i32
    %mul3A_85 = arith.muli %arg1, %mul3A_84 : i32
    %add3A_86 = arith.constant 500 : i32
    %add3A_87 = arith.addi %mul3A_85, %add3A_86 : i32
    "tpu.region"() ({
      %run_scoped3A = tpu.sem_alloc : memref<!tpu.dma_semaphore, #tpu.memory_space<semaphore_mem>>
      %dma_start3A = arith.constant 0 : i32
      %dma_start3A_116 = tpu.memref_slice %arg12[%add3A_87, %dma_start3A] : memref<10000x96xf32, #tpu.memory_space<vmem_shared>> -> memref<25x96xf32, #tpu.memory_space<vmem_shared>>
      %dma_start3A_117 = arith.constant 0 : i32
      %dma_start3A_118 = tpu.memref_slice %arg12[%add3A_87, %dma_start3A_117] : memref<10000x96xf32, #tpu.memory_space<vmem_shared>> -> memref<25x96xf32, #tpu.memory_space<vmem_shared>>
      tpu.enqueue_dma source(%arg11 : memref<25x96xf32, #tpu.memory_space<vmem>>) target(%dma_start3A_118 : memref<25x96xf32, #tpu.memory_space<vmem_shared>>) target_semaphore(%run_scoped3A : memref<!tpu.dma_semaphore, #tpu.memory_space<semaphore_mem>>)
      %dma_wait3A = arith.constant 0 : i32
      %dma_wait3A_119 = tpu.memref_slice %arg12[%add3A_87, %dma_wait3A] : memref<10000x96xf32, #tpu.memory_space<vmem_shared>> -> memref<25x96xf32, #tpu.memory_space<vmem_shared>>
      %dma_wait3A_120 = arith.constant 0 : i32
      %dma_wait3A_121 = tpu.memref_slice %arg12[%add3A_87, %dma_wait3A_120] : memref<10000x96xf32, #tpu.memory_space<vmem_shared>> -> memref<25x96xf32, #tpu.memory_space<vmem_shared>>
      tpu.wait_dma2 semaphore(%run_scoped3A : memref<!tpu.dma_semaphore, #tpu.memory_space<semaphore_mem>>) src(%arg11 : memref<25x96xf32, #tpu.memory_space<vmem>>) dst(%dma_wait3A_121 : memref<25x96xf32, #tpu.memory_space<vmem_shared>>)
      tpu.yield
    }) : () -> ()
    %mul3A_88 = arith.constant 625 : i32
    %mul3A_89 = arith.muli %arg1, %mul3A_88 : i32
    %add3A_90 = arith.constant 525 : i32
    %add3A_91 = arith.addi %mul3A_89, %add3A_90 : i32
    "tpu.region"() ({
      %run_scoped3A = tpu.sem_alloc : memref<!tpu.dma_semaphore, #tpu.memory_space<semaphore_mem>>
      %dma_start3A = arith.constant 0 : i32
      %dma_start3A_116 = tpu.memref_slice %arg12[%add3A_91, %dma_start3A] : memref<10000x96xf32, #tpu.memory_space<vmem_shared>> -> memref<25x96xf32, #tpu.memory_space<vmem_shared>>
      %dma_start3A_117 = arith.constant 0 : i32
      %dma_start3A_118 = tpu.memref_slice %arg12[%add3A_91, %dma_start3A_117] : memref<10000x96xf32, #tpu.memory_space<vmem_shared>> -> memref<25x96xf32, #tpu.memory_space<vmem_shared>>
      tpu.enqueue_dma source(%arg11 : memref<25x96xf32, #tpu.memory_space<vmem>>) target(%dma_start3A_118 : memref<25x96xf32, #tpu.memory_space<vmem_shared>>) target_semaphore(%run_scoped3A : memref<!tpu.dma_semaphore, #tpu.memory_space<semaphore_mem>>)
      %dma_wait3A = arith.constant 0 : i32
      %dma_wait3A_119 = tpu.memref_slice %arg12[%add3A_91, %dma_wait3A] : memref<10000x96xf32, #tpu.memory_space<vmem_shared>> -> memref<25x96xf32, #tpu.memory_space<vmem_shared>>
      %dma_wait3A_120 = arith.constant 0 : i32
      %dma_wait3A_121 = tpu.memref_slice %arg12[%add3A_91, %dma_wait3A_120] : memref<10000x96xf32, #tpu.memory_space<vmem_shared>> -> memref<25x96xf32, #tpu.memory_space<vmem_shared>>
      tpu.wait_dma2 semaphore(%run_scoped3A : memref<!tpu.dma_semaphore, #tpu.memory_space<semaphore_mem>>) src(%arg11 : memref<25x96xf32, #tpu.memory_space<vmem>>) dst(%dma_wait3A_121 : memref<25x96xf32, #tpu.memory_space<vmem_shared>>)
      tpu.yield
    }) : () -> ()
    %mul3A_92 = arith.constant 625 : i32
    %mul3A_93 = arith.muli %arg1, %mul3A_92 : i32
    %add3A_94 = arith.constant 550 : i32
    %add3A_95 = arith.addi %mul3A_93, %add3A_94 : i32
    "tpu.region"() ({
      %run_scoped3A = tpu.sem_alloc : memref<!tpu.dma_semaphore, #tpu.memory_space<semaphore_mem>>
      %dma_start3A = arith.constant 0 : i32
      %dma_start3A_116 = tpu.memref_slice %arg12[%add3A_95, %dma_start3A] : memref<10000x96xf32, #tpu.memory_space<vmem_shared>> -> memref<25x96xf32, #tpu.memory_space<vmem_shared>>
      %dma_start3A_117 = arith.constant 0 : i32
      %dma_start3A_118 = tpu.memref_slice %arg12[%add3A_95, %dma_start3A_117] : memref<10000x96xf32, #tpu.memory_space<vmem_shared>> -> memref<25x96xf32, #tpu.memory_space<vmem_shared>>
      tpu.enqueue_dma source(%arg11 : memref<25x96xf32, #tpu.memory_space<vmem>>) target(%dma_start3A_118 : memref<25x96xf32, #tpu.memory_space<vmem_shared>>) target_semaphore(%run_scoped3A : memref<!tpu.dma_semaphore, #tpu.memory_space<semaphore_mem>>)
      %dma_wait3A = arith.constant 0 : i32
      %dma_wait3A_119 = tpu.memref_slice %arg12[%add3A_95, %dma_wait3A] : memref<10000x96xf32, #tpu.memory_space<vmem_shared>> -> memref<25x96xf32, #tpu.memory_space<vmem_shared>>
      %dma_wait3A_120 = arith.constant 0 : i32
      %dma_wait3A_121 = tpu.memref_slice %arg12[%add3A_95, %dma_wait3A_120] : memref<10000x96xf32, #tpu.memory_space<vmem_shared>> -> memref<25x96xf32, #tpu.memory_space<vmem_shared>>
      tpu.wait_dma2 semaphore(%run_scoped3A : memref<!tpu.dma_semaphore, #tpu.memory_space<semaphore_mem>>) src(%arg11 : memref<25x96xf32, #tpu.memory_space<vmem>>) dst(%dma_wait3A_121 : memref<25x96xf32, #tpu.memory_space<vmem_shared>>)
      tpu.yield
    }) : () -> ()
    %mul3A_96 = arith.constant 625 : i32
    %mul3A_97 = arith.muli %arg1, %mul3A_96 : i32
    %add3A_98 = arith.constant 575 : i32
    %add3A_99 = arith.addi %mul3A_97, %add3A_98 : i32
    "tpu.region"() ({
      %run_scoped3A = tpu.sem_alloc : memref<!tpu.dma_semaphore, #tpu.memory_space<semaphore_mem>>
      %dma_start3A = arith.constant 0 : i32
      %dma_start3A_116 = tpu.memref_slice %arg12[%add3A_99, %dma_start3A] : memref<10000x96xf32, #tpu.memory_space<vmem_shared>> -> memref<25x96xf32, #tpu.memory_space<vmem_shared>>
      %dma_start3A_117 = arith.constant 0 : i32
      %dma_start3A_118 = tpu.memref_slice %arg12[%add3A_99, %dma_start3A_117] : memref<10000x96xf32, #tpu.memory_space<vmem_shared>> -> memref<25x96xf32, #tpu.memory_space<vmem_shared>>
      tpu.enqueue_dma source(%arg11 : memref<25x96xf32, #tpu.memory_space<vmem>>) target(%dma_start3A_118 : memref<25x96xf32, #tpu.memory_space<vmem_shared>>) target_semaphore(%run_scoped3A : memref<!tpu.dma_semaphore, #tpu.memory_space<semaphore_mem>>)
      %dma_wait3A = arith.constant 0 : i32
      %dma_wait3A_119 = tpu.memref_slice %arg12[%add3A_99, %dma_wait3A] : memref<10000x96xf32, #tpu.memory_space<vmem_shared>> -> memref<25x96xf32, #tpu.memory_space<vmem_shared>>
      %dma_wait3A_120 = arith.constant 0 : i32
      %dma_wait3A_121 = tpu.memref_slice %arg12[%add3A_99, %dma_wait3A_120] : memref<10000x96xf32, #tpu.memory_space<vmem_shared>> -> memref<25x96xf32, #tpu.memory_space<vmem_shared>>
      tpu.wait_dma2 semaphore(%run_scoped3A : memref<!tpu.dma_semaphore, #tpu.memory_space<semaphore_mem>>) src(%arg11 : memref<25x96xf32, #tpu.memory_space<vmem>>) dst(%dma_wait3A_121 : memref<25x96xf32, #tpu.memory_space<vmem_shared>>)
      tpu.yield
    }) : () -> ()
    %mul3A_100 = arith.constant 625 : i32
    %mul3A_101 = arith.muli %arg1, %mul3A_100 : i32
    %add3A_102 = arith.constant 600 : i32
    %add3A_103 = arith.addi %mul3A_101, %add3A_102 : i32
    "tpu.region"() ({
      %run_scoped3A = tpu.sem_alloc : memref<!tpu.dma_semaphore, #tpu.memory_space<semaphore_mem>>
      %dma_start3A = arith.constant 0 : i32
      %dma_start3A_116 = tpu.memref_slice %arg12[%add3A_103, %dma_start3A] : memref<10000x96xf32, #tpu.memory_space<vmem_shared>> -> memref<25x96xf32, #tpu.memory_space<vmem_shared>>
      %dma_start3A_117 = arith.constant 0 : i32
      %dma_start3A_118 = tpu.memref_slice %arg12[%add3A_103, %dma_start3A_117] : memref<10000x96xf32, #tpu.memory_space<vmem_shared>> -> memref<25x96xf32, #tpu.memory_space<vmem_shared>>
      tpu.enqueue_dma source(%arg11 : memref<25x96xf32, #tpu.memory_space<vmem>>) target(%dma_start3A_118 : memref<25x96xf32, #tpu.memory_space<vmem_shared>>) target_semaphore(%run_scoped3A : memref<!tpu.dma_semaphore, #tpu.memory_space<semaphore_mem>>)
      %dma_wait3A = arith.constant 0 : i32
      %dma_wait3A_119 = tpu.memref_slice %arg12[%add3A_103, %dma_wait3A] : memref<10000x96xf32, #tpu.memory_space<vmem_shared>> -> memref<25x96xf32, #tpu.memory_space<vmem_shared>>
      %dma_wait3A_120 = arith.constant 0 : i32
      %dma_wait3A_121 = tpu.memref_slice %arg12[%add3A_103, %dma_wait3A_120] : memref<10000x96xf32, #tpu.memory_space<vmem_shared>> -> memref<25x96xf32, #tpu.memory_space<vmem_shared>>
      tpu.wait_dma2 semaphore(%run_scoped3A : memref<!tpu.dma_semaphore, #tpu.memory_space<semaphore_mem>>) src(%arg11 : memref<25x96xf32, #tpu.memory_space<vmem>>) dst(%dma_wait3A_121 : memref<25x96xf32, #tpu.memory_space<vmem_shared>>)
      tpu.yield
    }) : () -> ()
    %barrier3A = arith.constant 0 : index
    tpu.barrier barrier_id(%barrier3A)
    %scan3A_104 = arith.constant 0 : i32
    %scan3A_105 = arith.constant 0 : i32
    %scan3A_106 = arith.constant 4 : i32
    %scan3A_107 = arith.addi %scan3A_105, %scan3A_106 : i32
    %scan3A_108 = arith.constant 1 : i32
    %scan3A_109 = scf.for %scan3A_116 = %scan3A_105 to %scan3A_107 step %scan3A_108 iter_args(%scan3A_117 = %scan3A_104) -> (i32)  : i32 {
      "tpu.region"() ({
        %run_scoped3A = tpu.sem_alloc : memref<!tpu.dma_semaphore, #tpu.memory_space<semaphore_mem>>
        %dma_start3A_169 = arith.constant 0 : i32
        %dma_start3A_170 = arith.constant 0 : i32
        %dma_start3A_171 = tpu.memref_slice %arg3[%arg1, %scan3A_116, %dma_start3A_169, %dma_start3A_170] : memref<16x4x50x100xi32, #tpu.memory_space<hbm>> -> memref<1x1x50x100xi32, #tpu.memory_space<hbm>>
        %dma_start3A_172 = tpu.memref_squeeze %dma_start3A_171 : memref<1x1x50x100xi32, #tpu.memory_space<hbm>> -> memref<50x100xi32, #tpu.memory_space<hbm>>
        %dma_start3A_173 = arith.constant 0 : i32
        %dma_start3A_174 = arith.constant 0 : i32
        %dma_start3A_175 = tpu.memref_slice %arg3[%arg1, %scan3A_116, %dma_start3A_173, %dma_start3A_174] : memref<16x4x50x100xi32, #tpu.memory_space<hbm>> -> memref<1x1x50x100xi32, #tpu.memory_space<hbm>>
        %dma_start3A_176 = tpu.memref_squeeze %dma_start3A_175 : memref<1x1x50x100xi32, #tpu.memory_space<hbm>> -> memref<50x100xi32, #tpu.memory_space<hbm>>
        tpu.enqueue_dma source(%dma_start3A_176 : memref<50x100xi32, #tpu.memory_space<hbm>>) target(%arg7 : memref<50x100xi32, #tpu.memory_space<vmem>>) target_semaphore(%run_scoped3A : memref<!tpu.dma_semaphore, #tpu.memory_space<semaphore_mem>>)
        %dma_wait3A_177 = arith.constant 0 : i32
        %dma_wait3A_178 = arith.constant 0 : i32
        %dma_wait3A_179 = tpu.memref_slice %arg3[%arg1, %scan3A_116, %dma_wait3A_177, %dma_wait3A_178] : memref<16x4x50x100xi32, #tpu.memory_space<hbm>> -> memref<1x1x50x100xi32, #tpu.memory_space<hbm>>
        %dma_wait3A_180 = tpu.memref_squeeze %dma_wait3A_179 : memref<1x1x50x100xi32, #tpu.memory_space<hbm>> -> memref<50x100xi32, #tpu.memory_space<hbm>>
        %dma_wait3A_181 = arith.constant 0 : i32
        %dma_wait3A_182 = arith.constant 0 : i32
        %dma_wait3A_183 = tpu.memref_slice %arg3[%arg1, %scan3A_116, %dma_wait3A_181, %dma_wait3A_182] : memref<16x4x50x100xi32, #tpu.memory_space<hbm>> -> memref<1x1x50x100xi32, #tpu.memory_space<hbm>>
        %dma_wait3A_184 = tpu.memref_squeeze %dma_wait3A_183 : memref<1x1x50x100xi32, #tpu.memory_space<hbm>> -> memref<50x100xi32, #tpu.memory_space<hbm>>
        tpu.wait_dma2 semaphore(%run_scoped3A : memref<!tpu.dma_semaphore, #tpu.memory_space<semaphore_mem>>) src(%dma_wait3A_184 : memref<50x100xi32, #tpu.memory_space<hbm>>) dst(%arg7 : memref<50x100xi32, #tpu.memory_space<vmem>>)
        tpu.yield
      }) : () -> ()
      "tpu.region"() ({
        %run_scoped3A = tpu.sem_alloc : memref<!tpu.dma_semaphore, #tpu.memory_space<semaphore_mem>>
        %dma_start3A_169 = arith.constant 0 : i32
        %dma_start3A_170 = arith.constant 0 : i32
        %dma_start3A_171 = tpu.memref_slice %arg4[%arg1, %scan3A_116, %dma_start3A_169, %dma_start3A_170] : memref<16x4x50x100xi32, #tpu.memory_space<hbm>> -> memref<1x1x50x100xi32, #tpu.memory_space<hbm>>
        %dma_start3A_172 = tpu.memref_squeeze %dma_start3A_171 : memref<1x1x50x100xi32, #tpu.memory_space<hbm>> -> memref<50x100xi32, #tpu.memory_space<hbm>>
        %dma_start3A_173 = arith.constant 0 : i32
        %dma_start3A_174 = arith.constant 0 : i32
        %dma_start3A_175 = tpu.memref_slice %arg4[%arg1, %scan3A_116, %dma_start3A_173, %dma_start3A_174] : memref<16x4x50x100xi32, #tpu.memory_space<hbm>> -> memref<1x1x50x100xi32, #tpu.memory_space<hbm>>
        %dma_start3A_176 = tpu.memref_squeeze %dma_start3A_175 : memref<1x1x50x100xi32, #tpu.memory_space<hbm>> -> memref<50x100xi32, #tpu.memory_space<hbm>>
        tpu.enqueue_dma source(%dma_start3A_176 : memref<50x100xi32, #tpu.memory_space<hbm>>) target(%arg8 : memref<50x100xi32, #tpu.memory_space<vmem>>) target_semaphore(%run_scoped3A : memref<!tpu.dma_semaphore, #tpu.memory_space<semaphore_mem>>)
        %dma_wait3A_177 = arith.constant 0 : i32
        %dma_wait3A_178 = arith.constant 0 : i32
        %dma_wait3A_179 = tpu.memref_slice %arg4[%arg1, %scan3A_116, %dma_wait3A_177, %dma_wait3A_178] : memref<16x4x50x100xi32, #tpu.memory_space<hbm>> -> memref<1x1x50x100xi32, #tpu.memory_space<hbm>>
        %dma_wait3A_180 = tpu.memref_squeeze %dma_wait3A_179 : memref<1x1x50x100xi32, #tpu.memory_space<hbm>> -> memref<50x100xi32, #tpu.memory_space<hbm>>
        %dma_wait3A_181 = arith.constant 0 : i32
        %dma_wait3A_182 = arith.constant 0 : i32
        %dma_wait3A_183 = tpu.memref_slice %arg4[%arg1, %scan3A_116, %dma_wait3A_181, %dma_wait3A_182] : memref<16x4x50x100xi32, #tpu.memory_space<hbm>> -> memref<1x1x50x100xi32, #tpu.memory_space<hbm>>
        %dma_wait3A_184 = tpu.memref_squeeze %dma_wait3A_183 : memref<1x1x50x100xi32, #tpu.memory_space<hbm>> -> memref<50x100xi32, #tpu.memory_space<hbm>>
        tpu.wait_dma2 semaphore(%run_scoped3A : memref<!tpu.dma_semaphore, #tpu.memory_space<semaphore_mem>>) src(%dma_wait3A_184 : memref<50x100xi32, #tpu.memory_space<hbm>>) dst(%arg8 : memref<50x100xi32, #tpu.memory_space<vmem>>)
        tpu.yield
      }) : () -> ()
      "tpu.region"() ({
        %run_scoped3A = tpu.sem_alloc : memref<!tpu.dma_semaphore, #tpu.memory_space<semaphore_mem>>
        %dma_start3A_169 = arith.constant 0 : i32
        %dma_start3A_170 = arith.constant 0 : i32
        %dma_start3A_171 = tpu.memref_slice %arg5[%arg1, %scan3A_116, %dma_start3A_169, %dma_start3A_170] : memref<16x4x50x100xf32, #tpu.memory_space<hbm>> -> memref<1x1x50x100xf32, #tpu.memory_space<hbm>>
        %dma_start3A_172 = tpu.memref_squeeze %dma_start3A_171 : memref<1x1x50x100xf32, #tpu.memory_space<hbm>> -> memref<50x100xf32, #tpu.memory_space<hbm>>
        %dma_start3A_173 = arith.constant 0 : i32
        %dma_start3A_174 = arith.constant 0 : i32
        %dma_start3A_175 = tpu.memref_slice %arg5[%arg1, %scan3A_116, %dma_start3A_173, %dma_start3A_174] : memref<16x4x50x100xf32, #tpu.memory_space<hbm>> -> memref<1x1x50x100xf32, #tpu.memory_space<hbm>>
        %dma_start3A_176 = tpu.memref_squeeze %dma_start3A_175 : memref<1x1x50x100xf32, #tpu.memory_space<hbm>> -> memref<50x100xf32, #tpu.memory_space<hbm>>
        tpu.enqueue_dma source(%dma_start3A_176 : memref<50x100xf32, #tpu.memory_space<hbm>>) target(%arg9 : memref<50x100xf32, #tpu.memory_space<vmem>>) target_semaphore(%run_scoped3A : memref<!tpu.dma_semaphore, #tpu.memory_space<semaphore_mem>>)
        %dma_wait3A_177 = arith.constant 0 : i32
        %dma_wait3A_178 = arith.constant 0 : i32
        %dma_wait3A_179 = tpu.memref_slice %arg5[%arg1, %scan3A_116, %dma_wait3A_177, %dma_wait3A_178] : memref<16x4x50x100xf32, #tpu.memory_space<hbm>> -> memref<1x1x50x100xf32, #tpu.memory_space<hbm>>
        %dma_wait3A_180 = tpu.memref_squeeze %dma_wait3A_179 : memref<1x1x50x100xf32, #tpu.memory_space<hbm>> -> memref<50x100xf32, #tpu.memory_space<hbm>>
        %dma_wait3A_181 = arith.constant 0 : i32
        %dma_wait3A_182 = arith.constant 0 : i32
        %dma_wait3A_183 = tpu.memref_slice %arg5[%arg1, %scan3A_116, %dma_wait3A_181, %dma_wait3A_182] : memref<16x4x50x100xf32, #tpu.memory_space<hbm>> -> memref<1x1x50x100xf32, #tpu.memory_space<hbm>>
        %dma_wait3A_184 = tpu.memref_squeeze %dma_wait3A_183 : memref<1x1x50x100xf32, #tpu.memory_space<hbm>> -> memref<50x100xf32, #tpu.memory_space<hbm>>
        tpu.wait_dma2 semaphore(%run_scoped3A : memref<!tpu.dma_semaphore, #tpu.memory_space<semaphore_mem>>) src(%dma_wait3A_184 : memref<50x100xf32, #tpu.memory_space<hbm>>) dst(%arg9 : memref<50x100xf32, #tpu.memory_space<vmem>>)
        tpu.yield
      }) : () -> ()
      %rem3A = arith.constant 0 : i32
      %rem3A_118 = arith.constant 3 : i32
      %rem3A_119 = arith.remsi %rem3A, %rem3A_118 : i32
      %dma_start3A = arith.constant 0 : i32
      %dma_start3A_120 = arith.constant 0 : i32
      %dma_start3A_121 = arith.constant 0 : i32
      %dma_start3A_122 = tpu.memref_slice %arg10[%rem3A_119, %dma_start3A_120, %dma_start3A_121] : memref<3x100x96xf32, #tpu.memory_space<vmem>> -> memref<1x100x96xf32, #tpu.memory_space<vmem>>
      %dma_start3A_123 = tpu.memref_squeeze %dma_start3A_122 : memref<1x100x96xf32, #tpu.memory_space<vmem>> -> memref<100x96xf32, #tpu.memory_space<vmem>>
      %dma_start3A_124 = arith.constant 0 : i32
      %dma_start3A_125 = tpu.memref_slice %arg7[%dma_start3A, %dma_start3A_124] : memref<50x100xi32, #tpu.memory_space<vmem>> -> memref<1x100xi32, #tpu.memory_space<vmem>>
      %dma_start3A_126 = tpu.memref_squeeze %dma_start3A_125 : memref<1x100xi32, #tpu.memory_space<vmem>> -> memref<100xi32, #tpu.memory_space<vmem>>
      %dma_start3A_127 = arith.constant 0 : i32
      %dma_start3A_128 = arith.constant 0 : i32
      %dma_start3A_129 = tpu.memref_slice %arg2[%arg0, %dma_start3A_127, %dma_start3A_128] : memref<2x10000x96xf32, #tpu.memory_space<hbm>> -> memref<1x10000x96xf32, #tpu.memory_space<hbm>>
      %dma_start3A_130 = tpu.memref_squeeze %dma_start3A_129 : memref<1x10000x96xf32, #tpu.memory_space<hbm>> -> memref<10000x96xf32, #tpu.memory_space<hbm>>
      %dma_start3A_131 = arith.constant 0 : i32
      %dma_start3A_132 = arith.constant 0 : i32
      %dma_start3A_133 = tpu.memref_slice %dma_start3A_130[%dma_start3A_131, %dma_start3A_132] : memref<10000x96xf32, #tpu.memory_space<hbm>> -> memref<10000x96xf32, #tpu.memory_space<hbm>>
      tpu.enqueue_indirect_dma source(%dma_start3A_133 : memref<10000x96xf32, #tpu.memory_space<hbm>>) target(%dma_start3A_123 : memref<100x96xf32, #tpu.memory_space<vmem>>) offsets(%dma_start3A_126 : memref<100xi32, #tpu.memory_space<vmem>>) semaphore(%arg13 : memref<!tpu.dma_semaphore, #tpu.memory_space<semaphore_mem>>)
      %scan3A_134 = arith.constant 0 : i32
      %scan3A_135 = arith.constant 0 : i32
      %scan3A_136 = arith.constant 50 : i32
      %scan3A_137 = arith.addi %scan3A_135, %scan3A_136 : i32
      %scan3A_138 = arith.constant 1 : i32
      %scan3A_139 = scf.for %scan3A_169 = %scan3A_135 to %scan3A_137 step %scan3A_138 iter_args(%scan3A_170 = %scan3A_134) -> (i32)  : i32 {
        %rem3A_171 = arith.constant 3 : i32
        %rem3A_172 = arith.remsi %scan3A_169, %rem3A_171 : i32
        %ge3A = arith.constant 2 : i32
        %ge3A_173 = arith.cmpi sge, %scan3A_169, %ge3A : i32
        %convert_element_type3A = arith.extui %ge3A_173 : i1 to i32
        %cond3A = arith.constant 0 : i32
        %cond3A_174 = arith.cmpi ne, %convert_element_type3A, %cond3A : i32
        scf.if %cond3A_174 {
          %sub3A = arith.constant 2 : i32
          %sub3A_217 = arith.subi %scan3A_169, %sub3A : i32
          %rem3A_218 = arith.constant 3 : i32
          %rem3A_219 = arith.remsi %sub3A_217, %rem3A_218 : i32
          %dma_wait3A_220 = arith.constant 0 : i32
          %dma_wait3A_221 = arith.constant 0 : i32
          %dma_wait3A_222 = tpu.memref_slice %arg10[%rem3A_219, %dma_wait3A_220, %dma_wait3A_221] : memref<3x100x96xf32, #tpu.memory_space<vmem>> -> memref<1x100x96xf32, #tpu.memory_space<vmem>>
          %dma_wait3A_223 = tpu.memref_squeeze %dma_wait3A_222 : memref<1x100x96xf32, #tpu.memory_space<vmem>> -> memref<100x96xf32, #tpu.memory_space<vmem>>
          %dma_wait3A_224 = arith.constant 0 : i32
          %dma_wait3A_225 = tpu.memref_slice %arg8[%sub3A_217, %dma_wait3A_224] : memref<50x100xi32, #tpu.memory_space<vmem>> -> memref<1x100xi32, #tpu.memory_space<vmem>>
          %dma_wait3A_226 = tpu.memref_squeeze %dma_wait3A_225 : memref<1x100xi32, #tpu.memory_space<vmem>> -> memref<100xi32, #tpu.memory_space<vmem>>
          %dma_wait3A_227 = arith.constant 0 : i32
          %dma_wait3A_228 = arith.constant 0 : i32
          %dma_wait3A_229 = tpu.memref_slice %arg12[%dma_wait3A_227, %dma_wait3A_228] : memref<10000x96xf32, #tpu.memory_space<vmem_shared>> -> memref<10000x96xf32, #tpu.memory_space<vmem_shared>>
          tpu.wait_indirect_dma semaphore(%arg14 : memref<!tpu.dma_semaphore, #tpu.memory_space<semaphore_mem>>) src(%dma_wait3A_223 : memref<100x96xf32, #tpu.memory_space<vmem>>) dst(%dma_wait3A_229 : memref<10000x96xf32, #tpu.memory_space<vmem_shared>>)
        } else {
        }
        %add3A_175 = arith.constant 1 : i32
        %add3A_176 = arith.addi %scan3A_169, %add3A_175 : i32
        %lt3A = arith.constant 50 : i32
        %lt3A_177 = arith.cmpi slt, %add3A_176, %lt3A : i32
        %convert_element_type3A_178 = arith.extui %lt3A_177 : i1 to i32
        %cond3A_179 = arith.constant 0 : i32
        %cond3A_180 = arith.cmpi ne, %convert_element_type3A_178, %cond3A_179 : i32
        scf.if %cond3A_180 {
          %add3A_217 = arith.constant 1 : i32
          %add3A_218 = arith.addi %scan3A_169, %add3A_217 : i32
          %rem3A_219 = arith.constant 3 : i32
          %rem3A_220 = arith.remsi %add3A_218, %rem3A_219 : i32
          %dma_start3A_221 = arith.constant 0 : i32
          %dma_start3A_222 = arith.constant 0 : i32
          %dma_start3A_223 = tpu.memref_slice %arg10[%rem3A_220, %dma_start3A_221, %dma_start3A_222] : memref<3x100x96xf32, #tpu.memory_space<vmem>> -> memref<1x100x96xf32, #tpu.memory_space<vmem>>
          %dma_start3A_224 = tpu.memref_squeeze %dma_start3A_223 : memref<1x100x96xf32, #tpu.memory_space<vmem>> -> memref<100x96xf32, #tpu.memory_space<vmem>>
          %dma_start3A_225 = arith.constant 0 : i32
          %dma_start3A_226 = tpu.memref_slice %arg7[%add3A_218, %dma_start3A_225] : memref<50x100xi32, #tpu.memory_space<vmem>> -> memref<1x100xi32, #tpu.memory_space<vmem>>
          %dma_start3A_227 = tpu.memref_squeeze %dma_start3A_226 : memref<1x100xi32, #tpu.memory_space<vmem>> -> memref<100xi32, #tpu.memory_space<vmem>>
          %dma_start3A_228 = arith.constant 0 : i32
          %dma_start3A_229 = arith.constant 0 : i32
          %dma_start3A_230 = tpu.memref_slice %arg2[%arg0, %dma_start3A_228, %dma_start3A_229] : memref<2x10000x96xf32, #tpu.memory_space<hbm>> -> memref<1x10000x96xf32, #tpu.memory_space<hbm>>
          %dma_start3A_231 = tpu.memref_squeeze %dma_start3A_230 : memref<1x10000x96xf32, #tpu.memory_space<hbm>> -> memref<10000x96xf32, #tpu.memory_space<hbm>>
          %dma_start3A_232 = arith.constant 0 : i32
          %dma_start3A_233 = arith.constant 0 : i32
          %dma_start3A_234 = tpu.memref_slice %dma_start3A_231[%dma_start3A_232, %dma_start3A_233] : memref<10000x96xf32, #tpu.memory_space<hbm>> -> memref<10000x96xf32, #tpu.memory_space<hbm>>
          tpu.enqueue_indirect_dma source(%dma_start3A_234 : memref<10000x96xf32, #tpu.memory_space<hbm>>) target(%dma_start3A_224 : memref<100x96xf32, #tpu.memory_space<vmem>>) offsets(%dma_start3A_227 : memref<100xi32, #tpu.memory_space<vmem>>) semaphore(%arg13 : memref<!tpu.dma_semaphore, #tpu.memory_space<semaphore_mem>>)
        } else {
        }
        %rem3A_181 = arith.constant 3 : i32
        %rem3A_182 = arith.remsi %scan3A_169, %rem3A_181 : i32
        %dma_wait3A_183 = arith.constant 0 : i32
        %dma_wait3A_184 = arith.constant 0 : i32
        %dma_wait3A_185 = tpu.memref_slice %arg10[%rem3A_182, %dma_wait3A_183, %dma_wait3A_184] : memref<3x100x96xf32, #tpu.memory_space<vmem>> -> memref<1x100x96xf32, #tpu.memory_space<vmem>>
        %dma_wait3A_186 = tpu.memref_squeeze %dma_wait3A_185 : memref<1x100x96xf32, #tpu.memory_space<vmem>> -> memref<100x96xf32, #tpu.memory_space<vmem>>
        %dma_wait3A_187 = arith.constant 0 : i32
        %dma_wait3A_188 = tpu.memref_slice %arg7[%scan3A_169, %dma_wait3A_187] : memref<50x100xi32, #tpu.memory_space<vmem>> -> memref<1x100xi32, #tpu.memory_space<vmem>>
        %dma_wait3A_189 = tpu.memref_squeeze %dma_wait3A_188 : memref<1x100xi32, #tpu.memory_space<vmem>> -> memref<100xi32, #tpu.memory_space<vmem>>
        %dma_wait3A_190 = arith.constant 0 : i32
        %dma_wait3A_191 = arith.constant 0 : i32
        %dma_wait3A_192 = tpu.memref_slice %arg2[%arg0, %dma_wait3A_190, %dma_wait3A_191] : memref<2x10000x96xf32, #tpu.memory_space<hbm>> -> memref<1x10000x96xf32, #tpu.memory_space<hbm>>
        %dma_wait3A_193 = tpu.memref_squeeze %dma_wait3A_192 : memref<1x10000x96xf32, #tpu.memory_space<hbm>> -> memref<10000x96xf32, #tpu.memory_space<hbm>>
        %dma_wait3A_194 = arith.constant 0 : i32
        %dma_wait3A_195 = arith.constant 0 : i32
        %dma_wait3A_196 = tpu.memref_slice %dma_wait3A_193[%dma_wait3A_194, %dma_wait3A_195] : memref<10000x96xf32, #tpu.memory_space<hbm>> -> memref<10000x96xf32, #tpu.memory_space<hbm>>
        tpu.wait_indirect_dma semaphore(%arg13 : memref<!tpu.dma_semaphore, #tpu.memory_space<semaphore_mem>>) src(%dma_wait3A_196 : memref<10000x96xf32, #tpu.memory_space<hbm>>) dst(%dma_wait3A_186 : memref<100x96xf32, #tpu.memory_space<vmem>>)
        %broadcast_in_dim3A = vector.broadcast %scan3A_169 : i32 to vector<16xi32>
        %scan3A_197 = arith.constant 0 : i32
        %scan3A_198 = arith.constant 0 : i32
        %scan3A_199 = arith.constant 25 : i32
        %scan3A_200 = arith.addi %scan3A_198, %scan3A_199 : i32
        %scan3A_201 = arith.constant 1 : i32
        %scan3A_202 = scf.for %scan3A_217 = %scan3A_198 to %scan3A_200 step %scan3A_201 iter_args(%scan3A_218 = %scan3A_197) -> (i32)  : i32 {
          %mul3A_219 = arith.constant 4 : i32
          %mul3A_220 = arith.muli %scan3A_217, %mul3A_219 : i32
          %add3A_221 = arith.constant 0 : i32
          %add3A_222 = arith.addi %mul3A_220, %add3A_221 : i32
          %broadcast_in_dim3A_223 = vector.broadcast %add3A_222 : i32 to vector<16xi32>
          %gather3A = tpu.vector_load_idx %arg9[%broadcast_in_dim3A, %broadcast_in_dim3A_223] : memref<50x100xf32, #tpu.memory_space<vmem>>[vector<16xi32>, vector<16xi32>], vector<16xf32>,
          %get3A = arith.index_cast %rem3A_172 : i32 to index
          %get3A_224 = arith.index_cast %add3A_222 : i32 to index
          %get3A_225 = arith.constant 0 : index
          %get3A_226 = tpu.vector_load %arg10[%get3A, %get3A_224, %get3A_225] {strides = array<i32>} : memref<3x100x96xf32, #tpu.memory_space<vmem>>, vector<16xf32>,
          %mul3A_227 = arith.mulf %get3A_226, %gather3A : vector<16xf32>
          %swap3A = arith.index_cast %rem3A_172 : i32 to index
          %swap3A_228 = arith.index_cast %add3A_222 : i32 to index
          %swap3A_229 = arith.constant 0 : index
          %swap3A_230 = tpu.vector_load %arg10[%swap3A, %swap3A_228, %swap3A_229] {strides = array<i32>} : memref<3x100x96xf32, #tpu.memory_space<vmem>>, vector<16xf32>,
          tpu.vector_store %arg10[%swap3A, %swap3A_228, %swap3A_229], %mul3A_227 {strides = array<i32>} : memref<3x100x96xf32, #tpu.memory_space<vmem>>, vector<16xf32>,
          %get3A_231 = arith.index_cast %rem3A_172 : i32 to index
          %get3A_232 = arith.index_cast %add3A_222 : i32 to index
          %get3A_233 = arith.constant 16 : index
          %get3A_234 = tpu.vector_load %arg10[%get3A_231, %get3A_232, %get3A_233] {strides = array<i32>} : memref<3x100x96xf32, #tpu.memory_space<vmem>>, vector<16xf32>,
          %mul3A_235 = arith.mulf %get3A_234, %gather3A : vector<16xf32>
          %swap3A_236 = arith.index_cast %rem3A_172 : i32 to index
          %swap3A_237 = arith.index_cast %add3A_222 : i32 to index
          %swap3A_238 = arith.constant 16 : index
          %swap3A_239 = tpu.vector_load %arg10[%swap3A_236, %swap3A_237, %swap3A_238] {strides = array<i32>} : memref<3x100x96xf32, #tpu.memory_space<vmem>>, vector<16xf32>,
          tpu.vector_store %arg10[%swap3A_236, %swap3A_237, %swap3A_238], %mul3A_235 {strides = array<i32>} : memref<3x100x96xf32, #tpu.memory_space<vmem>>, vector<16xf32>,
          %get3A_240 = arith.index_cast %rem3A_172 : i32 to index
          %get3A_241 = arith.index_cast %add3A_222 : i32 to index
          %get3A_242 = arith.constant 32 : index
          %get3A_243 = tpu.vector_load %arg10[%get3A_240, %get3A_241, %get3A_242] {strides = array<i32>} : memref<3x100x96xf32, #tpu.memory_space<vmem>>, vector<16xf32>,
          %mul3A_244 = arith.mulf %get3A_243, %gather3A : vector<16xf32>
          %swap3A_245 = arith.index_cast %rem3A_172 : i32 to index
          %swap3A_246 = arith.index_cast %add3A_222 : i32 to index
          %swap3A_247 = arith.constant 32 : index
          %swap3A_248 = tpu.vector_load %arg10[%swap3A_245, %swap3A_246, %swap3A_247] {strides = array<i32>} : memref<3x100x96xf32, #tpu.memory_space<vmem>>, vector<16xf32>,
          tpu.vector_store %arg10[%swap3A_245, %swap3A_246, %swap3A_247], %mul3A_244 {strides = array<i32>} : memref<3x100x96xf32, #tpu.memory_space<vmem>>, vector<16xf32>,
          %get3A_249 = arith.index_cast %rem3A_172 : i32 to index
          %get3A_250 = arith.index_cast %add3A_222 : i32 to index
          %get3A_251 = arith.constant 48 : index
          %get3A_252 = tpu.vector_load %arg10[%get3A_249, %get3A_250, %get3A_251] {strides = array<i32>} : memref<3x100x96xf32, #tpu.memory_space<vmem>>, vector<16xf32>,
          %mul3A_253 = arith.mulf %get3A_252, %gather3A : vector<16xf32>
          %swap3A_254 = arith.index_cast %rem3A_172 : i32 to index
          %swap3A_255 = arith.index_cast %add3A_222 : i32 to index
          %swap3A_256 = arith.constant 48 : index
          %swap3A_257 = tpu.vector_load %arg10[%swap3A_254, %swap3A_255, %swap3A_256] {strides = array<i32>} : memref<3x100x96xf32, #tpu.memory_space<vmem>>, vector<16xf32>,
          tpu.vector_store %arg10[%swap3A_254, %swap3A_255, %swap3A_256], %mul3A_253 {strides = array<i32>} : memref<3x100x96xf32, #tpu.memory_space<vmem>>, vector<16xf32>,
          %get3A_258 = arith.index_cast %rem3A_172 : i32 to index
          %get3A_259 = arith.index_cast %add3A_222 : i32 to index
          %get3A_260 = arith.constant 64 : index
          %get3A_261 = tpu.vector_load %arg10[%get3A_258, %get3A_259, %get3A_260] {strides = array<i32>} : memref<3x100x96xf32, #tpu.memory_space<vmem>>, vector<16xf32>,
          %mul3A_262 = arith.mulf %get3A_261, %gather3A : vector<16xf32>
          %swap3A_263 = arith.index_cast %rem3A_172 : i32 to index
          %swap3A_264 = arith.index_cast %add3A_222 : i32 to index
          %swap3A_265 = arith.constant 64 : index
          %swap3A_266 = tpu.vector_load %arg10[%swap3A_263, %swap3A_264, %swap3A_265] {strides = array<i32>} : memref<3x100x96xf32, #tpu.memory_space<vmem>>, vector<16xf32>,
          tpu.vector_store %arg10[%swap3A_263, %swap3A_264, %swap3A_265], %mul3A_262 {strides = array<i32>} : memref<3x100x96xf32, #tpu.memory_space<vmem>>, vector<16xf32>,
          %get3A_267 = arith.index_cast %rem3A_172 : i32 to index
          %get3A_268 = arith.index_cast %add3A_222 : i32 to index
          %get3A_269 = arith.constant 80 : index
          %get3A_270 = tpu.vector_load %arg10[%get3A_267, %get3A_268, %get3A_269] {strides = array<i32>} : memref<3x100x96xf32, #tpu.memory_space<vmem>>, vector<16xf32>,
          %mul3A_271 = arith.mulf %get3A_270, %gather3A : vector<16xf32>
          %swap3A_272 = arith.index_cast %rem3A_172 : i32 to index
          %swap3A_273 = arith.index_cast %add3A_222 : i32 to index
          %swap3A_274 = arith.constant 80 : index
          %swap3A_275 = tpu.vector_load %arg10[%swap3A_272, %swap3A_273, %swap3A_274] {strides = array<i32>} : memref<3x100x96xf32, #tpu.memory_space<vmem>>, vector<16xf32>,
          tpu.vector_store %arg10[%swap3A_272, %swap3A_273, %swap3A_274], %mul3A_271 {strides = array<i32>} : memref<3x100x96xf32, #tpu.memory_space<vmem>>, vector<16xf32>,
          %mul3A_276 = arith.constant 4 : i32
          %mul3A_277 = arith.muli %scan3A_217, %mul3A_276 : i32
          %add3A_278 = arith.constant 1 : i32
          %add3A_279 = arith.addi %mul3A_277, %add3A_278 : i32
          %broadcast_in_dim3A_280 = vector.broadcast %add3A_279 : i32 to vector<16xi32>
          %gather3A_281 = tpu.vector_load_idx %arg9[%broadcast_in_dim3A, %broadcast_in_dim3A_280] : memref<50x100xf32, #tpu.memory_space<vmem>>[vector<16xi32>, vector<16xi32>], vector<16xf32>,
          %get3A_282 = arith.index_cast %rem3A_172 : i32 to index
          %get3A_283 = arith.index_cast %add3A_279 : i32 to index
          %get3A_284 = arith.constant 0 : index
          %get3A_285 = tpu.vector_load %arg10[%get3A_282, %get3A_283, %get3A_284] {strides = array<i32>} : memref<3x100x96xf32, #tpu.memory_space<vmem>>, vector<16xf32>,
          %mul3A_286 = arith.mulf %get3A_285, %gather3A_281 : vector<16xf32>
          %swap3A_287 = arith.index_cast %rem3A_172 : i32 to index
          %swap3A_288 = arith.index_cast %add3A_279 : i32 to index
          %swap3A_289 = arith.constant 0 : index
          %swap3A_290 = tpu.vector_load %arg10[%swap3A_287, %swap3A_288, %swap3A_289] {strides = array<i32>} : memref<3x100x96xf32, #tpu.memory_space<vmem>>, vector<16xf32>,
          tpu.vector_store %arg10[%swap3A_287, %swap3A_288, %swap3A_289], %mul3A_286 {strides = array<i32>} : memref<3x100x96xf32, #tpu.memory_space<vmem>>, vector<16xf32>,
          %get3A_291 = arith.index_cast %rem3A_172 : i32 to index
          %get3A_292 = arith.index_cast %add3A_279 : i32 to index
          %get3A_293 = arith.constant 16 : index
          %get3A_294 = tpu.vector_load %arg10[%get3A_291, %get3A_292, %get3A_293] {strides = array<i32>} : memref<3x100x96xf32, #tpu.memory_space<vmem>>, vector<16xf32>,
          %mul3A_295 = arith.mulf %get3A_294, %gather3A_281 : vector<16xf32>
          %swap3A_296 = arith.index_cast %rem3A_172 : i32 to index
          %swap3A_297 = arith.index_cast %add3A_279 : i32 to index
          %swap3A_298 = arith.constant 16 : index
          %swap3A_299 = tpu.vector_load %arg10[%swap3A_296, %swap3A_297, %swap3A_298] {strides = array<i32>} : memref<3x100x96xf32, #tpu.memory_space<vmem>>, vector<16xf32>,
          tpu.vector_store %arg10[%swap3A_296, %swap3A_297, %swap3A_298], %mul3A_295 {strides = array<i32>} : memref<3x100x96xf32, #tpu.memory_space<vmem>>, vector<16xf32>,
          %get3A_300 = arith.index_cast %rem3A_172 : i32 to index
          %get3A_301 = arith.index_cast %add3A_279 : i32 to index
          %get3A_302 = arith.constant 32 : index
          %get3A_303 = tpu.vector_load %arg10[%get3A_300, %get3A_301, %get3A_302] {strides = array<i32>} : memref<3x100x96xf32, #tpu.memory_space<vmem>>, vector<16xf32>,
          %mul3A_304 = arith.mulf %get3A_303, %gather3A_281 : vector<16xf32>
          %swap3A_305 = arith.index_cast %rem3A_172 : i32 to index
          %swap3A_306 = arith.index_cast %add3A_279 : i32 to index
          %swap3A_307 = arith.constant 32 : index
          %swap3A_308 = tpu.vector_load %arg10[%swap3A_305, %swap3A_306, %swap3A_307] {strides = array<i32>} : memref<3x100x96xf32, #tpu.memory_space<vmem>>, vector<16xf32>,
          tpu.vector_store %arg10[%swap3A_305, %swap3A_306, %swap3A_307], %mul3A_304 {strides = array<i32>} : memref<3x100x96xf32, #tpu.memory_space<vmem>>, vector<16xf32>,
          %get3A_309 = arith.index_cast %rem3A_172 : i32 to index
          %get3A_310 = arith.index_cast %add3A_279 : i32 to index
          %get3A_311 = arith.constant 48 : index
          %get3A_312 = tpu.vector_load %arg10[%get3A_309, %get3A_310, %get3A_311] {strides = array<i32>} : memref<3x100x96xf32, #tpu.memory_space<vmem>>, vector<16xf32>,
          %mul3A_313 = arith.mulf %get3A_312, %gather3A_281 : vector<16xf32>
          %swap3A_314 = arith.index_cast %rem3A_172 : i32 to index
          %swap3A_315 = arith.index_cast %add3A_279 : i32 to index
          %swap3A_316 = arith.constant 48 : index
          %swap3A_317 = tpu.vector_load %arg10[%swap3A_314, %swap3A_315, %swap3A_316] {strides = array<i32>} : memref<3x100x96xf32, #tpu.memory_space<vmem>>, vector<16xf32>,
          tpu.vector_store %arg10[%swap3A_314, %swap3A_315, %swap3A_316], %mul3A_313 {strides = array<i32>} : memref<3x100x96xf32, #tpu.memory_space<vmem>>, vector<16xf32>,
          %get3A_318 = arith.index_cast %rem3A_172 : i32 to index
          %get3A_319 = arith.index_cast %add3A_279 : i32 to index
          %get3A_320 = arith.constant 64 : index
          %get3A_321 = tpu.vector_load %arg10[%get3A_318, %get3A_319, %get3A_320] {strides = array<i32>} : memref<3x100x96xf32, #tpu.memory_space<vmem>>, vector<16xf32>,
          %mul3A_322 = arith.mulf %get3A_321, %gather3A_281 : vector<16xf32>
          %swap3A_323 = arith.index_cast %rem3A_172 : i32 to index
          %swap3A_324 = arith.index_cast %add3A_279 : i32 to index
          %swap3A_325 = arith.constant 64 : index
          %swap3A_326 = tpu.vector_load %arg10[%swap3A_323, %swap3A_324, %swap3A_325] {strides = array<i32>} : memref<3x100x96xf32, #tpu.memory_space<vmem>>, vector<16xf32>,
          tpu.vector_store %arg10[%swap3A_323, %swap3A_324, %swap3A_325], %mul3A_322 {strides = array<i32>} : memref<3x100x96xf32, #tpu.memory_space<vmem>>, vector<16xf32>,
          %get3A_327 = arith.index_cast %rem3A_172 : i32 to index
          %get3A_328 = arith.index_cast %add3A_279 : i32 to index
          %get3A_329 = arith.constant 80 : index
          %get3A_330 = tpu.vector_load %arg10[%get3A_327, %get3A_328, %get3A_329] {strides = array<i32>} : memref<3x100x96xf32, #tpu.memory_space<vmem>>, vector<16xf32>,
          %mul3A_331 = arith.mulf %get3A_330, %gather3A_281 : vector<16xf32>
          %swap3A_332 = arith.index_cast %rem3A_172 : i32 to index
          %swap3A_333 = arith.index_cast %add3A_279 : i32 to index
          %swap3A_334 = arith.constant 80 : index
          %swap3A_335 = tpu.vector_load %arg10[%swap3A_332, %swap3A_333, %swap3A_334] {strides = array<i32>} : memref<3x100x96xf32, #tpu.memory_space<vmem>>, vector<16xf32>,
          tpu.vector_store %arg10[%swap3A_332, %swap3A_333, %swap3A_334], %mul3A_331 {strides = array<i32>} : memref<3x100x96xf32, #tpu.memory_space<vmem>>, vector<16xf32>,
          %mul3A_336 = arith.constant 4 : i32
          %mul3A_337 = arith.muli %scan3A_217, %mul3A_336 : i32
          %add3A_338 = arith.constant 2 : i32
          %add3A_339 = arith.addi %mul3A_337, %add3A_338 : i32
          %broadcast_in_dim3A_340 = vector.broadcast %add3A_339 : i32 to vector<16xi32>
          %gather3A_341 = tpu.vector_load_idx %arg9[%broadcast_in_dim3A, %broadcast_in_dim3A_340] : memref<50x100xf32, #tpu.memory_space<vmem>>[vector<16xi32>, vector<16xi32>], vector<16xf32>,
          %get3A_342 = arith.index_cast %rem3A_172 : i32 to index
          %get3A_343 = arith.index_cast %add3A_339 : i32 to index
          %get3A_344 = arith.constant 0 : index
          %get3A_345 = tpu.vector_load %arg10[%get3A_342, %get3A_343, %get3A_344] {strides = array<i32>} : memref<3x100x96xf32, #tpu.memory_space<vmem>>, vector<16xf32>,
          %mul3A_346 = arith.mulf %get3A_345, %gather3A_341 : vector<16xf32>
          %swap3A_347 = arith.index_cast %rem3A_172 : i32 to index
          %swap3A_348 = arith.index_cast %add3A_339 : i32 to index
          %swap3A_349 = arith.constant 0 : index
          %swap3A_350 = tpu.vector_load %arg10[%swap3A_347, %swap3A_348, %swap3A_349] {strides = array<i32>} : memref<3x100x96xf32, #tpu.memory_space<vmem>>, vector<16xf32>,
          tpu.vector_store %arg10[%swap3A_347, %swap3A_348, %swap3A_349], %mul3A_346 {strides = array<i32>} : memref<3x100x96xf32, #tpu.memory_space<vmem>>, vector<16xf32>,
          %get3A_351 = arith.index_cast %rem3A_172 : i32 to index
          %get3A_352 = arith.index_cast %add3A_339 : i32 to index
          %get3A_353 = arith.constant 16 : index
          %get3A_354 = tpu.vector_load %arg10[%get3A_351, %get3A_352, %get3A_353] {strides = array<i32>} : memref<3x100x96xf32, #tpu.memory_space<vmem>>, vector<16xf32>,
          %mul3A_355 = arith.mulf %get3A_354, %gather3A_341 : vector<16xf32>
          %swap3A_356 = arith.index_cast %rem3A_172 : i32 to index
          %swap3A_357 = arith.index_cast %add3A_339 : i32 to index
          %swap3A_358 = arith.constant 16 : index
          %swap3A_359 = tpu.vector_load %arg10[%swap3A_356, %swap3A_357, %swap3A_358] {strides = array<i32>} : memref<3x100x96xf32, #tpu.memory_space<vmem>>, vector<16xf32>,
          tpu.vector_store %arg10[%swap3A_356, %swap3A_357, %swap3A_358], %mul3A_355 {strides = array<i32>} : memref<3x100x96xf32, #tpu.memory_space<vmem>>, vector<16xf32>,
          %get3A_360 = arith.index_cast %rem3A_172 : i32 to index
          %get3A_361 = arith.index_cast %add3A_339 : i32 to index
          %get3A_362 = arith.constant 32 : index
          %get3A_363 = tpu.vector_load %arg10[%get3A_360, %get3A_361, %get3A_362] {strides = array<i32>} : memref<3x100x96xf32, #tpu.memory_space<vmem>>, vector<16xf32>,
          %mul3A_364 = arith.mulf %get3A_363, %gather3A_341 : vector<16xf32>
          %swap3A_365 = arith.index_cast %rem3A_172 : i32 to index
          %swap3A_366 = arith.index_cast %add3A_339 : i32 to index
          %swap3A_367 = arith.constant 32 : index
          %swap3A_368 = tpu.vector_load %arg10[%swap3A_365, %swap3A_366, %swap3A_367] {strides = array<i32>} : memref<3x100x96xf32, #tpu.memory_space<vmem>>, vector<16xf32>,
          tpu.vector_store %arg10[%swap3A_365, %swap3A_366, %swap3A_367], %mul3A_364 {strides = array<i32>} : memref<3x100x96xf32, #tpu.memory_space<vmem>>, vector<16xf32>,
          %get3A_369 = arith.index_cast %rem3A_172 : i32 to index
          %get3A_370 = arith.index_cast %add3A_339 : i32 to index
          %get3A_371 = arith.constant 48 : index
          %get3A_372 = tpu.vector_load %arg10[%get3A_369, %get3A_370, %get3A_371] {strides = array<i32>} : memref<3x100x96xf32, #tpu.memory_space<vmem>>, vector<16xf32>,
          %mul3A_373 = arith.mulf %get3A_372, %gather3A_341 : vector<16xf32>
          %swap3A_374 = arith.index_cast %rem3A_172 : i32 to index
          %swap3A_375 = arith.index_cast %add3A_339 : i32 to index
          %swap3A_376 = arith.constant 48 : index
          %swap3A_377 = tpu.vector_load %arg10[%swap3A_374, %swap3A_375, %swap3A_376] {strides = array<i32>} : memref<3x100x96xf32, #tpu.memory_space<vmem>>, vector<16xf32>,
          tpu.vector_store %arg10[%swap3A_374, %swap3A_375, %swap3A_376], %mul3A_373 {strides = array<i32>} : memref<3x100x96xf32, #tpu.memory_space<vmem>>, vector<16xf32>,
          %get3A_378 = arith.index_cast %rem3A_172 : i32 to index
          %get3A_379 = arith.index_cast %add3A_339 : i32 to index
          %get3A_380 = arith.constant 64 : index
          %get3A_381 = tpu.vector_load %arg10[%get3A_378, %get3A_379, %get3A_380] {strides = array<i32>} : memref<3x100x96xf32, #tpu.memory_space<vmem>>, vector<16xf32>,
          %mul3A_382 = arith.mulf %get3A_381, %gather3A_341 : vector<16xf32>
          %swap3A_383 = arith.index_cast %rem3A_172 : i32 to index
          %swap3A_384 = arith.index_cast %add3A_339 : i32 to index
          %swap3A_385 = arith.constant 64 : index
          %swap3A_386 = tpu.vector_load %arg10[%swap3A_383, %swap3A_384, %swap3A_385] {strides = array<i32>} : memref<3x100x96xf32, #tpu.memory_space<vmem>>, vector<16xf32>,
          tpu.vector_store %arg10[%swap3A_383, %swap3A_384, %swap3A_385], %mul3A_382 {strides = array<i32>} : memref<3x100x96xf32, #tpu.memory_space<vmem>>, vector<16xf32>,
          %get3A_387 = arith.index_cast %rem3A_172 : i32 to index
          %get3A_388 = arith.index_cast %add3A_339 : i32 to index
          %get3A_389 = arith.constant 80 : index
          %get3A_390 = tpu.vector_load %arg10[%get3A_387, %get3A_388, %get3A_389] {strides = array<i32>} : memref<3x100x96xf32, #tpu.memory_space<vmem>>, vector<16xf32>,
          %mul3A_391 = arith.mulf %get3A_390, %gather3A_341 : vector<16xf32>
          %swap3A_392 = arith.index_cast %rem3A_172 : i32 to index
          %swap3A_393 = arith.index_cast %add3A_339 : i32 to index
          %swap3A_394 = arith.constant 80 : index
          %swap3A_395 = tpu.vector_load %arg10[%swap3A_392, %swap3A_393, %swap3A_394] {strides = array<i32>} : memref<3x100x96xf32, #tpu.memory_space<vmem>>, vector<16xf32>,
          tpu.vector_store %arg10[%swap3A_392, %swap3A_393, %swap3A_394], %mul3A_391 {strides = array<i32>} : memref<3x100x96xf32, #tpu.memory_space<vmem>>, vector<16xf32>,
          %mul3A_396 = arith.constant 4 : i32
          %mul3A_397 = arith.muli %scan3A_217, %mul3A_396 : i32
          %add3A_398 = arith.constant 3 : i32
          %add3A_399 = arith.addi %mul3A_397, %add3A_398 : i32
          %broadcast_in_dim3A_400 = vector.broadcast %add3A_399 : i32 to vector<16xi32>
          %gather3A_401 = tpu.vector_load_idx %arg9[%broadcast_in_dim3A, %broadcast_in_dim3A_400] : memref<50x100xf32, #tpu.memory_space<vmem>>[vector<16xi32>, vector<16xi32>], vector<16xf32>,
          %get3A_402 = arith.index_cast %rem3A_172 : i32 to index
          %get3A_403 = arith.index_cast %add3A_399 : i32 to index
          %get3A_404 = arith.constant 0 : index
          %get3A_405 = tpu.vector_load %arg10[%get3A_402, %get3A_403, %get3A_404] {strides = array<i32>} : memref<3x100x96xf32, #tpu.memory_space<vmem>>, vector<16xf32>,
          %mul3A_406 = arith.mulf %get3A_405, %gather3A_401 : vector<16xf32>
          %swap3A_407 = arith.index_cast %rem3A_172 : i32 to index
          %swap3A_408 = arith.index_cast %add3A_399 : i32 to index
          %swap3A_409 = arith.constant 0 : index
          %swap3A_410 = tpu.vector_load %arg10[%swap3A_407, %swap3A_408, %swap3A_409] {strides = array<i32>} : memref<3x100x96xf32, #tpu.memory_space<vmem>>, vector<16xf32>,
          tpu.vector_store %arg10[%swap3A_407, %swap3A_408, %swap3A_409], %mul3A_406 {strides = array<i32>} : memref<3x100x96xf32, #tpu.memory_space<vmem>>, vector<16xf32>,
          %get3A_411 = arith.index_cast %rem3A_172 : i32 to index
          %get3A_412 = arith.index_cast %add3A_399 : i32 to index
          %get3A_413 = arith.constant 16 : index
          %get3A_414 = tpu.vector_load %arg10[%get3A_411, %get3A_412, %get3A_413] {strides = array<i32>} : memref<3x100x96xf32, #tpu.memory_space<vmem>>, vector<16xf32>,
          %mul3A_415 = arith.mulf %get3A_414, %gather3A_401 : vector<16xf32>
          %swap3A_416 = arith.index_cast %rem3A_172 : i32 to index
          %swap3A_417 = arith.index_cast %add3A_399 : i32 to index
          %swap3A_418 = arith.constant 16 : index
          %swap3A_419 = tpu.vector_load %arg10[%swap3A_416, %swap3A_417, %swap3A_418] {strides = array<i32>} : memref<3x100x96xf32, #tpu.memory_space<vmem>>, vector<16xf32>,
          tpu.vector_store %arg10[%swap3A_416, %swap3A_417, %swap3A_418], %mul3A_415 {strides = array<i32>} : memref<3x100x96xf32, #tpu.memory_space<vmem>>, vector<16xf32>,
          %get3A_420 = arith.index_cast %rem3A_172 : i32 to index
          %get3A_421 = arith.index_cast %add3A_399 : i32 to index
          %get3A_422 = arith.constant 32 : index
          %get3A_423 = tpu.vector_load %arg10[%get3A_420, %get3A_421, %get3A_422] {strides = array<i32>} : memref<3x100x96xf32, #tpu.memory_space<vmem>>, vector<16xf32>,
          %mul3A_424 = arith.mulf %get3A_423, %gather3A_401 : vector<16xf32>
          %swap3A_425 = arith.index_cast %rem3A_172 : i32 to index
          %swap3A_426 = arith.index_cast %add3A_399 : i32 to index
          %swap3A_427 = arith.constant 32 : index
          %swap3A_428 = tpu.vector_load %arg10[%swap3A_425, %swap3A_426, %swap3A_427] {strides = array<i32>} : memref<3x100x96xf32, #tpu.memory_space<vmem>>, vector<16xf32>,
          tpu.vector_store %arg10[%swap3A_425, %swap3A_426, %swap3A_427], %mul3A_424 {strides = array<i32>} : memref<3x100x96xf32, #tpu.memory_space<vmem>>, vector<16xf32>,
          %get3A_429 = arith.index_cast %rem3A_172 : i32 to index
          %get3A_430 = arith.index_cast %add3A_399 : i32 to index
          %get3A_431 = arith.constant 48 : index
          %get3A_432 = tpu.vector_load %arg10[%get3A_429, %get3A_430, %get3A_431] {strides = array<i32>} : memref<3x100x96xf32, #tpu.memory_space<vmem>>, vector<16xf32>,
          %mul3A_433 = arith.mulf %get3A_432, %gather3A_401 : vector<16xf32>
          %swap3A_434 = arith.index_cast %rem3A_172 : i32 to index
          %swap3A_435 = arith.index_cast %add3A_399 : i32 to index
          %swap3A_436 = arith.constant 48 : index
          %swap3A_437 = tpu.vector_load %arg10[%swap3A_434, %swap3A_435, %swap3A_436] {strides = array<i32>} : memref<3x100x96xf32, #tpu.memory_space<vmem>>, vector<16xf32>,
          tpu.vector_store %arg10[%swap3A_434, %swap3A_435, %swap3A_436], %mul3A_433 {strides = array<i32>} : memref<3x100x96xf32, #tpu.memory_space<vmem>>, vector<16xf32>,
          %get3A_438 = arith.index_cast %rem3A_172 : i32 to index
          %get3A_439 = arith.index_cast %add3A_399 : i32 to index
          %get3A_440 = arith.constant 64 : index
          %get3A_441 = tpu.vector_load %arg10[%get3A_438, %get3A_439, %get3A_440] {strides = array<i32>} : memref<3x100x96xf32, #tpu.memory_space<vmem>>, vector<16xf32>,
          %mul3A_442 = arith.mulf %get3A_441, %gather3A_401 : vector<16xf32>
          %swap3A_443 = arith.index_cast %rem3A_172 : i32 to index
          %swap3A_444 = arith.index_cast %add3A_399 : i32 to index
          %swap3A_445 = arith.constant 64 : index
          %swap3A_446 = tpu.vector_load %arg10[%swap3A_443, %swap3A_444, %swap3A_445] {strides = array<i32>} : memref<3x100x96xf32, #tpu.memory_space<vmem>>, vector<16xf32>,
          tpu.vector_store %arg10[%swap3A_443, %swap3A_444, %swap3A_445], %mul3A_442 {strides = array<i32>} : memref<3x100x96xf32, #tpu.memory_space<vmem>>, vector<16xf32>,
          %get3A_447 = arith.index_cast %rem3A_172 : i32 to index
          %get3A_448 = arith.index_cast %add3A_399 : i32 to index
          %get3A_449 = arith.constant 80 : index
          %get3A_450 = tpu.vector_load %arg10[%get3A_447, %get3A_448, %get3A_449] {strides = array<i32>} : memref<3x100x96xf32, #tpu.memory_space<vmem>>, vector<16xf32>,
          %mul3A_451 = arith.mulf %get3A_450, %gather3A_401 : vector<16xf32>
          %swap3A_452 = arith.index_cast %rem3A_172 : i32 to index
          %swap3A_453 = arith.index_cast %add3A_399 : i32 to index
          %swap3A_454 = arith.constant 80 : index
          %swap3A_455 = tpu.vector_load %arg10[%swap3A_452, %swap3A_453, %swap3A_454] {strides = array<i32>} : memref<3x100x96xf32, #tpu.memory_space<vmem>>, vector<16xf32>,
          tpu.vector_store %arg10[%swap3A_452, %swap3A_453, %swap3A_454], %mul3A_451 {strides = array<i32>} : memref<3x100x96xf32, #tpu.memory_space<vmem>>, vector<16xf32>,
          %scan3A_456 = arith.constant 0 : i32
          scf.yield %scan3A_456 : i32
        }
        %scan3A_203 = arith.constant 25 : i32
        %rem3A_204 = arith.constant 3 : i32
        %rem3A_205 = arith.remsi %scan3A_169, %rem3A_204 : i32
        %dma_start3A_206 = arith.constant 0 : i32
        %dma_start3A_207 = arith.constant 0 : i32
        %dma_start3A_208 = tpu.memref_slice %arg10[%rem3A_205, %dma_start3A_206, %dma_start3A_207] : memref<3x100x96xf32, #tpu.memory_space<vmem>> -> memref<1x100x96xf32, #tpu.memory_space<vmem>>
        %dma_start3A_209 = tpu.memref_squeeze %dma_start3A_208 : memref<1x100x96xf32, #tpu.memory_space<vmem>> -> memref<100x96xf32, #tpu.memory_space<vmem>>
        %dma_start3A_210 = arith.constant 0 : i32
        %dma_start3A_211 = tpu.memref_slice %arg8[%scan3A_169, %dma_start3A_210] : memref<50x100xi32, #tpu.memory_space<vmem>> -> memref<1x100xi32, #tpu.memory_space<vmem>>
        %dma_start3A_212 = tpu.memref_squeeze %dma_start3A_211 : memref<1x100xi32, #tpu.memory_space<vmem>> -> memref<100xi32, #tpu.memory_space<vmem>>
        %dma_start3A_213 = arith.constant 0 : i32
        %dma_start3A_214 = arith.constant 0 : i32
        %dma_start3A_215 = tpu.memref_slice %arg12[%dma_start3A_213, %dma_start3A_214] : memref<10000x96xf32, #tpu.memory_space<vmem_shared>> -> memref<10000x96xf32, #tpu.memory_space<vmem_shared>>
        tpu.enqueue_indirect_dma source(%dma_start3A_209 : memref<100x96xf32, #tpu.memory_space<vmem>>) target(%dma_start3A_215 : memref<10000x96xf32, #tpu.memory_space<vmem_shared>>) offsets(%dma_start3A_212 : memref<100xi32, #tpu.memory_space<vmem>>) semaphore(%arg14 : memref<!tpu.dma_semaphore, #tpu.memory_space<semaphore_mem>>) {add = true}
        %scan3A_216 = arith.constant 0 : i32
        scf.yield %scan3A_216 : i32
      }
      %scan3A_140 = arith.constant 50 : i32
      %rem3A_141 = arith.constant 48 : i32
      %rem3A_142 = arith.constant 3 : i32
      %rem3A_143 = arith.remsi %rem3A_141, %rem3A_142 : i32
      %dma_wait3A = arith.constant 48 : i32
      %dma_wait3A_144 = arith.constant 0 : i32
      %dma_wait3A_145 = arith.constant 0 : i32
      %dma_wait3A_146 = tpu.memref_slice %arg10[%rem3A_143, %dma_wait3A_144, %dma_wait3A_145] : memref<3x100x96xf32, #tpu.memory_space<vmem>> -> memref<1x100x96xf32, #tpu.memory_space<vmem>>
      %dma_wait3A_147 = tpu.memref_squeeze %dma_wait3A_146 : memref<1x100x96xf32, #tpu.memory_space<vmem>> -> memref<100x96xf32, #tpu.memory_space<vmem>>
      %dma_wait3A_148 = arith.constant 0 : i32
      %dma_wait3A_149 = tpu.memref_slice %arg8[%dma_wait3A, %dma_wait3A_148] : memref<50x100xi32, #tpu.memory_space<vmem>> -> memref<1x100xi32, #tpu.memory_space<vmem>>
      %dma_wait3A_150 = tpu.memref_squeeze %dma_wait3A_149 : memref<1x100xi32, #tpu.memory_space<vmem>> -> memref<100xi32, #tpu.memory_space<vmem>>
      %dma_wait3A_151 = arith.constant 0 : i32
      %dma_wait3A_152 = arith.constant 0 : i32
      %dma_wait3A_153 = tpu.memref_slice %arg12[%dma_wait3A_151, %dma_wait3A_152] : memref<10000x96xf32, #tpu.memory_space<vmem_shared>> -> memref<10000x96xf32, #tpu.memory_space<vmem_shared>>
      tpu.wait_indirect_dma semaphore(%arg14 : memref<!tpu.dma_semaphore, #tpu.memory_space<semaphore_mem>>) src(%dma_wait3A_147 : memref<100x96xf32, #tpu.memory_space<vmem>>) dst(%dma_wait3A_153 : memref<10000x96xf32, #tpu.memory_space<vmem_shared>>)
      %rem3A_154 = arith.constant 49 : i32
      %rem3A_155 = arith.constant 3 : i32
      %rem3A_156 = arith.remsi %rem3A_154, %rem3A_155 : i32
      %dma_wait3A_157 = arith.constant 49 : i32
      %dma_wait3A_158 = arith.constant 0 : i32
      %dma_wait3A_159 = arith.constant 0 : i32
      %dma_wait3A_160 = tpu.memref_slice %arg10[%rem3A_156, %dma_wait3A_158, %dma_wait3A_159] : memref<3x100x96xf32, #tpu.memory_space<vmem>> -> memref<1x100x96xf32, #tpu.memory_space<vmem>>
      %dma_wait3A_161 = tpu.memref_squeeze %dma_wait3A_160 : memref<1x100x96xf32, #tpu.memory_space<vmem>> -> memref<100x96xf32, #tpu.memory_space<vmem>>
      %dma_wait3A_162 = arith.constant 0 : i32
      %dma_wait3A_163 = tpu.memref_slice %arg8[%dma_wait3A_157, %dma_wait3A_162] : memref<50x100xi32, #tpu.memory_space<vmem>> -> memref<1x100xi32, #tpu.memory_space<vmem>>
      %dma_wait3A_164 = tpu.memref_squeeze %dma_wait3A_163 : memref<1x100xi32, #tpu.memory_space<vmem>> -> memref<100xi32, #tpu.memory_space<vmem>>
      %dma_wait3A_165 = arith.constant 0 : i32
      %dma_wait3A_166 = arith.constant 0 : i32
      %dma_wait3A_167 = tpu.memref_slice %arg12[%dma_wait3A_165, %dma_wait3A_166] : memref<10000x96xf32, #tpu.memory_space<vmem_shared>> -> memref<10000x96xf32, #tpu.memory_space<vmem_shared>>
      tpu.wait_indirect_dma semaphore(%arg14 : memref<!tpu.dma_semaphore, #tpu.memory_space<semaphore_mem>>) src(%dma_wait3A_161 : memref<100x96xf32, #tpu.memory_space<vmem>>) dst(%dma_wait3A_167 : memref<10000x96xf32, #tpu.memory_space<vmem_shared>>)
      %scan3A_168 = arith.constant 0 : i32
      scf.yield %scan3A_168 : i32
    }
    %scan3A_110 = arith.constant 4 : i32
    %barrier3A_111 = arith.constant 0 : index
    tpu.barrier barrier_id(%barrier3A_111)
    %mul3A_112 = arith.constant 625 : i32
    %mul3A_113 = arith.muli %arg1, %mul3A_112 : i32
    %mul3A_114 = arith.constant 625 : i32
    %mul3A_115 = arith.muli %arg1, %mul3A_114 : i32
    "tpu.region"() ({
      %run_scoped3A = tpu.sem_alloc : memref<!tpu.dma_semaphore, #tpu.memory_space<semaphore_mem>>
      %dma_start3A = arith.constant 0 : i32
      %dma_start3A_116 = tpu.memref_slice %arg6[%arg0, %mul3A_115, %dma_start3A] : memref<2x10000x96xf32, #tpu.memory_space<hbm>> -> memref<1x625x96xf32, #tpu.memory_space<hbm>>
      %dma_start3A_117 = tpu.memref_squeeze %dma_start3A_116 : memref<1x625x96xf32, #tpu.memory_space<hbm>> -> memref<625x96xf32, #tpu.memory_space<hbm>>
      %dma_start3A_118 = arith.constant 0 : i32
      %dma_start3A_119 = tpu.memref_slice %arg12[%mul3A_113, %dma_start3A_118] : memref<10000x96xf32, #tpu.memory_space<vmem_shared>> -> memref<625x96xf32, #tpu.memory_space<vmem_shared>>
      tpu.enqueue_dma source(%dma_start3A_119 : memref<625x96xf32, #tpu.memory_space<vmem_shared>>) target(%dma_start3A_117 : memref<625x96xf32, #tpu.memory_space<hbm>>) target_semaphore(%run_scoped3A : memref<!tpu.dma_semaphore, #tpu.memory_space<semaphore_mem>>)
      %dma_wait3A = arith.constant 0 : i32
      %dma_wait3A_120 = tpu.memref_slice %arg6[%arg0, %mul3A_115, %dma_wait3A] : memref<2x10000x96xf32, #tpu.memory_space<hbm>> -> memref<1x625x96xf32, #tpu.memory_space<hbm>>
      %dma_wait3A_121 = tpu.memref_squeeze %dma_wait3A_120 : memref<1x625x96xf32, #tpu.memory_space<hbm>> -> memref<625x96xf32, #tpu.memory_space<hbm>>
      %dma_wait3A_122 = arith.constant 0 : i32
      %dma_wait3A_123 = tpu.memref_slice %arg12[%mul3A_113, %dma_wait3A_122] : memref<10000x96xf32, #tpu.memory_space<vmem_shared>> -> memref<625x96xf32, #tpu.memory_space<vmem_shared>>
      tpu.wait_dma2 semaphore(%run_scoped3A : memref<!tpu.dma_semaphore, #tpu.memory_space<semaphore_mem>>) src(%dma_wait3A_123 : memref<625x96xf32, #tpu.memory_space<vmem_shared>>) dst(%dma_wait3A_121 : memref<625x96xf32, #tpu.memory_space<hbm>>)
      tpu.yield
    }) : () -> ()
    return
  }
}

module attributes {stable_mosaic.version = 14 : i64} {
  func.func @body(%arg0: memref<10000x128xf32, #tpu.memory_space<vmem>>, %arg1: memref<128x128xf32, #tpu.memory_space<vmem>>, %arg2: memref<1000x64xf32, #tpu.memory_space<vmem>>, %arg3: memref<64x64xf32, #tpu.memory_space<vmem>>, %arg4: memref<10000x128xf32, #tpu.memory_space<vmem>>, %arg5: memref<1000x64xf32, #tpu.memory_space<vmem>>) attributes {dimension_semantics = [], scalar_prefetch = 0 : i64, scratch_operands = 0 : i64, tpu.core_type = #tpu.core_type<tc>} {
    %get3A = arith.constant 0 : index
    %get3A_0 = arith.constant 0 : index
    %get3A_1 = vector.load %arg0[%get3A, %get3A_0] : memref<10000x128xf32, #tpu.memory_space<vmem>>, vector<10000x128xf32>
    %eq3A = arith.constant -1.000000e+00 : f32
    %eq3A_2 = vector.broadcast %eq3A : f32 to vector<10000x128xf32>
    %eq3A_3 = arith.cmpf oeq, %get3A_1, %eq3A_2 : vector<10000x128xf32>
    %get3A_4 = arith.constant 0 : index
    %get3A_5 = arith.constant 0 : index
    %get3A_6 = vector.load %arg0[%get3A_4, %get3A_5] : memref<10000x128xf32, #tpu.memory_space<vmem>>, vector<10000x128xf32>
    %jit3A = arith.constant 0.000000e+00 : f32
    %broadcast_in_dim3A = vector.broadcast %jit3A : f32 to vector<10000x128xf32>
    %select_n3A = arith.select %eq3A_3, %broadcast_in_dim3A, %get3A_6 : vector<10000x128xi1>, vector<10000x128xf32>
    %get3A_7 = arith.constant 0 : index
    %get3A_8 = arith.constant 0 : index
    %get3A_9 = vector.load %arg1[%get3A_7, %get3A_8] : memref<128x128xf32, #tpu.memory_space<vmem>>, vector<128x128xf32>
    %dot_general3A = arith.constant dense<0.000000e+00> : vector<10000x128xf32>
    %dot_general3A_10 = tpu.matmul %select_n3A, %get3A_9, %dot_general3A {dimension_numbers = #tpu.dot_dimension_numbers<[1], [0], [0], [1], [0, 0, 1, 1], [], []>, transpose_lhs_hint = false} : vector<10000x128xf32>, vector<128x128xf32>, vector<10000x128xf32> -> vector<10000x128xf32>
    %swap3A = arith.constant 0 : index
    %swap3A_11 = arith.constant 0 : index
    %swap3A_12 = vector.load %arg4[%swap3A, %swap3A_11] : memref<10000x128xf32, #tpu.memory_space<vmem>>, vector<10000x128xf32>
    tpu.vector_store %arg4[%swap3A, %swap3A_11], %dot_general3A_10 {strides = array<i32>} : memref<10000x128xf32, #tpu.memory_space<vmem>>, vector<10000x128xf32>,
    %get3A_13 = arith.constant 0 : index
    %get3A_14 = arith.constant 0 : index
    %get3A_15 = vector.load %arg2[%get3A_13, %get3A_14] : memref<1000x64xf32, #tpu.memory_space<vmem>>, vector<1000x64xf32>
    %get3A_16 = arith.constant 0 : index
    %get3A_17 = arith.constant 0 : index
    %get3A_18 = vector.load %arg3[%get3A_16, %get3A_17] : memref<64x64xf32, #tpu.memory_space<vmem>>, vector<64x64xf32>
    %dot_general3A_19 = arith.constant dense<0.000000e+00> : vector<1000x64xf32>
    %dot_general3A_20 = tpu.matmul %get3A_15, %get3A_18, %dot_general3A_19 {dimension_numbers = #tpu.dot_dimension_numbers<[1], [0], [0], [1], [0, 0, 1, 1], [], []>, transpose_lhs_hint = false} : vector<1000x64xf32>, vector<64x64xf32>, vector<1000x64xf32> -> vector<1000x64xf32>
    %swap3A_21 = arith.constant 0 : index
    %swap3A_22 = arith.constant 0 : index
    %swap3A_23 = vector.load %arg5[%swap3A_21, %swap3A_22] : memref<1000x64xf32, #tpu.memory_space<vmem>>, vector<1000x64xf32>
    tpu.vector_store %arg5[%swap3A_21, %swap3A_22], %dot_general3A_20 {strides = array<i32>} : memref<1000x64xf32, #tpu.memory_space<vmem>>, vector<1000x64xf32>,
    return
  }
}

module attributes {stable_mosaic.version = 14 : i64} {
  func.func @body(%arg0: memref<32x10000xf32, #tpu.memory_space<vmem>>, %arg1: memref<1x10000xf32, #tpu.memory_space<vmem>>, %arg2: memref<1x10000xf32, #tpu.memory_space<vmem>>) attributes {dimension_semantics = [], scalar_prefetch = 0 : i64, scratch_operands = 0 : i64, tpu.core_type = #tpu.core_type<tc>} {
    %get3A = arith.constant 0 : index
    %get3A_0 = arith.constant 0 : index
    %get3A_1 = vector.load %arg0[%get3A, %get3A_0] : memref<32x10000xf32, #tpu.memory_space<vmem>>, vector<32x10000xf32>
    %reduce_sum3A = arith.constant dense<0.000000e+00> : vector<10000xf32>
    %reduce_sum3A_2 = vector.multi_reduction <add>, %get3A_1, %reduce_sum3A [0] : vector<32x10000xf32> to vector<10000xf32>
    %broadcast_in_dim3A = vector.shape_cast %reduce_sum3A_2 : vector<10000xf32> to vector<1x10000xf32>
    %add3A = arith.constant 1.000000e+00 : f32
    %add3A_3 = vector.broadcast %add3A : f32 to vector<1x10000xf32>
    %add3A_4 = arith.addf %broadcast_in_dim3A, %add3A_3 : vector<1x10000xf32>
    %rsqrt3A = math.rsqrt %add3A_4 : vector<1x10000xf32>
    %swap3A = arith.constant 0 : index
    %swap3A_5 = arith.constant 0 : index
    %swap3A_6 = vector.load %arg1[%swap3A, %swap3A_5] : memref<1x10000xf32, #tpu.memory_space<vmem>>, vector<1x10000xf32>
    tpu.vector_store %arg1[%swap3A, %swap3A_5], %rsqrt3A {strides = array<i32>} : memref<1x10000xf32, #tpu.memory_space<vmem>>, vector<1x10000xf32>,
    %mul3A = arith.mulf %rsqrt3A, %rsqrt3A : vector<1x10000xf32>
    %swap3A_7 = arith.constant 0 : index
    %swap3A_8 = arith.constant 0 : index
    %swap3A_9 = vector.load %arg2[%swap3A_7, %swap3A_8] : memref<1x10000xf32, #tpu.memory_space<vmem>>, vector<1x10000xf32>
    tpu.vector_store %arg2[%swap3A_7, %swap3A_8], %mul3A {strides = array<i32>} : memref<1x10000xf32, #tpu.memory_space<vmem>>, vector<1x10000xf32>,
    return
  }
}

module attributes {stable_mosaic.version = 14 : i64} {
  func.func @body(%arg0: memref<2x10000x96xf32, #tpu.memory_space<vmem>>, %arg1: memref<2x10000x96xf32, #tpu.memory_space<vmem>>, %arg2: memref<10000x1xf32, #tpu.memory_space<vmem>>, %arg3: memref<2x1x96xf32, #tpu.memory_space<vmem>>, %arg4: memref<192x128xf32, #tpu.memory_space<vmem>>, %arg5: memref<10000x128xf32, #tpu.memory_space<vmem>>) attributes {dimension_semantics = [], scalar_prefetch = 0 : i64, scratch_operands = 0 : i64, tpu.core_type = #tpu.core_type<tc>} {
    %get3A = arith.constant 0 : index
    %get3A_0 = arith.constant 0 : index
    %get3A_1 = arith.constant 0 : index
    %get3A_2 = vector.load %arg0[%get3A, %get3A_0, %get3A_1] : memref<2x10000x96xf32, #tpu.memory_space<vmem>>, vector<1x10000x96xf32>
    %get3A_3 = vector.shape_cast %get3A_2 : vector<1x10000x96xf32> to vector<10000x96xf32>
    %get3A_4 = arith.constant 0 : index
    %get3A_5 = arith.constant 0 : index
    %get3A_6 = vector.load %arg2[%get3A_4, %get3A_5] : memref<10000x1xf32, #tpu.memory_space<vmem>>, vector<10000x1xf32>
    %get3A_7 = arith.constant 0 : index
    %get3A_8 = arith.constant 0 : index
    %get3A_9 = arith.constant 0 : index
    %get3A_10 = vector.load %arg1[%get3A_7, %get3A_8, %get3A_9] : memref<2x10000x96xf32, #tpu.memory_space<vmem>>, vector<1x10000x96xf32>
    %get3A_11 = vector.shape_cast %get3A_10 : vector<1x10000x96xf32> to vector<10000x96xf32>
    %mul3A = vector.broadcast %get3A_6 : vector<10000x1xf32> to vector<10000x96xf32>
    %mul3A_12 = arith.mulf %mul3A, %get3A_11 : vector<10000x96xf32>
    %add3A = arith.addf %get3A_3, %mul3A_12 : vector<10000x96xf32>
    %get3A_13 = arith.constant 0 : index
    %get3A_14 = arith.constant 0 : index
    %get3A_15 = arith.constant 0 : index
    %get3A_16 = vector.load %arg3[%get3A_13, %get3A_14, %get3A_15] : memref<2x1x96xf32, #tpu.memory_space<vmem>>, vector<1x1x96xf32>
    %get3A_17 = vector.shape_cast %get3A_16 : vector<1x1x96xf32> to vector<1x96xf32>
    %add3A_18 = vector.broadcast %get3A_17 : vector<1x96xf32> to vector<10000x96xf32>
    %add3A_19 = arith.addf %add3A, %add3A_18 : vector<10000x96xf32>
    %get3A_20 = arith.constant 1 : index
    %get3A_21 = arith.constant 0 : index
    %get3A_22 = arith.constant 0 : index
    %get3A_23 = vector.load %arg0[%get3A_20, %get3A_21, %get3A_22] : memref<2x10000x96xf32, #tpu.memory_space<vmem>>, vector<1x10000x96xf32>
    %get3A_24 = vector.shape_cast %get3A_23 : vector<1x10000x96xf32> to vector<10000x96xf32>
    %get3A_25 = arith.constant 0 : index
    %get3A_26 = arith.constant 0 : index
    %get3A_27 = vector.load %arg2[%get3A_25, %get3A_26] : memref<10000x1xf32, #tpu.memory_space<vmem>>, vector<10000x1xf32>
    %get3A_28 = arith.constant 1 : index
    %get3A_29 = arith.constant 0 : index
    %get3A_30 = arith.constant 0 : index
    %get3A_31 = vector.load %arg1[%get3A_28, %get3A_29, %get3A_30] : memref<2x10000x96xf32, #tpu.memory_space<vmem>>, vector<1x10000x96xf32>
    %get3A_32 = vector.shape_cast %get3A_31 : vector<1x10000x96xf32> to vector<10000x96xf32>
    %mul3A_33 = vector.broadcast %get3A_27 : vector<10000x1xf32> to vector<10000x96xf32>
    %mul3A_34 = arith.mulf %mul3A_33, %get3A_32 : vector<10000x96xf32>
    %add3A_35 = arith.addf %get3A_24, %mul3A_34 : vector<10000x96xf32>
    %get3A_36 = arith.constant 1 : index
    %get3A_37 = arith.constant 0 : index
    %get3A_38 = arith.constant 0 : index
    %get3A_39 = vector.load %arg3[%get3A_36, %get3A_37, %get3A_38] : memref<2x1x96xf32, #tpu.memory_space<vmem>>, vector<1x1x96xf32>
    %get3A_40 = vector.shape_cast %get3A_39 : vector<1x1x96xf32> to vector<1x96xf32>
    %add3A_41 = vector.broadcast %get3A_40 : vector<1x96xf32> to vector<10000x96xf32>
    %add3A_42 = arith.addf %add3A_35, %add3A_41 : vector<10000x96xf32>
    %get3A_43 = arith.constant 0 : index
    %get3A_44 = arith.constant 0 : index
    %get3A_45 = vector.load %arg4[%get3A_43, %get3A_44] : memref<192x128xf32, #tpu.memory_space<vmem>>, vector<96x128xf32>
    %dot_general3A = arith.constant dense<0.000000e+00> : vector<10000x128xf32>
    %dot_general3A_46 = tpu.matmul %add3A_19, %get3A_45, %dot_general3A {dimension_numbers = #tpu.dot_dimension_numbers<[1], [0], [0], [1], [0, 0, 1, 1], [], []>, transpose_lhs_hint = false} : vector<10000x96xf32>, vector<96x128xf32>, vector<10000x128xf32> -> vector<10000x128xf32>
    %get3A_47 = arith.constant 96 : index
    %get3A_48 = arith.constant 0 : index
    %get3A_49 = vector.load %arg4[%get3A_47, %get3A_48] : memref<192x128xf32, #tpu.memory_space<vmem>>, vector<96x128xf32>
    %dot_general3A_50 = arith.constant dense<0.000000e+00> : vector<10000x128xf32>
    %dot_general3A_51 = tpu.matmul %add3A_42, %get3A_49, %dot_general3A_50 {dimension_numbers = #tpu.dot_dimension_numbers<[1], [0], [0], [1], [0, 0, 1, 1], [], []>, transpose_lhs_hint = false} : vector<10000x96xf32>, vector<96x128xf32>, vector<10000x128xf32> -> vector<10000x128xf32>
    %add3A_52 = arith.addf %dot_general3A_46, %dot_general3A_51 : vector<10000x128xf32>
    %swap3A = arith.constant 0 : index
    %swap3A_53 = arith.constant 0 : index
    %swap3A_54 = vector.load %arg5[%swap3A, %swap3A_53] : memref<10000x128xf32, #tpu.memory_space<vmem>>, vector<10000x128xf32>
    tpu.vector_store %arg5[%swap3A, %swap3A_53], %add3A_52 {strides = array<i32>} : memref<10000x128xf32, #tpu.memory_space<vmem>>, vector<10000x128xf32>,
    return
  }
}

module attributes {stable_mosaic.version = 14 : i64} {
  func.func @body(%arg0: memref<2x64x128xf32, #tpu.memory_space<vmem>>, %arg1: memref<10000x128xf32, #tpu.memory_space<vmem>>, %arg2: memref<10000x1xf32, #tpu.memory_space<vmem>>, %arg3: memref<10000x1xi32, #tpu.memory_space<vmem>>, %arg4: memref<1x128xf32, #tpu.memory_space<vmem>>, %arg5: memref<64x64xf32, #tpu.memory_space<vmem>>, %arg6: memref<64x128xf32, #tpu.memory_space<vmem>>, %arg7: memref<128xf32, #tpu.memory_space<vmem>>, %arg8: memref<128x128xf32, #tpu.memory_space<vmem>>, %arg9: memref<128x128xf32, #tpu.memory_space<vmem>>, %arg10: memref<1x128xf32, #tpu.memory_space<vmem>>, %arg11: memref<128x10xf32, #tpu.memory_space<vmem>>, %arg12: memref<1x10xf32, #tpu.memory_space<vmem>>, %arg13: memref<64x10xf32, #tpu.memory_space<vmem>>) attributes {dimension_semantics = [], scalar_prefetch = 0 : i64, scratch_operands = 0 : i64, tpu.core_type = #tpu.core_type<tc>} {
    %get3A = arith.constant 0 : index
    %get3A_0 = arith.constant 0 : index
    %get3A_1 = vector.load %arg3[%get3A, %get3A_0] : memref<10000x1xi32, #tpu.memory_space<vmem>>, vector<10000x1xi32>
    %iota3A = tpu.iota {dimensions = array<i32: 1>} : vector<1x64xi32>
    %eq3A = vector.broadcast %get3A_1 : vector<10000x1xi32> to vector<10000x64xi32>
    %eq3A_2 = vector.broadcast %iota3A : vector<1x64xi32> to vector<10000x64xi32>
    %eq3A_3 = arith.cmpi eq, %eq3A, %eq3A_2 : vector<10000x64xi32>
    %convert_element_type3A = arith.extui %eq3A_3 : vector<10000x64xi1> to vector<10000x64xi32>
    %convert_element_type3A_4 = arith.sitofp %convert_element_type3A : vector<10000x64xi32> to vector<10000x64xf32>
    %broadcast_in_dim3A = arith.constant 1.000000e+00 : f32
    %broadcast_in_dim3A_5 = vector.broadcast %broadcast_in_dim3A : f32 to vector<10000x1xf32>
    %dot_general3A = arith.constant dense<0.000000e+00> : vector<64x1xf32>
    %dot_general3A_6 = tpu.matmul %convert_element_type3A_4, %broadcast_in_dim3A_5, %dot_general3A {dimension_numbers = #tpu.dot_dimension_numbers<[0], [0], [1], [1], [0, 1, 1, 1], [], []>, transpose_lhs_hint = false} : vector<10000x64xf32>, vector<10000x1xf32>, vector<64x1xf32> -> vector<64x1xf32>
    %get3A_7 = arith.constant 0 : index
    %get3A_8 = arith.constant 0 : index
    %get3A_9 = vector.load %arg2[%get3A_7, %get3A_8] : memref<10000x1xf32, #tpu.memory_space<vmem>>, vector<10000x1xf32>
    %get3A_10 = arith.constant 0 : index
    %get3A_11 = arith.constant 0 : index
    %get3A_12 = vector.load %arg1[%get3A_10, %get3A_11] : memref<10000x128xf32, #tpu.memory_space<vmem>>, vector<10000x128xf32>
    %mul3A = vector.broadcast %get3A_9 : vector<10000x1xf32> to vector<10000x128xf32>
    %mul3A_13 = arith.mulf %mul3A, %get3A_12 : vector<10000x128xf32>
    %dot_general3A_14 = arith.constant dense<0.000000e+00> : vector<64x128xf32>
    %dot_general3A_15 = tpu.matmul %convert_element_type3A_4, %mul3A_13, %dot_general3A_14 {dimension_numbers = #tpu.dot_dimension_numbers<[0], [0], [1], [1], [0, 1, 1, 1], [], []>, transpose_lhs_hint = false} : vector<10000x64xf32>, vector<10000x128xf32>, vector<64x128xf32> -> vector<64x128xf32>
    %get3A_16 = arith.constant 0 : index
    %get3A_17 = arith.constant 0 : index
    %get3A_18 = arith.constant 0 : index
    %get3A_19 = vector.load %arg0[%get3A_16, %get3A_17, %get3A_18] : memref<2x64x128xf32, #tpu.memory_space<vmem>>, vector<1x64x128xf32>
    %get3A_20 = vector.shape_cast %get3A_19 : vector<1x64x128xf32> to vector<64x128xf32>
    %get3A_21 = arith.constant 1 : index
    %get3A_22 = arith.constant 0 : index
    %get3A_23 = arith.constant 0 : index
    %get3A_24 = vector.load %arg0[%get3A_21, %get3A_22, %get3A_23] : memref<2x64x128xf32, #tpu.memory_space<vmem>>, vector<1x64x128xf32>
    %get3A_25 = vector.shape_cast %get3A_24 : vector<1x64x128xf32> to vector<64x128xf32>
    %add3A = arith.addf %get3A_20, %get3A_25 : vector<64x128xf32>
    %add3A_26 = arith.addf %add3A, %dot_general3A_15 : vector<64x128xf32>
    %get3A_27 = arith.constant 0 : index
    %get3A_28 = arith.constant 0 : index
    %get3A_29 = vector.load %arg4[%get3A_27, %get3A_28] : memref<1x128xf32, #tpu.memory_space<vmem>>, vector<1x128xf32>
    %mul3A_30 = vector.broadcast %dot_general3A_6 : vector<64x1xf32> to vector<64x128xf32>
    %mul3A_31 = vector.broadcast %get3A_29 : vector<1x128xf32> to vector<64x128xf32>
    %mul3A_32 = arith.mulf %mul3A_30, %mul3A_31 : vector<64x128xf32>
    %add3A_33 = arith.addf %add3A_26, %mul3A_32 : vector<64x128xf32>
    %max3A = arith.constant 1.000000e+00 : f32
    %max3A_34 = vector.broadcast %max3A : f32 to vector<64x1xf32>
    %max3A_35 = arith.maximumf %dot_general3A_6, %max3A_34 : vector<64x1xf32>
    %div3A = vector.broadcast %max3A_35 : vector<64x1xf32> to vector<64x128xf32>
    %div3A_36 = arith.divf %add3A_33, %div3A : vector<64x128xf32>
    %get3A_37 = arith.constant 0 : index
    %get3A_38 = arith.constant 0 : index
    %get3A_39 = vector.load %arg5[%get3A_37, %get3A_38] : memref<64x64xf32, #tpu.memory_space<vmem>>, vector<64x64xf32>
    %get3A_40 = arith.constant 0 : index
    %get3A_41 = arith.constant 0 : index
    %get3A_42 = vector.load %arg6[%get3A_40, %get3A_41] : memref<64x128xf32, #tpu.memory_space<vmem>>, vector<64x128xf32>
    %dot_general3A_43 = arith.constant dense<0.000000e+00> : vector<64x128xf32>
    %dot_general3A_44 = tpu.matmul %get3A_39, %get3A_42, %dot_general3A_43 {dimension_numbers = #tpu.dot_dimension_numbers<[1], [0], [0], [1], [0, 0, 1, 1], [], []>, transpose_lhs_hint = false} : vector<64x64xf32>, vector<64x128xf32>, vector<64x128xf32> -> vector<64x128xf32>
    %get3A_45 = arith.constant 0 : index
    %get3A_46 = vector.load %arg7[%get3A_45] : memref<128xf32, #tpu.memory_space<vmem>>, vector<128xf32>
    %broadcast_in_dim3A_47 = vector.shape_cast %get3A_46 : vector<128xf32> to vector<1x128xf32>
    %add3A_48 = vector.broadcast %broadcast_in_dim3A_47 : vector<1x128xf32> to vector<64x128xf32>
    %add3A_49 = arith.addf %dot_general3A_44, %add3A_48 : vector<64x128xf32>
    %get3A_50 = arith.constant 0 : index
    %get3A_51 = arith.constant 0 : index
    %get3A_52 = vector.load %arg8[%get3A_50, %get3A_51] : memref<128x128xf32, #tpu.memory_space<vmem>>, vector<128x128xf32>
    %dot_general3A_53 = arith.constant dense<0.000000e+00> : vector<64x128xf32>
    %dot_general3A_54 = tpu.matmul %div3A_36, %get3A_52, %dot_general3A_53 {dimension_numbers = #tpu.dot_dimension_numbers<[1], [0], [0], [1], [0, 0, 1, 1], [], []>, transpose_lhs_hint = false} : vector<64x128xf32>, vector<128x128xf32>, vector<64x128xf32> -> vector<64x128xf32>
    %get3A_55 = arith.constant 0 : index
    %get3A_56 = arith.constant 0 : index
    %get3A_57 = vector.load %arg9[%get3A_55, %get3A_56] : memref<128x128xf32, #tpu.memory_space<vmem>>, vector<128x128xf32>
    %dot_general3A_58 = arith.constant dense<0.000000e+00> : vector<64x128xf32>
    %dot_general3A_59 = tpu.matmul %add3A_49, %get3A_57, %dot_general3A_58 {dimension_numbers = #tpu.dot_dimension_numbers<[1], [0], [0], [1], [0, 0, 1, 1], [], []>, transpose_lhs_hint = false} : vector<64x128xf32>, vector<128x128xf32>, vector<64x128xf32> -> vector<64x128xf32>
    %add3A_60 = arith.addf %dot_general3A_54, %dot_general3A_59 : vector<64x128xf32>
    %get3A_61 = arith.constant 0 : index
    %get3A_62 = arith.constant 0 : index
    %get3A_63 = vector.load %arg10[%get3A_61, %get3A_62] : memref<1x128xf32, #tpu.memory_space<vmem>>, vector<1x128xf32>
    %add3A_64 = vector.broadcast %get3A_63 : vector<1x128xf32> to vector<64x128xf32>
    %add3A_65 = arith.addf %add3A_60, %add3A_64 : vector<64x128xf32>
    %max3A_66 = arith.constant 0.000000e+00 : f32
    %max3A_67 = vector.broadcast %max3A_66 : f32 to vector<64x128xf32>
    %max3A_68 = arith.maximumf %add3A_65, %max3A_67 : vector<64x128xf32>
    %get3A_69 = arith.constant 0 : index
    %get3A_70 = arith.constant 0 : index
    %get3A_71 = vector.load %arg11[%get3A_69, %get3A_70] : memref<128x10xf32, #tpu.memory_space<vmem>>, vector<128x10xf32>
    %dot_general3A_72 = arith.constant dense<0.000000e+00> : vector<64x10xf32>
    %dot_general3A_73 = tpu.matmul %max3A_68, %get3A_71, %dot_general3A_72 {dimension_numbers = #tpu.dot_dimension_numbers<[1], [0], [0], [1], [0, 0, 1, 1], [], []>, transpose_lhs_hint = false} : vector<64x128xf32>, vector<128x10xf32>, vector<64x10xf32> -> vector<64x10xf32>
    %get3A_74 = arith.constant 0 : index
    %get3A_75 = arith.constant 0 : index
    %get3A_76 = vector.load %arg12[%get3A_74, %get3A_75] : memref<1x10xf32, #tpu.memory_space<vmem>>, vector<1x10xf32>
    %add3A_77 = vector.broadcast %get3A_76 : vector<1x10xf32> to vector<64x10xf32>
    %add3A_78 = arith.addf %dot_general3A_73, %add3A_77 : vector<64x10xf32>
    %swap3A = arith.constant 0 : index
    %swap3A_79 = arith.constant 0 : index
    %swap3A_80 = vector.load %arg13[%swap3A, %swap3A_79] : memref<64x10xf32, #tpu.memory_space<vmem>>, vector<64x10xf32>
    tpu.vector_store %arg13[%swap3A, %swap3A_79], %add3A_78 {strides = array<i32>} : memref<64x10xf32, #tpu.memory_space<vmem>>, vector<64x10xf32>,
    return
  }
}

</mosaic_0001>

<sc_bundles>
// kernel: kernel.10.cloned.1.call-start
scs
__scs_entry_jumppad:
0x0: {  	(pc) =	sbr.rel $0x88, $3  }
0x1: {  	(tag) =	ssettag $0x0;
	lr =	simm.s32 $0x1  }
0x2: {  	[smem:$0x3F8E] =	sst lr;
	_ =	strace $0xD0000000  }
0x3: {  	_ = 	snop  }
0x4: {  	_ = 	snop  }
0x5: {  	_ = 	snop  }
0x6: {  	_ = 	snop  }
0x7: {  	_ = 	snop  }
__scs_overlays_trampoline_lowered:
0x8: {  	[smem:$0x3F9D] =	sst s0  }
0x9: {  	[smem:$0x3F9E] =	sst s1  }
0xa: {  	[smem:$0x3F9F] =	sst s2  }
0xb: {  	[smem:$0x3FA0] =	sst s3  }
0xc: {  	[smem:$0x3FA1] =	sst s4  }
0xd: {  	[smem:$0x3FA2] =	sst s5  }
0xe: {  	[smem:$0x3FA3] =	sst s6  }
0xf: {  	[smem:$0x3FA4] =	sst s7  }
0x10: {  	[smem:$0x3FA5] =	sst s8  }
0x11: {  	[smem:$0x3FA6] =	sst s9;
	s0 =	simm.s32 @!p0 $0x0  }
0x12: {  	s1 =	sld [smem:$0x3F8C];
	s0 =	simm.s32 @p0 $0x1  }
0x13: {  	[smem:$0x3FA7] =	sst s0;
	s0 =	simm.s32 @!p1 $0x0  }
0x14: {  	s2 =	sld [smem:$0x3F8B];
	s0 =	simm.s32 @p1 $0x1  }
0x15: {  	[smem:$0x3FA8] =	sst s0;
	s0 =	simm.s32 @!p2 $0x0  }
0x16: {  	s3 =	sld [smem:$0x3FDB];
	s0 =	simm.s32 @p2 $0x1  }
0x17: {  	s4 =	simm.s32 $0x1BF5;
	[smem:$0x3FAA] =	sst s0  }
0x18: {  	s0 =	sld [smem:$0x3F8D];
	_ =	swait.ge [sflag:s4], $0x0  }
0x19: {  	s7 =	sld [smem:$0x3F8E]  }
0x1a: {  	s8 =	sadd.s32 $0xFFFFE003, lr  }
0x1b: {  	s9 =	sadd.s32 $0xFFFFFEF7, lr;
	s5 =	simm.s32 $0xFFFFFFFF;
	p2 =	slt.u32 s8, $0xFFFFF086  }
0x1c: {  	p1 =	slt.u32 s9, $0xF7A;
	s5 =	simm.s32 @!p2 $0x0  }
0x1d: {  	s5 =	simm.s32 @p1 $0x1;
	p0 =	seq.s32 s7, s2  }
0x1e: {  	s7 =	smul.u32 @!p0 $0xF7A, s2;
	p2 =	seq.s32 @!p0 s5, $0x0  }
0x1f: {  	s9 =	smul.u32 $0xF7A, s1;
	s8 =	simm.s32 @!p0 $0x1BF5;
	p2 =	por !p2, p0  }
0x20: {  	[sflag:s8] =	ssyncset.s32 @!p0 $0xFFFFF086;
	s6 =	sadd.s32 @!p0 s3, s7;
	s7 =	simm.s32 @!p0 $0x108  }
0x21: {  	s3 =	sadd.s32 s3, s9;
	s6 =	sadd.s32 @!p0 $0x88, s6;
	s7 =	simm.s32 @p2 $0x1082  }
0x22: {  	[simem:s7], [sflag:s8] =	dma.local @!p0 [hbm:s6], $0xF7A  }
0x23: {  	s9 =	sor.u32 $0xD0000000, s2;
	s6 =	simm.s32 $0x108;
	_ =	swait.ge @!p0 [sflag:s8], $0x0  }
0x24: {  	s3 =	sadd.s32 $0x88, s3;
	s6 =	simm.s32 @!p1 $0x1082;
	[sflag:s4] =	ssyncset.s32 $0xFFFFF086  }
0x25: {  	[simem:s6], [sflag:s4] =	dma.local [hbm:s3], $0xF7A  }
0x26: {  	[smem:$0x3F8E] =	sst s1;
	(tag) =	ssettag s2;
	_ =	strace s9  }
0x27: {  	s1 =	sld [smem:$0x3F9E]  }
0x28: {  	s2 =	sld [smem:$0x3F9F]  }
0x29: {  	s4 =	sld [smem:$0x3FA1]  }
0x2a: {  	p0 =	seq.s32 s5, $0x0;
	s5 =	sld [smem:$0x3FA2]  }
0x2b: {  	s6 =	sld [smem:$0x3FA3]  }
0x2c: {  	s7 =	sld [smem:$0x3FA4]  }
0x2d: {  	s3 =	simm.s32 $0x108;
	s8 =	sld [smem:$0x3FA5]  }
0x2e: {  	s3 =	simm.s32 @!p0 $0x1082;
	s9 =	sld [smem:$0x3FA6]  }
0x2f: {  	lr =	sadd.s32 s0, s3;
	s0 =	sld [smem:$0x3F9D]  }
0x30: {  	s3 =	sld [smem:$0x3FA0]  }
0x31: {  	[smem:$0x3FA9] =	sst s10  }
0x32: {  	s10 =	sld [smem:$0x3FA7];
	_ =	sdelay $0x3  }
0x33: {  	p0 =	seq.s32 s10, $0x1;
	s10 =	sld [smem:$0x3FA9];
	_ =	sdelay $0x3  }
0x34: {  	[smem:$0x3FA9] =	sst s10  }
0x35: {  	s10 =	sld [smem:$0x3FA8];
	_ =	sdelay $0x3  }
0x36: {  	p1 =	seq.s32 s10, $0x1;
	s10 =	sld [smem:$0x3FA9];
	_ =	sdelay $0x3  }
0x37: {  	[smem:$0x3FA9] =	sst s10  }
0x38: {  	s10 =	sld [smem:$0x3FAA]  }
0x39: {  	_ = 	snop;
	(pc) =	sbr.ind lr, $3  }
0x3a: {  	_ = 	snop  }
0x3b: {  	_ = 	snop  }
0x3c: {  	p2 =	seq.s32 s10, $0x1;
	s10 =	sld [smem:$0x3FA9]  }
0x3d: {  	_ =	shalt  }
0x3e: {  	_ =	shalt  }
0x3f: {  	_ =	shalt  }
0x40: {  	_ =	shalt  }
0x41: {  	_ =	shalt  }
0x42: {  	_ =	shalt  }
0x43: {  	_ =	shalt  }
0x44: {  	_ =	shalt  }
0x45: {  	_ =	shalt  }
0x46: {  	_ =	shalt  }
0x47: {  	_ =	shalt  }
0x48: {  	_ =	shalt  }
0x49: {  	_ =	shalt  }
0x4a: {  	_ =	shalt  }
0x4b: {  	_ =	shalt  }
0x4c: {  	_ =	shalt  }
0x4d: {  	_ =	shalt  }
0x4e: {  	_ =	shalt  }
0x4f: {  	_ =	shalt  }
0x50: {  	_ =	shalt  }
0x51: {  	_ =	shalt  }
0x52: {  	_ =	shalt  }
0x53: {  	_ =	shalt  }
0x54: {  	_ =	shalt  }
0x55: {  	_ =	shalt  }
0x56: {  	_ =	shalt  }
0x57: {  	_ =	shalt  }
0x58: {  	_ =	shalt  }
0x59: {  	_ =	shalt  }
0x5a: {  	_ =	shalt  }
0x5b: {  	_ =	shalt  }
0x5c: {  	_ =	shalt  }
0x5d: {  	_ =	shalt  }
0x5e: {  	_ =	shalt  }
0x5f: {  	_ =	shalt  }
0x60: {  	_ =	shalt  }
0x61: {  	_ =	shalt  }
0x62: {  	_ =	shalt  }
0x63: {  	_ =	shalt  }
0x64: {  	_ =	shalt  }
0x65: {  	_ =	shalt  }
0x66: {  	_ =	shalt  }
0x67: {  	_ =	shalt  }
0x68: {  	_ =	shalt  }
0x69: {  	_ =	shalt  }
0x6a: {  	_ =	shalt  }
0x6b: {  	_ =	shalt  }
0x6c: {  	_ =	shalt  }
0x6d: {  	_ =	shalt  }
0x6e: {  	_ =	shalt  }
0x6f: {  	_ =	shalt  }
0x70: {  	_ =	shalt  }
0x71: {  	_ =	shalt  }
0x72: {  	_ =	shalt  }
0x73: {  	_ =	shalt  }
0x74: {  	_ =	shalt  }
0x75: {  	_ =	shalt  }
0x76: {  	_ =	shalt  }
0x77: {  	_ =	shalt  }
0x78: {  	_ =	shalt  }
0x79: {  	_ =	shalt  }
0x7a: {  	_ =	shalt  }
0x7b: {  	_ =	shalt  }
0x7c: {  	_ =	shalt  }
0x7d: {  	_ =	shalt  }
0x7e: {  	_ =	shalt  }
0x7f: {  	_ =	shalt  }
0x80: {  	_ =	shalt  }
0x81: {  	_ =	shalt  }
0x82: {  	_ =	shalt  }
0x83: {  	_ =	shalt  }
0x84: {  	_ =	shalt  }
0x85: {  	_ =	shalt  }
0x86: {  	_ =	shalt  }
0x87: {  	_ =	shalt  }
.Lfunc_end0:
.L_simem_size_0:
called_computation_lowered:
.L_overlay_start_0:
0x88: {  	s2 =	sld [smem:$0x3FD9]  }
0x89: {  	s3 =	sld [smem:$0x3FFE];
	_ =	sdelay $0x1  }
0x8a: {  	s1 =	srdreg.scid  }
0x8b: {  	s0 =	sand.u32 $0x1, s1  }
0x8c: {  	s17 =	sshll.u32 s0, $0xA;
	s2 =	sadd.s32 s3, s2  }
0x8d: {  	s2 =	sadd.s32 s2, s17  }
0x8e: {  	[smem:$0x3FB5] =	sst s2  }
0x8f: {  	_ = 	snop  }
0x90: {  	s2 =	sld [smem:$0x3FC6];
	(tm) =	ssettm $0x1  }
0x91: {  	s18 =	sld [smem:$0x3FFB];
	_ =	sdelay $0x3  }
0x92: {  	_ =	strace s18  }
0x93: {  	s3 =	sld [smem:$0x3FFC];
	_ =	sdelay $0x3  }
0x94: {  	_ =	strace s3  }
0x95: {  	s3 =	sld [smem:$0x3FFD];
	_ =	sdelay $0x3  }
0x96: {  	_ =	strace s3  }
0x97: {  	_ =	strace $0x8FFFFFFF  }
0x98: {  	s19 =	sld [smem:$0x3FDB];
	_ =	sdelay $0x1  }
0x99: {  	s4 =	simm.s32 $_scs_section_size  }
0x9a: {  	s5 =	simm.s32 $_size__tile_overlayer_lowered;
	s6 =	simm.s32 $_tile_overlayer_lowered  }
0x9b: {  	s22 =	simm.s32 $0x1BFF;
	s21 =	sshll.u32 s6, $0x1;
	s3 =	sadd.s32 s4, s19  }
0x9c: {  	s7 =	simm.s32 $0x0;
	s20 =	sshll.u32 s5, $0x1;
	s5 =	sadd.s32 s21, s3  }
0x9d: {  	[timem:s7], [sflag:s22] =	dma.local [hbm:s5], s20  }
0x9e: {  	_ =	swait.ge [sflag:s22], s20  }
0x9f: {  	s4 =	ssub.s32 $0x0, s20;
	[sflag:s22] =	ssyncset.done $0x0  }
0xa0: {  	[sflag:s22] =	ssyncadd.s32 s4;
	_ =	sdelay $0x1  }
0xa1: {  	s23 =	simm.s32 $0x1B8B  }
0xa2: {  	_ =	swait.ge [sflag:s23], $0x1  }
0xa3: {  	[sflag:s23] =	ssyncset.done $0x0  }
0xa4: {  	s25 =	simm.s32 $0x1B8E;
	s24 =	sld [smem:$0x3FFE];
	[sflag:s23] =	ssyncadd.s32 $0xFFFFFFFF  }
0xa5: {  	s26 =	simm.s32 $execute0_lowered;
	[smem:$0x3FD2] =	sst s25  }
0xa6: {  	s5 =	sshll.u32 s26, $0x1;
	_ =	strace $0x80000046;
	[dreg:$0x1] =	wrdreg $0xFFFFFFFF  }
0xa7: {  	s28 =	simm.s32 $_size_execute0_lowered;
	s3 =	sadd.s32 s3, s5;
	[dreg:$0x0] =	wrdreg $0x0  }
0xa8: {  	s5 =	sshll.u32 s28, $0x1;
	[dreg:$0x2] =	wrdreg s3  }
0xa9: {  	[dreg:$0x3] =	wrdreg s5  }
0xaa: {  	[dreg:$0x4] =	wrdreg $0xC0  }
0xab: {  	_ =	task [dreg:s7], $0x5FFFF  }
0xac: {  	[dreg:$0x1] =	wrdreg $0xFFFFFFFF  }
0xad: {  	[dreg:$0x0] =	wrdreg $0x60  }
0xae: {  	[dreg:$0x2] =	wrdreg s24  }
0xaf: {  	[dreg:$0x3] =	wrdreg s2  }
0xb0: {  	[dreg:$0x4] =	wrdreg $0x9  }
0xb1: {  	_ =	task.clear_ibuf [dreg:s7], $0x5FFFF;
	_ =	strace $0x90000046  }
0xb2: {  	s29 =	simm.s32 $0x9;
	_ =	strace $0x80000048  }
0xb3: {  	_ =	swait.ge [sflag:s29], $0x1  }
0xb4: {  	[sflag:s29] =	ssyncadd.s32 $0xFFFFFFFF  }
0xb5: {  	_ =	strace $0x90000048  }
0xb6: {  	_ =	sfence  }
0xb7: {  	s30 =	sld [smem:$0x0];
	_ =	sdelay $0x2  }
0xb8: {  	s31 =	sshll.u32 s1, $0xD;
	s1 =	sshrl.u32 s1, $0x2  }
0xb9: {  	s3 =	sand.u32 $0x4000, s31;
	s1 =	sadd.s32 s1, s30  }
0xba: {  	s0 =	sor.u32 s3, s0;
	s1 =	sshll.u32 s1, $0x11  }
0xbb: {  	s0 =	sor.u32 s1, s0  }
0xbc: {  	s0 =	sadd.s32 $0x8F2B, s0  }
0xbd: {  	[sflag:s0] =	ssyncadd.remote.s32 $0x1  }
0xbe: {  	_ =	sfence.sel $0xFFFF  }
0xbf: {  	[dreg:$0x0] =	wrdreg $0xFFFFFFFF;
	(pc) =	sbr.abs _section_cstart, $3  }
0xc0: {  	[dreg:$0x1] =	wrdreg $0xFFFFFFFF  }
0xc1: {  	_ =	task.clear_ibuf [dreg:s7], $0x2FFFF;
	_ =	strace $0x9FFFFFFF  }
0xc2: {  	(tm) =	ssettm $0x7FFFFFFF  }
0xc3: {  	_ =	shalt  }
tec
execute0_lowered:
.L_overlay_start_1:
0x0: {  	(tag) =	ssettag $0x1  }
0x1: {  	s1 =	srdreg.scid  }
0x2: {  	s0 =	stileid.u32;
	s3 =	rddreg [dreg:$0x0]  }
0x3: {  	s5 =	rddreg [dreg:$0x1];
	s4 =	sand.u32 $0x1, s1;
	s30 =	sshll.u32 s0, $0x1  }
0x4: {  	s2 =	simm.s32 $0x0;
	s9 =	simm.s32 $0x4E20;
	s6 =	sor.u32 s4, s30  }
0x5: {  	s1 =	rddreg [dreg:$0x2];
	s4 =	ssub.s32 $0x2, s4;
	s6 =	smul.u32 $0x4E2, s6  }
0x6: {  	s10 =	simm.s32 $0x0;
	[smem:$0x7FF] =	sst s2;
	s31 =	sshrl.u32 s4, $0x1  }
0x7: {  	_ =	strace $0x80000047;
	s8 =	ssub.s32 s4, s31;
	s7 =	sadd.s32 s6, s3  }
0x8: {  	s4 =	sadd.s32 s5, s6;
	s6 =	smax.u32 s8, $0x1;
	s8 =	simm.s32 $0x2710  }
0x9: {  	v0 =	vimm.f32 $0.0e+00;
	s3 =	sadd.s32 $0xE400, s7;
	s5 =	sadd.s32 $0x18200, s7;
	s7 =	simm.s32 $0x1  }
.LBB2_1:
0xa: {  	s11 =	simm.s32 $0x40;
	s12 =	simm.s32 $0x0  }
.LBB2_2:
0xb: {  	p0 =	sne.s32 s11, $0x9C00;
	[tilespmem:s12+$0x4E20] =	vst v0;
	s12 =	smov.u32 s11;
	s11 =	sadd.s32 $0x40, s11  }
.Ltmp0:
0xc: {  	(pc) =	sbr.rel @p0 .LBB2_2-.Ltmp0, $2  }
0xd: {  	_ =	sdelay $0x2  }
0xe: {  	s12 =	sshra.s32 s12, $0x2  }
0xf: {  	[tilespmem:s12+$0x4E20] =	vst v0;
	s11 =	simm.s32 $0x0  }
0x10: {  	[tilespmem:s11], [sflag:$0x1] =	stream.linear.gather [hbm4b:s3+s11], $0x2710, $0x38;
	[tilespmem:$0x7530] =	vst v63  }
0x11: {  	_ =	swait.ge [sflag:s7], $0x2710  }
0x12: {  	[sflag:s7] =	ssyncset.done $0x0  }
0x13: {  	[sflag:s7] =	ssyncadd.s32 $0xFFFFD8F0  }
0x14: {  	[tilespmem:s8], [sflag:$0x1] =	stream.linear.gather [hbm4b:s4+s11], $0x2710, $0x38;
	[tilespmem:$0x7530] =	vst v63  }
0x15: {  	_ =	swait.ge [sflag:s7], $0x2710  }
0x16: {  	[sflag:s7] =	ssyncset.done $0x0  }
0x17: {  	s12 =	simm.s32 $0x0;
	s11 =	simm.s32 $0x40;
	[sflag:s7] =	ssyncadd.s32 $0xFFFFD8F0  }
.LBB2_4:
0x18: {  	p0 =	sne.s32 s11, $0x9C00;
	v1 =	vld [tilespmem:s12+$0x0];
	_ =	sdelay $0x2  }
0x19: {  	v2 =	vld [tilespmem:s12+$0x2710]  }
.Ltmp1:
0x1a: {  	(pc) =	sbr.rel @p0 .LBB2_4-.Ltmp1, $2  }
0x1b: {  	_ =	sdelay $0x2  }
0x1c: {  	s12 =	sshra.s32 s11, $0x2;
	s11 =	sadd.s32 $0x40, s11;
	[tilespmem:v1+s9+$0x0] =	vst.idx.add.f32.msk $0xffff, v2  }
0x1d: {  	v1 =	vld [tilespmem:s12+$0x0];
	_ =	sdelay $0x2  }
0x1e: {  	v2 =	vld [tilespmem:s12+$0x2710];
	_ =	sdelay $0x2  }
0x1f: {  	s10 =	sadd.s32 $0x1, s10  }
0x20: {  	p0 =	sne.s32 s10, s6  }
.Ltmp2:
0x21: {  	[tilespmem:v1+s9+$0x0] =	vst.idx.add.f32.msk $0xffff, v2;
	(pc) =	sbr.rel @p0 .LBB2_1-.Ltmp2, $4  }
0x22: {  	[hbm4b:s5+s2] =	stream.linear.scatter [tilespmem:s9], [sflag:$0x1], $0x2710, $0x38;
	[tilespmem:$0x7530] =	vst v63  }
0x23: {  	_ =	swait.ge [sflag:s7], $0x2710  }
0x24: {  	[sflag:s7] =	ssyncset.done $0x0  }
0x25: {  	[sflag:s7] =	ssyncadd.s32 $0xFFFFD8F0  }
0x26: {  	_ =	sfence.sel $0x180000  }
0x27: {  	[bflag:$0x0] =	sbarrier.arrive $0xFFFF  }
0x28: {  	p0 =	sne.s32 s0, $0x0;
	_ =	strace $0x90000047  }
0x29: {  	s0 =	sadd.s32 @!p0 $0x100000, s1;
	[bflag:$0x2] =	sbarrier.arrive $0xFFFF  }
0x2a: {  	[sflag:s0] =	ssyncadd.tile.s32 @!p0 $0x1;
	_ =	shalt  }
.Lfunc_end2:
_tile_overlayer_lowered:
.L_overlay_start_2:
0x2b: {  	(tag) =	ssettag $0x2  }
0x2c: {  	s0 =	rddreg [dreg:$0x0];
	s2 =	stileid.u32  }
0x2d: {  	s1 =	rddreg [dreg:$0x1];
	p0 =	sne.s32 s2, $0x0  }
0x2e: {  	s3 =	rddreg [dreg:$0x2];
	[bflag:$0x3] =	sbarrier.arrive $0xFFFF;
	s2 =	simm.s32 @!p0 $0x1C01  }
0x2f: {  	[timem:s3], [sflag:s2] =	dma.local @!p0 [hbm:s0], s1  }
0x30: {  	s0 =	simm.s32 @!p0 $0x1  }
0x31: {  	_ =	swait.ge @!p0 [sflag:s0], s1  }
0x32: {  	s1 =	ssub.s32 @!p0 $0x0, s1;
	[sflag:s0] =	ssyncset.done @!p0 $0x0  }
0x33: {  	[sflag:s0] =	ssyncadd.s32 @!p0 s1  }
0x34: {  	[bflag:$0x3] =	sbarrier.arrive $0xFFFF  }
0x35: {  	_ =	shalt  }

// kernel: kernel.13.cloned.1.call-start
scs
__scs_entry_jumppad:
0x0: {  	(pc) =	sbr.rel $0x88, $3  }
0x1: {  	(tag) =	ssettag $0x0;
	lr =	simm.s32 $0x1  }
0x2: {  	[smem:$0x3F8E] =	sst lr;
	_ =	strace $0xD0000000  }
0x3: {  	_ = 	snop  }
0x4: {  	_ = 	snop  }
0x5: {  	_ = 	snop  }
0x6: {  	_ = 	snop  }
0x7: {  	_ = 	snop  }
__scs_overlays_trampoline_lowered:
0x8: {  	[smem:$0x3F9D] =	sst s0  }
0x9: {  	[smem:$0x3F9E] =	sst s1  }
0xa: {  	[smem:$0x3F9F] =	sst s2  }
0xb: {  	[smem:$0x3FA0] =	sst s3  }
0xc: {  	[smem:$0x3FA1] =	sst s4  }
0xd: {  	[smem:$0x3FA2] =	sst s5  }
0xe: {  	[smem:$0x3FA3] =	sst s6  }
0xf: {  	[smem:$0x3FA4] =	sst s7  }
0x10: {  	[smem:$0x3FA5] =	sst s8  }
0x11: {  	[smem:$0x3FA6] =	sst s9;
	s0 =	simm.s32 @!p0 $0x0  }
0x12: {  	s1 =	sld [smem:$0x3F8C];
	s0 =	simm.s32 @p0 $0x1  }
0x13: {  	[smem:$0x3FA7] =	sst s0;
	s0 =	simm.s32 @!p1 $0x0  }
0x14: {  	s2 =	sld [smem:$0x3F8B];
	s0 =	simm.s32 @p1 $0x1  }
0x15: {  	[smem:$0x3FA8] =	sst s0;
	s0 =	simm.s32 @!p2 $0x0  }
0x16: {  	s3 =	sld [smem:$0x3FDB];
	s0 =	simm.s32 @p2 $0x1  }
0x17: {  	s4 =	simm.s32 $0x1BF5;
	[smem:$0x3FAA] =	sst s0  }
0x18: {  	s0 =	sld [smem:$0x3F8D];
	_ =	swait.ge [sflag:s4], $0x0  }
0x19: {  	s7 =	sld [smem:$0x3F8E]  }
0x1a: {  	s8 =	sadd.s32 $0xFFFFE003, lr  }
0x1b: {  	s9 =	sadd.s32 $0xFFFFFEF7, lr;
	s5 =	simm.s32 $0xFFFFFFFF;
	p2 =	slt.u32 s8, $0xFFFFF086  }
0x1c: {  	p1 =	slt.u32 s9, $0xF7A;
	s5 =	simm.s32 @!p2 $0x0  }
0x1d: {  	s5 =	simm.s32 @p1 $0x1;
	p0 =	seq.s32 s7, s2  }
0x1e: {  	s7 =	smul.u32 @!p0 $0xF7A, s2;
	p2 =	seq.s32 @!p0 s5, $0x0  }
0x1f: {  	s9 =	smul.u32 $0xF7A, s1;
	s8 =	simm.s32 @!p0 $0x1BF5;
	p2 =	por !p2, p0  }
0x20: {  	[sflag:s8] =	ssyncset.s32 @!p0 $0xFFFFF086;
	s6 =	sadd.s32 @!p0 s3, s7;
	s7 =	simm.s32 @!p0 $0x108  }
0x21: {  	s3 =	sadd.s32 s3, s9;
	s6 =	sadd.s32 @!p0 $0x88, s6;
	s7 =	simm.s32 @p2 $0x1082  }
0x22: {  	[simem:s7], [sflag:s8] =	dma.local @!p0 [hbm:s6], $0xF7A  }
0x23: {  	s9 =	sor.u32 $0xD0000000, s2;
	s6 =	simm.s32 $0x108;
	_ =	swait.ge @!p0 [sflag:s8], $0x0  }
0x24: {  	s3 =	sadd.s32 $0x88, s3;
	s6 =	simm.s32 @!p1 $0x1082;
	[sflag:s4] =	ssyncset.s32 $0xFFFFF086  }
0x25: {  	[simem:s6], [sflag:s4] =	dma.local [hbm:s3], $0xF7A  }
0x26: {  	[smem:$0x3F8E] =	sst s1;
	(tag) =	ssettag s2;
	_ =	strace s9  }
0x27: {  	s1 =	sld [smem:$0x3F9E]  }
0x28: {  	s2 =	sld [smem:$0x3F9F]  }
0x29: {  	s4 =	sld [smem:$0x3FA1]  }
0x2a: {  	p0 =	seq.s32 s5, $0x0;
	s5 =	sld [smem:$0x3FA2]  }
0x2b: {  	s6 =	sld [smem:$0x3FA3]  }
0x2c: {  	s7 =	sld [smem:$0x3FA4]  }
0x2d: {  	s3 =	simm.s32 $0x108;
	s8 =	sld [smem:$0x3FA5]  }
0x2e: {  	s3 =	simm.s32 @!p0 $0x1082;
	s9 =	sld [smem:$0x3FA6]  }
0x2f: {  	lr =	sadd.s32 s0, s3;
	s0 =	sld [smem:$0x3F9D]  }
0x30: {  	s3 =	sld [smem:$0x3FA0]  }
0x31: {  	[smem:$0x3FA9] =	sst s10  }
0x32: {  	s10 =	sld [smem:$0x3FA7];
	_ =	sdelay $0x3  }
0x33: {  	p0 =	seq.s32 s10, $0x1;
	s10 =	sld [smem:$0x3FA9];
	_ =	sdelay $0x3  }
0x34: {  	[smem:$0x3FA9] =	sst s10  }
0x35: {  	s10 =	sld [smem:$0x3FA8];
	_ =	sdelay $0x3  }
0x36: {  	p1 =	seq.s32 s10, $0x1;
	s10 =	sld [smem:$0x3FA9];
	_ =	sdelay $0x3  }
0x37: {  	[smem:$0x3FA9] =	sst s10  }
0x38: {  	s10 =	sld [smem:$0x3FAA]  }
0x39: {  	_ = 	snop;
	(pc) =	sbr.ind lr, $3  }
0x3a: {  	_ = 	snop  }
0x3b: {  	_ = 	snop  }
0x3c: {  	p2 =	seq.s32 s10, $0x1;
	s10 =	sld [smem:$0x3FA9]  }
0x3d: {  	_ =	shalt  }
0x3e: {  	_ =	shalt  }
0x3f: {  	_ =	shalt  }
0x40: {  	_ =	shalt  }
0x41: {  	_ =	shalt  }
0x42: {  	_ =	shalt  }
0x43: {  	_ =	shalt  }
0x44: {  	_ =	shalt  }
0x45: {  	_ =	shalt  }
0x46: {  	_ =	shalt  }
0x47: {  	_ =	shalt  }
0x48: {  	_ =	shalt  }
0x49: {  	_ =	shalt  }
0x4a: {  	_ =	shalt  }
0x4b: {  	_ =	shalt  }
0x4c: {  	_ =	shalt  }
0x4d: {  	_ =	shalt  }
0x4e: {  	_ =	shalt  }
0x4f: {  	_ =	shalt  }
0x50: {  	_ =	shalt  }
0x51: {  	_ =	shalt  }
0x52: {  	_ =	shalt  }
0x53: {  	_ =	shalt  }
0x54: {  	_ =	shalt  }
0x55: {  	_ =	shalt  }
0x56: {  	_ =	shalt  }
0x57: {  	_ =	shalt  }
0x58: {  	_ =	shalt  }
0x59: {  	_ =	shalt  }
0x5a: {  	_ =	shalt  }
0x5b: {  	_ =	shalt  }
0x5c: {  	_ =	shalt  }
0x5d: {  	_ =	shalt  }
0x5e: {  	_ =	shalt  }
0x5f: {  	_ =	shalt  }
0x60: {  	_ =	shalt  }
0x61: {  	_ =	shalt  }
0x62: {  	_ =	shalt  }
0x63: {  	_ =	shalt  }
0x64: {  	_ =	shalt  }
0x65: {  	_ =	shalt  }
0x66: {  	_ =	shalt  }
0x67: {  	_ =	shalt  }
0x68: {  	_ =	shalt  }
0x69: {  	_ =	shalt  }
0x6a: {  	_ =	shalt  }
0x6b: {  	_ =	shalt  }
0x6c: {  	_ =	shalt  }
0x6d: {  	_ =	shalt  }
0x6e: {  	_ =	shalt  }
0x6f: {  	_ =	shalt  }
0x70: {  	_ =	shalt  }
0x71: {  	_ =	shalt  }
0x72: {  	_ =	shalt  }
0x73: {  	_ =	shalt  }
0x74: {  	_ =	shalt  }
0x75: {  	_ =	shalt  }
0x76: {  	_ =	shalt  }
0x77: {  	_ =	shalt  }
0x78: {  	_ =	shalt  }
0x79: {  	_ =	shalt  }
0x7a: {  	_ =	shalt  }
0x7b: {  	_ =	shalt  }
0x7c: {  	_ =	shalt  }
0x7d: {  	_ =	shalt  }
0x7e: {  	_ =	shalt  }
0x7f: {  	_ =	shalt  }
0x80: {  	_ =	shalt  }
0x81: {  	_ =	shalt  }
0x82: {  	_ =	shalt  }
0x83: {  	_ =	shalt  }
0x84: {  	_ =	shalt  }
0x85: {  	_ =	shalt  }
0x86: {  	_ =	shalt  }
0x87: {  	_ =	shalt  }
.Lfunc_end0:
.L_simem_size_0:
called_computation.1_lowered:
.L_overlay_start_0:
0x88: {  	s2 =	sld [smem:$0x3FD9]  }
0x89: {  	s3 =	sld [smem:$0x3FFE];
	_ =	sdelay $0x1  }
0x8a: {  	s1 =	srdreg.scid  }
0x8b: {  	s0 =	sand.u32 $0x1, s1  }
0x8c: {  	s17 =	sshll.u32 s0, $0xA;
	s2 =	sadd.s32 s3, s2  }
0x8d: {  	s2 =	sadd.s32 s2, s17  }
0x8e: {  	[smem:$0x3FB5] =	sst s2  }
0x8f: {  	_ = 	snop  }
0x90: {  	s2 =	sld [smem:$0x3FC6]  }
0x91: {  	s18 =	sld [smem:$0x3FC5];
	(tm) =	ssettm $0x1  }
0x92: {  	s4 =	sld [smem:$0x3FFB];
	_ =	sdelay $0x3  }
0x93: {  	_ =	strace s4  }
0x94: {  	s4 =	sld [smem:$0x3FFC];
	_ =	sdelay $0x3  }
0x95: {  	_ =	strace s4  }
0x96: {  	s4 =	sld [smem:$0x3FFD];
	_ =	sdelay $0x3  }
0x97: {  	_ =	strace s4  }
0x98: {  	_ =	strace $0x8FFFFFFF  }
0x99: {  	s19 =	sld [smem:$0x3FDB];
	_ =	sdelay $0x1  }
0x9a: {  	s5 =	simm.s32 $_scs_section_size  }
0x9b: {  	s6 =	simm.s32 $_size__tile_overlayer_lowered;
	s7 =	simm.s32 $_tile_overlayer_lowered  }
0x9c: {  	s22 =	simm.s32 $0x1BFF;
	s21 =	sshll.u32 s7, $0x1;
	s4 =	sadd.s32 s5, s19  }
0x9d: {  	s8 =	simm.s32 $0x0;
	s20 =	sshll.u32 s6, $0x1;
	s6 =	sadd.s32 s21, s4  }
0x9e: {  	[timem:s8], [sflag:s22] =	dma.local [hbm:s6], s20  }
0x9f: {  	_ =	swait.ge [sflag:s22], s20  }
0xa0: {  	s5 =	ssub.s32 $0x0, s20;
	[sflag:s22] =	ssyncset.done $0x0  }
0xa1: {  	[sflag:s22] =	ssyncadd.s32 s5;
	_ =	sdelay $0x1  }
0xa2: {  	s23 =	simm.s32 $0x1B8B  }
0xa3: {  	_ =	swait.ge [sflag:s23], $0x1  }
0xa4: {  	[sflag:s23] =	ssyncset.done $0x0  }
0xa5: {  	s25 =	simm.s32 $0x1B8E;
	s24 =	sld [smem:$0x3FFE];
	[sflag:s23] =	ssyncadd.s32 $0xFFFFFFFF  }
0xa6: {  	s26 =	simm.s32 $execute0_lowered;
	[smem:$0x3FD2] =	sst s25  }
0xa7: {  	s6 =	sshll.u32 s26, $0x1;
	_ =	strace $0x80000049;
	[dreg:$0x1] =	wrdreg $0xFFFFFFFF  }
0xa8: {  	s28 =	simm.s32 $_size_execute0_lowered;
	s4 =	sadd.s32 s4, s6;
	[dreg:$0x0] =	wrdreg $0x0  }
0xa9: {  	s6 =	sshll.u32 s28, $0x1;
	[dreg:$0x2] =	wrdreg s4  }
0xaa: {  	[dreg:$0x3] =	wrdreg s6  }
0xab: {  	[dreg:$0x4] =	wrdreg $0xC0  }
0xac: {  	_ =	task [dreg:s8], $0x5FFFF  }
0xad: {  	[dreg:$0x1] =	wrdreg $0xFFFFFFFF  }
0xae: {  	[dreg:$0x0] =	wrdreg $0x60  }
0xaf: {  	[dreg:$0x2] =	wrdreg s24  }
0xb0: {  	[dreg:$0x3] =	wrdreg s18  }
0xb1: {  	[dreg:$0x4] =	wrdreg s2  }
0xb2: {  	[dreg:$0x5] =	wrdreg $0x9  }
0xb3: {  	_ =	task.clear_ibuf [dreg:s8], $0x6FFFF;
	_ =	strace $0x90000049  }
0xb4: {  	s29 =	simm.s32 $0x9;
	_ =	strace $0x8000004B  }
0xb5: {  	_ =	swait.ge [sflag:s29], $0x1  }
0xb6: {  	[sflag:s29] =	ssyncadd.s32 $0xFFFFFFFF  }
0xb7: {  	_ =	strace $0x9000004B  }
0xb8: {  	_ =	sfence  }
0xb9: {  	s30 =	sld [smem:$0x0];
	_ =	sdelay $0x2  }
0xba: {  	s31 =	sshll.u32 s1, $0xD;
	s1 =	sshrl.u32 s1, $0x2  }
0xbb: {  	s3 =	sand.u32 $0x4000, s31;
	s1 =	sadd.s32 s1, s30  }
0xbc: {  	s0 =	sor.u32 s3, s0;
	s1 =	sshll.u32 s1, $0x11  }
0xbd: {  	s0 =	sor.u32 s1, s0  }
0xbe: {  	s0 =	sadd.s32 $0x8F2B, s0  }
0xbf: {  	[sflag:s0] =	ssyncadd.remote.s32 $0x1  }
0xc0: {  	_ =	sfence.sel $0xFFFF  }
0xc1: {  	[dreg:$0x0] =	wrdreg $0xFFFFFFFF;
	(pc) =	sbr.abs _section_cstart, $3  }
0xc2: {  	[dreg:$0x1] =	wrdreg $0xFFFFFFFF  }
0xc3: {  	_ =	task.clear_ibuf [dreg:s8], $0x2FFFF;
	_ =	strace $0x9FFFFFFF  }
0xc4: {  	(tm) =	ssettm $0x7FFFFFFF  }
0xc5: {  	_ =	shalt  }
tec
execute0_lowered:
.L_overlay_start_1:
0x0: {  	(tag) =	ssettag $0x1  }
0x1: {  	s0 =	rddreg [dreg:$0x0];
	s1 =	srdreg.scid  }
0x2: {  	s3 =	stileid.u32;
	s2 =	rddreg [dreg:$0x2]  }
0x3: {  	s14 =	simm.s32 $0x2;
	s15 =	simm.s32 $0x50;
	s16 =	simm.s32 $0x140  }
0x4: {  	s17 =	simm.s32 $0x1;
	s18 =	simm.s32 $0x1540;
	s19 =	simm.s32 $0xA0  }
0x5: {  	s20 =	simm.s32 $0x2940;
	s21 =	simm.s32 $0xF0;
	s22 =	simm.s32 $0x3D40  }
0x6: {  	s23 =	simm.s32 $0x5140;
	s24 =	simm.s32 $0x7850;
	s25 =	simm.s32 $0x9F60  }
0x7: {  	s26 =	simm.s32 $0xC670;
	s28 =	simm.s32 $0xED80;
	s29 =	simm.s32 $0x11490  }
0x8: {  	s30 =	simm.s32 $0x13BA0;
	s1 =	sand.u32 $0x1, s1;
	s4 =	sshll.u32 s3, $0x1  }
0x9: {  	s31 =	simm.s32 $0x0;
	s3 =	simm.s32 $0x0;
	s5 =	sor.u32 s1, s4  }
0xa: {  	[smem:$0x7FF] =	sst s3;
	s4 =	sadd.s32 $0x22000, s0;
	s6 =	smul.u32 $0x28, s5  }
0xb: {  	s1 =	ssub.s32 $0x2, s1;
	_ =	strace $0x8000004A;
	s7 =	smul.u32 $0xA00, s5  }
0xc: {  	s10 =	smul.u32 $0x4E2, s5;
	s5 =	sadd.s32 $0x18200, s0;
	s8 =	sshrl.u32 s1, $0x1  }
0xd: {  	s1 =	ssub.s32 s1, s8;
	s6 =	sadd.s32 s6, s0;
	s7 =	sadd.s32 s7, s0  }
0xe: {  	s0 =	sadd.s32 s10, s0;
	s10 =	sadd.s32 s2, s10;
	s13 =	smax.u32 s1, $0x1  }
0xf: {  	s6 =	sadd.s32 $0x24000, s6;
	s7 =	sadd.s32 $0x24600, s7;
	s8 =	sadd.s32 $0x4600, s0  }
0x10: {  	s9 =	sadd.s32 $0xE400, s0;
	s11 =	sadd.s32 $0x38600, s0;
	s12 =	sadd.s32 $0x42400, s0  }
.LBB2_1:
0x11: {  	[tilespmem:s3], [sflag:$0x2] =	stream.linear.gather [hbm4b:s6+s3], $0x140, $0x38;
	[tilespmem:$0x162B0] =	vst v63  }
0x12: {  	_ =	swait.ge [sflag:s14], $0x140  }
0x13: {  	[sflag:s14] =	ssyncset.done $0x0  }
0x14: {  	[sflag:s14] =	ssyncadd.s32 $0xFFFFFEC0  }
0x15: {  	[tilespmem:s16], [sflag:$0x1] =	stream.indirect.gather [hbm4b:s4+s15], $0x40, s3, s15, $0xb8;
	[tilespmem:$0x162B0] =	vst v63  }
0x16: {  	_ =	swait.ge [sflag:s17], $0x1400  }
0x17: {  	[sflag:s17] =	ssyncset.done $0x0  }
0x18: {  	[sflag:s17] =	ssyncadd.s32 $0xFFFFEC00  }
0x19: {  	[tilespmem:s18], [sflag:$0x1] =	stream.indirect.gather [hbm4b:s4+s15], $0x40, s15, s15, $0xb8;
	[tilespmem:$0x162B0] =	vst v63  }
0x1a: {  	_ =	swait.ge [sflag:s17], $0x1400  }
0x1b: {  	[sflag:s17] =	ssyncset.done $0x0  }
0x1c: {  	[sflag:s17] =	ssyncadd.s32 $0xFFFFEC00  }
0x1d: {  	[tilespmem:s20], [sflag:$0x1] =	stream.indirect.gather [hbm4b:s4+s15], $0x40, s19, s15, $0xb8;
	[tilespmem:$0x162B0] =	vst v63  }
0x1e: {  	_ =	swait.ge [sflag:s17], $0x1400  }
0x1f: {  	[sflag:s17] =	ssyncset.done $0x0  }
0x20: {  	[sflag:s17] =	ssyncadd.s32 $0xFFFFEC00  }
0x21: {  	[tilespmem:s22], [sflag:$0x1] =	stream.indirect.gather [hbm4b:s4+s15], $0x40, s21, s15, $0xb8;
	[tilespmem:$0x162B0] =	vst v63  }
0x22: {  	_ =	swait.ge [sflag:s17], $0x1400  }
0x23: {  	[sflag:s17] =	ssyncset.done $0x0  }
0x24: {  	[sflag:s17] =	ssyncadd.s32 $0xFFFFEC00  }
0x25: {  	[hbm4b:s7+s3] =	stream.linear.scatter [tilespmem:s16], [sflag:$0x2], $0x5000, $0x38;
	[tilespmem:$0x162B0] =	vst v63  }
0x26: {  	_ =	swait.ge [sflag:s14], $0x5000  }
0x27: {  	[sflag:s14] =	ssyncset.done $0x0  }
0x28: {  	[sflag:s14] =	ssyncadd.s32 $0xFFFFB000  }
0x29: {  	[tilespmem:s23], [sflag:$0x2] =	stream.linear.gather [hbm4b:s5+s3], $0x2710, $0x38;
	[tilespmem:$0x162B0] =	vst v63  }
0x2a: {  	_ =	swait.ge [sflag:s14], $0x2710  }
0x2b: {  	[sflag:s14] =	ssyncset.done $0x0  }
0x2c: {  	[sflag:s14] =	ssyncadd.s32 $0xFFFFD8F0  }
0x2d: {  	s0 =	rddreg [dreg:$0x1]  }
0x2e: {  	[tilespmem:s24], [sflag:$0x2] =	stream.linear.gather [hbm4b:s0+s3], $0x2710, $0x38;
	[tilespmem:$0x162B0] =	vst v63  }
0x2f: {  	_ =	swait.ge [sflag:s14], $0x2710  }
0x30: {  	[sflag:s14] =	ssyncset.done $0x0  }
0x31: {  	[sflag:s14] =	ssyncadd.s32 $0xFFFFD8F0  }
0x32: {  	[tilespmem:s25], [sflag:$0x2] =	stream.linear.gather [hbm4b:s8+s3], $0x2710, $0x38;
	[tilespmem:$0x162B0] =	vst v63  }
0x33: {  	_ =	swait.ge [sflag:s14], $0x2710  }
0x34: {  	[sflag:s14] =	ssyncset.done $0x0  }
0x35: {  	[sflag:s14] =	ssyncadd.s32 $0xFFFFD8F0  }
0x36: {  	[tilespmem:s26], [sflag:$0x2] =	stream.linear.gather [hbm4b:s9+s3], $0x2710, $0x38;
	[tilespmem:$0x162B0] =	vst v63  }
0x37: {  	_ =	swait.ge [sflag:s14], $0x2710  }
0x38: {  	[sflag:s14] =	ssyncset.done $0x0  }
0x39: {  	[sflag:s14] =	ssyncadd.s32 $0xFFFFD8F0  }
0x3a: {  	[tilespmem:s28], [sflag:$0x2] =	stream.linear.gather [hbm4b:s10+s3], $0x2710, $0x38;
	[tilespmem:$0x162B0] =	vst v63  }
0x3b: {  	_ =	swait.ge [sflag:s14], $0x2710  }
0x3c: {  	[sflag:s14] =	ssyncset.done $0x0  }
0x3d: {  	s1 =	simm.s32 $0x0;
	[sflag:s14] =	ssyncadd.s32 $0xFFFFD8F0  }
0x3e: {  	v1 =	vld [tilespmem:s1+$0x9F60];
	_ =	sdelay $0x1  }
0x3f: {  	v0 =	vld [tilespmem:s1+$0xC670];
	_ =	sdelay $0x4  }
0x40: {  	v2 =	vld [tilespmem:s1+$0xED80]  }
0x41: {  	v1 =	vld.idx.msk [tilespmem:v1+s23+$0x0], $0xffff;
	_ =	sdelay $0x1  }
0x42: {  	v3 =	vld.idx.msk [tilespmem:v0+s23+$0x0], $0xffff;
	_ =	sdelay $0x2  }
0x43: {  	v1 =	vmul.f32 v2, v1;
	_ =	sdelay $0x1  }
0x44: {  	v1 =	vmul.f32 v1, v3  }
0x45: {  	s2 =	simm.s32 $0x10;
	s0 =	simm.s32 $0x80  }
.LBB2_2:
0x46: {  	p0 =	sne.s32 s0, $0x9C00;
	v2 =	vld [tilespmem:s2+$0x9F60];
	[tilespmem:s1+$0x11490] =	vst v1  }
0x47: {  	v1 =	vld.idx.msk [tilespmem:v0+s24+$0x0], $0xffff  }
0x48: {  	v0 =	vld [tilespmem:s2+$0xC670];
	_ =	sdelay $0x4  }
0x49: {  	[tilespmem:s1+$0x13BA0] =	vst v1;
	s1 =	smov.u32 s2  }
0x4a: {  	v1 =	vld.idx.msk [tilespmem:v2+s23+$0x0], $0xffff  }
0x4b: {  	v2 =	vld [tilespmem:s1+$0xED80]  }
0x4c: {  	v3 =	vld.idx.msk [tilespmem:v0+s23+$0x0], $0xffff;
	_ =	sdelay $0x2  }
.Ltmp0:
0x4d: {  	(pc) =	sbr.rel @p0 .LBB2_2-.Ltmp0, $3  }
0x4e: {  	v1 =	vmul.f32 v2, v1;
	_ =	sdelay $0x1  }
0x4f: {  	v1 =	vmul.f32 v1, v3  }
0x50: {  	s2 =	sshra.s32 s0, $0x2;
	s0 =	sadd.s32 $0x40, s0  }
0x51: {  	_ =	sdelay $0x2  }
0x52: {  	v2 =	vld [tilespmem:s2+$0x9F60];
	[tilespmem:s1+$0x11490] =	vst v1  }
0x53: {  	v0 =	vld.idx.msk [tilespmem:v0+s24+$0x0], $0xffff  }
0x54: {  	v1 =	vld [tilespmem:s2+$0xC670];
	_ =	sdelay $0x3  }
0x55: {  	[tilespmem:s1+$0x13BA0] =	vst v0  }
0x56: {  	v63 =	vld [tilespmem:s2+$0xED80]  }
0x57: {  	v0 =	vld.idx.msk [tilespmem:v2+s23+$0x0], $0xffff;
	_ =	sdelay $0x1  }
0x58: {  	v3 =	vld.idx.msk [tilespmem:v1+s23+$0x0], $0xffff;
	_ =	sdelay $0x2  }
0x59: {  	v0 =	vmul.f32 v63, v0;
	_ =	sdelay $0x1  }
0x5a: {  	v0 =	vmul.f32 v0, v3;
	_ =	sdelay $0x1  }
0x5b: {  	[tilespmem:s2+$0x11490] =	vst v0  }
0x5c: {  	v0 =	vld.idx.msk [tilespmem:v1+s24+$0x0], $0xffff;
	_ =	sdelay $0x4  }
0x5d: {  	[tilespmem:s2+$0x13BA0] =	vst v0  }
0x5e: {  	[hbm4b:s11+s3] =	stream.linear.scatter [tilespmem:s29], [sflag:$0x2], $0x2710, $0x38;
	[tilespmem:$0x162B0] =	vst v63  }
0x5f: {  	s31 =	sadd.s32 $0x1, s31;
	_ =	swait.ge [sflag:s14], $0x2710  }
0x60: {  	p0 =	sne.s32 s31, s13;
	[sflag:s14] =	ssyncset.done $0x0  }
.Ltmp1:
0x61: {  	[sflag:s14] =	ssyncadd.s32 $0xFFFFD8F0;
	(pc) =	sbr.rel @p0 .LBB2_1-.Ltmp1, $4  }
0x62: {  	[hbm4b:s12+s3] =	stream.linear.scatter [tilespmem:s30], [sflag:$0x2], $0x2710, $0x38;
	[tilespmem:$0x162B0] =	vst v63  }
0x63: {  	_ =	swait.ge [sflag:s14], $0x2710  }
0x64: {  	[sflag:s14] =	ssyncset.done $0x0  }
0x65: {  	[sflag:s14] =	ssyncadd.s32 $0xFFFFD8F0  }
0x66: {  	_ =	sfence.sel $0x180000  }
0x67: {  	[bflag:$0x0] =	sbarrier.arrive $0xFFFF  }
0x68: {  	_ =	strace $0x9000004A  }
0x69: {  	s0 =	stileid.u32;
	[bflag:$0x2] =	sbarrier.arrive $0xFFFF  }
0x6a: {  	p0 =	sne.s32 s0, $0x0;
	s0 =	rddreg [dreg:$0x3]  }
0x6b: {  	s0 =	sadd.s32 @!p0 $0x100000, s0  }
0x6c: {  	[sflag:s0] =	ssyncadd.tile.s32 @!p0 $0x1;
	_ =	shalt  }
.Lfunc_end2:
_tile_overlayer_lowered:
.L_overlay_start_2:
0x6d: {  	(tag) =	ssettag $0x2  }
0x6e: {  	s0 =	rddreg [dreg:$0x0];
	s2 =	stileid.u32  }
0x6f: {  	s1 =	rddreg [dreg:$0x1];
	p0 =	sne.s32 s2, $0x0  }
0x70: {  	s3 =	rddreg [dreg:$0x2];
	[bflag:$0x3] =	sbarrier.arrive $0xFFFF;
	s2 =	simm.s32 @!p0 $0x1C02  }
0x71: {  	[timem:s3], [sflag:s2] =	dma.local @!p0 [hbm:s0], s1  }
0x72: {  	s0 =	simm.s32 @!p0 $0x2  }
0x73: {  	_ =	swait.ge @!p0 [sflag:s0], s1  }
0x74: {  	s1 =	ssub.s32 @!p0 $0x0, s1;
	[sflag:s0] =	ssyncset.done @!p0 $0x0  }
0x75: {  	[sflag:s0] =	ssyncadd.s32 @!p0 s1  }
0x76: {  	[bflag:$0x3] =	sbarrier.arrive $0xFFFF  }
0x77: {  	_ =	shalt  }

// kernel: kernel.16.cloned.1.call-start
scs
__scs_entry_jumppad:
0x0: {  	(pc) =	sbr.rel $0x88, $3  }
0x1: {  	(tag) =	ssettag $0x0;
	lr =	simm.s32 $0x1  }
0x2: {  	[smem:$0x3F8E] =	sst lr;
	_ =	strace $0xD0000000  }
0x3: {  	_ = 	snop  }
0x4: {  	_ = 	snop  }
0x5: {  	_ = 	snop  }
0x6: {  	_ = 	snop  }
0x7: {  	_ = 	snop  }
__scs_overlays_trampoline_lowered:
0x8: {  	[smem:$0x3F9D] =	sst s0  }
0x9: {  	[smem:$0x3F9E] =	sst s1  }
0xa: {  	[smem:$0x3F9F] =	sst s2  }
0xb: {  	[smem:$0x3FA0] =	sst s3  }
0xc: {  	[smem:$0x3FA1] =	sst s4  }
0xd: {  	[smem:$0x3FA2] =	sst s5  }
0xe: {  	[smem:$0x3FA3] =	sst s6  }
0xf: {  	[smem:$0x3FA4] =	sst s7  }
0x10: {  	[smem:$0x3FA5] =	sst s8  }
0x11: {  	[smem:$0x3FA6] =	sst s9;
	s0 =	simm.s32 @!p0 $0x0  }
0x12: {  	s1 =	sld [smem:$0x3F8C];
	s0 =	simm.s32 @p0 $0x1  }
0x13: {  	[smem:$0x3FA7] =	sst s0;
	s0 =	simm.s32 @!p1 $0x0  }
0x14: {  	s2 =	sld [smem:$0x3F8B];
	s0 =	simm.s32 @p1 $0x1  }
0x15: {  	[smem:$0x3FA8] =	sst s0;
	s0 =	simm.s32 @!p2 $0x0  }
0x16: {  	s3 =	sld [smem:$0x3FDB];
	s0 =	simm.s32 @p2 $0x1  }
0x17: {  	s4 =	simm.s32 $0x1BF5;
	[smem:$0x3FAA] =	sst s0  }
0x18: {  	s0 =	sld [smem:$0x3F8D];
	_ =	swait.ge [sflag:s4], $0x0  }
0x19: {  	s7 =	sld [smem:$0x3F8E]  }
0x1a: {  	s8 =	sadd.s32 $0xFFFFE003, lr  }
0x1b: {  	s9 =	sadd.s32 $0xFFFFFEF7, lr;
	s5 =	simm.s32 $0xFFFFFFFF;
	p2 =	slt.u32 s8, $0xFFFFF086  }
0x1c: {  	p1 =	slt.u32 s9, $0xF7A;
	s5 =	simm.s32 @!p2 $0x0  }
0x1d: {  	s5 =	simm.s32 @p1 $0x1;
	p0 =	seq.s32 s7, s2  }
0x1e: {  	s7 =	smul.u32 @!p0 $0xF7A, s2;
	p2 =	seq.s32 @!p0 s5, $0x0  }
0x1f: {  	s9 =	smul.u32 $0xF7A, s1;
	s8 =	simm.s32 @!p0 $0x1BF5;
	p2 =	por !p2, p0  }
0x20: {  	[sflag:s8] =	ssyncset.s32 @!p0 $0xFFFFF086;
	s6 =	sadd.s32 @!p0 s3, s7;
	s7 =	simm.s32 @!p0 $0x108  }
0x21: {  	s3 =	sadd.s32 s3, s9;
	s6 =	sadd.s32 @!p0 $0x88, s6;
	s7 =	simm.s32 @p2 $0x1082  }
0x22: {  	[simem:s7], [sflag:s8] =	dma.local @!p0 [hbm:s6], $0xF7A  }
0x23: {  	s9 =	sor.u32 $0xD0000000, s2;
	s6 =	simm.s32 $0x108;
	_ =	swait.ge @!p0 [sflag:s8], $0x0  }
0x24: {  	s3 =	sadd.s32 $0x88, s3;
	s6 =	simm.s32 @!p1 $0x1082;
	[sflag:s4] =	ssyncset.s32 $0xFFFFF086  }
0x25: {  	[simem:s6], [sflag:s4] =	dma.local [hbm:s3], $0xF7A  }
0x26: {  	[smem:$0x3F8E] =	sst s1;
	(tag) =	ssettag s2;
	_ =	strace s9  }
0x27: {  	s1 =	sld [smem:$0x3F9E]  }
0x28: {  	s2 =	sld [smem:$0x3F9F]  }
0x29: {  	s4 =	sld [smem:$0x3FA1]  }
0x2a: {  	p0 =	seq.s32 s5, $0x0;
	s5 =	sld [smem:$0x3FA2]  }
0x2b: {  	s6 =	sld [smem:$0x3FA3]  }
0x2c: {  	s7 =	sld [smem:$0x3FA4]  }
0x2d: {  	s3 =	simm.s32 $0x108;
	s8 =	sld [smem:$0x3FA5]  }
0x2e: {  	s3 =	simm.s32 @!p0 $0x1082;
	s9 =	sld [smem:$0x3FA6]  }
0x2f: {  	lr =	sadd.s32 s0, s3;
	s0 =	sld [smem:$0x3F9D]  }
0x30: {  	s3 =	sld [smem:$0x3FA0]  }
0x31: {  	[smem:$0x3FA9] =	sst s10  }
0x32: {  	s10 =	sld [smem:$0x3FA7];
	_ =	sdelay $0x3  }
0x33: {  	p0 =	seq.s32 s10, $0x1;
	s10 =	sld [smem:$0x3FA9];
	_ =	sdelay $0x3  }
0x34: {  	[smem:$0x3FA9] =	sst s10  }
0x35: {  	s10 =	sld [smem:$0x3FA8];
	_ =	sdelay $0x3  }
0x36: {  	p1 =	seq.s32 s10, $0x1;
	s10 =	sld [smem:$0x3FA9];
	_ =	sdelay $0x3  }
0x37: {  	[smem:$0x3FA9] =	sst s10  }
0x38: {  	s10 =	sld [smem:$0x3FAA]  }
0x39: {  	_ = 	snop;
	(pc) =	sbr.ind lr, $3  }
0x3a: {  	_ = 	snop  }
0x3b: {  	_ = 	snop  }
0x3c: {  	p2 =	seq.s32 s10, $0x1;
	s10 =	sld [smem:$0x3FA9]  }
0x3d: {  	_ =	shalt  }
0x3e: {  	_ =	shalt  }
0x3f: {  	_ =	shalt  }
0x40: {  	_ =	shalt  }
0x41: {  	_ =	shalt  }
0x42: {  	_ =	shalt  }
0x43: {  	_ =	shalt  }
0x44: {  	_ =	shalt  }
0x45: {  	_ =	shalt  }
0x46: {  	_ =	shalt  }
0x47: {  	_ =	shalt  }
0x48: {  	_ =	shalt  }
0x49: {  	_ =	shalt  }
0x4a: {  	_ =	shalt  }
0x4b: {  	_ =	shalt  }
0x4c: {  	_ =	shalt  }
0x4d: {  	_ =	shalt  }
0x4e: {  	_ =	shalt  }
0x4f: {  	_ =	shalt  }
0x50: {  	_ =	shalt  }
0x51: {  	_ =	shalt  }
0x52: {  	_ =	shalt  }
0x53: {  	_ =	shalt  }
0x54: {  	_ =	shalt  }
0x55: {  	_ =	shalt  }
0x56: {  	_ =	shalt  }
0x57: {  	_ =	shalt  }
0x58: {  	_ =	shalt  }
0x59: {  	_ =	shalt  }
0x5a: {  	_ =	shalt  }
0x5b: {  	_ =	shalt  }
0x5c: {  	_ =	shalt  }
0x5d: {  	_ =	shalt  }
0x5e: {  	_ =	shalt  }
0x5f: {  	_ =	shalt  }
0x60: {  	_ =	shalt  }
0x61: {  	_ =	shalt  }
0x62: {  	_ =	shalt  }
0x63: {  	_ =	shalt  }
0x64: {  	_ =	shalt  }
0x65: {  	_ =	shalt  }
0x66: {  	_ =	shalt  }
0x67: {  	_ =	shalt  }
0x68: {  	_ =	shalt  }
0x69: {  	_ =	shalt  }
0x6a: {  	_ =	shalt  }
0x6b: {  	_ =	shalt  }
0x6c: {  	_ =	shalt  }
0x6d: {  	_ =	shalt  }
0x6e: {  	_ =	shalt  }
0x6f: {  	_ =	shalt  }
0x70: {  	_ =	shalt  }
0x71: {  	_ =	shalt  }
0x72: {  	_ =	shalt  }
0x73: {  	_ =	shalt  }
0x74: {  	_ =	shalt  }
0x75: {  	_ =	shalt  }
0x76: {  	_ =	shalt  }
0x77: {  	_ =	shalt  }
0x78: {  	_ =	shalt  }
0x79: {  	_ =	shalt  }
0x7a: {  	_ =	shalt  }
0x7b: {  	_ =	shalt  }
0x7c: {  	_ =	shalt  }
0x7d: {  	_ =	shalt  }
0x7e: {  	_ =	shalt  }
0x7f: {  	_ =	shalt  }
0x80: {  	_ =	shalt  }
0x81: {  	_ =	shalt  }
0x82: {  	_ =	shalt  }
0x83: {  	_ =	shalt  }
0x84: {  	_ =	shalt  }
0x85: {  	_ =	shalt  }
0x86: {  	_ =	shalt  }
0x87: {  	_ =	shalt  }
.Lfunc_end0:
.L_simem_size_0:
called_computation.2_lowered:
.L_overlay_start_0:
0x88: {  	s2 =	sld [smem:$0x3FD9]  }
0x89: {  	s3 =	sld [smem:$0x3FFE];
	_ =	sdelay $0x1  }
0x8a: {  	s1 =	srdreg.scid  }
0x8b: {  	s0 =	sand.u32 $0x1, s1  }
0x8c: {  	s16 =	sshll.u32 s0, $0xA;
	s2 =	sadd.s32 s3, s2  }
0x8d: {  	s2 =	sadd.s32 s2, s16  }
0x8e: {  	[smem:$0x3FB5] =	sst s2  }
0x8f: {  	_ = 	snop  }
0x90: {  	(tm) =	ssettm $0x1  }
0x91: {  	s17 =	sld [smem:$0x3FFB];
	_ =	sdelay $0x3  }
0x92: {  	_ =	strace s17  }
0x93: {  	s2 =	sld [smem:$0x3FFC];
	_ =	sdelay $0x3  }
0x94: {  	_ =	strace s2  }
0x95: {  	s2 =	sld [smem:$0x3FFD];
	_ =	sdelay $0x3  }
0x96: {  	_ =	strace s2  }
0x97: {  	_ =	strace $0x8FFFFFFF  }
0x98: {  	s18 =	sld [smem:$0x3FDB];
	_ =	sdelay $0x1  }
0x99: {  	s19 =	simm.s32 $_scs_section_size  }
0x9a: {  	s4 =	simm.s32 $_size__tile_overlayer_lowered;
	s5 =	simm.s32 $_tile_overlayer_lowered  }
0x9b: {  	s22 =	simm.s32 $0x1BFF;
	s21 =	sshll.u32 s5, $0x1;
	s2 =	sadd.s32 s19, s18  }
0x9c: {  	s6 =	simm.s32 $0x0;
	s20 =	sshll.u32 s4, $0x1;
	s4 =	sadd.s32 s21, s2  }
0x9d: {  	[timem:s6], [sflag:s22] =	dma.local [hbm:s4], s20  }
0x9e: {  	_ =	swait.ge [sflag:s22], s20  }
0x9f: {  	s3 =	ssub.s32 $0x0, s20;
	[sflag:s22] =	ssyncset.done $0x0  }
0xa0: {  	[sflag:s22] =	ssyncadd.s32 s3;
	_ =	sdelay $0x1  }
0xa1: {  	s23 =	simm.s32 $0x1B8B  }
0xa2: {  	_ =	swait.ge [sflag:s23], $0x1  }
0xa3: {  	[sflag:s23] =	ssyncset.done $0x0  }
0xa4: {  	s25 =	simm.s32 $0x1B8E;
	s24 =	sld [smem:$0x3FFE];
	[sflag:s23] =	ssyncadd.s32 $0xFFFFFFFF  }
0xa5: {  	s26 =	simm.s32 $execute0_lowered;
	[smem:$0x3FD2] =	sst s25  }
0xa6: {  	s4 =	sshll.u32 s26, $0x1;
	_ =	strace $0x8000004C;
	[dreg:$0x1] =	wrdreg $0xFFFFFFFF  }
0xa7: {  	s28 =	simm.s32 $_size_execute0_lowered;
	s2 =	sadd.s32 s2, s4;
	[dreg:$0x0] =	wrdreg $0x0  }
0xa8: {  	s4 =	sshll.u32 s28, $0x1;
	[dreg:$0x2] =	wrdreg s2  }
0xa9: {  	[dreg:$0x3] =	wrdreg s4  }
0xaa: {  	[dreg:$0x4] =	wrdreg $0xC0  }
0xab: {  	_ =	task [dreg:s6], $0x5FFFF  }
0xac: {  	[dreg:$0x1] =	wrdreg $0xFFFFFFFF  }
0xad: {  	[dreg:$0x0] =	wrdreg $0x60  }
0xae: {  	[dreg:$0x2] =	wrdreg s24  }
0xaf: {  	[dreg:$0x3] =	wrdreg $0xB6D00  }
0xb0: {  	[dreg:$0x4] =	wrdreg $0x9  }
0xb1: {  	_ =	task.clear_ibuf [dreg:s6], $0x5FFFF;
	_ =	strace $0x9000004C  }
0xb2: {  	s29 =	simm.s32 $0x9;
	_ =	strace $0x8000004E  }
0xb3: {  	_ =	swait.ge [sflag:s29], $0x1  }
0xb4: {  	[sflag:s29] =	ssyncadd.s32 $0xFFFFFFFF  }
0xb5: {  	_ =	strace $0x9000004E  }
0xb6: {  	_ =	sfence  }
0xb7: {  	s30 =	sld [smem:$0x0];
	_ =	sdelay $0x2  }
0xb8: {  	s31 =	sshll.u32 s1, $0xD;
	s1 =	sshrl.u32 s1, $0x2  }
0xb9: {  	s3 =	sand.u32 $0x4000, s31;
	s1 =	sadd.s32 s1, s30  }
0xba: {  	s0 =	sor.u32 s3, s0;
	s1 =	sshll.u32 s1, $0x11  }
0xbb: {  	s0 =	sor.u32 s1, s0  }
0xbc: {  	s0 =	sadd.s32 $0x8F2B, s0  }
0xbd: {  	[sflag:s0] =	ssyncadd.remote.s32 $0x1  }
0xbe: {  	_ =	sfence.sel $0xFFFF  }
0xbf: {  	[dreg:$0x0] =	wrdreg $0xFFFFFFFF;
	(pc) =	sbr.abs _section_cstart, $3  }
0xc0: {  	[dreg:$0x1] =	wrdreg $0xFFFFFFFF  }
0xc1: {  	_ =	task.clear_ibuf [dreg:s6], $0x2FFFF;
	_ =	strace $0x9FFFFFFF  }
0xc2: {  	(tm) =	ssettm $0x7FFFFFFF  }
0xc3: {  	_ =	shalt  }
tec
execute0_lowered:
.L_overlay_start_1:
0x0: {  	(tag) =	ssettag $0x1  }
0x1: {  	s11 =	stileid.u32  }
0x2: {  	s0 =	rddreg [dreg:$0x0];
	s9 =	smul.u32 $0x3A980, s11  }
0x3: {  	s1 =	rddreg [dreg:$0x1]  }
0x4: {  	s2 =	srdreg.scid;
	s4 =	simm.s32 $0x0;
	s9 =	sshrl.u32 s9, $0x2  }
0x5: {  	s2 =	sand.u32 $0x1, s2;
	[smem:$0x7FF] =	sst s4;
	s9 =	sadd.s32 s9, s1  }
0x6: {  	s3 =	smul.u32 $0x1D4C0, s2;
	_ =	strace $0x8000004D;
	s28 =	sadd.s32 $0x960, s9  }
0x7: {  	s8 =	smul.u32 $0xEA600, s2;
	s29 =	sadd.s32 $0x12C0, s9;
	[dreg:$0x3] =	wrdreg s28  }
0x8: {  	s2 =	ssub.s32 $0x2, s2;
	s30 =	sadd.s32 $0x1C20, s9;
	[dreg:$0x4] =	wrdreg s29  }
0x9: {  	s26 =	sshrl.u32 s2, $0x1;
	s31 =	sadd.s32 $0x2580, s9;
	[dreg:$0x5] =	wrdreg s30  }
0xa: {  	s10 =	ssub.s32 s2, s26;
	s2 =	sadd.s32 $0x2EE0, s9;
	[dreg:$0x6] =	wrdreg s31  }
0xb: {  	s12 =	sadd.s32 $0x3840, s9;
	[dreg:$0x7] =	wrdreg s2  }
0xc: {  	s13 =	sadd.s32 $0x41A0, s9;
	[dreg:$0x8] =	wrdreg s12  }
0xd: {  	s14 =	sadd.s32 $0x4B00, s9;
	[dreg:$0x9] =	wrdreg s13  }
0xe: {  	s15 =	sadd.s32 $0x5460, s9;
	[dreg:$0xa] =	wrdreg s14  }
0xf: {  	s16 =	sadd.s32 $0x5DC0, s9;
	[dreg:$0xb] =	wrdreg s15  }
0x10: {  	s7 =	smul.u32 $0xEA60, s11;
	s17 =	sadd.s32 $0x6720, s9;
	[dreg:$0xc] =	wrdreg s16  }
0x11: {  	s4 =	sadd.s32 $0x4C200, s0;
	s18 =	sadd.s32 $0x7080, s9;
	[dreg:$0xd] =	wrdreg s17  }
0x12: {  	s5 =	sadd.s32 $0x56600, s0;
	s19 =	sadd.s32 $0x79E0, s9;
	[dreg:$0xe] =	wrdreg s18  }
0x13: {  	s6 =	sadd.s32 $0x4600, s0;
	s20 =	sadd.s32 $0x8340, s9;
	[dreg:$0xf] =	wrdreg s19  }
0x14: {  	s3 =	sadd.s32 s3, s0;
	s21 =	sadd.s32 $0x8CA0, s9;
	[dreg:$0x10] =	wrdreg s20  }
0x15: {  	s8 =	sadd.s32 s7, s8;
	s22 =	sadd.s32 $0x9600, s9;
	[dreg:$0x11] =	wrdreg s21  }
0x16: {  	s7 =	sadd.s32 s7, s1;
	s23 =	sadd.s32 $0x9F60, s9;
	[dreg:$0x12] =	wrdreg s22  }
0x17: {  	s8 =	sshrl.u32 s8, $0x3;
	s24 =	sadd.s32 $0xA8C0, s9;
	[dreg:$0x13] =	wrdreg s23  }
0x18: {  	s25 =	sadd.s32 $0xB220, s9;
	s26 =	sadd.s32 $0xBB80, s9;
	[dreg:$0x14] =	wrdreg s24  }
0x19: {  	s3 =	sadd.s32 $0xAEC00, s3;
	s8 =	sadd.s32 s8, s0;
	[dreg:$0x15] =	wrdreg s25  }
0x1a: {  	[dreg:$0x16] =	wrdreg s26;
	s28 =	sadd.s32 $0xC4E0, s9;
	s29 =	sadd.s32 $0xCE40, s9  }
0x1b: {  	s30 =	sadd.s32 $0xD7A0, s9;
	s31 =	sadd.s32 $0xE100, s9;
	s9 =	smul.u32 $0x5140, s11  }
0x1c: {  	s11 =	simm.s32 $0x3;
	s12 =	simm.s32 $0x1450;
	[dreg:$0x17] =	wrdreg s28  }
0x1d: {  	s13 =	simm.s32 $0x28A0;
	s14 =	simm.s32 $0x64;
	[dreg:$0x18] =	wrdreg s29  }
0x1e: {  	s15 =	simm.s32 $0x3CF0;
	s16 =	simm.s32 $0x1;
	[dreg:$0x19] =	wrdreg s30  }
0x1f: {  	s17 =	simm.s32 $0x2;
	s18 =	simm.s32 $0x0;
	[dreg:$0x1a] =	wrdreg s31  }
0x20: {  	v0 =	vimm.f32 $0.0e+00;
	s2 =	sadd.s32 $0xE9600, s8;
	s8 =	smax.u32 s10, $0x1;
	s10 =	simm.s32 $0xAD70  }
.LBB2_1:
0x21: {  	s0 =	simm.s32 $0x0  }
0x22: {  	s19 =	smul.u32 $0xAB, s0;
	_ =	sdelay $0x1  }
0x23: {  	s19 =	sshrl.u32 s19, $0xA  }
0x24: {  	s20 =	sand.u32 $0x3F, s19  }
0x25: {  	s19 =	simm.s32 $0x1;
	s21 =	smul.u32 $0x6, s20  }
0x26: {  	s22 =	smul.u32 $0xAB, s19  }
0x27: {  	s24 =	smul.u32 $0x180, s20;
	s21 =	ssub.s32 $0x0, s21  }
0x28: {  	s20 =	simm.s32 $0x2;
	s25 =	sand.u32 $0xFF, s21  }
0x29: {  	s23 =	sshrl.u32 s22, $0xA;
	s21 =	sshrl.u32 s24, $0x2;
	s22 =	sshll.u32 s25, $0x4  }
.LBB2_2:
0x2a: {  	s24 =	smul.u32 $0xAB, s20;
	s23 =	sand.u32 $0x3F, s23  }
0x2b: {  	s21 =	sadd.s32 s22, s21;
	p0 =	sne.s32 s20, $0x95;
	s22 =	smul.u32 $0x6, s23  }
.Ltmp0:
0x2c: {  	[tilespmem:s21+$0xAD70] =	vst v0;
	(pc) =	sbr.rel @p0 .LBB2_2-.Ltmp0, $4  }
0x2d: {  	s21 =	smul.u32 $0x180, s23;
	s23 =	smov.u32 s20  }
0x2e: {  	s20 =	sadd.s32 $0x1, s20;
	s19 =	ssub.s32 s19, s22  }
0x2f: {  	s22 =	sand.u32 $0xFF, s19;
	s19 =	smov.u32 s23  }
0x30: {  	s21 =	sshrl.u32 s21, $0x2;
	s23 =	sshrl.u32 s24, $0xA;
	s22 =	sshll.u32 s22, $0x4  }
0x31: {  	s20 =	sand.u32 $0x3F, s23  }
0x32: {  	s23 =	smul.u32 $0x6, s20;
	_ =	sdelay $0x1  }
0x33: {  	s20 =	smul.u32 $0x180, s20;
	s19 =	ssub.s32 s19, s23  }
0x34: {  	s19 =	sand.u32 $0xFF, s19  }
0x35: {  	s21 =	sadd.s32 s22, s21;
	s20 =	sshrl.u32 s20, $0x2;
	s19 =	sshll.u32 s19, $0x4  }
0x36: {  	[tilespmem:s21+$0xAD70] =	vst v0;
	s19 =	sadd.s32 s19, s20  }
0x37: {  	[tilespmem:s19+$0xAD70] =	vst v0  }
0x38: {  	[spmem:s7] =	stream.linear.scatter [tilespmem:s10], [sflag:$0x3], $0x960, $0x38;
	[tilespmem:$0x1A130] =	vst v63  }
0x39: {  	_ =	swait.ge [sflag:s11], $0x960  }
0x3a: {  	[sflag:s11] =	ssyncset.done $0x0  }
0x3b: {  	s0 =	rddreg [dreg:$0x3];
	[sflag:s11] =	ssyncadd.s32 $0xFFFFF6A0  }
0x3c: {  	[spmem:s0] =	stream.linear.scatter [tilespmem:s10], [sflag:$0x3], $0x960, $0x38;
	[tilespmem:$0x1A130] =	vst v63  }
0x3d: {  	_ =	swait.ge [sflag:s11], $0x960  }
0x3e: {  	[sflag:s11] =	ssyncset.done $0x0  }
0x3f: {  	s20 =	rddreg [dreg:$0x4];
	[sflag:s11] =	ssyncadd.s32 $0xFFFFF6A0  }
0x40: {  	[spmem:s20] =	stream.linear.scatter [tilespmem:s10], [sflag:$0x3], $0x960, $0x38;
	[tilespmem:$0x1A130] =	vst v63  }
0x41: {  	_ =	swait.ge [sflag:s11], $0x960  }
0x42: {  	[sflag:s11] =	ssyncset.done $0x0  }
0x43: {  	s21 =	rddreg [dreg:$0x5];
	[sflag:s11] =	ssyncadd.s32 $0xFFFFF6A0  }
0x44: {  	[spmem:s21] =	stream.linear.scatter [tilespmem:s10], [sflag:$0x3], $0x960, $0x38;
	[tilespmem:$0x1A130] =	vst v63  }
0x45: {  	_ =	swait.ge [sflag:s11], $0x960  }
0x46: {  	[sflag:s11] =	ssyncset.done $0x0  }
0x47: {  	s22 =	rddreg [dreg:$0x6];
	[sflag:s11] =	ssyncadd.s32 $0xFFFFF6A0  }
0x48: {  	[spmem:s22] =	stream.linear.scatter [tilespmem:s10], [sflag:$0x3], $0x960, $0x38;
	[tilespmem:$0x1A130] =	vst v63  }
0x49: {  	_ =	swait.ge [sflag:s11], $0x960  }
0x4a: {  	[sflag:s11] =	ssyncset.done $0x0  }
0x4b: {  	s23 =	rddreg [dreg:$0x7];
	[sflag:s11] =	ssyncadd.s32 $0xFFFFF6A0  }
0x4c: {  	[spmem:s23] =	stream.linear.scatter [tilespmem:s10], [sflag:$0x3], $0x960, $0x38;
	[tilespmem:$0x1A130] =	vst v63  }
0x4d: {  	_ =	swait.ge [sflag:s11], $0x960  }
0x4e: {  	[sflag:s11] =	ssyncset.done $0x0  }
0x4f: {  	s24 =	rddreg [dreg:$0x8];
	[sflag:s11] =	ssyncadd.s32 $0xFFFFF6A0  }
0x50: {  	[spmem:s24] =	stream.linear.scatter [tilespmem:s10], [sflag:$0x3], $0x960, $0x38;
	[tilespmem:$0x1A130] =	vst v63  }
0x51: {  	_ =	swait.ge [sflag:s11], $0x960  }
0x52: {  	[sflag:s11] =	ssyncset.done $0x0  }
0x53: {  	s25 =	rddreg [dreg:$0x9];
	[sflag:s11] =	ssyncadd.s32 $0xFFFFF6A0  }
0x54: {  	[spmem:s25] =	stream.linear.scatter [tilespmem:s10], [sflag:$0x3], $0x960, $0x38;
	[tilespmem:$0x1A130] =	vst v63  }
0x55: {  	_ =	swait.ge [sflag:s11], $0x960  }
0x56: {  	[sflag:s11] =	ssyncset.done $0x0  }
0x57: {  	s26 =	rddreg [dreg:$0xa];
	[sflag:s11] =	ssyncadd.s32 $0xFFFFF6A0  }
0x58: {  	[spmem:s26] =	stream.linear.scatter [tilespmem:s10], [sflag:$0x3], $0x960, $0x38;
	[tilespmem:$0x1A130] =	vst v63  }
0x59: {  	_ =	swait.ge [sflag:s11], $0x960  }
0x5a: {  	[sflag:s11] =	ssyncset.done $0x0  }
0x5b: {  	s28 =	rddreg [dreg:$0xb];
	[sflag:s11] =	ssyncadd.s32 $0xFFFFF6A0  }
0x5c: {  	[spmem:s28] =	stream.linear.scatter [tilespmem:s10], [sflag:$0x3], $0x960, $0x38;
	[tilespmem:$0x1A130] =	vst v63  }
0x5d: {  	_ =	swait.ge [sflag:s11], $0x960  }
0x5e: {  	[sflag:s11] =	ssyncset.done $0x0  }
0x5f: {  	s29 =	rddreg [dreg:$0xc];
	[sflag:s11] =	ssyncadd.s32 $0xFFFFF6A0  }
0x60: {  	[spmem:s29] =	stream.linear.scatter [tilespmem:s10], [sflag:$0x3], $0x960, $0x38;
	[tilespmem:$0x1A130] =	vst v63  }
0x61: {  	_ =	swait.ge [sflag:s11], $0x960  }
0x62: {  	[sflag:s11] =	ssyncset.done $0x0  }
0x63: {  	s30 =	rddreg [dreg:$0xd];
	[sflag:s11] =	ssyncadd.s32 $0xFFFFF6A0  }
0x64: {  	[spmem:s30] =	stream.linear.scatter [tilespmem:s10], [sflag:$0x3], $0x960, $0x38;
	[tilespmem:$0x1A130] =	vst v63  }
0x65: {  	_ =	swait.ge [sflag:s11], $0x960  }
0x66: {  	[sflag:s11] =	ssyncset.done $0x0  }
0x67: {  	s31 =	rddreg [dreg:$0xe];
	[sflag:s11] =	ssyncadd.s32 $0xFFFFF6A0  }
0x68: {  	[spmem:s31] =	stream.linear.scatter [tilespmem:s10], [sflag:$0x3], $0x960, $0x38;
	[tilespmem:$0x1A130] =	vst v63  }
0x69: {  	_ =	swait.ge [sflag:s11], $0x960  }
0x6a: {  	[sflag:s11] =	ssyncset.done $0x0  }
0x6b: {  	s19 =	rddreg [dreg:$0xf];
	[sflag:s11] =	ssyncadd.s32 $0xFFFFF6A0  }
0x6c: {  	[spmem:s19] =	stream.linear.scatter [tilespmem:s10], [sflag:$0x3], $0x960, $0x38;
	[tilespmem:$0x1A130] =	vst v63  }
0x6d: {  	_ =	swait.ge [sflag:s11], $0x960  }
0x6e: {  	[sflag:s11] =	ssyncset.done $0x0  }
0x6f: {  	s20 =	rddreg [dreg:$0x10];
	[sflag:s11] =	ssyncadd.s32 $0xFFFFF6A0  }
0x70: {  	[spmem:s20] =	stream.linear.scatter [tilespmem:s10], [sflag:$0x3], $0x960, $0x38;
	[tilespmem:$0x1A130] =	vst v63  }
0x71: {  	_ =	swait.ge [sflag:s11], $0x960  }
0x72: {  	[sflag:s11] =	ssyncset.done $0x0  }
0x73: {  	s21 =	rddreg [dreg:$0x11];
	[sflag:s11] =	ssyncadd.s32 $0xFFFFF6A0  }
0x74: {  	[spmem:s21] =	stream.linear.scatter [tilespmem:s10], [sflag:$0x3], $0x960, $0x38;
	[tilespmem:$0x1A130] =	vst v63  }
0x75: {  	_ =	swait.ge [sflag:s11], $0x960  }
0x76: {  	[sflag:s11] =	ssyncset.done $0x0  }
0x77: {  	s22 =	rddreg [dreg:$0x12];
	[sflag:s11] =	ssyncadd.s32 $0xFFFFF6A0  }
0x78: {  	[spmem:s22] =	stream.linear.scatter [tilespmem:s10], [sflag:$0x3], $0x960, $0x38;
	[tilespmem:$0x1A130] =	vst v63  }
0x79: {  	_ =	swait.ge [sflag:s11], $0x960  }
0x7a: {  	[sflag:s11] =	ssyncset.done $0x0  }
0x7b: {  	s23 =	rddreg [dreg:$0x13];
	[sflag:s11] =	ssyncadd.s32 $0xFFFFF6A0  }
0x7c: {  	[spmem:s23] =	stream.linear.scatter [tilespmem:s10], [sflag:$0x3], $0x960, $0x38;
	[tilespmem:$0x1A130] =	vst v63  }
0x7d: {  	_ =	swait.ge [sflag:s11], $0x960  }
0x7e: {  	[sflag:s11] =	ssyncset.done $0x0  }
0x7f: {  	s24 =	rddreg [dreg:$0x14];
	[sflag:s11] =	ssyncadd.s32 $0xFFFFF6A0  }
0x80: {  	[spmem:s24] =	stream.linear.scatter [tilespmem:s10], [sflag:$0x3], $0x960, $0x38;
	[tilespmem:$0x1A130] =	vst v63  }
0x81: {  	_ =	swait.ge [sflag:s11], $0x960  }
0x82: {  	[sflag:s11] =	ssyncset.done $0x0  }
0x83: {  	s25 =	rddreg [dreg:$0x15];
	[sflag:s11] =	ssyncadd.s32 $0xFFFFF6A0  }
0x84: {  	[spmem:s25] =	stream.linear.scatter [tilespmem:s10], [sflag:$0x3], $0x960, $0x38;
	[tilespmem:$0x1A130] =	vst v63  }
0x85: {  	_ =	swait.ge [sflag:s11], $0x960  }
0x86: {  	[sflag:s11] =	ssyncset.done $0x0  }
0x87: {  	s26 =	rddreg [dreg:$0x16];
	[sflag:s11] =	ssyncadd.s32 $0xFFFFF6A0  }
0x88: {  	[spmem:s26] =	stream.linear.scatter [tilespmem:s10], [sflag:$0x3], $0x960, $0x38;
	[tilespmem:$0x1A130] =	vst v63  }
0x89: {  	_ =	swait.ge [sflag:s11], $0x960  }
0x8a: {  	[sflag:s11] =	ssyncset.done $0x0  }
0x8b: {  	s28 =	rddreg [dreg:$0x17];
	[sflag:s11] =	ssyncadd.s32 $0xFFFFF6A0  }
0x8c: {  	[spmem:s28] =	stream.linear.scatter [tilespmem:s10], [sflag:$0x3], $0x960, $0x38;
	[tilespmem:$0x1A130] =	vst v63  }
0x8d: {  	_ =	swait.ge [sflag:s11], $0x960  }
0x8e: {  	[sflag:s11] =	ssyncset.done $0x0  }
0x8f: {  	s29 =	rddreg [dreg:$0x18];
	[sflag:s11] =	ssyncadd.s32 $0xFFFFF6A0  }
0x90: {  	[spmem:s29] =	stream.linear.scatter [tilespmem:s10], [sflag:$0x3], $0x960, $0x38;
	[tilespmem:$0x1A130] =	vst v63  }
0x91: {  	_ =	swait.ge [sflag:s11], $0x960  }
0x92: {  	[sflag:s11] =	ssyncset.done $0x0  }
0x93: {  	s30 =	rddreg [dreg:$0x19];
	[sflag:s11] =	ssyncadd.s32 $0xFFFFF6A0  }
0x94: {  	[spmem:s30] =	stream.linear.scatter [tilespmem:s10], [sflag:$0x3], $0x960, $0x38;
	[tilespmem:$0x1A130] =	vst v63  }
0x95: {  	_ =	swait.ge [sflag:s11], $0x960  }
0x96: {  	[sflag:s11] =	ssyncset.done $0x0  }
0x97: {  	s31 =	rddreg [dreg:$0x1a];
	[sflag:s11] =	ssyncadd.s32 $0xFFFFF6A0  }
0x98: {  	[spmem:s31] =	stream.linear.scatter [tilespmem:s10], [sflag:$0x3], $0x960, $0x38;
	[tilespmem:$0x1A130] =	vst v63  }
0x99: {  	_ =	swait.ge [sflag:s11], $0x960  }
0x9a: {  	[sflag:s11] =	ssyncset.done $0x0  }
0x9b: {  	[sflag:s11] =	ssyncadd.s32 $0xFFFFF6A0  }
0x9c: {  	s19 =	simm.s32 $0x0;
	s20 =	simm.s32 $0x0;
	[bflag:$0x0] =	sbarrier.arrive $0xFFFF  }
.LBB2_4:
0x9d: {  	s21 =	smul.u32 $0x1450, s20;
	_ =	sdelay $0x1  }
0x9e: {  	s21 =	sadd.s32 s9, s21  }
0x9f: {  	s21 =	sshrl.u32 s21, $0x3  }
0xa0: {  	s22 =	sadd.s32 s4, s21  }
0xa1: {  	[tilespmem:s19], [sflag:$0x3] =	stream.linear.gather [hbm4b:s22+s19], $0x1450, $0x38;
	[tilespmem:$0x1A130] =	vst v63  }
0xa2: {  	_ =	swait.ge [sflag:s11], $0x1450  }
0xa3: {  	[sflag:s11] =	ssyncset.done $0x0  }
0xa4: {  	s31 =	sadd.s32 s5, s21;
	[sflag:s11] =	ssyncadd.s32 $0xFFFFEBB0  }
0xa5: {  	[tilespmem:s12], [sflag:$0x3] =	stream.linear.gather [hbm4b:s31+s19], $0x1450, $0x38;
	[tilespmem:$0x1A130] =	vst v63  }
0xa6: {  	_ =	swait.ge [sflag:s11], $0x1450  }
0xa7: {  	[sflag:s11] =	ssyncset.done $0x0  }
0xa8: {  	s21 =	sadd.s32 s6, s21;
	[sflag:s11] =	ssyncadd.s32 $0xFFFFEBB0  }
0xa9: {  	[tilespmem:s13], [sflag:$0x3] =	stream.linear.gather [hbm4b:s21+s19], $0x1450, $0x38;
	[tilespmem:$0x1A130] =	vst v63  }
0xaa: {  	_ =	swait.ge [sflag:s11], $0x1450  }
0xab: {  	[sflag:s11] =	ssyncset.done $0x0  }
0xac: {  	s21 =	simm.s32 $0x0;
	[sflag:s11] =	ssyncadd.s32 $0xFFFFEBB0  }
0xad: {  	[tilespmem:s15], [sflag:$0x1] =	stream.indirect.gather [hbm4b:s3+s14], $0x60, s19, s14, $0xb8;
	[tilespmem:$0x1A130] =	vst v63  }
.LBB2_5:
0xae: {  	p0 =	slt.u32 s21, $0x2  }
0xaf: {  	s22 =	simm.s32 @!p0 $0x2  }
0xb0: {  	_ =	swait.ge @!p0 [sflag:s22], $0x2580  }
0xb1: {  	p1 =	seq.s32 @!p0 s21, $0x31;
	[sflag:s22] =	ssyncset.done @!p0 $0x0  }
0xb2: {  	p1 =	por p0, !p1;
	[sflag:s22] =	ssyncadd.s32 @!p0 $0xFFFFDA80;
	s22 =	simm.s32 @!p0 $0x32  }
0xb3: {  	s22 =	sadd.s32 @p1 $0x1, s21  }
0xb4: {  	s23 =	smul.u32 @p1 $0xAB, s22;
	_ =	sdelay $0x1  }
0xb5: {  	s23 =	sshrl.u32 @p1 s23, $0x9  }
0xb6: {  	s23 =	sand.u32 @p1 $0x7F, s23  }
0xb7: {  	s23 =	smul.u32 @p1 $0x3, s23;
	_ =	sdelay $0x1  }
0xb8: {  	s23 =	ssub.s32 @p1 s22, s23  }
0xb9: {  	s23 =	sand.u32 @p1 $0xFF, s23  }
0xba: {  	s23 =	smul.u32 @p1 $0x9600, s23  }
0xbb: {  	s24 =	smul.u32 @p1 $0x1A0, s22  }
0xbc: {  	s23 =	sshrl.u32 @p1 s23, $0x2  }
0xbd: {  	s30 =	sand.u32 $0xFF, s21;
	s24 =	sshra.s32 @p1 s24, $0x2;
	s23 =	sadd.s32 @p1 $0x3CF0, s23  }
0xbe: {  	v1 =	vmov s21;
	[tilespmem:s23], [sflag:$0x1] =	stream.indirect.gather @p1 [hbm4b:s3+s14], $0x60, s24, s14, $0xb8;
	[tilespmem:$0x1A130] =	vst v63  }
0xbf: {  	v1 =	vmul.u32 $0x68, v1;
	s23 =	smul.u32 $0xAB, s30  }
0xc0: {  	s31 =	simm.s32 $0x0  }
0xc1: {  	v2 =	vmov s31;
	v1 =	vbroadcast v1, $0x0;
	s23 =	sshrl.u32 s23, $0x9  }
0xc2: {  	v3 =	vand.u32 $0x78, v2;
	s23 =	smul.u32 $0x3, s23  }
0xc3: {  	v2 =	vand.u32 $0x4, v2;
	v3 =	vadd.s32 v1, v3  }
0xc4: {  	v2 =	vor.u32 v2, v3;
	s23 =	ssub.s32 s21, s23  }
0xc5: {  	s23 =	sand.u32 $0xFF, s23  }
0xc6: {  	_ =	swait.ge [sflag:s16], $0x2580;
	s23 =	smul.u32 $0x9600, s23  }
0xc7: {  	[sflag:s16] =	ssyncset.done $0x0  }
0xc8: {  	[sflag:s16] =	ssyncadd.s32 $0xFFFFDA80;
	s0 =	sshrl.u32 s23, $0x2  }
0xc9: {  	v2 =	vld.idx.msk [tilespmem:v2+s13+$0x0], $0xffff;
	s23 =	sadd.s32 $0x3DB0, s0  }
0xca: {  	v3 =	vld [tilespmem:s23+$0xFFFFFF40]  }
0xcb: {  	v4 =	vld [tilespmem:s23+$0xFFFFFF60]  }
0xcc: {  	v5 =	vld [tilespmem:s23+$0xFFFFFF90]  }
0xcd: {  	v6 =	vld [tilespmem:s23+$0xFFFFFF80]  }
0xce: {  	s25 =	simm.s32 $0x1;
	v7 =	vld [tilespmem:s23+$0xFFFFFF70]  }
0xcf: {  	v8 =	vmov s25;
	v9 =	vld [tilespmem:s23+$0xFFFFFF50];
	v3 =	vmul.f32 v3, v2  }
0xd0: {  	v10 =	vand.u32 $0x78, v8;
	v4 =	vmul.f32 v4, v2  }
0xd1: {  	v8 =	vand.u32 $0x5, v8;
	v10 =	vadd.s32 v1, v10;
	v5 =	vmul.f32 v5, v2;
	[tilespmem:s23+$0xFFFFFF40] =	vst v3  }
0xd2: {  	v6 =	vmul.f32 v6, v2;
	v3 =	vor.u32 v8, v10;
	[tilespmem:s23+$0xFFFFFF60] =	vst v4  }
0xd3: {  	v4 =	vmul.f32 v7, v2;
	[tilespmem:s23+$0xFFFFFF90] =	vst v5  }
0xd4: {  	v2 =	vmul.f32 v9, v2;
	[tilespmem:s23+$0xFFFFFF80] =	vst v6  }
0xd5: {  	[tilespmem:s23+$0xFFFFFF70] =	vst v4  }
0xd6: {  	v4 =	vld [tilespmem:s23+$0xFFFFFFE0];
	[tilespmem:s23+$0xFFFFFF50] =	vst v2  }
0xd7: {  	v2 =	vld.idx.msk [tilespmem:v3+s13+$0x0], $0xffff  }
0xd8: {  	v8 =	vld [tilespmem:s23+$0xFFFFFFB0]  }
0xd9: {  	v11 =	vld [tilespmem:s23+$0xFFFFFFA0]  }
0xda: {  	v3 =	vld [tilespmem:s23+$0xFFFFFFD0]  }
0xdb: {  	s26 =	simm.s32 $0x2;
	v5 =	vld [tilespmem:s23+$0xFFFFFFC0]  }
0xdc: {  	v6 =	vld [tilespmem:s23+$0xFFFFFFF0];
	v7 =	vmov s26;
	v4 =	vmul.f32 v4, v2  }
0xdd: {  	v9 =	vand.u32 $0x78, v7;
	v8 =	vmul.f32 v8, v2  }
0xde: {  	v10 =	vmul.f32 v11, v2;
	[tilespmem:s23+$0xFFFFFFE0] =	vst v4;
	v4 =	vand.u32 $0x6, v7;
	v7 =	vadd.s32 v1, v9  }
0xdf: {  	v3 =	vmul.f32 v3, v2;
	[tilespmem:s23+$0xFFFFFFB0] =	vst v8;
	v4 =	vor.u32 v4, v7  }
0xe0: {  	v5 =	vmul.f32 v5, v2;
	[tilespmem:s23+$0xFFFFFFA0] =	vst v10  }
0xe1: {  	v2 =	vmul.f32 v6, v2;
	[tilespmem:s23+$0xFFFFFFD0] =	vst v3  }
0xe2: {  	[tilespmem:s23+$0xFFFFFFC0] =	vst v5  }
0xe3: {  	[tilespmem:s23+$0xFFFFFFF0] =	vst v2;
	v2 =	vld [tilespmem:s23+$0x10]  }
0xe4: {  	v7 =	vld.idx.msk [tilespmem:v4+s13+$0x0], $0xffff  }
0xe5: {  	v4 =	vld [tilespmem:s23+$0x40]  }
0xe6: {  	v5 =	vld [tilespmem:s23+$0x30]  }
0xe7: {  	v3 =	vld [tilespmem:s23+$0x0]  }
0xe8: {  	s30 =	simm.s32 $0x3;
	v8 =	vld [tilespmem:s23+$0x50]  }
0xe9: {  	v6 =	vld [tilespmem:s23+$0x20];
	v9 =	vmov s30;
	v2 =	vmul.f32 v2, v7  }
0xea: {  	v10 =	vand.u32 $0x78, v9;
	v11 =	vmul.f32 v4, v7  }
0xeb: {  	v10 =	vadd.s32 v1, v10;
	v4 =	vld [tilespmem:s23+$0x70];
	v12 =	vmul.f32 v5, v7;
	[tilespmem:s23+$0x10] =	vst v2;
	v2 =	vand.u32 $0x7, v9  }
0xec: {  	v3 =	vmul.f32 v3, v7;
	v5 =	vld [tilespmem:s23+$0xB0];
	[tilespmem:s23+$0x40] =	vst v11;
	v10 =	vor.u32 v2, v10  }
0xed: {  	s31 =	simm.s32 $0x4;
	s26 =	simm.s32 $0x5;
	v63 =	vmul.f32 v8, v7;
	v8 =	vld [tilespmem:s23+$0x80];
	[tilespmem:s23+$0x30] =	vst v12  }
0xee: {  	v9 =	vmov s31;
	v11 =	vmov s26;
	[tilespmem:s23+$0x0] =	vst v3;
	v2 =	vmul.f32 v6, v7;
	v6 =	vld [tilespmem:s23+$0x90]  }
0xef: {  	[tilespmem:s23+$0x50] =	vst v63;
	v7 =	vld [tilespmem:s23+$0x60];
	v3 =	vand.u32 $0x78, v9;
	v13 =	vand.u32 $0x4, v9;
	v9 =	vand.u32 $0x78, v11  }
0xf0: {  	s29 =	simm.s32 $0xB;
	s25 =	sadd.s32 $0x180, s23;
	v11 =	vand.u32 $0x5, v11;
	v14 =	vadd.s32 v1, v9;
	v9 =	vld [tilespmem:s23+$0xA0];
	[tilespmem:s23+$0x20] =	vst v2;
	v2 =	vadd.s32 v1, v3  }
0xf1: {  	s24 =	sadd.s32 $0x3CF0, s0;
	s28 =	smov.u32 s25;
	s26 =	simm.s32 $0x7;
	v3 =	vor.u32 v13, v2;
	v2 =	vor.u32 v11, v14;
	v10 =	vld.idx.msk [tilespmem:v10+s13+$0x0], $0xffff  }
.LBB2_6:
0xf2: {  	p0 =	sne.s32 s29, $0x63  }
0xf3: {  	s25 =	sadd.s32 $0x180, s25;
	s30 =	smov.u32 s29;
	s29 =	sadd.s32 $0x4, s29  }
0xf4: {  	_ =	sdelay $0x1  }
0xf5: {  	v7 =	vmul.f32 v7, v10;
	v4 =	vmul.f32 v4, v10  }
0xf6: {  	v8 =	vmul.f32 v8, v10;
	v6 =	vmul.f32 v6, v10  }
0xf7: {  	v5 =	vmul.f32 v5, v10;
	v11 =	vld [tilespmem:s28+$0xFFFFFF40];
	[tilespmem:s23+$0x60] =	vst v7;
	v7 =	vmul.f32 v9, v10  }
0xf8: {  	[tilespmem:s23+$0x80] =	vst v8  }
0xf9: {  	[tilespmem:s23+$0xA0] =	vst v7  }
0xfa: {  	[tilespmem:s23+$0xB0] =	vst v5  }
0xfb: {  	v5 =	vld [tilespmem:s28+$0xFFFFFF50];
	[tilespmem:s23+$0x90] =	vst v6  }
0xfc: {  	v6 =	vld [tilespmem:s28+$0xFFFFFF70];
	[tilespmem:s23+$0x70] =	vst v4;
	s23 =	smov.u32 s28;
	s28 =	smov.u32 s25  }
0xfd: {  	v4 =	vld.idx.msk [tilespmem:v3+s13+$0x0], $0xffff  }
0xfe: {  	s31 =	sadd.s32 $0xFFFFFFFD, s30;
	v7 =	vld [tilespmem:s23+$0xFFFFFF90]  }
0xff: {  	v3 =	vmov s31;
	v8 =	vld [tilespmem:s23+$0xFFFFFF60]  }
0x100: {  	v9 =	vand.u32 $0x78, v3;
	v10 =	vld [tilespmem:s23+$0xFFFFFF80]  }
0x101: {  	v3 =	vand.u32 $0x4, v3;
	v9 =	vadd.s32 v1, v9;
	v12 =	vld [tilespmem:s23+$0xFFFFFFF0]  }
0x102: {  	v3 =	vor.u32 v3, v9;
	v9 =	vld [tilespmem:s23+$0xFFFFFFA0]  }
0x103: {  	v11 =	vmul.f32 v11, v4;
	v7 =	vmul.f32 v7, v4;
	v13 =	vld [tilespmem:s23+$0xFFFFFFB0]  }
0x104: {  	v5 =	vmul.f32 v5, v4;
	v8 =	vmul.f32 v8, v4  }
0x105: {  	[tilespmem:s23+$0xFFFFFF40] =	vst v11;
	v10 =	vmul.f32 v10, v4  }
0x106: {  	v4 =	vmul.f32 v6, v4;
	[tilespmem:s23+$0xFFFFFF60] =	vst v8  }
0x107: {  	[tilespmem:s23+$0xFFFFFF90] =	vst v7  }
0x108: {  	[tilespmem:s23+$0xFFFFFF80] =	vst v10;
	v6 =	vld [tilespmem:s23+$0xFFFFFFD0]  }
0x109: {  	[tilespmem:s23+$0xFFFFFF70] =	vst v4;
	v4 =	vld [tilespmem:s23+$0xFFFFFFE0]  }
0x10a: {  	[tilespmem:s23+$0xFFFFFF50] =	vst v5  }
0x10b: {  	s31 =	sadd.s32 $0xFFFFFFFF, s26;
	v5 =	vld.idx.msk [tilespmem:v2+s13+$0x0], $0xffff  }
0x10c: {  	s0 =	sadd.s32 $0xFFFFFFFE, s30;
	v2 =	vmov s31  }
0x10d: {  	v7 =	vmov s0;
	v8 =	vand.u32 $0x6, v2  }
0x10e: {  	v10 =	vand.u32 $0x78, v7;
	v2 =	vand.u32 $0x78, v2;
	v11 =	vld [tilespmem:s23+$0xFFFFFFC0]  }
0x10f: {  	v10 =	vadd.s32 v1, v10;
	v2 =	vadd.s32 v1, v2  }
0x110: {  	v7 =	vand.u32 $0x5, v7;
	v8 =	vor.u32 v8, v2  }
0x111: {  	v2 =	vor.u32 v7, v10;
	v4 =	vmul.f32 v4, v5;
	v7 =	vmul.f32 v12, v5;
	v10 =	vld [tilespmem:s23+$0x40]  }
0x112: {  	v9 =	vmul.f32 v9, v5;
	v12 =	vmul.f32 v13, v5;
	v13 =	vld [tilespmem:s23+$0x20]  }
0x113: {  	v11 =	vmul.f32 v11, v5;
	v5 =	vmul.f32 v6, v5;
	[tilespmem:s23+$0xFFFFFFE0] =	vst v4;
	v6 =	vld [tilespmem:s23+$0x50]  }
0x114: {  	[tilespmem:s23+$0xFFFFFFB0] =	vst v12  }
0x115: {  	[tilespmem:s23+$0xFFFFFFA0] =	vst v9  }
0x116: {  	[tilespmem:s23+$0xFFFFFFD0] =	vst v5  }
0x117: {  	[tilespmem:s23+$0xFFFFFFC0] =	vst v11;
	v4 =	vld [tilespmem:s23+$0x0]  }
0x118: {  	[tilespmem:s23+$0xFFFFFFF0] =	vst v7;
	v5 =	vld [tilespmem:s23+$0x10]  }
0x119: {  	v7 =	vld.idx.msk [tilespmem:v8+s13+$0x0], $0xffff  }
0x11a: {  	v8 =	vld [tilespmem:s23+$0x30];
	_ =	sdelay $0x3  }
0x11b: {  	v9 =	vmov s26;
	s26 =	smov.u32 s30  }
0x11c: {  	v11 =	vmul.f32 v4, v7;
	v12 =	vmul.f32 v5, v7;
	v5 =	vand.u32 $0x78, v9;
	v4 =	vld [tilespmem:s23+$0x70]  }
0x11d: {  	v10 =	vmul.f32 v10, v7;
	v8 =	vmul.f32 v8, v7;
	v14 =	vadd.s32 v1, v5;
	v5 =	vld [tilespmem:s23+$0xB0]  }
0x11e: {  	[tilespmem:s23+$0x10] =	vst v12;
	v12 =	vmul.f32 v13, v7;
	v13 =	vmul.f32 v6, v7;
	v7 =	vand.u32 $0x7, v9;
	v6 =	vld [tilespmem:s23+$0x90]  }
0x11f: {  	[tilespmem:s23+$0x40] =	vst v10;
	v10 =	vor.u32 v7, v14  }
.Ltmp1:
0x120: {  	[tilespmem:s23+$0x30] =	vst v8;
	v7 =	vld [tilespmem:s23+$0x60];
	(pc) =	sbr.rel @p0 .LBB2_6-.Ltmp1, $4  }
0x121: {  	[tilespmem:s23+$0x0] =	vst v11;
	v8 =	vld [tilespmem:s23+$0x80]  }
0x122: {  	[tilespmem:s23+$0x20] =	vst v12;
	v9 =	vld [tilespmem:s23+$0xA0]  }
0x123: {  	[tilespmem:s23+$0x50] =	vst v13  }
0x124: {  	v10 =	vld.idx.msk [tilespmem:v10+s13+$0x0], $0xffff  }
0x125: {  	_ =	sdelay $0x3  }
0x126: {  	v7 =	vmul.f32 v7, v10  }
0x127: {  	v8 =	vmul.f32 v8, v10  }
0x128: {  	v37 =	vmul.f32 v9, v10;
	[tilespmem:s23+$0x60] =	vst v7  }
0x129: {  	v5 =	vmul.f32 v5, v10;
	[tilespmem:s23+$0x80] =	vst v8  }
0x12a: {  	v6 =	vmul.f32 v6, v10;
	[tilespmem:s23+$0xA0] =	vst v37  }
0x12b: {  	v4 =	vmul.f32 v4, v10;
	[tilespmem:s23+$0xB0] =	vst v5  }
0x12c: {  	[tilespmem:s23+$0x90] =	vst v6  }
0x12d: {  	v38 =	vld [tilespmem:s28+$0xFFFFFF40];
	[tilespmem:s23+$0x70] =	vst v4  }
0x12e: {  	v3 =	vld.idx.msk [tilespmem:v3+s13+$0x0], $0xffff  }
0x12f: {  	v39 =	vld [tilespmem:s28+$0xFFFFFF60]  }
0x130: {  	v40 =	vld [tilespmem:s28+$0xFFFFFF90]  }
0x131: {  	v41 =	vld [tilespmem:s28+$0xFFFFFF80]  }
0x132: {  	v42 =	vld [tilespmem:s28+$0xFFFFFF70]  }
0x133: {  	v43 =	vld [tilespmem:s28+$0xFFFFFF50];
	v5 =	vmul.f32 v38, v3  }
0x134: {  	v4 =	vmul.f32 v39, v3  }
0x135: {  	v6 =	vmul.f32 v40, v3;
	[tilespmem:s28+$0xFFFFFF40] =	vst v5  }
0x136: {  	v7 =	vmul.f32 v41, v3;
	[tilespmem:s28+$0xFFFFFF60] =	vst v4  }
0x137: {  	v46 =	vmul.f32 v42, v3;
	[tilespmem:s28+$0xFFFFFF90] =	vst v6  }
0x138: {  	v3 =	vmul.f32 v43, v3;
	[tilespmem:s28+$0xFFFFFF80] =	vst v7  }
0x139: {  	[tilespmem:s28+$0xFFFFFF70] =	vst v46  }
0x13a: {  	v47 =	vld [tilespmem:s28+$0xFFFFFFE0];
	[tilespmem:s28+$0xFFFFFF50] =	vst v3  }
0x13b: {  	v2 =	vld.idx.msk [tilespmem:v2+s13+$0x0], $0xffff  }
0x13c: {  	v45 =	vld [tilespmem:s28+$0xFFFFFFB0]  }
0x13d: {  	v44 =	vld [tilespmem:s28+$0xFFFFFFA0]  }
0x13e: {  	v3 =	vld [tilespmem:s28+$0xFFFFFFD0]  }
0x13f: {  	v48 =	vld [tilespmem:s28+$0xFFFFFFC0];
	s0 =	sadd.s32 $0xFFFFFFFF, s26  }
0x140: {  	v49 =	vld [tilespmem:s28+$0xFFFFFFF0];
	v50 =	vmov s0;
	v4 =	vmul.f32 v47, v2  }
0x141: {  	v51 =	vand.u32 $0x78, v50;
	v5 =	vmul.f32 v45, v2  }
0x142: {  	v52 =	vand.u32 $0x6, v50;
	v53 =	vadd.s32 v1, v51;
	v10 =	vmul.f32 v44, v2;
	[tilespmem:s28+$0xFFFFFFE0] =	vst v4  }
0x143: {  	v3 =	vmul.f32 v3, v2;
	[tilespmem:s28+$0xFFFFFFB0] =	vst v5;
	v4 =	vor.u32 v52, v53  }
0x144: {  	v54 =	vmul.f32 v48, v2;
	[tilespmem:s28+$0xFFFFFFA0] =	vst v10  }
0x145: {  	v2 =	vmul.f32 v49, v2;
	[tilespmem:s28+$0xFFFFFFD0] =	vst v3  }
0x146: {  	[tilespmem:s28+$0xFFFFFFC0] =	vst v54  }
0x147: {  	[tilespmem:s28+$0xFFFFFFF0] =	vst v2;
	v2 =	vld [tilespmem:s28+$0x10]  }
0x148: {  	v4 =	vld.idx.msk [tilespmem:v4+s13+$0x0], $0xffff  }
0x149: {  	v56 =	vld [tilespmem:s28+$0x40]  }
0x14a: {  	v57 =	vld [tilespmem:s28+$0x30]  }
0x14b: {  	v3 =	vld [tilespmem:s28+$0x0]  }
0x14c: {  	v55 =	vld [tilespmem:s28+$0x20]  }
0x14d: {  	v59 =	vmov s26;
	v58 =	vld [tilespmem:s28+$0x50];
	v2 =	vmul.f32 v2, v4  }
0x14e: {  	v60 =	vand.u32 $0x78, v59;
	v5 =	vmul.f32 v56, v4  }
0x14f: {  	v1 =	vadd.s32 v1, v60;
	v7 =	vmul.f32 v57, v4;
	[tilespmem:s28+$0x10] =	vst v2;
	v2 =	vand.u32 $0x7, v59  }
0x150: {  	v3 =	vmul.f32 v3, v4;
	[tilespmem:s28+$0x40] =	vst v5;
	v1 =	vor.u32 v2, v1  }
0x151: {  	[tilespmem:s28+$0x30] =	vst v7;
	v2 =	vmul.f32 v55, v4  }
0x152: {  	[tilespmem:s28+$0x0] =	vst v3;
	v4 =	vmul.f32 v58, v4  }
0x153: {  	[tilespmem:s28+$0x20] =	vst v2  }
0x154: {  	v61 =	vld [tilespmem:s28+$0x60];
	[tilespmem:s28+$0x50] =	vst v4  }
0x155: {  	v1 =	vld.idx.msk [tilespmem:v1+s13+$0x0], $0xffff  }
0x156: {  	v3 =	vld [tilespmem:s28+$0x80]  }
0x157: {  	v2 =	vld [tilespmem:s28+$0xA0]  }
0x158: {  	v62 =	vld [tilespmem:s28+$0xB0]  }
0x159: {  	v63 =	vld [tilespmem:s28+$0x90]  }
0x15a: {  	v11 =	vld [tilespmem:s28+$0x70];
	v5 =	vmul.f32 v61, v1  }
0x15b: {  	v3 =	vmul.f32 v3, v1  }
0x15c: {  	v2 =	vmul.f32 v2, v1;
	[tilespmem:s28+$0x60] =	vst v5  }
0x15d: {  	s31 =	smul.u32 $0x1A0, s21;
	p0 =	slt.u32 s22, $0x32;
	v4 =	vmul.f32 v62, v1;
	[tilespmem:s28+$0x80] =	vst v3  }
.Ltmp2:
0x15e: {  	v3 =	vmul.f32 v63, v1;
	[tilespmem:s28+$0xA0] =	vst v2;
	(pc) =	sbr.rel @p0 .LBB2_5-.Ltmp2, $4  }
0x15f: {  	v1 =	vmul.f32 v11, v1;
	[tilespmem:s28+$0xB0] =	vst v4  }
0x160: {  	s0 =	sshra.s32 s31, $0x2;
	[tilespmem:s28+$0x90] =	vst v3  }
0x161: {  	s21 =	smov.u32 s22;
	s0 =	sadd.s32 $0x1450, s0;
	[tilespmem:s28+$0x70] =	vst v1  }
0x162: {  	[spmem:s1] =	stream.indirect.scatter.add.f32 [tilespmem:s24], [sflag:$0x2], $0x60, s0, s14, $0xb8;
	[tilespmem:$0x1A130] =	vst v63  }
0x163: {  	s20 =	sadd.s32 $0x1, s20  }
0x164: {  	_ =	swait.ge [sflag:s17], $0x2580;
	p0 =	sne.s32 s20, $0x4  }
.Ltmp3:
0x165: {  	[sflag:s17] =	ssyncset.done $0x0;
	(pc) =	sbr.rel @p0 .LBB2_4-.Ltmp3, $4  }
0x166: {  	[sflag:s17] =	ssyncadd.s32 $0xFFFFDA80  }
0x167: {  	_ =	swait.ge [sflag:s17], $0x2580  }
0x168: {  	[sflag:s17] =	ssyncset.done $0x0  }
0x169: {  	[sflag:s17] =	ssyncadd.s32 $0xFFFFDA80  }
0x16a: {  	s0 =	stileid.u32;
	s18 =	sadd.s32 $0x1, s18  }
0x16b: {  	[bflag:$0x0] =	sbarrier.arrive $0xFFFF;
	s0 =	sshll.u32 s0, $0x6;
	p0 =	sne.s32 s18, s8  }
.Ltmp4:
0x16c: {  	s19 =	sshrl.u32 s7, $0x3;
	s0 =	sor.u32 $0x1C03, s0;
	(pc) =	sbr.rel @p0 .LBB2_1-.Ltmp4, $4  }
0x16d: {  	[hbm:s2], [sflag:s0] =	dma.local [spmem:s19], $0x1D4C  }
0x16e: {  	_ =	swait.ge [sflag:s11], $0x1D4C  }
0x16f: {  	[sflag:s11] =	ssyncset.done $0x0  }
0x170: {  	[sflag:s11] =	ssyncadd.s32 $0xFFFFE2B4  }
0x171: {  	_ =	sfence.sel $0x180000  }
0x172: {  	[bflag:$0x0] =	sbarrier.arrive $0xFFFF  }
0x173: {  	_ =	strace $0x9000004D  }
0x174: {  	s0 =	stileid.u32;
	[bflag:$0x2] =	sbarrier.arrive $0xFFFF  }
0x175: {  	p0 =	sne.s32 s0, $0x0;
	s0 =	rddreg [dreg:$0x2]  }
0x176: {  	s0 =	sadd.s32 @!p0 $0x100000, s0  }
0x177: {  	[sflag:s0] =	ssyncadd.tile.s32 @!p0 $0x1;
	_ =	shalt  }
.Lfunc_end2:
_tile_overlayer_lowered:
.L_overlay_start_2:
0x178: {  	(tag) =	ssettag $0x2  }
0x179: {  	s0 =	rddreg [dreg:$0x0];
	s2 =	stileid.u32  }
0x17a: {  	s1 =	rddreg [dreg:$0x1];
	p0 =	sne.s32 s2, $0x0  }
0x17b: {  	s3 =	rddreg [dreg:$0x2];
	[bflag:$0x3] =	sbarrier.arrive $0xFFFF;
	s2 =	simm.s32 @!p0 $0x1C03  }
0x17c: {  	[timem:s3], [sflag:s2] =	dma.local @!p0 [hbm:s0], s1  }
0x17d: {  	s0 =	simm.s32 @!p0 $0x3  }
0x17e: {  	_ =	swait.ge @!p0 [sflag:s0], s1  }
0x17f: {  	s1 =	ssub.s32 @!p0 $0x0, s1;
	[sflag:s0] =	ssyncset.done @!p0 $0x0  }
0x180: {  	[sflag:s0] =	ssyncadd.s32 @!p0 s1  }
0x181: {  	[bflag:$0x3] =	sbarrier.arrive $0xFFFF  }
0x182: {  	_ =	shalt  }

// kernel: kernel.19.cloned.1.call-start
scs
__scs_entry_jumppad:
0x0: {  	(pc) =	sbr.rel $0x88, $3  }
0x1: {  	(tag) =	ssettag $0x0;
	lr =	simm.s32 $0x1  }
0x2: {  	[smem:$0x3F8E] =	sst lr;
	_ =	strace $0xD0000000  }
0x3: {  	_ = 	snop  }
0x4: {  	_ = 	snop  }
0x5: {  	_ = 	snop  }
0x6: {  	_ = 	snop  }
0x7: {  	_ = 	snop  }
__scs_overlays_trampoline_lowered:
0x8: {  	[smem:$0x3F9D] =	sst s0  }
0x9: {  	[smem:$0x3F9E] =	sst s1  }
0xa: {  	[smem:$0x3F9F] =	sst s2  }
0xb: {  	[smem:$0x3FA0] =	sst s3  }
0xc: {  	[smem:$0x3FA1] =	sst s4  }
0xd: {  	[smem:$0x3FA2] =	sst s5  }
0xe: {  	[smem:$0x3FA3] =	sst s6  }
0xf: {  	[smem:$0x3FA4] =	sst s7  }
0x10: {  	[smem:$0x3FA5] =	sst s8  }
0x11: {  	[smem:$0x3FA6] =	sst s9;
	s0 =	simm.s32 @!p0 $0x0  }
0x12: {  	s1 =	sld [smem:$0x3F8C];
	s0 =	simm.s32 @p0 $0x1  }
0x13: {  	[smem:$0x3FA7] =	sst s0;
	s0 =	simm.s32 @!p1 $0x0  }
0x14: {  	s2 =	sld [smem:$0x3F8B];
	s0 =	simm.s32 @p1 $0x1  }
0x15: {  	[smem:$0x3FA8] =	sst s0;
	s0 =	simm.s32 @!p2 $0x0  }
0x16: {  	s3 =	sld [smem:$0x3FDB];
	s0 =	simm.s32 @p2 $0x1  }
0x17: {  	s4 =	simm.s32 $0x1BF5;
	[smem:$0x3FAA] =	sst s0  }
0x18: {  	s0 =	sld [smem:$0x3F8D];
	_ =	swait.ge [sflag:s4], $0x0  }
0x19: {  	s7 =	sld [smem:$0x3F8E]  }
0x1a: {  	s8 =	sadd.s32 $0xFFFFE003, lr  }
0x1b: {  	s9 =	sadd.s32 $0xFFFFFEF7, lr;
	s5 =	simm.s32 $0xFFFFFFFF;
	p2 =	slt.u32 s8, $0xFFFFF086  }
0x1c: {  	p1 =	slt.u32 s9, $0xF7A;
	s5 =	simm.s32 @!p2 $0x0  }
0x1d: {  	s5 =	simm.s32 @p1 $0x1;
	p0 =	seq.s32 s7, s2  }
0x1e: {  	s7 =	smul.u32 @!p0 $0xF7A, s2;
	p2 =	seq.s32 @!p0 s5, $0x0  }
0x1f: {  	s9 =	smul.u32 $0xF7A, s1;
	s8 =	simm.s32 @!p0 $0x1BF5;
	p2 =	por !p2, p0  }
0x20: {  	[sflag:s8] =	ssyncset.s32 @!p0 $0xFFFFF086;
	s6 =	sadd.s32 @!p0 s3, s7;
	s7 =	simm.s32 @!p0 $0x108  }
0x21: {  	s3 =	sadd.s32 s3, s9;
	s6 =	sadd.s32 @!p0 $0x88, s6;
	s7 =	simm.s32 @p2 $0x1082  }
0x22: {  	[simem:s7], [sflag:s8] =	dma.local @!p0 [hbm:s6], $0xF7A  }
0x23: {  	s9 =	sor.u32 $0xD0000000, s2;
	s6 =	simm.s32 $0x108;
	_ =	swait.ge @!p0 [sflag:s8], $0x0  }
0x24: {  	s3 =	sadd.s32 $0x88, s3;
	s6 =	simm.s32 @!p1 $0x1082;
	[sflag:s4] =	ssyncset.s32 $0xFFFFF086  }
0x25: {  	[simem:s6], [sflag:s4] =	dma.local [hbm:s3], $0xF7A  }
0x26: {  	[smem:$0x3F8E] =	sst s1;
	(tag) =	ssettag s2;
	_ =	strace s9  }
0x27: {  	s1 =	sld [smem:$0x3F9E]  }
0x28: {  	s2 =	sld [smem:$0x3F9F]  }
0x29: {  	s4 =	sld [smem:$0x3FA1]  }
0x2a: {  	p0 =	seq.s32 s5, $0x0;
	s5 =	sld [smem:$0x3FA2]  }
0x2b: {  	s6 =	sld [smem:$0x3FA3]  }
0x2c: {  	s7 =	sld [smem:$0x3FA4]  }
0x2d: {  	s3 =	simm.s32 $0x108;
	s8 =	sld [smem:$0x3FA5]  }
0x2e: {  	s3 =	simm.s32 @!p0 $0x1082;
	s9 =	sld [smem:$0x3FA6]  }
0x2f: {  	lr =	sadd.s32 s0, s3;
	s0 =	sld [smem:$0x3F9D]  }
0x30: {  	s3 =	sld [smem:$0x3FA0]  }
0x31: {  	[smem:$0x3FA9] =	sst s10  }
0x32: {  	s10 =	sld [smem:$0x3FA7];
	_ =	sdelay $0x3  }
0x33: {  	p0 =	seq.s32 s10, $0x1;
	s10 =	sld [smem:$0x3FA9];
	_ =	sdelay $0x3  }
0x34: {  	[smem:$0x3FA9] =	sst s10  }
0x35: {  	s10 =	sld [smem:$0x3FA8];
	_ =	sdelay $0x3  }
0x36: {  	p1 =	seq.s32 s10, $0x1;
	s10 =	sld [smem:$0x3FA9];
	_ =	sdelay $0x3  }
0x37: {  	[smem:$0x3FA9] =	sst s10  }
0x38: {  	s10 =	sld [smem:$0x3FAA]  }
0x39: {  	_ = 	snop;
	(pc) =	sbr.ind lr, $3  }
0x3a: {  	_ = 	snop  }
0x3b: {  	_ = 	snop  }
0x3c: {  	p2 =	seq.s32 s10, $0x1;
	s10 =	sld [smem:$0x3FA9]  }
0x3d: {  	_ =	shalt  }
0x3e: {  	_ =	shalt  }
0x3f: {  	_ =	shalt  }
0x40: {  	_ =	shalt  }
0x41: {  	_ =	shalt  }
0x42: {  	_ =	shalt  }
0x43: {  	_ =	shalt  }
0x44: {  	_ =	shalt  }
0x45: {  	_ =	shalt  }
0x46: {  	_ =	shalt  }
0x47: {  	_ =	shalt  }
0x48: {  	_ =	shalt  }
0x49: {  	_ =	shalt  }
0x4a: {  	_ =	shalt  }
0x4b: {  	_ =	shalt  }
0x4c: {  	_ =	shalt  }
0x4d: {  	_ =	shalt  }
0x4e: {  	_ =	shalt  }
0x4f: {  	_ =	shalt  }
0x50: {  	_ =	shalt  }
0x51: {  	_ =	shalt  }
0x52: {  	_ =	shalt  }
0x53: {  	_ =	shalt  }
0x54: {  	_ =	shalt  }
0x55: {  	_ =	shalt  }
0x56: {  	_ =	shalt  }
0x57: {  	_ =	shalt  }
0x58: {  	_ =	shalt  }
0x59: {  	_ =	shalt  }
0x5a: {  	_ =	shalt  }
0x5b: {  	_ =	shalt  }
0x5c: {  	_ =	shalt  }
0x5d: {  	_ =	shalt  }
0x5e: {  	_ =	shalt  }
0x5f: {  	_ =	shalt  }
0x60: {  	_ =	shalt  }
0x61: {  	_ =	shalt  }
0x62: {  	_ =	shalt  }
0x63: {  	_ =	shalt  }
0x64: {  	_ =	shalt  }
0x65: {  	_ =	shalt  }
0x66: {  	_ =	shalt  }
0x67: {  	_ =	shalt  }
0x68: {  	_ =	shalt  }
0x69: {  	_ =	shalt  }
0x6a: {  	_ =	shalt  }
0x6b: {  	_ =	shalt  }
0x6c: {  	_ =	shalt  }
0x6d: {  	_ =	shalt  }
0x6e: {  	_ =	shalt  }
0x6f: {  	_ =	shalt  }
0x70: {  	_ =	shalt  }
0x71: {  	_ =	shalt  }
0x72: {  	_ =	shalt  }
0x73: {  	_ =	shalt  }
0x74: {  	_ =	shalt  }
0x75: {  	_ =	shalt  }
0x76: {  	_ =	shalt  }
0x77: {  	_ =	shalt  }
0x78: {  	_ =	shalt  }
0x79: {  	_ =	shalt  }
0x7a: {  	_ =	shalt  }
0x7b: {  	_ =	shalt  }
0x7c: {  	_ =	shalt  }
0x7d: {  	_ =	shalt  }
0x7e: {  	_ =	shalt  }
0x7f: {  	_ =	shalt  }
0x80: {  	_ =	shalt  }
0x81: {  	_ =	shalt  }
0x82: {  	_ =	shalt  }
0x83: {  	_ =	shalt  }
0x84: {  	_ =	shalt  }
0x85: {  	_ =	shalt  }
0x86: {  	_ =	shalt  }
0x87: {  	_ =	shalt  }
.Lfunc_end0:
.L_simem_size_0:
called_computation.3_lowered:
.L_overlay_start_0:
0x88: {  	s2 =	sld [smem:$0x3FD9]  }
0x89: {  	s3 =	sld [smem:$0x3FFE];
	_ =	sdelay $0x1  }
0x8a: {  	s1 =	srdreg.scid  }
0x8b: {  	s0 =	sand.u32 $0x1, s1  }
0x8c: {  	s16 =	sshll.u32 s0, $0xA;
	s2 =	sadd.s32 s3, s2  }
0x8d: {  	s2 =	sadd.s32 s2, s16  }
0x8e: {  	[smem:$0x3FB5] =	sst s2  }
0x8f: {  	_ = 	snop  }
0x90: {  	(tm) =	ssettm $0x1  }
0x91: {  	s17 =	sld [smem:$0x3FFB];
	_ =	sdelay $0x3  }
0x92: {  	_ =	strace s17  }
0x93: {  	s2 =	sld [smem:$0x3FFC];
	_ =	sdelay $0x3  }
0x94: {  	_ =	strace s2  }
0x95: {  	s2 =	sld [smem:$0x3FFD];
	_ =	sdelay $0x3  }
0x96: {  	_ =	strace s2  }
0x97: {  	_ =	strace $0x8FFFFFFF  }
0x98: {  	s18 =	sld [smem:$0x3FDB];
	_ =	sdelay $0x1  }
0x99: {  	s19 =	simm.s32 $_scs_section_size  }
0x9a: {  	s4 =	simm.s32 $_size__tile_overlayer_lowered;
	s5 =	simm.s32 $_tile_overlayer_lowered  }
0x9b: {  	s22 =	simm.s32 $0x1BFF;
	s21 =	sshll.u32 s5, $0x1;
	s2 =	sadd.s32 s19, s18  }
0x9c: {  	s6 =	simm.s32 $0x0;
	s20 =	sshll.u32 s4, $0x1;
	s4 =	sadd.s32 s21, s2  }
0x9d: {  	[timem:s6], [sflag:s22] =	dma.local [hbm:s4], s20  }
0x9e: {  	_ =	swait.ge [sflag:s22], s20  }
0x9f: {  	s3 =	ssub.s32 $0x0, s20;
	[sflag:s22] =	ssyncset.done $0x0  }
0xa0: {  	[sflag:s22] =	ssyncadd.s32 s3;
	_ =	sdelay $0x1  }
0xa1: {  	s23 =	simm.s32 $0x1B8B  }
0xa2: {  	_ =	swait.ge [sflag:s23], $0x1  }
0xa3: {  	[sflag:s23] =	ssyncset.done $0x0  }
0xa4: {  	s25 =	simm.s32 $0x1B8E;
	s24 =	sld [smem:$0x3FFE];
	[sflag:s23] =	ssyncadd.s32 $0xFFFFFFFF  }
0xa5: {  	s26 =	simm.s32 $execute0_lowered;
	[smem:$0x3FD2] =	sst s25  }
0xa6: {  	s4 =	sshll.u32 s26, $0x1;
	_ =	strace $0x8000004F;
	[dreg:$0x1] =	wrdreg $0xFFFFFFFF  }
0xa7: {  	s28 =	simm.s32 $_size_execute0_lowered;
	s2 =	sadd.s32 s2, s4;
	[dreg:$0x0] =	wrdreg $0x0  }
0xa8: {  	s4 =	sshll.u32 s28, $0x1;
	[dreg:$0x2] =	wrdreg s2  }
0xa9: {  	[dreg:$0x3] =	wrdreg s4  }
0xaa: {  	[dreg:$0x4] =	wrdreg $0xC0  }
0xab: {  	_ =	task [dreg:s6], $0x5FFFF  }
0xac: {  	[dreg:$0x1] =	wrdreg $0xFFFFFFFF  }
0xad: {  	[dreg:$0x0] =	wrdreg $0x60  }
0xae: {  	[dreg:$0x2] =	wrdreg s24  }
0xaf: {  	[dreg:$0x3] =	wrdreg $0xD4F00  }
0xb0: {  	[dreg:$0x4] =	wrdreg $0x9  }
0xb1: {  	_ =	task.clear_ibuf [dreg:s6], $0x5FFFF;
	_ =	strace $0x9000004F  }
0xb2: {  	s29 =	simm.s32 $0x9;
	_ =	strace $0x80000051  }
0xb3: {  	_ =	swait.ge [sflag:s29], $0x1  }
0xb4: {  	[sflag:s29] =	ssyncadd.s32 $0xFFFFFFFF  }
0xb5: {  	_ =	strace $0x90000051  }
0xb6: {  	_ =	sfence  }
0xb7: {  	s30 =	sld [smem:$0x0];
	_ =	sdelay $0x2  }
0xb8: {  	s31 =	sshll.u32 s1, $0xD;
	s1 =	sshrl.u32 s1, $0x2  }
0xb9: {  	s3 =	sand.u32 $0x4000, s31;
	s1 =	sadd.s32 s1, s30  }
0xba: {  	s0 =	sor.u32 s3, s0;
	s1 =	sshll.u32 s1, $0x11  }
0xbb: {  	s0 =	sor.u32 s1, s0  }
0xbc: {  	s0 =	sadd.s32 $0x8F2B, s0  }
0xbd: {  	[sflag:s0] =	ssyncadd.remote.s32 $0x1  }
0xbe: {  	_ =	sfence.sel $0xFFFF  }
0xbf: {  	[dreg:$0x0] =	wrdreg $0xFFFFFFFF;
	(pc) =	sbr.abs _section_cstart, $3  }
0xc0: {  	[dreg:$0x1] =	wrdreg $0xFFFFFFFF  }
0xc1: {  	_ =	task.clear_ibuf [dreg:s6], $0x2FFFF;
	_ =	strace $0x9FFFFFFF  }
0xc2: {  	(tm) =	ssettm $0x7FFFFFFF  }
0xc3: {  	_ =	shalt  }
tec
execute0_lowered:
.L_overlay_start_1:
0x0: {  	(tag) =	ssettag $0x1  }
0x1: {  	s8 =	rddreg [dreg:$0x0]  }
0x2: {  	s1 =	rddreg [dreg:$0x1]  }
0x3: {  	s0 =	rddreg [dreg:$0x2]  }
0x4: {  	s2 =	simm.s32 $0x0;
	s7 =	srdreg.scid;
	s3 =	stileid.u32  }
0x5: {  	s15 =	simm.s32 $0x28A0;
	s16 =	simm.s32 $0x64;
	s17 =	simm.s32 $0x3CF0  }
0x6: {  	s18 =	simm.s32 $0x1;
	s19 =	simm.s32 $0x2;
	s20 =	simm.s32 $0x0  }
0x7: {  	[smem:$0x7FF] =	sst s2;
	s4 =	sadd.s32 $0x2D600, s8;
	s5 =	sadd.s32 $0xEA00, s8  }
0x8: {  	s6 =	sadd.s32 $0x23200, s8;
	s9 =	sand.u32 $0x1, s7;
	s7 =	sadd.s32 $0x18E00, s8  }
0x9: {  	s10 =	sshll.u32 s3, $0x9;
	s14 =	smul.u32 $0x28A0, s3;
	s11 =	sshll.u32 s9, $0xD  }
0xa: {  	s12 =	ssub.s32 $0x2, s9;
	s9 =	smul.u32 $0x28A00, s9;
	s11 =	sor.u32 s10, s11  }
0xb: {  	_ =	strace $0x80000050;
	s13 =	sshrl.u32 s12, $0x1;
	s11 =	sshrl.u32 s11, $0x3  }
0xc: {  	s12 =	ssub.s32 s12, s13;
	s9 =	sadd.s32 s14, s9;
	s13 =	simm.s32 $0x3  }
0xd: {  	s14 =	simm.s32 $0x1450;
	s11 =	sadd.s32 s11, s8;
	s8 =	sadd.s32 s10, s1  }
0xe: {  	v0 =	vimm.f32 $0.0e+00;
	s10 =	sadd.s32 $0x4600, s11;
	s11 =	smax.u32 s12, $0x1;
	s12 =	simm.s32 $0xD2F0  }
.LBB2_1:
0xf: {  	s21 =	sand.u32 $0x600, s2  }
0x10: {  	s22 =	sand.u32 $0x70, s2;
	s23 =	sshrl.u32 s21, $0x2  }
0x11: {  	s21 =	simm.s32 $0x40;
	s23 =	sor.u32 s22, s23;
	s22 =	simm.s32 $0x0  }
.LBB2_2:
0x12: {  	p0 =	sne.s32 s21, $0x7C0  }
0x13: {  	[tilespmem:s23+$0xD2F0] =	vst v0;
	s22 =	sadd.s32 $0x10, s22;
	s23 =	smov.u32 s21;
	s21 =	sadd.s32 $0x40, s21  }
.Ltmp0:
0x14: {  	(pc) =	sbr.rel @p0 .LBB2_2-.Ltmp0, $4  }
0x15: {  	_ = 	snop  }
0x16: {  	s23 =	sand.u32 $0x600, s23  }
0x17: {  	s24 =	sand.u32 $0x70, s22;
	s23 =	sshrl.u32 s23, $0x2  }
0x18: {  	s23 =	sor.u32 s24, s23  }
0x19: {  	[tilespmem:s23+$0xD2F0] =	vst v0  }
0x1a: {  	[spmem:s8] =	stream.linear.scatter [tilespmem:s12], [sflag:$0x3], $0x200, $0x38;
	[tilespmem:$0xD6F0] =	vst v63  }
0x1b: {  	_ =	swait.ge [sflag:s13], $0x200  }
0x1c: {  	[sflag:s13] =	ssyncset.done $0x0  }
0x1d: {  	s21 =	simm.s32 $0x0;
	[sflag:s13] =	ssyncadd.s32 $0xFFFFFE00  }
0x1e: {  	p1 =	por $0x1, $0x1;
	s22 =	simm.s32 $0x0;
	[bflag:$0x0] =	sbarrier.arrive $0xFFFF  }
.LBB2_4:
0x1f: {  	s22 =	sadd.s32 s22, s9  }
0x20: {  	s22 =	sshrl.u32 s22, $0x3  }
0x21: {  	s23 =	sadd.s32 s5, s22  }
0x22: {  	[tilespmem:s21], [sflag:$0x3] =	stream.linear.gather [hbm4b:s23+s21], $0x1450, $0x38;
	[tilespmem:$0xD6F0] =	vst v63  }
0x23: {  	_ =	swait.ge [sflag:s13], $0x1450  }
0x24: {  	[sflag:s13] =	ssyncset.done $0x0  }
0x25: {  	s31 =	sadd.s32 s6, s22;
	[sflag:s13] =	ssyncadd.s32 $0xFFFFEBB0  }
0x26: {  	[tilespmem:s14], [sflag:$0x3] =	stream.linear.gather [hbm4b:s31+s21], $0x1450, $0x38;
	[tilespmem:$0xD6F0] =	vst v63  }
0x27: {  	_ =	swait.ge [sflag:s13], $0x1450  }
0x28: {  	[sflag:s13] =	ssyncset.done $0x0  }
0x29: {  	s22 =	sadd.s32 s7, s22;
	[sflag:s13] =	ssyncadd.s32 $0xFFFFEBB0  }
0x2a: {  	[tilespmem:s15], [sflag:$0x3] =	stream.linear.gather [hbm4b:s22+s21], $0x1450, $0x38;
	[tilespmem:$0xD6F0] =	vst v63  }
0x2b: {  	_ =	swait.ge [sflag:s13], $0x1450  }
0x2c: {  	[sflag:s13] =	ssyncset.done $0x0  }
0x2d: {  	p0 =	por p1, p1;
	s22 =	simm.s32 $0x0;
	[sflag:s13] =	ssyncadd.s32 $0xFFFFEBB0  }
0x2e: {  	[tilespmem:s17], [sflag:$0x1] =	stream.indirect.gather [hbm4b:s4+s16], $0x80, s21, s16, $0xb8;
	[tilespmem:$0xD6F0] =	vst v63  }
.LBB2_5:
0x2f: {  	p1 =	slt.u32 s22, $0x2  }
0x30: {  	s23 =	simm.s32 @!p1 $0x2  }
0x31: {  	_ =	swait.ge @!p1 [sflag:s23], $0x3200  }
0x32: {  	p2 =	seq.s32 @!p1 s22, $0x31;
	[sflag:s23] =	ssyncset.done @!p1 $0x0  }
0x33: {  	p2 =	por p1, !p2;
	[sflag:s23] =	ssyncadd.s32 @!p1 $0xFFFFCE00;
	s23 =	simm.s32 @!p1 $0x32  }
0x34: {  	s23 =	sadd.s32 @p2 $0x1, s22  }
0x35: {  	s24 =	smul.u32 @p2 $0xAB, s23;
	_ =	sdelay $0x1  }
0x36: {  	s24 =	sshrl.u32 @p2 s24, $0x9  }
0x37: {  	s24 =	sand.u32 @p2 $0x7F, s24  }
0x38: {  	s24 =	smul.u32 @p2 $0x3, s24;
	_ =	sdelay $0x1  }
0x39: {  	s24 =	ssub.s32 @p2 s23, s24  }
0x3a: {  	s24 =	sand.u32 @p2 $0xFF, s24  }
0x3b: {  	s24 =	smul.u32 @p2 $0xC800, s24  }
0x3c: {  	s25 =	smul.u32 @p2 $0x1A0, s23  }
0x3d: {  	s24 =	sshrl.u32 @p2 s24, $0x2  }
0x3e: {  	s25 =	sshra.s32 @p2 s25, $0x2;
	s24 =	sadd.s32 @p2 $0x3CF0, s24  }
0x3f: {  	[tilespmem:s24], [sflag:$0x1] =	stream.indirect.gather @p2 [hbm4b:s4+s16], $0x80, s25, s16, $0xb8;
	[tilespmem:$0xD6F0] =	vst v63  }
0x40: {  	v1 =	vmov s22;
	s25 =	sand.u32 $0xFF, s22  }
0x41: {  	v1 =	vmul.u32 $0x68, v1;
	s24 =	smul.u32 $0xAB, s25  }
0x42: {  	s26 =	simm.s32 $0x0  }
0x43: {  	v2 =	vmov s26;
	v1 =	vbroadcast v1, $0x0;
	s24 =	sshrl.u32 s24, $0x9  }
0x44: {  	v3 =	vand.u32 $0x78, v2;
	s24 =	smul.u32 $0x3, s24  }
0x45: {  	v2 =	vand.u32 $0x4, v2;
	v3 =	vadd.s32 v1, v3  }
0x46: {  	v2 =	vor.u32 v2, v3;
	s24 =	ssub.s32 s22, s24  }
0x47: {  	s24 =	sand.u32 $0xFF, s24  }
0x48: {  	_ =	swait.ge [sflag:s18], $0x3200;
	s24 =	smul.u32 $0xC800, s24  }
0x49: {  	[sflag:s18] =	ssyncset.done $0x0  }
0x4a: {  	[sflag:s18] =	ssyncadd.s32 $0xFFFFCE00;
	s30 =	sshrl.u32 s24, $0x2  }
0x4b: {  	v2 =	vld.idx.msk [tilespmem:v2+s15+$0x0], $0xffff;
	s24 =	sadd.s32 $0x3DF0, s30  }
0x4c: {  	v4 =	vld [tilespmem:s24+$0xFFFFFF70]  }
0x4d: {  	v5 =	vld [tilespmem:s24+$0xFFFFFF00]  }
0x4e: {  	v6 =	vld [tilespmem:s24+$0xFFFFFF20]  }
0x4f: {  	v7 =	vld [tilespmem:s24+$0xFFFFFF30]  }
0x50: {  	v3 =	vld [tilespmem:s24+$0xFFFFFF50]  }
0x51: {  	v9 =	vld [tilespmem:s24+$0xFFFFFF10];
	v4 =	vmul.f32 v4, v2  }
0x52: {  	s26 =	simm.s32 $0x1;
	v8 =	vld [tilespmem:s24+$0xFFFFFF60];
	v5 =	vmul.f32 v5, v2  }
0x53: {  	v10 =	vld [tilespmem:s24+$0xFFFFFF40];
	v6 =	vmul.f32 v6, v2;
	[tilespmem:s24+$0xFFFFFF70] =	vst v4;
	v4 =	vmov s26  }
0x54: {  	v7 =	vmul.f32 v7, v2;
	[tilespmem:s24+$0xFFFFFF00] =	vst v5;
	v5 =	vand.u32 $0x78, v4  }
0x55: {  	v3 =	vmul.f32 v3, v2;
	[tilespmem:s24+$0xFFFFFF20] =	vst v6;
	v4 =	vand.u32 $0x5, v4;
	v5 =	vadd.s32 v1, v5  }
0x56: {  	v6 =	vmul.f32 v9, v2;
	[tilespmem:s24+$0xFFFFFF30] =	vst v7;
	v4 =	vor.u32 v4, v5  }
0x57: {  	[tilespmem:s24+$0xFFFFFF50] =	vst v3;
	v5 =	vmul.f32 v8, v2  }
0x58: {  	[tilespmem:s24+$0xFFFFFF10] =	vst v6;
	v2 =	vmul.f32 v10, v2  }
0x59: {  	[tilespmem:s24+$0xFFFFFF60] =	vst v5  }
0x5a: {  	[tilespmem:s24+$0xFFFFFF40] =	vst v2;
	v2 =	vld [tilespmem:s24+$0xFFFFFFC0]  }
0x5b: {  	v4 =	vld.idx.msk [tilespmem:v4+s15+$0x0], $0xffff  }
0x5c: {  	v5 =	vld [tilespmem:s24+$0xFFFFFF90]  }
0x5d: {  	v7 =	vld [tilespmem:s24+$0xFFFFFF80]  }
0x5e: {  	v6 =	vld [tilespmem:s24+$0xFFFFFFD0]  }
0x5f: {  	v8 =	vld [tilespmem:s24+$0xFFFFFFE0]  }
0x60: {  	v2 =	vmul.f32 v2, v4  }
0x61: {  	v3 =	vld [tilespmem:s24+$0xFFFFFFF0];
	v5 =	vmul.f32 v5, v4  }
0x62: {  	s31 =	simm.s32 $0x2;
	v10 =	vld [tilespmem:s24+$0xFFFFFFA0];
	v7 =	vmul.f32 v7, v4;
	[tilespmem:s24+$0xFFFFFFC0] =	vst v2  }
0x63: {  	v9 =	vld [tilespmem:s24+$0xFFFFFFB0];
	v2 =	vmul.f32 v6, v4;
	v6 =	vmov s31;
	[tilespmem:s24+$0xFFFFFF90] =	vst v5  }
0x64: {  	v8 =	vmul.f32 v8, v4;
	[tilespmem:s24+$0xFFFFFF80] =	vst v7;
	v5 =	vand.u32 $0x78, v6  }
0x65: {  	[tilespmem:s24+$0xFFFFFFD0] =	vst v2;
	v2 =	vand.u32 $0x6, v6;
	v5 =	vadd.s32 v1, v5  }
0x66: {  	[tilespmem:s24+$0xFFFFFFE0] =	vst v8;
	v8 =	vld [tilespmem:s24+$0x0];
	v6 =	vmul.f32 v3, v4;
	v7 =	vor.u32 v2, v5  }
0x67: {  	v3 =	vld [tilespmem:s24+$0x60];
	v5 =	vmul.f32 v10, v4  }
0x68: {  	v2 =	vld [tilespmem:s24+$0x70];
	v4 =	vmul.f32 v9, v4;
	[tilespmem:s24+$0xFFFFFFF0] =	vst v6  }
0x69: {  	v6 =	vld [tilespmem:s24+$0x50];
	[tilespmem:s24+$0xFFFFFFA0] =	vst v5  }
0x6a: {  	v5 =	vld [tilespmem:s24+$0x20];
	[tilespmem:s24+$0xFFFFFFB0] =	vst v4  }
0x6b: {  	s28 =	simm.s32 $0x7;
	v4 =	vld.idx.msk [tilespmem:v7+s15+$0x0], $0xffff  }
0x6c: {  	s25 =	sadd.s32 $0x3CF0, s30;
	s29 =	smov.u32 s24;
	s26 =	simm.s32 $0x3;
	v7 =	vld [tilespmem:s24+$0x30]  }
.LBB2_6:
0x6d: {  	p1 =	sne.s32 s28, $0x63  }
0x6e: {  	v9 =	vld [tilespmem:s24+$0x40];
	s29 =	sadd.s32 $0x200, s29;
	s30 =	smov.u32 s28;
	s28 =	sadd.s32 $0x4, s28  }
0x6f: {  	v10 =	vld [tilespmem:s24+$0x10];
	_ =	sdelay $0x1  }
0x70: {  	v8 =	vmul.f32 v8, v4;
	v6 =	vmul.f32 v6, v4  }
0x71: {  	v5 =	vmul.f32 v5, v4;
	v7 =	vmul.f32 v7, v4  }
0x72: {  	v3 =	vmul.f32 v3, v4;
	v2 =	vmul.f32 v2, v4;
	[tilespmem:s24+$0x0] =	vst v8;
	v8 =	vmov s26;
	s26 =	smov.u32 s30  }
0x73: {  	v10 =	vmul.f32 v10, v4;
	[tilespmem:s24+$0x20] =	vst v5;
	v4 =	vmul.f32 v9, v4;
	v5 =	vand.u32 $0x78, v8  }
0x74: {  	[tilespmem:s24+$0x70] =	vst v2;
	v2 =	vand.u32 $0x7, v8;
	v5 =	vadd.s32 v1, v5;
	v8 =	vld [tilespmem:s24+$0x80]  }
0x75: {  	[tilespmem:s24+$0x50] =	vst v6;
	v5 =	vor.u32 v2, v5;
	v6 =	vld [tilespmem:s24+$0xD0]  }
0x76: {  	v2 =	vld [tilespmem:s29+$0x70];
	[tilespmem:s24+$0x30] =	vst v7  }
0x77: {  	[tilespmem:s24+$0x40] =	vst v4;
	v4 =	vld [tilespmem:s24+$0x90]  }
0x78: {  	[tilespmem:s24+$0x10] =	vst v10;
	v7 =	vld [tilespmem:s24+$0xE0]  }
0x79: {  	[tilespmem:s24+$0x60] =	vst v3;
	v9 =	vld [tilespmem:s24+$0xB0]  }
0x7a: {  	v5 =	vld.idx.msk [tilespmem:v5+s15+$0x0], $0xffff  }
0x7b: {  	v3 =	vld [tilespmem:s29+$0x60]  }
0x7c: {  	v10 =	vld [tilespmem:s24+$0xA0]  }
0x7d: {  	v11 =	vld [tilespmem:s24+$0xC0]  }
0x7e: {  	v12 =	vld [tilespmem:s24+$0xF0];
	_ =	sdelay $0x1  }
0x7f: {  	v8 =	vmul.f32 v8, v5;
	v4 =	vmul.f32 v4, v5  }
0x80: {  	s30 =	sadd.s32 $0xFFFFFFFD, s26;
	v9 =	vmul.f32 v9, v5;
	v10 =	vmul.f32 v10, v5  }
0x81: {  	v13 =	vmov s30;
	v6 =	vmul.f32 v6, v5;
	[tilespmem:s24+$0x80] =	vst v8;
	v8 =	vmul.f32 v11, v5  }
0x82: {  	v11 =	vand.u32 $0x78, v13;
	[tilespmem:s24+$0x90] =	vst v4;
	v4 =	vmul.f32 v7, v5;
	v5 =	vmul.f32 v12, v5  }
0x83: {  	v7 =	vand.u32 $0x4, v13;
	v11 =	vadd.s32 v1, v11;
	[tilespmem:s24+$0xC0] =	vst v8  }
0x84: {  	v7 =	vor.u32 v7, v11;
	[tilespmem:s24+$0xD0] =	vst v6  }
0x85: {  	v6 =	vld [tilespmem:s29+$0xFFFFFF50];
	[tilespmem:s24+$0xB0] =	vst v9  }
0x86: {  	v8 =	vld [tilespmem:s29+$0xFFFFFF30];
	[tilespmem:s24+$0xE0] =	vst v4  }
0x87: {  	v4 =	vld [tilespmem:s29+$0xFFFFFF60];
	[tilespmem:s24+$0xA0] =	vst v10  }
0x88: {  	v9 =	vld [tilespmem:s29+$0xFFFFFF70];
	[tilespmem:s24+$0xF0] =	vst v5;
	s24 =	smov.u32 s29  }
0x89: {  	v5 =	vld.idx.msk [tilespmem:v7+s15+$0x0], $0xffff  }
0x8a: {  	v7 =	vld [tilespmem:s29+$0xFFFFFF00]  }
0x8b: {  	v10 =	vld [tilespmem:s29+$0xFFFFFF20]  }
0x8c: {  	v11 =	vld [tilespmem:s29+$0xFFFFFF10]  }
0x8d: {  	v12 =	vld [tilespmem:s29+$0xFFFFFF40];
	_ =	sdelay $0x1  }
0x8e: {  	v9 =	vmul.f32 v9, v5;
	v7 =	vmul.f32 v7, v5  }
0x8f: {  	s30 =	sadd.s32 $0xFFFFFFFE, s26;
	v4 =	vmul.f32 v4, v5;
	v10 =	vmul.f32 v10, v5  }
0x90: {  	v8 =	vmul.f32 v8, v5;
	v11 =	vmul.f32 v11, v5;
	[tilespmem:s29+$0xFFFFFF70] =	vst v9;
	v9 =	vmov s30  }
0x91: {  	[tilespmem:s29+$0xFFFFFF00] =	vst v7;
	v7 =	vmul.f32 v12, v5;
	v5 =	vmul.f32 v6, v5;
	v6 =	vand.u32 $0x78, v9  }
0x92: {  	v9 =	vand.u32 $0x5, v9;
	[tilespmem:s29+$0xFFFFFF20] =	vst v10;
	v6 =	vadd.s32 v1, v6  }
0x93: {  	[tilespmem:s29+$0xFFFFFF30] =	vst v8;
	v6 =	vor.u32 v9, v6  }
0x94: {  	[tilespmem:s29+$0xFFFFFF50] =	vst v5;
	v5 =	vld [tilespmem:s29+$0xFFFFFFF0]  }
0x95: {  	[tilespmem:s29+$0xFFFFFF10] =	vst v11;
	v8 =	vld [tilespmem:s29+$0xFFFFFFE0]  }
0x96: {  	[tilespmem:s29+$0xFFFFFF60] =	vst v4;
	v4 =	vld [tilespmem:s29+$0xFFFFFFB0]  }
0x97: {  	[tilespmem:s29+$0xFFFFFF40] =	vst v7;
	v7 =	vld [tilespmem:s29+$0xFFFFFFC0]  }
0x98: {  	v6 =	vld.idx.msk [tilespmem:v6+s15+$0x0], $0xffff  }
0x99: {  	v9 =	vld [tilespmem:s29+$0xFFFFFF80]  }
0x9a: {  	v10 =	vld [tilespmem:s29+$0xFFFFFF90]  }
0x9b: {  	v11 =	vld [tilespmem:s29+$0xFFFFFFD0]  }
0x9c: {  	v12 =	vld [tilespmem:s29+$0xFFFFFFA0];
	_ =	sdelay $0x1  }
0x9d: {  	v7 =	vmul.f32 v7, v6;
	v9 =	vmul.f32 v9, v6  }
0x9e: {  	s30 =	sadd.s32 $0xFFFFFFFF, s26;
	v4 =	vmul.f32 v4, v6;
	v10 =	vmul.f32 v10, v6  }
0x9f: {  	v8 =	vmul.f32 v8, v6;
	[tilespmem:s29+$0xFFFFFFC0] =	vst v7;
	v7 =	vmul.f32 v11, v6;
	v11 =	vmov s30  }
0xa0: {  	v5 =	vmul.f32 v5, v6;
	[tilespmem:s29+$0xFFFFFF90] =	vst v10;
	v10 =	vmul.f32 v12, v6;
	v6 =	vand.u32 $0x78, v11  }
0xa1: {  	[tilespmem:s29+$0xFFFFFFD0] =	vst v7;
	v7 =	vand.u32 $0x6, v11;
	v6 =	vadd.s32 v1, v6  }
0xa2: {  	[tilespmem:s29+$0xFFFFFF80] =	vst v9;
	v6 =	vor.u32 v7, v6  }
0xa3: {  	[tilespmem:s29+$0xFFFFFFE0] =	vst v8  }
0xa4: {  	[tilespmem:s29+$0xFFFFFFF0] =	vst v5  }
.Ltmp1:
0xa5: {  	[tilespmem:s29+$0xFFFFFFA0] =	vst v10;
	v5 =	vld [tilespmem:s29+$0x20];
	(pc) =	sbr.rel @p1 .LBB2_6-.Ltmp1, $4  }
0xa6: {  	[tilespmem:s29+$0xFFFFFFB0] =	vst v4;
	v8 =	vld [tilespmem:s29+$0x0]  }
0xa7: {  	v4 =	vld.idx.msk [tilespmem:v6+s15+$0x0], $0xffff  }
0xa8: {  	v6 =	vld [tilespmem:s29+$0x50]  }
0xa9: {  	v7 =	vld [tilespmem:s29+$0x30]  }
0xaa: {  	_ =	sdelay $0x1  }
0xab: {  	v8 =	vmul.f32 v8, v4  }
0xac: {  	v9 =	vld [tilespmem:s24+$0x40];
	v2 =	vmul.f32 v2, v4  }
0xad: {  	v10 =	vld [tilespmem:s24+$0x10];
	v53 =	vmov s26;
	v5 =	vmul.f32 v5, v4;
	[tilespmem:s24+$0x0] =	vst v8  }
0xae: {  	v3 =	vmul.f32 v3, v4;
	[tilespmem:s24+$0x70] =	vst v2;
	v2 =	vand.u32 $0x78, v53  }
0xaf: {  	v54 =	vand.u32 $0x7, v53;
	v6 =	vmul.f32 v6, v4;
	[tilespmem:s24+$0x20] =	vst v5;
	v1 =	vadd.s32 v1, v2  }
0xb0: {  	v7 =	vmul.f32 v7, v4;
	[tilespmem:s24+$0x60] =	vst v3;
	v1 =	vor.u32 v54, v1  }
0xb1: {  	v55 =	vmul.f32 v9, v4;
	[tilespmem:s24+$0x50] =	vst v6  }
0xb2: {  	v56 =	vmul.f32 v10, v4;
	[tilespmem:s24+$0x30] =	vst v7  }
0xb3: {  	[tilespmem:s24+$0x40] =	vst v55  }
0xb4: {  	v2 =	vld [tilespmem:s24+$0x80];
	[tilespmem:s24+$0x10] =	vst v56  }
0xb5: {  	v1 =	vld.idx.msk [tilespmem:v1+s15+$0x0], $0xffff  }
0xb6: {  	v57 =	vld [tilespmem:s24+$0x90]  }
0xb7: {  	v59 =	vld [tilespmem:s24+$0xB0]  }
0xb8: {  	v3 =	vld [tilespmem:s24+$0xC0]  }
0xb9: {  	v58 =	vld [tilespmem:s24+$0xD0]  }
0xba: {  	v60 =	vld [tilespmem:s24+$0xE0];
	v2 =	vmul.f32 v2, v1  }
0xbb: {  	v61 =	vld [tilespmem:s24+$0xA0];
	v4 =	vmul.f32 v57, v1  }
0xbc: {  	v62 =	vld [tilespmem:s24+$0xF0];
	v63 =	vmul.f32 v59, v1;
	[tilespmem:s24+$0x80] =	vst v2  }
0xbd: {  	v2 =	vmul.f32 v3, v1;
	[tilespmem:s24+$0x90] =	vst v4  }
0xbe: {  	v3 =	vmul.f32 v58, v1;
	[tilespmem:s24+$0xB0] =	vst v63  }
0xbf: {  	[tilespmem:s24+$0xC0] =	vst v2;
	v2 =	vmul.f32 v60, v1  }
0xc0: {  	s22 =	smul.u32 $0x1A0, s22;
	p1 =	slt.u32 s23, $0x32;
	[tilespmem:s24+$0xD0] =	vst v3;
	v3 =	vmul.f32 v61, v1  }
.Ltmp2:
0xc1: {  	v1 =	vmul.f32 v62, v1;
	[tilespmem:s24+$0xE0] =	vst v2;
	(pc) =	sbr.rel @p1 .LBB2_5-.Ltmp2, $4  }
0xc2: {  	s22 =	sshra.s32 s22, $0x2;
	[tilespmem:s24+$0xA0] =	vst v3  }
0xc3: {  	s22 =	sadd.s32 $0x1450, s22;
	[tilespmem:s24+$0xF0] =	vst v1  }
0xc4: {  	[spmem:s1] =	stream.indirect.scatter.add.f32 [tilespmem:s25], [sflag:$0x2], $0x80, s22, s16, $0xb8;
	[tilespmem:$0xD6F0] =	vst v63  }
0xc5: {  	s22 =	smov.u32 s23  }
0xc6: {  	_ =	swait.ge [sflag:s19], $0x3200  }
.Ltmp3:
0xc7: {  	[sflag:s19] =	ssyncset.done $0x0;
	(pc) =	sbr.rel @p0 .LBB2_4-.Ltmp3, $4  }
0xc8: {  	[sflag:s19] =	ssyncadd.s32 $0xFFFFCE00  }
0xc9: {  	_ =	swait.ge [sflag:s19], $0x3200  }
0xca: {  	[sflag:s19] =	ssyncset.done $0x0  }
0xcb: {  	s22 =	simm.s32 $0x1450;
	p1 =	por $0x0, $0x0;
	[sflag:s19] =	ssyncadd.s32 $0xFFFFCE00  }
0xcc: {  	s20 =	sadd.s32 $0x1, s20  }
0xcd: {  	s21 =	sshll.u32 s3, $0x6;
	[bflag:$0x0] =	sbarrier.arrive $0xFFFF;
	p0 =	sne.s32 s20, s11  }
.Ltmp4:
0xce: {  	s22 =	sshrl.u32 s8, $0x3;
	s21 =	sor.u32 $0x1C03, s21;
	(pc) =	sbr.rel @p0 .LBB2_1-.Ltmp4, $4  }
0xcf: {  	[hbm:s10], [sflag:s21] =	dma.local [spmem:s22], $0x40  }
0xd0: {  	_ =	swait.ge [sflag:s13], $0x40  }
0xd1: {  	[sflag:s13] =	ssyncset.done $0x0  }
0xd2: {  	[sflag:s13] =	ssyncadd.s32 $0xFFFFFFC0  }
0xd3: {  	_ =	sfence.sel $0x180000  }
0xd4: {  	[bflag:$0x0] =	sbarrier.arrive $0xFFFF  }
0xd5: {  	p0 =	sne.s32 s3, $0x0;
	_ =	strace $0x90000050  }
0xd6: {  	s0 =	sadd.s32 @!p0 $0x100000, s0;
	[bflag:$0x2] =	sbarrier.arrive $0xFFFF  }
0xd7: {  	[sflag:s0] =	ssyncadd.tile.s32 @!p0 $0x1;
	_ =	shalt  }
.Lfunc_end2:
_tile_overlayer_lowered:
.L_overlay_start_2:
0xd8: {  	(tag) =	ssettag $0x2  }
0xd9: {  	s0 =	rddreg [dreg:$0x0];
	s2 =	stileid.u32  }
0xda: {  	s1 =	rddreg [dreg:$0x1];
	p0 =	sne.s32 s2, $0x0  }
0xdb: {  	s3 =	rddreg [dreg:$0x2];
	[bflag:$0x3] =	sbarrier.arrive $0xFFFF;
	s2 =	simm.s32 @!p0 $0x1C03  }
0xdc: {  	[timem:s3], [sflag:s2] =	dma.local @!p0 [hbm:s0], s1  }
0xdd: {  	s0 =	simm.s32 @!p0 $0x3  }
0xde: {  	_ =	swait.ge @!p0 [sflag:s0], s1  }
0xdf: {  	s1 =	ssub.s32 @!p0 $0x0, s1;
	[sflag:s0] =	ssyncset.done @!p0 $0x0  }
0xe0: {  	[sflag:s0] =	ssyncadd.s32 @!p0 s1  }
0xe1: {  	[bflag:$0x3] =	sbarrier.arrive $0xFFFF  }
0xe2: {  	_ =	shalt  }

</sc_bundles>
